<compile_context>
chip_gen: v7x
topology: tpu7x:2x2x1
jax: 0.10.2.dev20260603
libtpu: 0.0.44.dev20260713+nightly
codegen_flags: <defaults>
</compile_context>

<pallas_src>
import functools

import jax
import jax.numpy as jnp
from jax import lax
from jax.experimental import pallas as pl
from jax.experimental.pallas import tpu as pltpu
from jax.experimental.pallas import tpu_sc as plsc

NUM_CLUSTERS = 1000000
Z_N = 16
BATCH = 16384
HIST = 200

_INFO = plsc.get_sparse_core_info()
_NC = _INFO.num_cores
_NS = _INFO.num_subcores
_NW = _NC * _NS

_BT = BATCH // _NW
_TC = _BT // 128
_HPAIRS = HIST // 2


def _body(x_hbm, mu_hbm, lv_hbm, out_z, out_mu, out_lv,
          idx0, idx1, mu0, mu1, lv0, lv1, tmu0, tmu1, tlv0, tlv1,
          si0, si1, sgm0, sgm1, sgl0, sgl1, swz0, swz1, swm0, swm1, swl0, swl1):
    idx = (idx0, idx1)
    mu_v = (mu0, mu1)
    lv_v = (lv0, lv1)
    tmu = (tmu0, tmu1)
    tlv = (tlv0, tlv1)
    si = (si0, si1)
    sgm = (sgm0, sgm1)
    sgl = (sgl0, sgl1)
    swz = (swz0, swz1)
    swm = (swm0, swm1)
    swl = (swl0, swl1)

    wid = lax.axis_index("s") * _NC + lax.axis_index("c")
    bt0 = wid * _TC
    iota = lax.iota(jnp.int32, 16)

    def start_idx(b, h):
        ht = h // 8
        hs = h % 8
        for j in range(_TC):
            pltpu.async_copy(x_hbm.at[ht, bt0 + j, hs, :],
                             idx[b].at[pl.ds(j * 128, 128)], si[b])

    def wait_idx(b):
        pltpu.make_async_copy(x_hbm.at[0, pl.ds(0, _TC), 0, :], idx[b], si[b]).wait()

    def start_gathers(b):
        pltpu.async_copy(mu_hbm.at[idx[b]], mu_v[b], sgm[b])
        pltpu.async_copy(lv_hbm.at[idx[b]], lv_v[b], sgl[b])

    def wait_gathers(b):
        pltpu.make_async_copy(mu_hbm.at[idx[b]], mu_v[b], sgm[b]).wait()
        pltpu.make_async_copy(lv_hbm.at[idx[b]], lv_v[b], sgl[b]).wait()

    rotm = [(iota + s) % 16 for s in range(Z_N)]
    dzt = [r // 8 for r in rotm]
    dzs = [r % 8 for r in rotm]

    def transpose(b):
        def _tblock(b16, carry):
            d0 = iota + b16 * 16
            d3 = iota + (b16 % 8) * 16
            da = jnp.full((16,), b16 // 8, jnp.int32)
            for s in range(Z_N):
                v = plsc.load_gather(mu_v[b], [d0, rotm[s]])
                plsc.store_scatter(tmu[b], [dzt[s], da, dzs[s], d3], v)
            for s in range(Z_N):
                v = plsc.load_gather(lv_v[b], [d0, rotm[s]])
                plsc.store_scatter(tlv[b], [dzt[s], da, dzs[s], d3], v)
            return 0

        lax.fori_loop(0, _BT // 16, _tblock, 0)

    def start_writes(b, h):
        pltpu.async_copy(tmu[b], out_z.at[h, :, pl.ds(bt0, _TC), :, :], swz[b])
        pltpu.async_copy(tmu[b], out_mu.at[h, :, pl.ds(bt0, _TC), :, :], swm[b])
        pltpu.async_copy(tlv[b], out_lv.at[h, :, pl.ds(bt0, _TC), :, :], swl[b])

    def wait_writes(b):
        pltpu.make_async_copy(tmu[b], out_z.at[0, :, pl.ds(bt0, _TC), :, :], swz[b]).wait()
        pltpu.make_async_copy(tmu[b], out_mu.at[0, :, pl.ds(bt0, _TC), :, :], swm[b]).wait()
        pltpu.make_async_copy(tlv[b], out_lv.at[0, :, pl.ds(bt0, _TC), :, :], swl[b]).wait()

    start_idx(0, 0)
    start_idx(1, 1)
    wait_idx(0)
    start_gathers(0)

    def slot(b, h, first, last, prefetch):
        wait_gathers(b)
        if not last:
            wait_idx(1 - b)
            start_gathers(1 - b)
        if not first:
            wait_writes(b)
        if prefetch:
            start_idx(b, h + 2)
        transpose(b)
        start_writes(b, h)

    slot(0, 0, first=True, last=False, prefetch=True)
    slot(1, 1, first=True, last=False, prefetch=True)

    def pair_inner(j, _):
        h0 = 2 * j
        slot(0, h0, first=False, last=False, prefetch=True)
        slot(1, h0 + 1, first=False, last=False, prefetch=True)
        return 0

    lax.fori_loop(1, _HPAIRS - 1, pair_inner, 0)
    slot(0, 2 * (_HPAIRS - 1), first=False, last=False, prefetch=False)
    slot(1, 2 * (_HPAIRS - 1) + 1, first=False, last=True, prefetch=False)
    wait_writes(0)
    wait_writes(1)


@jax.jit
def _run(x5, embed_mu, embed_logvar):
    mesh = plsc.VectorSubcoreMesh(core_axis_name="c", subcore_axis_name="s")
    dma = pltpu.SemaphoreType.DMA
    return pl.kernel(
        _body,
        out_type=(
            jax.ShapeDtypeStruct((HIST, 2, 128, 8, 128), jnp.float32),
            jax.ShapeDtypeStruct((HIST, 2, 128, 8, 128), jnp.float32),
            jax.ShapeDtypeStruct((HIST, 2, 128, 8, 128), jnp.float32),
        ),
        mesh=mesh,
        scratch_types=(
            [pltpu.VMEM((_BT,), jnp.int32)] * 2
            + [pltpu.VMEM((_BT, Z_N), jnp.float32)] * 4
            + [pltpu.VMEM((2, _TC, 8, 128), jnp.float32)] * 4
            + [dma] * 12
        ),
        compiler_params=pltpu.CompilerParams(
            use_tc_tiling_on_sc=False, needs_layout_passes=False),
    )(x5, embed_mu, embed_logvar)


def kernel(x, embed_mu, embed_logvar):
    x5 = x.T.reshape(25, 8, 128, 128).transpose(0, 2, 1, 3).astype(jnp.int32)
    out_z, out_mu, out_lv = _run(x5, embed_mu, embed_logvar)
    perm = (2, 4, 0, 1, 3)
    z = out_z.transpose(perm).reshape(BATCH, HIST, Z_N)
    mu = out_mu.transpose(perm).reshape(BATCH, HIST, Z_N)
    logvar = out_lv.transpose(perm).reshape(BATCH, HIST, Z_N)
    return (z, mu, logvar)

# --- scband reference (transcript-rebuilt; emitter-appended) ---
"""Pipeline reference for scband-mini-vae-7696581394693 (READ-ONLY COPY).

The authoritative reference and input builder live on the scoring server;
editing this copy changes nothing except your own understanding.
"""

import jax, jax.numpy as jnp
import numpy as np

NUM_CLUSTERS = 1000000
Z_N = 16
BATCH = 16384
HIST = 200

def setup_inputs(seed: int = 0) -> dict:
    key = jax.random.key(seed)
    k1, k2, k3 = jax.random.split(key, 3)
    x = jax.random.randint(k1, (BATCH, HIST), 0, NUM_CLUSTERS, dtype=jnp.int64 if jax.config.jax_enable_x64 else jnp.int32)
    embed_mu = jax.random.normal(k2, (NUM_CLUSTERS, Z_N), dtype=jnp.float32)
    embed_logvar = jax.random.normal(k3, (NUM_CLUSTERS, Z_N), dtype=jnp.float32)
    return {"x": x, "embed_mu": embed_mu, "embed_logvar": embed_logvar}

def reference(x, embed_mu, embed_logvar):
    # encode: embedding lookups (gather)
    mu = jnp.take(embed_mu, x, axis=0)
    logvar = jnp.take(embed_logvar, x, axis=0)
    # eval mode: z = mu (no stochastic sampling for deterministic reference)
    z = mu
    return (z, mu, logvar)

if __name__ == "__main__":
    import jax
    _d = setup_inputs()
    print(jax.jit(kernel)(*tuple(_d.values())))

</pallas_src>

<mosaic_0001>
#map = affine_map<(d0, d1) -> (0, 0, 0, 0)>
#map1 = affine_map<(d0, d1) -> (0, 0)>
#map2 = affine_map<(d0, d1) -> (0, 0, 0, 0, 0)>
module attributes {stable_mosaic.version = 14 : i64} {
  func.func @_body(%arg0: i32, %arg1: i32, %arg2: memref<25x128x8x128xi32, #tpu.memory_space<hbm>>, %arg3: memref<1000000x16xf32, #tpu.memory_space<hbm>>, %arg4: memref<1000000x16xf32, #tpu.memory_space<hbm>>, %arg5: memref<200x2x128x8x128xf32, #tpu.memory_space<hbm>>, %arg6: memref<200x2x128x8x128xf32, #tpu.memory_space<hbm>>, %arg7: memref<200x2x128x8x128xf32, #tpu.memory_space<hbm>>, %arg8: memref<512xi32, #tpu.memory_space<vmem>>, %arg9: memref<512xi32, #tpu.memory_space<vmem>>, %arg10: memref<512x16xf32, #tpu.memory_space<vmem>>, %arg11: memref<512x16xf32, #tpu.memory_space<vmem>>, %arg12: memref<512x16xf32, #tpu.memory_space<vmem>>, %arg13: memref<512x16xf32, #tpu.memory_space<vmem>>, %arg14: memref<2x4x8x128xf32, #tpu.memory_space<vmem>>, %arg15: memref<2x4x8x128xf32, #tpu.memory_space<vmem>>, %arg16: memref<2x4x8x128xf32, #tpu.memory_space<vmem>>, %arg17: memref<2x4x8x128xf32, #tpu.memory_space<vmem>>, %arg18: memref<!tpu.dma_semaphore, #tpu.memory_space<semaphore_mem>>, %arg19: memref<!tpu.dma_semaphore, #tpu.memory_space<semaphore_mem>>, %arg20: memref<!tpu.dma_semaphore, #tpu.memory_space<semaphore_mem>>, %arg21: memref<!tpu.dma_semaphore, #tpu.memory_space<semaphore_mem>>, %arg22: memref<!tpu.dma_semaphore, #tpu.memory_space<semaphore_mem>>, %arg23: memref<!tpu.dma_semaphore, #tpu.memory_space<semaphore_mem>>, %arg24: memref<!tpu.dma_semaphore, #tpu.memory_space<semaphore_mem>>, %arg25: memref<!tpu.dma_semaphore, #tpu.memory_space<semaphore_mem>>, %arg26: memref<!tpu.dma_semaphore, #tpu.memory_space<semaphore_mem>>, %arg27: memref<!tpu.dma_semaphore, #tpu.memory_space<semaphore_mem>>, %arg28: memref<!tpu.dma_semaphore, #tpu.memory_space<semaphore_mem>>, %arg29: memref<!tpu.dma_semaphore, #tpu.memory_space<semaphore_mem>>) attributes {dimension_semantics = [#tpu.dimension_semantics<core_parallel>, #tpu.dimension_semantics<subcore_parallel>], iteration_bounds = array<i64: 2, 16>, scalar_prefetch = 0 : i64, scratch_operands = 22 : i64, tpu.core_type = #tpu.core_type<sc_vector_subcore>, window_params = [{transform_indices = #map}, {transform_indices = #map1}, {transform_indices = #map1}, {transform_indices = #map2}, {transform_indices = #map2}, {transform_indices = #map2}]} {
    %mul3A = arith.constant 2 : i32
    %mul3A_0 = arith.muli %arg1, %mul3A : i32
    %add3A = arith.addi %mul3A_0, %arg0 : i32
    %mul3A_1 = arith.constant 4 : i32
    %mul3A_2 = arith.muli %add3A, %mul3A_1 : i32
    %iota3A = tpu.iota {dimensions = array<i32: 0>} : vector<16xi32>
    %add3A_3 = arith.constant 0 : i32
    %add3A_4 = vector.broadcast %add3A_3 : i32 to vector<16xi32>
    %add3A_5 = arith.addi %iota3A, %add3A_4 : vector<16xi32>
    %jit3A = arith.constant 16 : i32
    %eq3A = arith.constant 0 : i32
    %eq3A_6 = arith.cmpi eq, %jit3A, %eq3A : i32
    %jit3A_7 = arith.constant 1 : i32
    %select_n3A = arith.select %eq3A_6, %jit3A_7, %jit3A : i32
    %rem3A = vector.broadcast %select_n3A : i32 to vector<16xi32>
    %rem3A_8 = arith.remsi %add3A_5, %rem3A : vector<16xi32>
    %ne3A = arith.constant 0 : i32
    %ne3A_9 = vector.broadcast %ne3A : i32 to vector<16xi32>
    %ne3A_10 = arith.cmpi ne, %rem3A_8, %ne3A_9 : vector<16xi32>
    %lt3A = arith.constant 0 : i32
    %lt3A_11 = vector.broadcast %lt3A : i32 to vector<16xi32>
    %lt3A_12 = arith.cmpi slt, %rem3A_8, %lt3A_11 : vector<16xi32>
    %lt3A_13 = arith.constant 0 : i32
    %lt3A_14 = arith.cmpi slt, %select_n3A, %lt3A_13 : i32
    %ne3A_15 = vector.broadcast %lt3A_14 : i1 to vector<16xi1>
    %ne3A_16 = vector.broadcast %ne3A_15 : vector<16xi1> to vector<16xi1>
    %ne3A_17 = arith.xori %lt3A_12, %ne3A_16 : vector<16xi1>
    %and3A = arith.andi %ne3A_17, %ne3A_10 : vector<16xi1>
    %add3A_18 = vector.broadcast %select_n3A : i32 to vector<16xi32>
    %add3A_19 = arith.addi %rem3A_8, %add3A_18 : vector<16xi32>
    %select_n3A_20 = arith.select %and3A, %add3A_19, %rem3A_8 : vector<16xi1>, vector<16xi32>
    %add3A_21 = arith.constant 1 : i32
    %add3A_22 = vector.broadcast %add3A_21 : i32 to vector<16xi32>
    %add3A_23 = arith.addi %iota3A, %add3A_22 : vector<16xi32>
    %jit3A_24 = arith.constant 16 : i32
    %eq3A_25 = arith.constant 0 : i32
    %eq3A_26 = arith.cmpi eq, %jit3A_24, %eq3A_25 : i32
    %jit3A_27 = arith.constant 1 : i32
    %select_n3A_28 = arith.select %eq3A_26, %jit3A_27, %jit3A_24 : i32
    %rem3A_29 = vector.broadcast %select_n3A_28 : i32 to vector<16xi32>
    %rem3A_30 = arith.remsi %add3A_23, %rem3A_29 : vector<16xi32>
    %ne3A_31 = arith.constant 0 : i32
    %ne3A_32 = vector.broadcast %ne3A_31 : i32 to vector<16xi32>
    %ne3A_33 = arith.cmpi ne, %rem3A_30, %ne3A_32 : vector<16xi32>
    %lt3A_34 = arith.constant 0 : i32
    %lt3A_35 = vector.broadcast %lt3A_34 : i32 to vector<16xi32>
    %lt3A_36 = arith.cmpi slt, %rem3A_30, %lt3A_35 : vector<16xi32>
    %lt3A_37 = arith.constant 0 : i32
    %lt3A_38 = arith.cmpi slt, %select_n3A_28, %lt3A_37 : i32
    %ne3A_39 = vector.broadcast %lt3A_38 : i1 to vector<16xi1>
    %ne3A_40 = vector.broadcast %ne3A_39 : vector<16xi1> to vector<16xi1>
    %ne3A_41 = arith.xori %lt3A_36, %ne3A_40 : vector<16xi1>
    %and3A_42 = arith.andi %ne3A_41, %ne3A_33 : vector<16xi1>
    %add3A_43 = vector.broadcast %select_n3A_28 : i32 to vector<16xi32>
    %add3A_44 = arith.addi %rem3A_30, %add3A_43 : vector<16xi32>
    %select_n3A_45 = arith.select %and3A_42, %add3A_44, %rem3A_30 : vector<16xi1>, vector<16xi32>
    %add3A_46 = arith.constant 2 : i32
    %add3A_47 = vector.broadcast %add3A_46 : i32 to vector<16xi32>
    %add3A_48 = arith.addi %iota3A, %add3A_47 : vector<16xi32>
    %jit3A_49 = arith.constant 16 : i32
    %eq3A_50 = arith.constant 0 : i32
    %eq3A_51 = arith.cmpi eq, %jit3A_49, %eq3A_50 : i32
    %jit3A_52 = arith.constant 1 : i32
    %select_n3A_53 = arith.select %eq3A_51, %jit3A_52, %jit3A_49 : i32
    %rem3A_54 = vector.broadcast %select_n3A_53 : i32 to vector<16xi32>
    %rem3A_55 = arith.remsi %add3A_48, %rem3A_54 : vector<16xi32>
    %ne3A_56 = arith.constant 0 : i32
    %ne3A_57 = vector.broadcast %ne3A_56 : i32 to vector<16xi32>
    %ne3A_58 = arith.cmpi ne, %rem3A_55, %ne3A_57 : vector<16xi32>
    %lt3A_59 = arith.constant 0 : i32
    %lt3A_60 = vector.broadcast %lt3A_59 : i32 to vector<16xi32>
    %lt3A_61 = arith.cmpi slt, %rem3A_55, %lt3A_60 : vector<16xi32>
    %lt3A_62 = arith.constant 0 : i32
    %lt3A_63 = arith.cmpi slt, %select_n3A_53, %lt3A_62 : i32
    %ne3A_64 = vector.broadcast %lt3A_63 : i1 to vector<16xi1>
    %ne3A_65 = vector.broadcast %ne3A_64 : vector<16xi1> to vector<16xi1>
    %ne3A_66 = arith.xori %lt3A_61, %ne3A_65 : vector<16xi1>
    %and3A_67 = arith.andi %ne3A_66, %ne3A_58 : vector<16xi1>
    %add3A_68 = vector.broadcast %select_n3A_53 : i32 to vector<16xi32>
    %add3A_69 = arith.addi %rem3A_55, %add3A_68 : vector<16xi32>
    %select_n3A_70 = arith.select %and3A_67, %add3A_69, %rem3A_55 : vector<16xi1>, vector<16xi32>
    %add3A_71 = arith.constant 3 : i32
    %add3A_72 = vector.broadcast %add3A_71 : i32 to vector<16xi32>
    %add3A_73 = arith.addi %iota3A, %add3A_72 : vector<16xi32>
    %jit3A_74 = arith.constant 16 : i32
    %eq3A_75 = arith.constant 0 : i32
    %eq3A_76 = arith.cmpi eq, %jit3A_74, %eq3A_75 : i32
    %jit3A_77 = arith.constant 1 : i32
    %select_n3A_78 = arith.select %eq3A_76, %jit3A_77, %jit3A_74 : i32
    %rem3A_79 = vector.broadcast %select_n3A_78 : i32 to vector<16xi32>
    %rem3A_80 = arith.remsi %add3A_73, %rem3A_79 : vector<16xi32>
    %ne3A_81 = arith.constant 0 : i32
    %ne3A_82 = vector.broadcast %ne3A_81 : i32 to vector<16xi32>
    %ne3A_83 = arith.cmpi ne, %rem3A_80, %ne3A_82 : vector<16xi32>
    %lt3A_84 = arith.constant 0 : i32
    %lt3A_85 = vector.broadcast %lt3A_84 : i32 to vector<16xi32>
    %lt3A_86 = arith.cmpi slt, %rem3A_80, %lt3A_85 : vector<16xi32>
    %lt3A_87 = arith.constant 0 : i32
    %lt3A_88 = arith.cmpi slt, %select_n3A_78, %lt3A_87 : i32
    %ne3A_89 = vector.broadcast %lt3A_88 : i1 to vector<16xi1>
    %ne3A_90 = vector.broadcast %ne3A_89 : vector<16xi1> to vector<16xi1>
    %ne3A_91 = arith.xori %lt3A_86, %ne3A_90 : vector<16xi1>
    %and3A_92 = arith.andi %ne3A_91, %ne3A_83 : vector<16xi1>
    %add3A_93 = vector.broadcast %select_n3A_78 : i32 to vector<16xi32>
    %add3A_94 = arith.addi %rem3A_80, %add3A_93 : vector<16xi32>
    %select_n3A_95 = arith.select %and3A_92, %add3A_94, %rem3A_80 : vector<16xi1>, vector<16xi32>
    %add3A_96 = arith.constant 4 : i32
    %add3A_97 = vector.broadcast %add3A_96 : i32 to vector<16xi32>
    %add3A_98 = arith.addi %iota3A, %add3A_97 : vector<16xi32>
    %jit3A_99 = arith.constant 16 : i32
    %eq3A_100 = arith.constant 0 : i32
    %eq3A_101 = arith.cmpi eq, %jit3A_99, %eq3A_100 : i32
    %jit3A_102 = arith.constant 1 : i32
    %select_n3A_103 = arith.select %eq3A_101, %jit3A_102, %jit3A_99 : i32
    %rem3A_104 = vector.broadcast %select_n3A_103 : i32 to vector<16xi32>
    %rem3A_105 = arith.remsi %add3A_98, %rem3A_104 : vector<16xi32>
    %ne3A_106 = arith.constant 0 : i32
    %ne3A_107 = vector.broadcast %ne3A_106 : i32 to vector<16xi32>
    %ne3A_108 = arith.cmpi ne, %rem3A_105, %ne3A_107 : vector<16xi32>
    %lt3A_109 = arith.constant 0 : i32
    %lt3A_110 = vector.broadcast %lt3A_109 : i32 to vector<16xi32>
    %lt3A_111 = arith.cmpi slt, %rem3A_105, %lt3A_110 : vector<16xi32>
    %lt3A_112 = arith.constant 0 : i32
    %lt3A_113 = arith.cmpi slt, %select_n3A_103, %lt3A_112 : i32
    %ne3A_114 = vector.broadcast %lt3A_113 : i1 to vector<16xi1>
    %ne3A_115 = vector.broadcast %ne3A_114 : vector<16xi1> to vector<16xi1>
    %ne3A_116 = arith.xori %lt3A_111, %ne3A_115 : vector<16xi1>
    %and3A_117 = arith.andi %ne3A_116, %ne3A_108 : vector<16xi1>
    %add3A_118 = vector.broadcast %select_n3A_103 : i32 to vector<16xi32>
    %add3A_119 = arith.addi %rem3A_105, %add3A_118 : vector<16xi32>
    %select_n3A_120 = arith.select %and3A_117, %add3A_119, %rem3A_105 : vector<16xi1>, vector<16xi32>
    %add3A_121 = arith.constant 5 : i32
    %add3A_122 = vector.broadcast %add3A_121 : i32 to vector<16xi32>
    %add3A_123 = arith.addi %iota3A, %add3A_122 : vector<16xi32>
    %jit3A_124 = arith.constant 16 : i32
    %eq3A_125 = arith.constant 0 : i32
    %eq3A_126 = arith.cmpi eq, %jit3A_124, %eq3A_125 : i32
    %jit3A_127 = arith.constant 1 : i32
    %select_n3A_128 = arith.select %eq3A_126, %jit3A_127, %jit3A_124 : i32
    %rem3A_129 = vector.broadcast %select_n3A_128 : i32 to vector<16xi32>
    %rem3A_130 = arith.remsi %add3A_123, %rem3A_129 : vector<16xi32>
    %ne3A_131 = arith.constant 0 : i32
    %ne3A_132 = vector.broadcast %ne3A_131 : i32 to vector<16xi32>
    %ne3A_133 = arith.cmpi ne, %rem3A_130, %ne3A_132 : vector<16xi32>
    %lt3A_134 = arith.constant 0 : i32
    %lt3A_135 = vector.broadcast %lt3A_134 : i32 to vector<16xi32>
    %lt3A_136 = arith.cmpi slt, %rem3A_130, %lt3A_135 : vector<16xi32>
    %lt3A_137 = arith.constant 0 : i32
    %lt3A_138 = arith.cmpi slt, %select_n3A_128, %lt3A_137 : i32
    %ne3A_139 = vector.broadcast %lt3A_138 : i1 to vector<16xi1>
    %ne3A_140 = vector.broadcast %ne3A_139 : vector<16xi1> to vector<16xi1>
    %ne3A_141 = arith.xori %lt3A_136, %ne3A_140 : vector<16xi1>
    %and3A_142 = arith.andi %ne3A_141, %ne3A_133 : vector<16xi1>
    %add3A_143 = vector.broadcast %select_n3A_128 : i32 to vector<16xi32>
    %add3A_144 = arith.addi %rem3A_130, %add3A_143 : vector<16xi32>
    %select_n3A_145 = arith.select %and3A_142, %add3A_144, %rem3A_130 : vector<16xi1>, vector<16xi32>
    %add3A_146 = arith.constant 6 : i32
    %add3A_147 = vector.broadcast %add3A_146 : i32 to vector<16xi32>
    %add3A_148 = arith.addi %iota3A, %add3A_147 : vector<16xi32>
    %jit3A_149 = arith.constant 16 : i32
    %eq3A_150 = arith.constant 0 : i32
    %eq3A_151 = arith.cmpi eq, %jit3A_149, %eq3A_150 : i32
    %jit3A_152 = arith.constant 1 : i32
    %select_n3A_153 = arith.select %eq3A_151, %jit3A_152, %jit3A_149 : i32
    %rem3A_154 = vector.broadcast %select_n3A_153 : i32 to vector<16xi32>
    %rem3A_155 = arith.remsi %add3A_148, %rem3A_154 : vector<16xi32>
    %ne3A_156 = arith.constant 0 : i32
    %ne3A_157 = vector.broadcast %ne3A_156 : i32 to vector<16xi32>
    %ne3A_158 = arith.cmpi ne, %rem3A_155, %ne3A_157 : vector<16xi32>
    %lt3A_159 = arith.constant 0 : i32
    %lt3A_160 = vector.broadcast %lt3A_159 : i32 to vector<16xi32>
    %lt3A_161 = arith.cmpi slt, %rem3A_155, %lt3A_160 : vector<16xi32>
    %lt3A_162 = arith.constant 0 : i32
    %lt3A_163 = arith.cmpi slt, %select_n3A_153, %lt3A_162 : i32
    %ne3A_164 = vector.broadcast %lt3A_163 : i1 to vector<16xi1>
    %ne3A_165 = vector.broadcast %ne3A_164 : vector<16xi1> to vector<16xi1>
    %ne3A_166 = arith.xori %lt3A_161, %ne3A_165 : vector<16xi1>
    %and3A_167 = arith.andi %ne3A_166, %ne3A_158 : vector<16xi1>
    %add3A_168 = vector.broadcast %select_n3A_153 : i32 to vector<16xi32>
    %add3A_169 = arith.addi %rem3A_155, %add3A_168 : vector<16xi32>
    %select_n3A_170 = arith.select %and3A_167, %add3A_169, %rem3A_155 : vector<16xi1>, vector<16xi32>
    %add3A_171 = arith.constant 7 : i32
    %add3A_172 = vector.broadcast %add3A_171 : i32 to vector<16xi32>
    %add3A_173 = arith.addi %iota3A, %add3A_172 : vector<16xi32>
    %jit3A_174 = arith.constant 16 : i32
    %eq3A_175 = arith.constant 0 : i32
    %eq3A_176 = arith.cmpi eq, %jit3A_174, %eq3A_175 : i32
    %jit3A_177 = arith.constant 1 : i32
    %select_n3A_178 = arith.select %eq3A_176, %jit3A_177, %jit3A_174 : i32
    %rem3A_179 = vector.broadcast %select_n3A_178 : i32 to vector<16xi32>
    %rem3A_180 = arith.remsi %add3A_173, %rem3A_179 : vector<16xi32>
    %ne3A_181 = arith.constant 0 : i32
    %ne3A_182 = vector.broadcast %ne3A_181 : i32 to vector<16xi32>
    %ne3A_183 = arith.cmpi ne, %rem3A_180, %ne3A_182 : vector<16xi32>
    %lt3A_184 = arith.constant 0 : i32
    %lt3A_185 = vector.broadcast %lt3A_184 : i32 to vector<16xi32>
    %lt3A_186 = arith.cmpi slt, %rem3A_180, %lt3A_185 : vector<16xi32>
    %lt3A_187 = arith.constant 0 : i32
    %lt3A_188 = arith.cmpi slt, %select_n3A_178, %lt3A_187 : i32
    %ne3A_189 = vector.broadcast %lt3A_188 : i1 to vector<16xi1>
    %ne3A_190 = vector.broadcast %ne3A_189 : vector<16xi1> to vector<16xi1>
    %ne3A_191 = arith.xori %lt3A_186, %ne3A_190 : vector<16xi1>
    %and3A_192 = arith.andi %ne3A_191, %ne3A_183 : vector<16xi1>
    %add3A_193 = vector.broadcast %select_n3A_178 : i32 to vector<16xi32>
    %add3A_194 = arith.addi %rem3A_180, %add3A_193 : vector<16xi32>
    %select_n3A_195 = arith.select %and3A_192, %add3A_194, %rem3A_180 : vector<16xi1>, vector<16xi32>
    %add3A_196 = arith.constant 8 : i32
    %add3A_197 = vector.broadcast %add3A_196 : i32 to vector<16xi32>
    %add3A_198 = arith.addi %iota3A, %add3A_197 : vector<16xi32>
    %jit3A_199 = arith.constant 16 : i32
    %eq3A_200 = arith.constant 0 : i32
    %eq3A_201 = arith.cmpi eq, %jit3A_199, %eq3A_200 : i32
    %jit3A_202 = arith.constant 1 : i32
    %select_n3A_203 = arith.select %eq3A_201, %jit3A_202, %jit3A_199 : i32
    %rem3A_204 = vector.broadcast %select_n3A_203 : i32 to vector<16xi32>
    %rem3A_205 = arith.remsi %add3A_198, %rem3A_204 : vector<16xi32>
    %ne3A_206 = arith.constant 0 : i32
    %ne3A_207 = vector.broadcast %ne3A_206 : i32 to vector<16xi32>
    %ne3A_208 = arith.cmpi ne, %rem3A_205, %ne3A_207 : vector<16xi32>
    %lt3A_209 = arith.constant 0 : i32
    %lt3A_210 = vector.broadcast %lt3A_209 : i32 to vector<16xi32>
    %lt3A_211 = arith.cmpi slt, %rem3A_205, %lt3A_210 : vector<16xi32>
    %lt3A_212 = arith.constant 0 : i32
    %lt3A_213 = arith.cmpi slt, %select_n3A_203, %lt3A_212 : i32
    %ne3A_214 = vector.broadcast %lt3A_213 : i1 to vector<16xi1>
    %ne3A_215 = vector.broadcast %ne3A_214 : vector<16xi1> to vector<16xi1>
    %ne3A_216 = arith.xori %lt3A_211, %ne3A_215 : vector<16xi1>
    %and3A_217 = arith.andi %ne3A_216, %ne3A_208 : vector<16xi1>
    %add3A_218 = vector.broadcast %select_n3A_203 : i32 to vector<16xi32>
    %add3A_219 = arith.addi %rem3A_205, %add3A_218 : vector<16xi32>
    %select_n3A_220 = arith.select %and3A_217, %add3A_219, %rem3A_205 : vector<16xi1>, vector<16xi32>
    %add3A_221 = arith.constant 9 : i32
    %add3A_222 = vector.broadcast %add3A_221 : i32 to vector<16xi32>
    %add3A_223 = arith.addi %iota3A, %add3A_222 : vector<16xi32>
    %jit3A_224 = arith.constant 16 : i32
    %eq3A_225 = arith.constant 0 : i32
    %eq3A_226 = arith.cmpi eq, %jit3A_224, %eq3A_225 : i32
    %jit3A_227 = arith.constant 1 : i32
    %select_n3A_228 = arith.select %eq3A_226, %jit3A_227, %jit3A_224 : i32
    %rem3A_229 = vector.broadcast %select_n3A_228 : i32 to vector<16xi32>
    %rem3A_230 = arith.remsi %add3A_223, %rem3A_229 : vector<16xi32>
    %ne3A_231 = arith.constant 0 : i32
    %ne3A_232 = vector.broadcast %ne3A_231 : i32 to vector<16xi32>
    %ne3A_233 = arith.cmpi ne, %rem3A_230, %ne3A_232 : vector<16xi32>
    %lt3A_234 = arith.constant 0 : i32
    %lt3A_235 = vector.broadcast %lt3A_234 : i32 to vector<16xi32>
    %lt3A_236 = arith.cmpi slt, %rem3A_230, %lt3A_235 : vector<16xi32>
    %lt3A_237 = arith.constant 0 : i32
    %lt3A_238 = arith.cmpi slt, %select_n3A_228, %lt3A_237 : i32
    %ne3A_239 = vector.broadcast %lt3A_238 : i1 to vector<16xi1>
    %ne3A_240 = vector.broadcast %ne3A_239 : vector<16xi1> to vector<16xi1>
    %ne3A_241 = arith.xori %lt3A_236, %ne3A_240 : vector<16xi1>
    %and3A_242 = arith.andi %ne3A_241, %ne3A_233 : vector<16xi1>
    %add3A_243 = vector.broadcast %select_n3A_228 : i32 to vector<16xi32>
    %add3A_244 = arith.addi %rem3A_230, %add3A_243 : vector<16xi32>
    %select_n3A_245 = arith.select %and3A_242, %add3A_244, %rem3A_230 : vector<16xi1>, vector<16xi32>
    %add3A_246 = arith.constant 10 : i32
    %add3A_247 = vector.broadcast %add3A_246 : i32 to vector<16xi32>
    %add3A_248 = arith.addi %iota3A, %add3A_247 : vector<16xi32>
    %jit3A_249 = arith.constant 16 : i32
    %eq3A_250 = arith.constant 0 : i32
    %eq3A_251 = arith.cmpi eq, %jit3A_249, %eq3A_250 : i32
    %jit3A_252 = arith.constant 1 : i32
    %select_n3A_253 = arith.select %eq3A_251, %jit3A_252, %jit3A_249 : i32
    %rem3A_254 = vector.broadcast %select_n3A_253 : i32 to vector<16xi32>
    %rem3A_255 = arith.remsi %add3A_248, %rem3A_254 : vector<16xi32>
    %ne3A_256 = arith.constant 0 : i32
    %ne3A_257 = vector.broadcast %ne3A_256 : i32 to vector<16xi32>
    %ne3A_258 = arith.cmpi ne, %rem3A_255, %ne3A_257 : vector<16xi32>
    %lt3A_259 = arith.constant 0 : i32
    %lt3A_260 = vector.broadcast %lt3A_259 : i32 to vector<16xi32>
    %lt3A_261 = arith.cmpi slt, %rem3A_255, %lt3A_260 : vector<16xi32>
    %lt3A_262 = arith.constant 0 : i32
    %lt3A_263 = arith.cmpi slt, %select_n3A_253, %lt3A_262 : i32
    %ne3A_264 = vector.broadcast %lt3A_263 : i1 to vector<16xi1>
    %ne3A_265 = vector.broadcast %ne3A_264 : vector<16xi1> to vector<16xi1>
    %ne3A_266 = arith.xori %lt3A_261, %ne3A_265 : vector<16xi1>
    %and3A_267 = arith.andi %ne3A_266, %ne3A_258 : vector<16xi1>
    %add3A_268 = vector.broadcast %select_n3A_253 : i32 to vector<16xi32>
    %add3A_269 = arith.addi %rem3A_255, %add3A_268 : vector<16xi32>
    %select_n3A_270 = arith.select %and3A_267, %add3A_269, %rem3A_255 : vector<16xi1>, vector<16xi32>
    %add3A_271 = arith.constant 11 : i32
    %add3A_272 = vector.broadcast %add3A_271 : i32 to vector<16xi32>
    %add3A_273 = arith.addi %iota3A, %add3A_272 : vector<16xi32>
    %jit3A_274 = arith.constant 16 : i32
    %eq3A_275 = arith.constant 0 : i32
    %eq3A_276 = arith.cmpi eq, %jit3A_274, %eq3A_275 : i32
    %jit3A_277 = arith.constant 1 : i32
    %select_n3A_278 = arith.select %eq3A_276, %jit3A_277, %jit3A_274 : i32
    %rem3A_279 = vector.broadcast %select_n3A_278 : i32 to vector<16xi32>
    %rem3A_280 = arith.remsi %add3A_273, %rem3A_279 : vector<16xi32>
    %ne3A_281 = arith.constant 0 : i32
    %ne3A_282 = vector.broadcast %ne3A_281 : i32 to vector<16xi32>
    %ne3A_283 = arith.cmpi ne, %rem3A_280, %ne3A_282 : vector<16xi32>
    %lt3A_284 = arith.constant 0 : i32
    %lt3A_285 = vector.broadcast %lt3A_284 : i32 to vector<16xi32>
    %lt3A_286 = arith.cmpi slt, %rem3A_280, %lt3A_285 : vector<16xi32>
    %lt3A_287 = arith.constant 0 : i32
    %lt3A_288 = arith.cmpi slt, %select_n3A_278, %lt3A_287 : i32
    %ne3A_289 = vector.broadcast %lt3A_288 : i1 to vector<16xi1>
    %ne3A_290 = vector.broadcast %ne3A_289 : vector<16xi1> to vector<16xi1>
    %ne3A_291 = arith.xori %lt3A_286, %ne3A_290 : vector<16xi1>
    %and3A_292 = arith.andi %ne3A_291, %ne3A_283 : vector<16xi1>
    %add3A_293 = vector.broadcast %select_n3A_278 : i32 to vector<16xi32>
    %add3A_294 = arith.addi %rem3A_280, %add3A_293 : vector<16xi32>
    %select_n3A_295 = arith.select %and3A_292, %add3A_294, %rem3A_280 : vector<16xi1>, vector<16xi32>
    %add3A_296 = arith.constant 12 : i32
    %add3A_297 = vector.broadcast %add3A_296 : i32 to vector<16xi32>
    %add3A_298 = arith.addi %iota3A, %add3A_297 : vector<16xi32>
    %jit3A_299 = arith.constant 16 : i32
    %eq3A_300 = arith.constant 0 : i32
    %eq3A_301 = arith.cmpi eq, %jit3A_299, %eq3A_300 : i32
    %jit3A_302 = arith.constant 1 : i32
    %select_n3A_303 = arith.select %eq3A_301, %jit3A_302, %jit3A_299 : i32
    %rem3A_304 = vector.broadcast %select_n3A_303 : i32 to vector<16xi32>
    %rem3A_305 = arith.remsi %add3A_298, %rem3A_304 : vector<16xi32>
    %ne3A_306 = arith.constant 0 : i32
    %ne3A_307 = vector.broadcast %ne3A_306 : i32 to vector<16xi32>
    %ne3A_308 = arith.cmpi ne, %rem3A_305, %ne3A_307 : vector<16xi32>
    %lt3A_309 = arith.constant 0 : i32
    %lt3A_310 = vector.broadcast %lt3A_309 : i32 to vector<16xi32>
    %lt3A_311 = arith.cmpi slt, %rem3A_305, %lt3A_310 : vector<16xi32>
    %lt3A_312 = arith.constant 0 : i32
    %lt3A_313 = arith.cmpi slt, %select_n3A_303, %lt3A_312 : i32
    %ne3A_314 = vector.broadcast %lt3A_313 : i1 to vector<16xi1>
    %ne3A_315 = vector.broadcast %ne3A_314 : vector<16xi1> to vector<16xi1>
    %ne3A_316 = arith.xori %lt3A_311, %ne3A_315 : vector<16xi1>
    %and3A_317 = arith.andi %ne3A_316, %ne3A_308 : vector<16xi1>
    %add3A_318 = vector.broadcast %select_n3A_303 : i32 to vector<16xi32>
    %add3A_319 = arith.addi %rem3A_305, %add3A_318 : vector<16xi32>
    %select_n3A_320 = arith.select %and3A_317, %add3A_319, %rem3A_305 : vector<16xi1>, vector<16xi32>
    %add3A_321 = arith.constant 13 : i32
    %add3A_322 = vector.broadcast %add3A_321 : i32 to vector<16xi32>
    %add3A_323 = arith.addi %iota3A, %add3A_322 : vector<16xi32>
    %jit3A_324 = arith.constant 16 : i32
    %eq3A_325 = arith.constant 0 : i32
    %eq3A_326 = arith.cmpi eq, %jit3A_324, %eq3A_325 : i32
    %jit3A_327 = arith.constant 1 : i32
    %select_n3A_328 = arith.select %eq3A_326, %jit3A_327, %jit3A_324 : i32
    %rem3A_329 = vector.broadcast %select_n3A_328 : i32 to vector<16xi32>
    %rem3A_330 = arith.remsi %add3A_323, %rem3A_329 : vector<16xi32>
    %ne3A_331 = arith.constant 0 : i32
    %ne3A_332 = vector.broadcast %ne3A_331 : i32 to vector<16xi32>
    %ne3A_333 = arith.cmpi ne, %rem3A_330, %ne3A_332 : vector<16xi32>
    %lt3A_334 = arith.constant 0 : i32
    %lt3A_335 = vector.broadcast %lt3A_334 : i32 to vector<16xi32>
    %lt3A_336 = arith.cmpi slt, %rem3A_330, %lt3A_335 : vector<16xi32>
    %lt3A_337 = arith.constant 0 : i32
    %lt3A_338 = arith.cmpi slt, %select_n3A_328, %lt3A_337 : i32
    %ne3A_339 = vector.broadcast %lt3A_338 : i1 to vector<16xi1>
    %ne3A_340 = vector.broadcast %ne3A_339 : vector<16xi1> to vector<16xi1>
    %ne3A_341 = arith.xori %lt3A_336, %ne3A_340 : vector<16xi1>
    %and3A_342 = arith.andi %ne3A_341, %ne3A_333 : vector<16xi1>
    %add3A_343 = vector.broadcast %select_n3A_328 : i32 to vector<16xi32>
    %add3A_344 = arith.addi %rem3A_330, %add3A_343 : vector<16xi32>
    %select_n3A_345 = arith.select %and3A_342, %add3A_344, %rem3A_330 : vector<16xi1>, vector<16xi32>
    %add3A_346 = arith.constant 14 : i32
    %add3A_347 = vector.broadcast %add3A_346 : i32 to vector<16xi32>
    %add3A_348 = arith.addi %iota3A, %add3A_347 : vector<16xi32>
    %jit3A_349 = arith.constant 16 : i32
    %eq3A_350 = arith.constant 0 : i32
    %eq3A_351 = arith.cmpi eq, %jit3A_349, %eq3A_350 : i32
    %jit3A_352 = arith.constant 1 : i32
    %select_n3A_353 = arith.select %eq3A_351, %jit3A_352, %jit3A_349 : i32
    %rem3A_354 = vector.broadcast %select_n3A_353 : i32 to vector<16xi32>
    %rem3A_355 = arith.remsi %add3A_348, %rem3A_354 : vector<16xi32>
    %ne3A_356 = arith.constant 0 : i32
    %ne3A_357 = vector.broadcast %ne3A_356 : i32 to vector<16xi32>
    %ne3A_358 = arith.cmpi ne, %rem3A_355, %ne3A_357 : vector<16xi32>
    %lt3A_359 = arith.constant 0 : i32
    %lt3A_360 = vector.broadcast %lt3A_359 : i32 to vector<16xi32>
    %lt3A_361 = arith.cmpi slt, %rem3A_355, %lt3A_360 : vector<16xi32>
    %lt3A_362 = arith.constant 0 : i32
    %lt3A_363 = arith.cmpi slt, %select_n3A_353, %lt3A_362 : i32
    %ne3A_364 = vector.broadcast %lt3A_363 : i1 to vector<16xi1>
    %ne3A_365 = vector.broadcast %ne3A_364 : vector<16xi1> to vector<16xi1>
    %ne3A_366 = arith.xori %lt3A_361, %ne3A_365 : vector<16xi1>
    %and3A_367 = arith.andi %ne3A_366, %ne3A_358 : vector<16xi1>
    %add3A_368 = vector.broadcast %select_n3A_353 : i32 to vector<16xi32>
    %add3A_369 = arith.addi %rem3A_355, %add3A_368 : vector<16xi32>
    %select_n3A_370 = arith.select %and3A_367, %add3A_369, %rem3A_355 : vector<16xi1>, vector<16xi32>
    %add3A_371 = arith.constant 15 : i32
    %add3A_372 = vector.broadcast %add3A_371 : i32 to vector<16xi32>
    %add3A_373 = arith.addi %iota3A, %add3A_372 : vector<16xi32>
    %jit3A_374 = arith.constant 16 : i32
    %eq3A_375 = arith.constant 0 : i32
    %eq3A_376 = arith.cmpi eq, %jit3A_374, %eq3A_375 : i32
    %jit3A_377 = arith.constant 1 : i32
    %select_n3A_378 = arith.select %eq3A_376, %jit3A_377, %jit3A_374 : i32
    %rem3A_379 = vector.broadcast %select_n3A_378 : i32 to vector<16xi32>
    %rem3A_380 = arith.remsi %add3A_373, %rem3A_379 : vector<16xi32>
    %ne3A_381 = arith.constant 0 : i32
    %ne3A_382 = vector.broadcast %ne3A_381 : i32 to vector<16xi32>
    %ne3A_383 = arith.cmpi ne, %rem3A_380, %ne3A_382 : vector<16xi32>
    %lt3A_384 = arith.constant 0 : i32
    %lt3A_385 = vector.broadcast %lt3A_384 : i32 to vector<16xi32>
    %lt3A_386 = arith.cmpi slt, %rem3A_380, %lt3A_385 : vector<16xi32>
    %lt3A_387 = arith.constant 0 : i32
    %lt3A_388 = arith.cmpi slt, %select_n3A_378, %lt3A_387 : i32
    %ne3A_389 = vector.broadcast %lt3A_388 : i1 to vector<16xi1>
    %ne3A_390 = vector.broadcast %ne3A_389 : vector<16xi1> to vector<16xi1>
    %ne3A_391 = arith.xori %lt3A_386, %ne3A_390 : vector<16xi1>
    %and3A_392 = arith.andi %ne3A_391, %ne3A_383 : vector<16xi1>
    %add3A_393 = vector.broadcast %select_n3A_378 : i32 to vector<16xi32>
    %add3A_394 = arith.addi %rem3A_380, %add3A_393 : vector<16xi32>
    %select_n3A_395 = arith.select %and3A_392, %add3A_394, %rem3A_380 : vector<16xi1>, vector<16xi32>
    %jit3A_396 = arith.constant 8 : i32
    %div3A = vector.broadcast %jit3A_396 : i32 to vector<16xi32>
    %div3A_397 = arith.divsi %select_n3A_20, %div3A : vector<16xi32>
    %sign3A = arith.constant 0 : i32
    %sign3A_398 = vector.broadcast %sign3A : i32 to vector<16xi32>
    %sign3A_399 = arith.cmpi sgt, %select_n3A_20, %sign3A_398 : vector<16xi32>
    %sign3A_400 = arith.extui %sign3A_399 : vector<16xi1> to vector<16xi32>
    %sign3A_401 = arith.constant 0 : i32
    %sign3A_402 = vector.broadcast %sign3A_401 : i32 to vector<16xi32>
    %sign3A_403 = arith.cmpi slt, %select_n3A_20, %sign3A_402 : vector<16xi32>
    %sign3A_404 = arith.extui %sign3A_403 : vector<16xi1> to vector<16xi32>
    %sign3A_405 = arith.subi %sign3A_400, %sign3A_404 : vector<16xi32>
    %sign3A_406 = arith.constant 0 : i32
    %sign3A_407 = arith.cmpi sgt, %jit3A_396, %sign3A_406 : i32
    %sign3A_408 = arith.extui %sign3A_407 : i1 to i32
    %sign3A_409 = arith.constant 0 : i32
    %sign3A_410 = arith.cmpi slt, %jit3A_396, %sign3A_409 : i32
    %sign3A_411 = arith.extui %sign3A_410 : i1 to i32
    %sign3A_412 = arith.subi %sign3A_408, %sign3A_411 : i32
    %ne3A_413 = vector.broadcast %sign3A_412 : i32 to vector<16xi32>
    %ne3A_414 = arith.cmpi ne, %sign3A_405, %ne3A_413 : vector<16xi32>
    %rem3A_415 = vector.broadcast %jit3A_396 : i32 to vector<16xi32>
    %rem3A_416 = arith.remsi %select_n3A_20, %rem3A_415 : vector<16xi32>
    %ne3A_417 = arith.constant 0 : i32
    %ne3A_418 = vector.broadcast %ne3A_417 : i32 to vector<16xi32>
    %ne3A_419 = arith.cmpi ne, %rem3A_416, %ne3A_418 : vector<16xi32>
    %and3A_420 = arith.andi %ne3A_414, %ne3A_419 : vector<16xi1>
    %sub3A = arith.constant 1 : i32
    %sub3A_421 = vector.broadcast %sub3A : i32 to vector<16xi32>
    %sub3A_422 = arith.subi %div3A_397, %sub3A_421 : vector<16xi32>
    %select_n3A_423 = arith.select %and3A_420, %sub3A_422, %div3A_397 : vector<16xi1>, vector<16xi32>
    %jit3A_424 = arith.constant 8 : i32
    %div3A_425 = vector.broadcast %jit3A_424 : i32 to vector<16xi32>
    %div3A_426 = arith.divsi %select_n3A_45, %div3A_425 : vector<16xi32>
    %sign3A_427 = arith.constant 0 : i32
    %sign3A_428 = vector.broadcast %sign3A_427 : i32 to vector<16xi32>
    %sign3A_429 = arith.cmpi sgt, %select_n3A_45, %sign3A_428 : vector<16xi32>
    %sign3A_430 = arith.extui %sign3A_429 : vector<16xi1> to vector<16xi32>
    %sign3A_431 = arith.constant 0 : i32
    %sign3A_432 = vector.broadcast %sign3A_431 : i32 to vector<16xi32>
    %sign3A_433 = arith.cmpi slt, %select_n3A_45, %sign3A_432 : vector<16xi32>
    %sign3A_434 = arith.extui %sign3A_433 : vector<16xi1> to vector<16xi32>
    %sign3A_435 = arith.subi %sign3A_430, %sign3A_434 : vector<16xi32>
    %sign3A_436 = arith.constant 0 : i32
    %sign3A_437 = arith.cmpi sgt, %jit3A_424, %sign3A_436 : i32
    %sign3A_438 = arith.extui %sign3A_437 : i1 to i32
    %sign3A_439 = arith.constant 0 : i32
    %sign3A_440 = arith.cmpi slt, %jit3A_424, %sign3A_439 : i32
    %sign3A_441 = arith.extui %sign3A_440 : i1 to i32
    %sign3A_442 = arith.subi %sign3A_438, %sign3A_441 : i32
    %ne3A_443 = vector.broadcast %sign3A_442 : i32 to vector<16xi32>
    %ne3A_444 = arith.cmpi ne, %sign3A_435, %ne3A_443 : vector<16xi32>
    %rem3A_445 = vector.broadcast %jit3A_424 : i32 to vector<16xi32>
    %rem3A_446 = arith.remsi %select_n3A_45, %rem3A_445 : vector<16xi32>
    %ne3A_447 = arith.constant 0 : i32
    %ne3A_448 = vector.broadcast %ne3A_447 : i32 to vector<16xi32>
    %ne3A_449 = arith.cmpi ne, %rem3A_446, %ne3A_448 : vector<16xi32>
    %and3A_450 = arith.andi %ne3A_444, %ne3A_449 : vector<16xi1>
    %sub3A_451 = arith.constant 1 : i32
    %sub3A_452 = vector.broadcast %sub3A_451 : i32 to vector<16xi32>
    %sub3A_453 = arith.subi %div3A_426, %sub3A_452 : vector<16xi32>
    %select_n3A_454 = arith.select %and3A_450, %sub3A_453, %div3A_426 : vector<16xi1>, vector<16xi32>
    %jit3A_455 = arith.constant 8 : i32
    %div3A_456 = vector.broadcast %jit3A_455 : i32 to vector<16xi32>
    %div3A_457 = arith.divsi %select_n3A_70, %div3A_456 : vector<16xi32>
    %sign3A_458 = arith.constant 0 : i32
    %sign3A_459 = vector.broadcast %sign3A_458 : i32 to vector<16xi32>
    %sign3A_460 = arith.cmpi sgt, %select_n3A_70, %sign3A_459 : vector<16xi32>
    %sign3A_461 = arith.extui %sign3A_460 : vector<16xi1> to vector<16xi32>
    %sign3A_462 = arith.constant 0 : i32
    %sign3A_463 = vector.broadcast %sign3A_462 : i32 to vector<16xi32>
    %sign3A_464 = arith.cmpi slt, %select_n3A_70, %sign3A_463 : vector<16xi32>
    %sign3A_465 = arith.extui %sign3A_464 : vector<16xi1> to vector<16xi32>
    %sign3A_466 = arith.subi %sign3A_461, %sign3A_465 : vector<16xi32>
    %sign3A_467 = arith.constant 0 : i32
    %sign3A_468 = arith.cmpi sgt, %jit3A_455, %sign3A_467 : i32
    %sign3A_469 = arith.extui %sign3A_468 : i1 to i32
    %sign3A_470 = arith.constant 0 : i32
    %sign3A_471 = arith.cmpi slt, %jit3A_455, %sign3A_470 : i32
    %sign3A_472 = arith.extui %sign3A_471 : i1 to i32
    %sign3A_473 = arith.subi %sign3A_469, %sign3A_472 : i32
    %ne3A_474 = vector.broadcast %sign3A_473 : i32 to vector<16xi32>
    %ne3A_475 = arith.cmpi ne, %sign3A_466, %ne3A_474 : vector<16xi32>
    %rem3A_476 = vector.broadcast %jit3A_455 : i32 to vector<16xi32>
    %rem3A_477 = arith.remsi %select_n3A_70, %rem3A_476 : vector<16xi32>
    %ne3A_478 = arith.constant 0 : i32
    %ne3A_479 = vector.broadcast %ne3A_478 : i32 to vector<16xi32>
    %ne3A_480 = arith.cmpi ne, %rem3A_477, %ne3A_479 : vector<16xi32>
    %and3A_481 = arith.andi %ne3A_475, %ne3A_480 : vector<16xi1>
    %sub3A_482 = arith.constant 1 : i32
    %sub3A_483 = vector.broadcast %sub3A_482 : i32 to vector<16xi32>
    %sub3A_484 = arith.subi %div3A_457, %sub3A_483 : vector<16xi32>
    %select_n3A_485 = arith.select %and3A_481, %sub3A_484, %div3A_457 : vector<16xi1>, vector<16xi32>
    %jit3A_486 = arith.constant 8 : i32
    %div3A_487 = vector.broadcast %jit3A_486 : i32 to vector<16xi32>
    %div3A_488 = arith.divsi %select_n3A_95, %div3A_487 : vector<16xi32>
    %sign3A_489 = arith.constant 0 : i32
    %sign3A_490 = vector.broadcast %sign3A_489 : i32 to vector<16xi32>
    %sign3A_491 = arith.cmpi sgt, %select_n3A_95, %sign3A_490 : vector<16xi32>
    %sign3A_492 = arith.extui %sign3A_491 : vector<16xi1> to vector<16xi32>
    %sign3A_493 = arith.constant 0 : i32
    %sign3A_494 = vector.broadcast %sign3A_493 : i32 to vector<16xi32>
    %sign3A_495 = arith.cmpi slt, %select_n3A_95, %sign3A_494 : vector<16xi32>
    %sign3A_496 = arith.extui %sign3A_495 : vector<16xi1> to vector<16xi32>
    %sign3A_497 = arith.subi %sign3A_492, %sign3A_496 : vector<16xi32>
    %sign3A_498 = arith.constant 0 : i32
    %sign3A_499 = arith.cmpi sgt, %jit3A_486, %sign3A_498 : i32
    %sign3A_500 = arith.extui %sign3A_499 : i1 to i32
    %sign3A_501 = arith.constant 0 : i32
    %sign3A_502 = arith.cmpi slt, %jit3A_486, %sign3A_501 : i32
    %sign3A_503 = arith.extui %sign3A_502 : i1 to i32
    %sign3A_504 = arith.subi %sign3A_500, %sign3A_503 : i32
    %ne3A_505 = vector.broadcast %sign3A_504 : i32 to vector<16xi32>
    %ne3A_506 = arith.cmpi ne, %sign3A_497, %ne3A_505 : vector<16xi32>
    %rem3A_507 = vector.broadcast %jit3A_486 : i32 to vector<16xi32>
    %rem3A_508 = arith.remsi %select_n3A_95, %rem3A_507 : vector<16xi32>
    %ne3A_509 = arith.constant 0 : i32
    %ne3A_510 = vector.broadcast %ne3A_509 : i32 to vector<16xi32>
    %ne3A_511 = arith.cmpi ne, %rem3A_508, %ne3A_510 : vector<16xi32>
    %and3A_512 = arith.andi %ne3A_506, %ne3A_511 : vector<16xi1>
    %sub3A_513 = arith.constant 1 : i32
    %sub3A_514 = vector.broadcast %sub3A_513 : i32 to vector<16xi32>
    %sub3A_515 = arith.subi %div3A_488, %sub3A_514 : vector<16xi32>
    %select_n3A_516 = arith.select %and3A_512, %sub3A_515, %div3A_488 : vector<16xi1>, vector<16xi32>
    %jit3A_517 = arith.constant 8 : i32
    %div3A_518 = vector.broadcast %jit3A_517 : i32 to vector<16xi32>
    %div3A_519 = arith.divsi %select_n3A_120, %div3A_518 : vector<16xi32>
    %sign3A_520 = arith.constant 0 : i32
    %sign3A_521 = vector.broadcast %sign3A_520 : i32 to vector<16xi32>
    %sign3A_522 = arith.cmpi sgt, %select_n3A_120, %sign3A_521 : vector<16xi32>
    %sign3A_523 = arith.extui %sign3A_522 : vector<16xi1> to vector<16xi32>
    %sign3A_524 = arith.constant 0 : i32
    %sign3A_525 = vector.broadcast %sign3A_524 : i32 to vector<16xi32>
    %sign3A_526 = arith.cmpi slt, %select_n3A_120, %sign3A_525 : vector<16xi32>
    %sign3A_527 = arith.extui %sign3A_526 : vector<16xi1> to vector<16xi32>
    %sign3A_528 = arith.subi %sign3A_523, %sign3A_527 : vector<16xi32>
    %sign3A_529 = arith.constant 0 : i32
    %sign3A_530 = arith.cmpi sgt, %jit3A_517, %sign3A_529 : i32
    %sign3A_531 = arith.extui %sign3A_530 : i1 to i32
    %sign3A_532 = arith.constant 0 : i32
    %sign3A_533 = arith.cmpi slt, %jit3A_517, %sign3A_532 : i32
    %sign3A_534 = arith.extui %sign3A_533 : i1 to i32
    %sign3A_535 = arith.subi %sign3A_531, %sign3A_534 : i32
    %ne3A_536 = vector.broadcast %sign3A_535 : i32 to vector<16xi32>
    %ne3A_537 = arith.cmpi ne, %sign3A_528, %ne3A_536 : vector<16xi32>
    %rem3A_538 = vector.broadcast %jit3A_517 : i32 to vector<16xi32>
    %rem3A_539 = arith.remsi %select_n3A_120, %rem3A_538 : vector<16xi32>
    %ne3A_540 = arith.constant 0 : i32
    %ne3A_541 = vector.broadcast %ne3A_540 : i32 to vector<16xi32>
    %ne3A_542 = arith.cmpi ne, %rem3A_539, %ne3A_541 : vector<16xi32>
    %and3A_543 = arith.andi %ne3A_537, %ne3A_542 : vector<16xi1>
    %sub3A_544 = arith.constant 1 : i32
    %sub3A_545 = vector.broadcast %sub3A_544 : i32 to vector<16xi32>
    %sub3A_546 = arith.subi %div3A_519, %sub3A_545 : vector<16xi32>
    %select_n3A_547 = arith.select %and3A_543, %sub3A_546, %div3A_519 : vector<16xi1>, vector<16xi32>
    %jit3A_548 = arith.constant 8 : i32
    %div3A_549 = vector.broadcast %jit3A_548 : i32 to vector<16xi32>
    %div3A_550 = arith.divsi %select_n3A_145, %div3A_549 : vector<16xi32>
    %sign3A_551 = arith.constant 0 : i32
    %sign3A_552 = vector.broadcast %sign3A_551 : i32 to vector<16xi32>
    %sign3A_553 = arith.cmpi sgt, %select_n3A_145, %sign3A_552 : vector<16xi32>
    %sign3A_554 = arith.extui %sign3A_553 : vector<16xi1> to vector<16xi32>
    %sign3A_555 = arith.constant 0 : i32
    %sign3A_556 = vector.broadcast %sign3A_555 : i32 to vector<16xi32>
    %sign3A_557 = arith.cmpi slt, %select_n3A_145, %sign3A_556 : vector<16xi32>
    %sign3A_558 = arith.extui %sign3A_557 : vector<16xi1> to vector<16xi32>
    %sign3A_559 = arith.subi %sign3A_554, %sign3A_558 : vector<16xi32>
    %sign3A_560 = arith.constant 0 : i32
    %sign3A_561 = arith.cmpi sgt, %jit3A_548, %sign3A_560 : i32
    %sign3A_562 = arith.extui %sign3A_561 : i1 to i32
    %sign3A_563 = arith.constant 0 : i32
    %sign3A_564 = arith.cmpi slt, %jit3A_548, %sign3A_563 : i32
    %sign3A_565 = arith.extui %sign3A_564 : i1 to i32
    %sign3A_566 = arith.subi %sign3A_562, %sign3A_565 : i32
    %ne3A_567 = vector.broadcast %sign3A_566 : i32 to vector<16xi32>
    %ne3A_568 = arith.cmpi ne, %sign3A_559, %ne3A_567 : vector<16xi32>
    %rem3A_569 = vector.broadcast %jit3A_548 : i32 to vector<16xi32>
    %rem3A_570 = arith.remsi %select_n3A_145, %rem3A_569 : vector<16xi32>
    %ne3A_571 = arith.constant 0 : i32
    %ne3A_572 = vector.broadcast %ne3A_571 : i32 to vector<16xi32>
    %ne3A_573 = arith.cmpi ne, %rem3A_570, %ne3A_572 : vector<16xi32>
    %and3A_574 = arith.andi %ne3A_568, %ne3A_573 : vector<16xi1>
    %sub3A_575 = arith.constant 1 : i32
    %sub3A_576 = vector.broadcast %sub3A_575 : i32 to vector<16xi32>
    %sub3A_577 = arith.subi %div3A_550, %sub3A_576 : vector<16xi32>
    %select_n3A_578 = arith.select %and3A_574, %sub3A_577, %div3A_550 : vector<16xi1>, vector<16xi32>
    %jit3A_579 = arith.constant 8 : i32
    %div3A_580 = vector.broadcast %jit3A_579 : i32 to vector<16xi32>
    %div3A_581 = arith.divsi %select_n3A_170, %div3A_580 : vector<16xi32>
    %sign3A_582 = arith.constant 0 : i32
    %sign3A_583 = vector.broadcast %sign3A_582 : i32 to vector<16xi32>
    %sign3A_584 = arith.cmpi sgt, %select_n3A_170, %sign3A_583 : vector<16xi32>
    %sign3A_585 = arith.extui %sign3A_584 : vector<16xi1> to vector<16xi32>
    %sign3A_586 = arith.constant 0 : i32
    %sign3A_587 = vector.broadcast %sign3A_586 : i32 to vector<16xi32>
    %sign3A_588 = arith.cmpi slt, %select_n3A_170, %sign3A_587 : vector<16xi32>
    %sign3A_589 = arith.extui %sign3A_588 : vector<16xi1> to vector<16xi32>
    %sign3A_590 = arith.subi %sign3A_585, %sign3A_589 : vector<16xi32>
    %sign3A_591 = arith.constant 0 : i32
    %sign3A_592 = arith.cmpi sgt, %jit3A_579, %sign3A_591 : i32
    %sign3A_593 = arith.extui %sign3A_592 : i1 to i32
    %sign3A_594 = arith.constant 0 : i32
    %sign3A_595 = arith.cmpi slt, %jit3A_579, %sign3A_594 : i32
    %sign3A_596 = arith.extui %sign3A_595 : i1 to i32
    %sign3A_597 = arith.subi %sign3A_593, %sign3A_596 : i32
    %ne3A_598 = vector.broadcast %sign3A_597 : i32 to vector<16xi32>
    %ne3A_599 = arith.cmpi ne, %sign3A_590, %ne3A_598 : vector<16xi32>
    %rem3A_600 = vector.broadcast %jit3A_579 : i32 to vector<16xi32>
    %rem3A_601 = arith.remsi %select_n3A_170, %rem3A_600 : vector<16xi32>
    %ne3A_602 = arith.constant 0 : i32
    %ne3A_603 = vector.broadcast %ne3A_602 : i32 to vector<16xi32>
    %ne3A_604 = arith.cmpi ne, %rem3A_601, %ne3A_603 : vector<16xi32>
    %and3A_605 = arith.andi %ne3A_599, %ne3A_604 : vector<16xi1>
    %sub3A_606 = arith.constant 1 : i32
    %sub3A_607 = vector.broadcast %sub3A_606 : i32 to vector<16xi32>
    %sub3A_608 = arith.subi %div3A_581, %sub3A_607 : vector<16xi32>
    %select_n3A_609 = arith.select %and3A_605, %sub3A_608, %div3A_581 : vector<16xi1>, vector<16xi32>
    %jit3A_610 = arith.constant 8 : i32
    %div3A_611 = vector.broadcast %jit3A_610 : i32 to vector<16xi32>
    %div3A_612 = arith.divsi %select_n3A_195, %div3A_611 : vector<16xi32>
    %sign3A_613 = arith.constant 0 : i32
    %sign3A_614 = vector.broadcast %sign3A_613 : i32 to vector<16xi32>
    %sign3A_615 = arith.cmpi sgt, %select_n3A_195, %sign3A_614 : vector<16xi32>
    %sign3A_616 = arith.extui %sign3A_615 : vector<16xi1> to vector<16xi32>
    %sign3A_617 = arith.constant 0 : i32
    %sign3A_618 = vector.broadcast %sign3A_617 : i32 to vector<16xi32>
    %sign3A_619 = arith.cmpi slt, %select_n3A_195, %sign3A_618 : vector<16xi32>
    %sign3A_620 = arith.extui %sign3A_619 : vector<16xi1> to vector<16xi32>
    %sign3A_621 = arith.subi %sign3A_616, %sign3A_620 : vector<16xi32>
    %sign3A_622 = arith.constant 0 : i32
    %sign3A_623 = arith.cmpi sgt, %jit3A_610, %sign3A_622 : i32
    %sign3A_624 = arith.extui %sign3A_623 : i1 to i32
    %sign3A_625 = arith.constant 0 : i32
    %sign3A_626 = arith.cmpi slt, %jit3A_610, %sign3A_625 : i32
    %sign3A_627 = arith.extui %sign3A_626 : i1 to i32
    %sign3A_628 = arith.subi %sign3A_624, %sign3A_627 : i32
    %ne3A_629 = vector.broadcast %sign3A_628 : i32 to vector<16xi32>
    %ne3A_630 = arith.cmpi ne, %sign3A_621, %ne3A_629 : vector<16xi32>
    %rem3A_631 = vector.broadcast %jit3A_610 : i32 to vector<16xi32>
    %rem3A_632 = arith.remsi %select_n3A_195, %rem3A_631 : vector<16xi32>
    %ne3A_633 = arith.constant 0 : i32
    %ne3A_634 = vector.broadcast %ne3A_633 : i32 to vector<16xi32>
    %ne3A_635 = arith.cmpi ne, %rem3A_632, %ne3A_634 : vector<16xi32>
    %and3A_636 = arith.andi %ne3A_630, %ne3A_635 : vector<16xi1>
    %sub3A_637 = arith.constant 1 : i32
    %sub3A_638 = vector.broadcast %sub3A_637 : i32 to vector<16xi32>
    %sub3A_639 = arith.subi %div3A_612, %sub3A_638 : vector<16xi32>
    %select_n3A_640 = arith.select %and3A_636, %sub3A_639, %div3A_612 : vector<16xi1>, vector<16xi32>
    %jit3A_641 = arith.constant 8 : i32
    %div3A_642 = vector.broadcast %jit3A_641 : i32 to vector<16xi32>
    %div3A_643 = arith.divsi %select_n3A_220, %div3A_642 : vector<16xi32>
    %sign3A_644 = arith.constant 0 : i32
    %sign3A_645 = vector.broadcast %sign3A_644 : i32 to vector<16xi32>
    %sign3A_646 = arith.cmpi sgt, %select_n3A_220, %sign3A_645 : vector<16xi32>
    %sign3A_647 = arith.extui %sign3A_646 : vector<16xi1> to vector<16xi32>
    %sign3A_648 = arith.constant 0 : i32
    %sign3A_649 = vector.broadcast %sign3A_648 : i32 to vector<16xi32>
    %sign3A_650 = arith.cmpi slt, %select_n3A_220, %sign3A_649 : vector<16xi32>
    %sign3A_651 = arith.extui %sign3A_650 : vector<16xi1> to vector<16xi32>
    %sign3A_652 = arith.subi %sign3A_647, %sign3A_651 : vector<16xi32>
    %sign3A_653 = arith.constant 0 : i32
    %sign3A_654 = arith.cmpi sgt, %jit3A_641, %sign3A_653 : i32
    %sign3A_655 = arith.extui %sign3A_654 : i1 to i32
    %sign3A_656 = arith.constant 0 : i32
    %sign3A_657 = arith.cmpi slt, %jit3A_641, %sign3A_656 : i32
    %sign3A_658 = arith.extui %sign3A_657 : i1 to i32
    %sign3A_659 = arith.subi %sign3A_655, %sign3A_658 : i32
    %ne3A_660 = vector.broadcast %sign3A_659 : i32 to vector<16xi32>
    %ne3A_661 = arith.cmpi ne, %sign3A_652, %ne3A_660 : vector<16xi32>
    %rem3A_662 = vector.broadcast %jit3A_641 : i32 to vector<16xi32>
    %rem3A_663 = arith.remsi %select_n3A_220, %rem3A_662 : vector<16xi32>
    %ne3A_664 = arith.constant 0 : i32
    %ne3A_665 = vector.broadcast %ne3A_664 : i32 to vector<16xi32>
    %ne3A_666 = arith.cmpi ne, %rem3A_663, %ne3A_665 : vector<16xi32>
    %and3A_667 = arith.andi %ne3A_661, %ne3A_666 : vector<16xi1>
    %sub3A_668 = arith.constant 1 : i32
    %sub3A_669 = vector.broadcast %sub3A_668 : i32 to vector<16xi32>
    %sub3A_670 = arith.subi %div3A_643, %sub3A_669 : vector<16xi32>
    %select_n3A_671 = arith.select %and3A_667, %sub3A_670, %div3A_643 : vector<16xi1>, vector<16xi32>
    %jit3A_672 = arith.constant 8 : i32
    %div3A_673 = vector.broadcast %jit3A_672 : i32 to vector<16xi32>
    %div3A_674 = arith.divsi %select_n3A_245, %div3A_673 : vector<16xi32>
    %sign3A_675 = arith.constant 0 : i32
    %sign3A_676 = vector.broadcast %sign3A_675 : i32 to vector<16xi32>
    %sign3A_677 = arith.cmpi sgt, %select_n3A_245, %sign3A_676 : vector<16xi32>
    %sign3A_678 = arith.extui %sign3A_677 : vector<16xi1> to vector<16xi32>
    %sign3A_679 = arith.constant 0 : i32
    %sign3A_680 = vector.broadcast %sign3A_679 : i32 to vector<16xi32>
    %sign3A_681 = arith.cmpi slt, %select_n3A_245, %sign3A_680 : vector<16xi32>
    %sign3A_682 = arith.extui %sign3A_681 : vector<16xi1> to vector<16xi32>
    %sign3A_683 = arith.subi %sign3A_678, %sign3A_682 : vector<16xi32>
    %sign3A_684 = arith.constant 0 : i32
    %sign3A_685 = arith.cmpi sgt, %jit3A_672, %sign3A_684 : i32
    %sign3A_686 = arith.extui %sign3A_685 : i1 to i32
    %sign3A_687 = arith.constant 0 : i32
    %sign3A_688 = arith.cmpi slt, %jit3A_672, %sign3A_687 : i32
    %sign3A_689 = arith.extui %sign3A_688 : i1 to i32
    %sign3A_690 = arith.subi %sign3A_686, %sign3A_689 : i32
    %ne3A_691 = vector.broadcast %sign3A_690 : i32 to vector<16xi32>
    %ne3A_692 = arith.cmpi ne, %sign3A_683, %ne3A_691 : vector<16xi32>
    %rem3A_693 = vector.broadcast %jit3A_672 : i32 to vector<16xi32>
    %rem3A_694 = arith.remsi %select_n3A_245, %rem3A_693 : vector<16xi32>
    %ne3A_695 = arith.constant 0 : i32
    %ne3A_696 = vector.broadcast %ne3A_695 : i32 to vector<16xi32>
    %ne3A_697 = arith.cmpi ne, %rem3A_694, %ne3A_696 : vector<16xi32>
    %and3A_698 = arith.andi %ne3A_692, %ne3A_697 : vector<16xi1>
    %sub3A_699 = arith.constant 1 : i32
    %sub3A_700 = vector.broadcast %sub3A_699 : i32 to vector<16xi32>
    %sub3A_701 = arith.subi %div3A_674, %sub3A_700 : vector<16xi32>
    %select_n3A_702 = arith.select %and3A_698, %sub3A_701, %div3A_674 : vector<16xi1>, vector<16xi32>
    %jit3A_703 = arith.constant 8 : i32
    %div3A_704 = vector.broadcast %jit3A_703 : i32 to vector<16xi32>
    %div3A_705 = arith.divsi %select_n3A_270, %div3A_704 : vector<16xi32>
    %sign3A_706 = arith.constant 0 : i32
    %sign3A_707 = vector.broadcast %sign3A_706 : i32 to vector<16xi32>
    %sign3A_708 = arith.cmpi sgt, %select_n3A_270, %sign3A_707 : vector<16xi32>
    %sign3A_709 = arith.extui %sign3A_708 : vector<16xi1> to vector<16xi32>
    %sign3A_710 = arith.constant 0 : i32
    %sign3A_711 = vector.broadcast %sign3A_710 : i32 to vector<16xi32>
    %sign3A_712 = arith.cmpi slt, %select_n3A_270, %sign3A_711 : vector<16xi32>
    %sign3A_713 = arith.extui %sign3A_712 : vector<16xi1> to vector<16xi32>
    %sign3A_714 = arith.subi %sign3A_709, %sign3A_713 : vector<16xi32>
    %sign3A_715 = arith.constant 0 : i32
    %sign3A_716 = arith.cmpi sgt, %jit3A_703, %sign3A_715 : i32
    %sign3A_717 = arith.extui %sign3A_716 : i1 to i32
    %sign3A_718 = arith.constant 0 : i32
    %sign3A_719 = arith.cmpi slt, %jit3A_703, %sign3A_718 : i32
    %sign3A_720 = arith.extui %sign3A_719 : i1 to i32
    %sign3A_721 = arith.subi %sign3A_717, %sign3A_720 : i32
    %ne3A_722 = vector.broadcast %sign3A_721 : i32 to vector<16xi32>
    %ne3A_723 = arith.cmpi ne, %sign3A_714, %ne3A_722 : vector<16xi32>
    %rem3A_724 = vector.broadcast %jit3A_703 : i32 to vector<16xi32>
    %rem3A_725 = arith.remsi %select_n3A_270, %rem3A_724 : vector<16xi32>
    %ne3A_726 = arith.constant 0 : i32
    %ne3A_727 = vector.broadcast %ne3A_726 : i32 to vector<16xi32>
    %ne3A_728 = arith.cmpi ne, %rem3A_725, %ne3A_727 : vector<16xi32>
    %and3A_729 = arith.andi %ne3A_723, %ne3A_728 : vector<16xi1>
    %sub3A_730 = arith.constant 1 : i32
    %sub3A_731 = vector.broadcast %sub3A_730 : i32 to vector<16xi32>
    %sub3A_732 = arith.subi %div3A_705, %sub3A_731 : vector<16xi32>
    %select_n3A_733 = arith.select %and3A_729, %sub3A_732, %div3A_705 : vector<16xi1>, vector<16xi32>
    %jit3A_734 = arith.constant 8 : i32
    %div3A_735 = vector.broadcast %jit3A_734 : i32 to vector<16xi32>
    %div3A_736 = arith.divsi %select_n3A_295, %div3A_735 : vector<16xi32>
    %sign3A_737 = arith.constant 0 : i32
    %sign3A_738 = vector.broadcast %sign3A_737 : i32 to vector<16xi32>
    %sign3A_739 = arith.cmpi sgt, %select_n3A_295, %sign3A_738 : vector<16xi32>
    %sign3A_740 = arith.extui %sign3A_739 : vector<16xi1> to vector<16xi32>
    %sign3A_741 = arith.constant 0 : i32
    %sign3A_742 = vector.broadcast %sign3A_741 : i32 to vector<16xi32>
    %sign3A_743 = arith.cmpi slt, %select_n3A_295, %sign3A_742 : vector<16xi32>
    %sign3A_744 = arith.extui %sign3A_743 : vector<16xi1> to vector<16xi32>
    %sign3A_745 = arith.subi %sign3A_740, %sign3A_744 : vector<16xi32>
    %sign3A_746 = arith.constant 0 : i32
    %sign3A_747 = arith.cmpi sgt, %jit3A_734, %sign3A_746 : i32
    %sign3A_748 = arith.extui %sign3A_747 : i1 to i32
    %sign3A_749 = arith.constant 0 : i32
    %sign3A_750 = arith.cmpi slt, %jit3A_734, %sign3A_749 : i32
    %sign3A_751 = arith.extui %sign3A_750 : i1 to i32
    %sign3A_752 = arith.subi %sign3A_748, %sign3A_751 : i32
    %ne3A_753 = vector.broadcast %sign3A_752 : i32 to vector<16xi32>
    %ne3A_754 = arith.cmpi ne, %sign3A_745, %ne3A_753 : vector<16xi32>
    %rem3A_755 = vector.broadcast %jit3A_734 : i32 to vector<16xi32>
    %rem3A_756 = arith.remsi %select_n3A_295, %rem3A_755 : vector<16xi32>
    %ne3A_757 = arith.constant 0 : i32
    %ne3A_758 = vector.broadcast %ne3A_757 : i32 to vector<16xi32>
    %ne3A_759 = arith.cmpi ne, %rem3A_756, %ne3A_758 : vector<16xi32>
    %and3A_760 = arith.andi %ne3A_754, %ne3A_759 : vector<16xi1>
    %sub3A_761 = arith.constant 1 : i32
    %sub3A_762 = vector.broadcast %sub3A_761 : i32 to vector<16xi32>
    %sub3A_763 = arith.subi %div3A_736, %sub3A_762 : vector<16xi32>
    %select_n3A_764 = arith.select %and3A_760, %sub3A_763, %div3A_736 : vector<16xi1>, vector<16xi32>
    %jit3A_765 = arith.constant 8 : i32
    %div3A_766 = vector.broadcast %jit3A_765 : i32 to vector<16xi32>
    %div3A_767 = arith.divsi %select_n3A_320, %div3A_766 : vector<16xi32>
    %sign3A_768 = arith.constant 0 : i32
    %sign3A_769 = vector.broadcast %sign3A_768 : i32 to vector<16xi32>
    %sign3A_770 = arith.cmpi sgt, %select_n3A_320, %sign3A_769 : vector<16xi32>
    %sign3A_771 = arith.extui %sign3A_770 : vector<16xi1> to vector<16xi32>
    %sign3A_772 = arith.constant 0 : i32
    %sign3A_773 = vector.broadcast %sign3A_772 : i32 to vector<16xi32>
    %sign3A_774 = arith.cmpi slt, %select_n3A_320, %sign3A_773 : vector<16xi32>
    %sign3A_775 = arith.extui %sign3A_774 : vector<16xi1> to vector<16xi32>
    %sign3A_776 = arith.subi %sign3A_771, %sign3A_775 : vector<16xi32>
    %sign3A_777 = arith.constant 0 : i32
    %sign3A_778 = arith.cmpi sgt, %jit3A_765, %sign3A_777 : i32
    %sign3A_779 = arith.extui %sign3A_778 : i1 to i32
    %sign3A_780 = arith.constant 0 : i32
    %sign3A_781 = arith.cmpi slt, %jit3A_765, %sign3A_780 : i32
    %sign3A_782 = arith.extui %sign3A_781 : i1 to i32
    %sign3A_783 = arith.subi %sign3A_779, %sign3A_782 : i32
    %ne3A_784 = vector.broadcast %sign3A_783 : i32 to vector<16xi32>
    %ne3A_785 = arith.cmpi ne, %sign3A_776, %ne3A_784 : vector<16xi32>
    %rem3A_786 = vector.broadcast %jit3A_765 : i32 to vector<16xi32>
    %rem3A_787 = arith.remsi %select_n3A_320, %rem3A_786 : vector<16xi32>
    %ne3A_788 = arith.constant 0 : i32
    %ne3A_789 = vector.broadcast %ne3A_788 : i32 to vector<16xi32>
    %ne3A_790 = arith.cmpi ne, %rem3A_787, %ne3A_789 : vector<16xi32>
    %and3A_791 = arith.andi %ne3A_785, %ne3A_790 : vector<16xi1>
    %sub3A_792 = arith.constant 1 : i32
    %sub3A_793 = vector.broadcast %sub3A_792 : i32 to vector<16xi32>
    %sub3A_794 = arith.subi %div3A_767, %sub3A_793 : vector<16xi32>
    %select_n3A_795 = arith.select %and3A_791, %sub3A_794, %div3A_767 : vector<16xi1>, vector<16xi32>
    %jit3A_796 = arith.constant 8 : i32
    %div3A_797 = vector.broadcast %jit3A_796 : i32 to vector<16xi32>
    %div3A_798 = arith.divsi %select_n3A_345, %div3A_797 : vector<16xi32>
    %sign3A_799 = arith.constant 0 : i32
    %sign3A_800 = vector.broadcast %sign3A_799 : i32 to vector<16xi32>
    %sign3A_801 = arith.cmpi sgt, %select_n3A_345, %sign3A_800 : vector<16xi32>
    %sign3A_802 = arith.extui %sign3A_801 : vector<16xi1> to vector<16xi32>
    %sign3A_803 = arith.constant 0 : i32
    %sign3A_804 = vector.broadcast %sign3A_803 : i32 to vector<16xi32>
    %sign3A_805 = arith.cmpi slt, %select_n3A_345, %sign3A_804 : vector<16xi32>
    %sign3A_806 = arith.extui %sign3A_805 : vector<16xi1> to vector<16xi32>
    %sign3A_807 = arith.subi %sign3A_802, %sign3A_806 : vector<16xi32>
    %sign3A_808 = arith.constant 0 : i32
    %sign3A_809 = arith.cmpi sgt, %jit3A_796, %sign3A_808 : i32
    %sign3A_810 = arith.extui %sign3A_809 : i1 to i32
    %sign3A_811 = arith.constant 0 : i32
    %sign3A_812 = arith.cmpi slt, %jit3A_796, %sign3A_811 : i32
    %sign3A_813 = arith.extui %sign3A_812 : i1 to i32
    %sign3A_814 = arith.subi %sign3A_810, %sign3A_813 : i32
    %ne3A_815 = vector.broadcast %sign3A_814 : i32 to vector<16xi32>
    %ne3A_816 = arith.cmpi ne, %sign3A_807, %ne3A_815 : vector<16xi32>
    %rem3A_817 = vector.broadcast %jit3A_796 : i32 to vector<16xi32>
    %rem3A_818 = arith.remsi %select_n3A_345, %rem3A_817 : vector<16xi32>
    %ne3A_819 = arith.constant 0 : i32
    %ne3A_820 = vector.broadcast %ne3A_819 : i32 to vector<16xi32>
    %ne3A_821 = arith.cmpi ne, %rem3A_818, %ne3A_820 : vector<16xi32>
    %and3A_822 = arith.andi %ne3A_816, %ne3A_821 : vector<16xi1>
    %sub3A_823 = arith.constant 1 : i32
    %sub3A_824 = vector.broadcast %sub3A_823 : i32 to vector<16xi32>
    %sub3A_825 = arith.subi %div3A_798, %sub3A_824 : vector<16xi32>
    %select_n3A_826 = arith.select %and3A_822, %sub3A_825, %div3A_798 : vector<16xi1>, vector<16xi32>
    %jit3A_827 = arith.constant 8 : i32
    %div3A_828 = vector.broadcast %jit3A_827 : i32 to vector<16xi32>
    %div3A_829 = arith.divsi %select_n3A_370, %div3A_828 : vector<16xi32>
    %sign3A_830 = arith.constant 0 : i32
    %sign3A_831 = vector.broadcast %sign3A_830 : i32 to vector<16xi32>
    %sign3A_832 = arith.cmpi sgt, %select_n3A_370, %sign3A_831 : vector<16xi32>
    %sign3A_833 = arith.extui %sign3A_832 : vector<16xi1> to vector<16xi32>
    %sign3A_834 = arith.constant 0 : i32
    %sign3A_835 = vector.broadcast %sign3A_834 : i32 to vector<16xi32>
    %sign3A_836 = arith.cmpi slt, %select_n3A_370, %sign3A_835 : vector<16xi32>
    %sign3A_837 = arith.extui %sign3A_836 : vector<16xi1> to vector<16xi32>
    %sign3A_838 = arith.subi %sign3A_833, %sign3A_837 : vector<16xi32>
    %sign3A_839 = arith.constant 0 : i32
    %sign3A_840 = arith.cmpi sgt, %jit3A_827, %sign3A_839 : i32
    %sign3A_841 = arith.extui %sign3A_840 : i1 to i32
    %sign3A_842 = arith.constant 0 : i32
    %sign3A_843 = arith.cmpi slt, %jit3A_827, %sign3A_842 : i32
    %sign3A_844 = arith.extui %sign3A_843 : i1 to i32
    %sign3A_845 = arith.subi %sign3A_841, %sign3A_844 : i32
    %ne3A_846 = vector.broadcast %sign3A_845 : i32 to vector<16xi32>
    %ne3A_847 = arith.cmpi ne, %sign3A_838, %ne3A_846 : vector<16xi32>
    %rem3A_848 = vector.broadcast %jit3A_827 : i32 to vector<16xi32>
    %rem3A_849 = arith.remsi %select_n3A_370, %rem3A_848 : vector<16xi32>
    %ne3A_850 = arith.constant 0 : i32
    %ne3A_851 = vector.broadcast %ne3A_850 : i32 to vector<16xi32>
    %ne3A_852 = arith.cmpi ne, %rem3A_849, %ne3A_851 : vector<16xi32>
    %and3A_853 = arith.andi %ne3A_847, %ne3A_852 : vector<16xi1>
    %sub3A_854 = arith.constant 1 : i32
    %sub3A_855 = vector.broadcast %sub3A_854 : i32 to vector<16xi32>
    %sub3A_856 = arith.subi %div3A_829, %sub3A_855 : vector<16xi32>
    %select_n3A_857 = arith.select %and3A_853, %sub3A_856, %div3A_829 : vector<16xi1>, vector<16xi32>
    %jit3A_858 = arith.constant 8 : i32
    %div3A_859 = vector.broadcast %jit3A_858 : i32 to vector<16xi32>
    %div3A_860 = arith.divsi %select_n3A_395, %div3A_859 : vector<16xi32>
    %sign3A_861 = arith.constant 0 : i32
    %sign3A_862 = vector.broadcast %sign3A_861 : i32 to vector<16xi32>
    %sign3A_863 = arith.cmpi sgt, %select_n3A_395, %sign3A_862 : vector<16xi32>
    %sign3A_864 = arith.extui %sign3A_863 : vector<16xi1> to vector<16xi32>
    %sign3A_865 = arith.constant 0 : i32
    %sign3A_866 = vector.broadcast %sign3A_865 : i32 to vector<16xi32>
    %sign3A_867 = arith.cmpi slt, %select_n3A_395, %sign3A_866 : vector<16xi32>
    %sign3A_868 = arith.extui %sign3A_867 : vector<16xi1> to vector<16xi32>
    %sign3A_869 = arith.subi %sign3A_864, %sign3A_868 : vector<16xi32>
    %sign3A_870 = arith.constant 0 : i32
    %sign3A_871 = arith.cmpi sgt, %jit3A_858, %sign3A_870 : i32
    %sign3A_872 = arith.extui %sign3A_871 : i1 to i32
    %sign3A_873 = arith.constant 0 : i32
    %sign3A_874 = arith.cmpi slt, %jit3A_858, %sign3A_873 : i32
    %sign3A_875 = arith.extui %sign3A_874 : i1 to i32
    %sign3A_876 = arith.subi %sign3A_872, %sign3A_875 : i32
    %ne3A_877 = vector.broadcast %sign3A_876 : i32 to vector<16xi32>
    %ne3A_878 = arith.cmpi ne, %sign3A_869, %ne3A_877 : vector<16xi32>
    %rem3A_879 = vector.broadcast %jit3A_858 : i32 to vector<16xi32>
    %rem3A_880 = arith.remsi %select_n3A_395, %rem3A_879 : vector<16xi32>
    %ne3A_881 = arith.constant 0 : i32
    %ne3A_882 = vector.broadcast %ne3A_881 : i32 to vector<16xi32>
    %ne3A_883 = arith.cmpi ne, %rem3A_880, %ne3A_882 : vector<16xi32>
    %and3A_884 = arith.andi %ne3A_878, %ne3A_883 : vector<16xi1>
    %sub3A_885 = arith.constant 1 : i32
    %sub3A_886 = vector.broadcast %sub3A_885 : i32 to vector<16xi32>
    %sub3A_887 = arith.subi %div3A_860, %sub3A_886 : vector<16xi32>
    %select_n3A_888 = arith.select %and3A_884, %sub3A_887, %div3A_860 : vector<16xi1>, vector<16xi32>
    %jit3A_889 = arith.constant 8 : i32
    %eq3A_890 = arith.constant 0 : i32
    %eq3A_891 = arith.cmpi eq, %jit3A_889, %eq3A_890 : i32
    %jit3A_892 = arith.constant 1 : i32
    %select_n3A_893 = arith.select %eq3A_891, %jit3A_892, %jit3A_889 : i32
    %rem3A_894 = vector.broadcast %select_n3A_893 : i32 to vector<16xi32>
    %rem3A_895 = arith.remsi %select_n3A_20, %rem3A_894 : vector<16xi32>
    %ne3A_896 = arith.constant 0 : i32
    %ne3A_897 = vector.broadcast %ne3A_896 : i32 to vector<16xi32>
    %ne3A_898 = arith.cmpi ne, %rem3A_895, %ne3A_897 : vector<16xi32>
    %lt3A_899 = arith.constant 0 : i32
    %lt3A_900 = vector.broadcast %lt3A_899 : i32 to vector<16xi32>
    %lt3A_901 = arith.cmpi slt, %rem3A_895, %lt3A_900 : vector<16xi32>
    %lt3A_902 = arith.constant 0 : i32
    %lt3A_903 = arith.cmpi slt, %select_n3A_893, %lt3A_902 : i32
    %ne3A_904 = vector.broadcast %lt3A_903 : i1 to vector<16xi1>
    %ne3A_905 = vector.broadcast %ne3A_904 : vector<16xi1> to vector<16xi1>
    %ne3A_906 = arith.xori %lt3A_901, %ne3A_905 : vector<16xi1>
    %and3A_907 = arith.andi %ne3A_906, %ne3A_898 : vector<16xi1>
    %add3A_908 = vector.broadcast %select_n3A_893 : i32 to vector<16xi32>
    %add3A_909 = arith.addi %rem3A_895, %add3A_908 : vector<16xi32>
    %select_n3A_910 = arith.select %and3A_907, %add3A_909, %rem3A_895 : vector<16xi1>, vector<16xi32>
    %jit3A_911 = arith.constant 8 : i32
    %eq3A_912 = arith.constant 0 : i32
    %eq3A_913 = arith.cmpi eq, %jit3A_911, %eq3A_912 : i32
    %jit3A_914 = arith.constant 1 : i32
    %select_n3A_915 = arith.select %eq3A_913, %jit3A_914, %jit3A_911 : i32
    %rem3A_916 = vector.broadcast %select_n3A_915 : i32 to vector<16xi32>
    %rem3A_917 = arith.remsi %select_n3A_45, %rem3A_916 : vector<16xi32>
    %ne3A_918 = arith.constant 0 : i32
    %ne3A_919 = vector.broadcast %ne3A_918 : i32 to vector<16xi32>
    %ne3A_920 = arith.cmpi ne, %rem3A_917, %ne3A_919 : vector<16xi32>
    %lt3A_921 = arith.constant 0 : i32
    %lt3A_922 = vector.broadcast %lt3A_921 : i32 to vector<16xi32>
    %lt3A_923 = arith.cmpi slt, %rem3A_917, %lt3A_922 : vector<16xi32>
    %lt3A_924 = arith.constant 0 : i32
    %lt3A_925 = arith.cmpi slt, %select_n3A_915, %lt3A_924 : i32
    %ne3A_926 = vector.broadcast %lt3A_925 : i1 to vector<16xi1>
    %ne3A_927 = vector.broadcast %ne3A_926 : vector<16xi1> to vector<16xi1>
    %ne3A_928 = arith.xori %lt3A_923, %ne3A_927 : vector<16xi1>
    %and3A_929 = arith.andi %ne3A_928, %ne3A_920 : vector<16xi1>
    %add3A_930 = vector.broadcast %select_n3A_915 : i32 to vector<16xi32>
    %add3A_931 = arith.addi %rem3A_917, %add3A_930 : vector<16xi32>
    %select_n3A_932 = arith.select %and3A_929, %add3A_931, %rem3A_917 : vector<16xi1>, vector<16xi32>
    %jit3A_933 = arith.constant 8 : i32
    %eq3A_934 = arith.constant 0 : i32
    %eq3A_935 = arith.cmpi eq, %jit3A_933, %eq3A_934 : i32
    %jit3A_936 = arith.constant 1 : i32
    %select_n3A_937 = arith.select %eq3A_935, %jit3A_936, %jit3A_933 : i32
    %rem3A_938 = vector.broadcast %select_n3A_937 : i32 to vector<16xi32>
    %rem3A_939 = arith.remsi %select_n3A_70, %rem3A_938 : vector<16xi32>
    %ne3A_940 = arith.constant 0 : i32
    %ne3A_941 = vector.broadcast %ne3A_940 : i32 to vector<16xi32>
    %ne3A_942 = arith.cmpi ne, %rem3A_939, %ne3A_941 : vector<16xi32>
    %lt3A_943 = arith.constant 0 : i32
    %lt3A_944 = vector.broadcast %lt3A_943 : i32 to vector<16xi32>
    %lt3A_945 = arith.cmpi slt, %rem3A_939, %lt3A_944 : vector<16xi32>
    %lt3A_946 = arith.constant 0 : i32
    %lt3A_947 = arith.cmpi slt, %select_n3A_937, %lt3A_946 : i32
    %ne3A_948 = vector.broadcast %lt3A_947 : i1 to vector<16xi1>
    %ne3A_949 = vector.broadcast %ne3A_948 : vector<16xi1> to vector<16xi1>
    %ne3A_950 = arith.xori %lt3A_945, %ne3A_949 : vector<16xi1>
    %and3A_951 = arith.andi %ne3A_950, %ne3A_942 : vector<16xi1>
    %add3A_952 = vector.broadcast %select_n3A_937 : i32 to vector<16xi32>
    %add3A_953 = arith.addi %rem3A_939, %add3A_952 : vector<16xi32>
    %select_n3A_954 = arith.select %and3A_951, %add3A_953, %rem3A_939 : vector<16xi1>, vector<16xi32>
    %jit3A_955 = arith.constant 8 : i32
    %eq3A_956 = arith.constant 0 : i32
    %eq3A_957 = arith.cmpi eq, %jit3A_955, %eq3A_956 : i32
    %jit3A_958 = arith.constant 1 : i32
    %select_n3A_959 = arith.select %eq3A_957, %jit3A_958, %jit3A_955 : i32
    %rem3A_960 = vector.broadcast %select_n3A_959 : i32 to vector<16xi32>
    %rem3A_961 = arith.remsi %select_n3A_95, %rem3A_960 : vector<16xi32>
    %ne3A_962 = arith.constant 0 : i32
    %ne3A_963 = vector.broadcast %ne3A_962 : i32 to vector<16xi32>
    %ne3A_964 = arith.cmpi ne, %rem3A_961, %ne3A_963 : vector<16xi32>
    %lt3A_965 = arith.constant 0 : i32
    %lt3A_966 = vector.broadcast %lt3A_965 : i32 to vector<16xi32>
    %lt3A_967 = arith.cmpi slt, %rem3A_961, %lt3A_966 : vector<16xi32>
    %lt3A_968 = arith.constant 0 : i32
    %lt3A_969 = arith.cmpi slt, %select_n3A_959, %lt3A_968 : i32
    %ne3A_970 = vector.broadcast %lt3A_969 : i1 to vector<16xi1>
    %ne3A_971 = vector.broadcast %ne3A_970 : vector<16xi1> to vector<16xi1>
    %ne3A_972 = arith.xori %lt3A_967, %ne3A_971 : vector<16xi1>
    %and3A_973 = arith.andi %ne3A_972, %ne3A_964 : vector<16xi1>
    %add3A_974 = vector.broadcast %select_n3A_959 : i32 to vector<16xi32>
    %add3A_975 = arith.addi %rem3A_961, %add3A_974 : vector<16xi32>
    %select_n3A_976 = arith.select %and3A_973, %add3A_975, %rem3A_961 : vector<16xi1>, vector<16xi32>
    %jit3A_977 = arith.constant 8 : i32
    %eq3A_978 = arith.constant 0 : i32
    %eq3A_979 = arith.cmpi eq, %jit3A_977, %eq3A_978 : i32
    %jit3A_980 = arith.constant 1 : i32
    %select_n3A_981 = arith.select %eq3A_979, %jit3A_980, %jit3A_977 : i32
    %rem3A_982 = vector.broadcast %select_n3A_981 : i32 to vector<16xi32>
    %rem3A_983 = arith.remsi %select_n3A_120, %rem3A_982 : vector<16xi32>
    %ne3A_984 = arith.constant 0 : i32
    %ne3A_985 = vector.broadcast %ne3A_984 : i32 to vector<16xi32>
    %ne3A_986 = arith.cmpi ne, %rem3A_983, %ne3A_985 : vector<16xi32>
    %lt3A_987 = arith.constant 0 : i32
    %lt3A_988 = vector.broadcast %lt3A_987 : i32 to vector<16xi32>
    %lt3A_989 = arith.cmpi slt, %rem3A_983, %lt3A_988 : vector<16xi32>
    %lt3A_990 = arith.constant 0 : i32
    %lt3A_991 = arith.cmpi slt, %select_n3A_981, %lt3A_990 : i32
    %ne3A_992 = vector.broadcast %lt3A_991 : i1 to vector<16xi1>
    %ne3A_993 = vector.broadcast %ne3A_992 : vector<16xi1> to vector<16xi1>
    %ne3A_994 = arith.xori %lt3A_989, %ne3A_993 : vector<16xi1>
    %and3A_995 = arith.andi %ne3A_994, %ne3A_986 : vector<16xi1>
    %add3A_996 = vector.broadcast %select_n3A_981 : i32 to vector<16xi32>
    %add3A_997 = arith.addi %rem3A_983, %add3A_996 : vector<16xi32>
    %select_n3A_998 = arith.select %and3A_995, %add3A_997, %rem3A_983 : vector<16xi1>, vector<16xi32>
    %jit3A_999 = arith.constant 8 : i32
    %eq3A_1000 = arith.constant 0 : i32
    %eq3A_1001 = arith.cmpi eq, %jit3A_999, %eq3A_1000 : i32
    %jit3A_1002 = arith.constant 1 : i32
    %select_n3A_1003 = arith.select %eq3A_1001, %jit3A_1002, %jit3A_999 : i32
    %rem3A_1004 = vector.broadcast %select_n3A_1003 : i32 to vector<16xi32>
    %rem3A_1005 = arith.remsi %select_n3A_145, %rem3A_1004 : vector<16xi32>
    %ne3A_1006 = arith.constant 0 : i32
    %ne3A_1007 = vector.broadcast %ne3A_1006 : i32 to vector<16xi32>
    %ne3A_1008 = arith.cmpi ne, %rem3A_1005, %ne3A_1007 : vector<16xi32>
    %lt3A_1009 = arith.constant 0 : i32
    %lt3A_1010 = vector.broadcast %lt3A_1009 : i32 to vector<16xi32>
    %lt3A_1011 = arith.cmpi slt, %rem3A_1005, %lt3A_1010 : vector<16xi32>
    %lt3A_1012 = arith.constant 0 : i32
    %lt3A_1013 = arith.cmpi slt, %select_n3A_1003, %lt3A_1012 : i32
    %ne3A_1014 = vector.broadcast %lt3A_1013 : i1 to vector<16xi1>
    %ne3A_1015 = vector.broadcast %ne3A_1014 : vector<16xi1> to vector<16xi1>
    %ne3A_1016 = arith.xori %lt3A_1011, %ne3A_1015 : vector<16xi1>
    %and3A_1017 = arith.andi %ne3A_1016, %ne3A_1008 : vector<16xi1>
    %add3A_1018 = vector.broadcast %select_n3A_1003 : i32 to vector<16xi32>
    %add3A_1019 = arith.addi %rem3A_1005, %add3A_1018 : vector<16xi32>
    %select_n3A_1020 = arith.select %and3A_1017, %add3A_1019, %rem3A_1005 : vector<16xi1>, vector<16xi32>
    %jit3A_1021 = arith.constant 8 : i32
    %eq3A_1022 = arith.constant 0 : i32
    %eq3A_1023 = arith.cmpi eq, %jit3A_1021, %eq3A_1022 : i32
    %jit3A_1024 = arith.constant 1 : i32
    %select_n3A_1025 = arith.select %eq3A_1023, %jit3A_1024, %jit3A_1021 : i32
    %rem3A_1026 = vector.broadcast %select_n3A_1025 : i32 to vector<16xi32>
    %rem3A_1027 = arith.remsi %select_n3A_170, %rem3A_1026 : vector<16xi32>
    %ne3A_1028 = arith.constant 0 : i32
    %ne3A_1029 = vector.broadcast %ne3A_1028 : i32 to vector<16xi32>
    %ne3A_1030 = arith.cmpi ne, %rem3A_1027, %ne3A_1029 : vector<16xi32>
    %lt3A_1031 = arith.constant 0 : i32
    %lt3A_1032 = vector.broadcast %lt3A_1031 : i32 to vector<16xi32>
    %lt3A_1033 = arith.cmpi slt, %rem3A_1027, %lt3A_1032 : vector<16xi32>
    %lt3A_1034 = arith.constant 0 : i32
    %lt3A_1035 = arith.cmpi slt, %select_n3A_1025, %lt3A_1034 : i32
    %ne3A_1036 = vector.broadcast %lt3A_1035 : i1 to vector<16xi1>
    %ne3A_1037 = vector.broadcast %ne3A_1036 : vector<16xi1> to vector<16xi1>
    %ne3A_1038 = arith.xori %lt3A_1033, %ne3A_1037 : vector<16xi1>
    %and3A_1039 = arith.andi %ne3A_1038, %ne3A_1030 : vector<16xi1>
    %add3A_1040 = vector.broadcast %select_n3A_1025 : i32 to vector<16xi32>
    %add3A_1041 = arith.addi %rem3A_1027, %add3A_1040 : vector<16xi32>
    %select_n3A_1042 = arith.select %and3A_1039, %add3A_1041, %rem3A_1027 : vector<16xi1>, vector<16xi32>
    %jit3A_1043 = arith.constant 8 : i32
    %eq3A_1044 = arith.constant 0 : i32
    %eq3A_1045 = arith.cmpi eq, %jit3A_1043, %eq3A_1044 : i32
    %jit3A_1046 = arith.constant 1 : i32
    %select_n3A_1047 = arith.select %eq3A_1045, %jit3A_1046, %jit3A_1043 : i32
    %rem3A_1048 = vector.broadcast %select_n3A_1047 : i32 to vector<16xi32>
    %rem3A_1049 = arith.remsi %select_n3A_195, %rem3A_1048 : vector<16xi32>
    %ne3A_1050 = arith.constant 0 : i32
    %ne3A_1051 = vector.broadcast %ne3A_1050 : i32 to vector<16xi32>
    %ne3A_1052 = arith.cmpi ne, %rem3A_1049, %ne3A_1051 : vector<16xi32>
    %lt3A_1053 = arith.constant 0 : i32
    %lt3A_1054 = vector.broadcast %lt3A_1053 : i32 to vector<16xi32>
    %lt3A_1055 = arith.cmpi slt, %rem3A_1049, %lt3A_1054 : vector<16xi32>
    %lt3A_1056 = arith.constant 0 : i32
    %lt3A_1057 = arith.cmpi slt, %select_n3A_1047, %lt3A_1056 : i32
    %ne3A_1058 = vector.broadcast %lt3A_1057 : i1 to vector<16xi1>
    %ne3A_1059 = vector.broadcast %ne3A_1058 : vector<16xi1> to vector<16xi1>
    %ne3A_1060 = arith.xori %lt3A_1055, %ne3A_1059 : vector<16xi1>
    %and3A_1061 = arith.andi %ne3A_1060, %ne3A_1052 : vector<16xi1>
    %add3A_1062 = vector.broadcast %select_n3A_1047 : i32 to vector<16xi32>
    %add3A_1063 = arith.addi %rem3A_1049, %add3A_1062 : vector<16xi32>
    %select_n3A_1064 = arith.select %and3A_1061, %add3A_1063, %rem3A_1049 : vector<16xi1>, vector<16xi32>
    %jit3A_1065 = arith.constant 8 : i32
    %eq3A_1066 = arith.constant 0 : i32
    %eq3A_1067 = arith.cmpi eq, %jit3A_1065, %eq3A_1066 : i32
    %jit3A_1068 = arith.constant 1 : i32
    %select_n3A_1069 = arith.select %eq3A_1067, %jit3A_1068, %jit3A_1065 : i32
    %rem3A_1070 = vector.broadcast %select_n3A_1069 : i32 to vector<16xi32>
    %rem3A_1071 = arith.remsi %select_n3A_220, %rem3A_1070 : vector<16xi32>
    %ne3A_1072 = arith.constant 0 : i32
    %ne3A_1073 = vector.broadcast %ne3A_1072 : i32 to vector<16xi32>
    %ne3A_1074 = arith.cmpi ne, %rem3A_1071, %ne3A_1073 : vector<16xi32>
    %lt3A_1075 = arith.constant 0 : i32
    %lt3A_1076 = vector.broadcast %lt3A_1075 : i32 to vector<16xi32>
    %lt3A_1077 = arith.cmpi slt, %rem3A_1071, %lt3A_1076 : vector<16xi32>
    %lt3A_1078 = arith.constant 0 : i32
    %lt3A_1079 = arith.cmpi slt, %select_n3A_1069, %lt3A_1078 : i32
    %ne3A_1080 = vector.broadcast %lt3A_1079 : i1 to vector<16xi1>
    %ne3A_1081 = vector.broadcast %ne3A_1080 : vector<16xi1> to vector<16xi1>
    %ne3A_1082 = arith.xori %lt3A_1077, %ne3A_1081 : vector<16xi1>
    %and3A_1083 = arith.andi %ne3A_1082, %ne3A_1074 : vector<16xi1>
    %add3A_1084 = vector.broadcast %select_n3A_1069 : i32 to vector<16xi32>
    %add3A_1085 = arith.addi %rem3A_1071, %add3A_1084 : vector<16xi32>
    %select_n3A_1086 = arith.select %and3A_1083, %add3A_1085, %rem3A_1071 : vector<16xi1>, vector<16xi32>
    %jit3A_1087 = arith.constant 8 : i32
    %eq3A_1088 = arith.constant 0 : i32
    %eq3A_1089 = arith.cmpi eq, %jit3A_1087, %eq3A_1088 : i32
    %jit3A_1090 = arith.constant 1 : i32
    %select_n3A_1091 = arith.select %eq3A_1089, %jit3A_1090, %jit3A_1087 : i32
    %rem3A_1092 = vector.broadcast %select_n3A_1091 : i32 to vector<16xi32>
    %rem3A_1093 = arith.remsi %select_n3A_245, %rem3A_1092 : vector<16xi32>
    %ne3A_1094 = arith.constant 0 : i32
    %ne3A_1095 = vector.broadcast %ne3A_1094 : i32 to vector<16xi32>
    %ne3A_1096 = arith.cmpi ne, %rem3A_1093, %ne3A_1095 : vector<16xi32>
    %lt3A_1097 = arith.constant 0 : i32
    %lt3A_1098 = vector.broadcast %lt3A_1097 : i32 to vector<16xi32>
    %lt3A_1099 = arith.cmpi slt, %rem3A_1093, %lt3A_1098 : vector<16xi32>
    %lt3A_1100 = arith.constant 0 : i32
    %lt3A_1101 = arith.cmpi slt, %select_n3A_1091, %lt3A_1100 : i32
    %ne3A_1102 = vector.broadcast %lt3A_1101 : i1 to vector<16xi1>
    %ne3A_1103 = vector.broadcast %ne3A_1102 : vector<16xi1> to vector<16xi1>
    %ne3A_1104 = arith.xori %lt3A_1099, %ne3A_1103 : vector<16xi1>
    %and3A_1105 = arith.andi %ne3A_1104, %ne3A_1096 : vector<16xi1>
    %add3A_1106 = vector.broadcast %select_n3A_1091 : i32 to vector<16xi32>
    %add3A_1107 = arith.addi %rem3A_1093, %add3A_1106 : vector<16xi32>
    %select_n3A_1108 = arith.select %and3A_1105, %add3A_1107, %rem3A_1093 : vector<16xi1>, vector<16xi32>
    %jit3A_1109 = arith.constant 8 : i32
    %eq3A_1110 = arith.constant 0 : i32
    %eq3A_1111 = arith.cmpi eq, %jit3A_1109, %eq3A_1110 : i32
    %jit3A_1112 = arith.constant 1 : i32
    %select_n3A_1113 = arith.select %eq3A_1111, %jit3A_1112, %jit3A_1109 : i32
    %rem3A_1114 = vector.broadcast %select_n3A_1113 : i32 to vector<16xi32>
    %rem3A_1115 = arith.remsi %select_n3A_270, %rem3A_1114 : vector<16xi32>
    %ne3A_1116 = arith.constant 0 : i32
    %ne3A_1117 = vector.broadcast %ne3A_1116 : i32 to vector<16xi32>
    %ne3A_1118 = arith.cmpi ne, %rem3A_1115, %ne3A_1117 : vector<16xi32>
    %lt3A_1119 = arith.constant 0 : i32
    %lt3A_1120 = vector.broadcast %lt3A_1119 : i32 to vector<16xi32>
    %lt3A_1121 = arith.cmpi slt, %rem3A_1115, %lt3A_1120 : vector<16xi32>
    %lt3A_1122 = arith.constant 0 : i32
    %lt3A_1123 = arith.cmpi slt, %select_n3A_1113, %lt3A_1122 : i32
    %ne3A_1124 = vector.broadcast %lt3A_1123 : i1 to vector<16xi1>
    %ne3A_1125 = vector.broadcast %ne3A_1124 : vector<16xi1> to vector<16xi1>
    %ne3A_1126 = arith.xori %lt3A_1121, %ne3A_1125 : vector<16xi1>
    %and3A_1127 = arith.andi %ne3A_1126, %ne3A_1118 : vector<16xi1>
    %add3A_1128 = vector.broadcast %select_n3A_1113 : i32 to vector<16xi32>
    %add3A_1129 = arith.addi %rem3A_1115, %add3A_1128 : vector<16xi32>
    %select_n3A_1130 = arith.select %and3A_1127, %add3A_1129, %rem3A_1115 : vector<16xi1>, vector<16xi32>
    %jit3A_1131 = arith.constant 8 : i32
    %eq3A_1132 = arith.constant 0 : i32
    %eq3A_1133 = arith.cmpi eq, %jit3A_1131, %eq3A_1132 : i32
    %jit3A_1134 = arith.constant 1 : i32
    %select_n3A_1135 = arith.select %eq3A_1133, %jit3A_1134, %jit3A_1131 : i32
    %rem3A_1136 = vector.broadcast %select_n3A_1135 : i32 to vector<16xi32>
    %rem3A_1137 = arith.remsi %select_n3A_295, %rem3A_1136 : vector<16xi32>
    %ne3A_1138 = arith.constant 0 : i32
    %ne3A_1139 = vector.broadcast %ne3A_1138 : i32 to vector<16xi32>
    %ne3A_1140 = arith.cmpi ne, %rem3A_1137, %ne3A_1139 : vector<16xi32>
    %lt3A_1141 = arith.constant 0 : i32
    %lt3A_1142 = vector.broadcast %lt3A_1141 : i32 to vector<16xi32>
    %lt3A_1143 = arith.cmpi slt, %rem3A_1137, %lt3A_1142 : vector<16xi32>
    %lt3A_1144 = arith.constant 0 : i32
    %lt3A_1145 = arith.cmpi slt, %select_n3A_1135, %lt3A_1144 : i32
    %ne3A_1146 = vector.broadcast %lt3A_1145 : i1 to vector<16xi1>
    %ne3A_1147 = vector.broadcast %ne3A_1146 : vector<16xi1> to vector<16xi1>
    %ne3A_1148 = arith.xori %lt3A_1143, %ne3A_1147 : vector<16xi1>
    %and3A_1149 = arith.andi %ne3A_1148, %ne3A_1140 : vector<16xi1>
    %add3A_1150 = vector.broadcast %select_n3A_1135 : i32 to vector<16xi32>
    %add3A_1151 = arith.addi %rem3A_1137, %add3A_1150 : vector<16xi32>
    %select_n3A_1152 = arith.select %and3A_1149, %add3A_1151, %rem3A_1137 : vector<16xi1>, vector<16xi32>
    %jit3A_1153 = arith.constant 8 : i32
    %eq3A_1154 = arith.constant 0 : i32
    %eq3A_1155 = arith.cmpi eq, %jit3A_1153, %eq3A_1154 : i32
    %jit3A_1156 = arith.constant 1 : i32
    %select_n3A_1157 = arith.select %eq3A_1155, %jit3A_1156, %jit3A_1153 : i32
    %rem3A_1158 = vector.broadcast %select_n3A_1157 : i32 to vector<16xi32>
    %rem3A_1159 = arith.remsi %select_n3A_320, %rem3A_1158 : vector<16xi32>
    %ne3A_1160 = arith.constant 0 : i32
    %ne3A_1161 = vector.broadcast %ne3A_1160 : i32 to vector<16xi32>
    %ne3A_1162 = arith.cmpi ne, %rem3A_1159, %ne3A_1161 : vector<16xi32>
    %lt3A_1163 = arith.constant 0 : i32
    %lt3A_1164 = vector.broadcast %lt3A_1163 : i32 to vector<16xi32>
    %lt3A_1165 = arith.cmpi slt, %rem3A_1159, %lt3A_1164 : vector<16xi32>
    %lt3A_1166 = arith.constant 0 : i32
    %lt3A_1167 = arith.cmpi slt, %select_n3A_1157, %lt3A_1166 : i32
    %ne3A_1168 = vector.broadcast %lt3A_1167 : i1 to vector<16xi1>
    %ne3A_1169 = vector.broadcast %ne3A_1168 : vector<16xi1> to vector<16xi1>
    %ne3A_1170 = arith.xori %lt3A_1165, %ne3A_1169 : vector<16xi1>
    %and3A_1171 = arith.andi %ne3A_1170, %ne3A_1162 : vector<16xi1>
    %add3A_1172 = vector.broadcast %select_n3A_1157 : i32 to vector<16xi32>
    %add3A_1173 = arith.addi %rem3A_1159, %add3A_1172 : vector<16xi32>
    %select_n3A_1174 = arith.select %and3A_1171, %add3A_1173, %rem3A_1159 : vector<16xi1>, vector<16xi32>
    %jit3A_1175 = arith.constant 8 : i32
    %eq3A_1176 = arith.constant 0 : i32
    %eq3A_1177 = arith.cmpi eq, %jit3A_1175, %eq3A_1176 : i32
    %jit3A_1178 = arith.constant 1 : i32
    %select_n3A_1179 = arith.select %eq3A_1177, %jit3A_1178, %jit3A_1175 : i32
    %rem3A_1180 = vector.broadcast %select_n3A_1179 : i32 to vector<16xi32>
    %rem3A_1181 = arith.remsi %select_n3A_345, %rem3A_1180 : vector<16xi32>
    %ne3A_1182 = arith.constant 0 : i32
    %ne3A_1183 = vector.broadcast %ne3A_1182 : i32 to vector<16xi32>
    %ne3A_1184 = arith.cmpi ne, %rem3A_1181, %ne3A_1183 : vector<16xi32>
    %lt3A_1185 = arith.constant 0 : i32
    %lt3A_1186 = vector.broadcast %lt3A_1185 : i32 to vector<16xi32>
    %lt3A_1187 = arith.cmpi slt, %rem3A_1181, %lt3A_1186 : vector<16xi32>
    %lt3A_1188 = arith.constant 0 : i32
    %lt3A_1189 = arith.cmpi slt, %select_n3A_1179, %lt3A_1188 : i32
    %ne3A_1190 = vector.broadcast %lt3A_1189 : i1 to vector<16xi1>
    %ne3A_1191 = vector.broadcast %ne3A_1190 : vector<16xi1> to vector<16xi1>
    %ne3A_1192 = arith.xori %lt3A_1187, %ne3A_1191 : vector<16xi1>
    %and3A_1193 = arith.andi %ne3A_1192, %ne3A_1184 : vector<16xi1>
    %add3A_1194 = vector.broadcast %select_n3A_1179 : i32 to vector<16xi32>
    %add3A_1195 = arith.addi %rem3A_1181, %add3A_1194 : vector<16xi32>
    %select_n3A_1196 = arith.select %and3A_1193, %add3A_1195, %rem3A_1181 : vector<16xi1>, vector<16xi32>
    %jit3A_1197 = arith.constant 8 : i32
    %eq3A_1198 = arith.constant 0 : i32
    %eq3A_1199 = arith.cmpi eq, %jit3A_1197, %eq3A_1198 : i32
    %jit3A_1200 = arith.constant 1 : i32
    %select_n3A_1201 = arith.select %eq3A_1199, %jit3A_1200, %jit3A_1197 : i32
    %rem3A_1202 = vector.broadcast %select_n3A_1201 : i32 to vector<16xi32>
    %rem3A_1203 = arith.remsi %select_n3A_370, %rem3A_1202 : vector<16xi32>
    %ne3A_1204 = arith.constant 0 : i32
    %ne3A_1205 = vector.broadcast %ne3A_1204 : i32 to vector<16xi32>
    %ne3A_1206 = arith.cmpi ne, %rem3A_1203, %ne3A_1205 : vector<16xi32>
    %lt3A_1207 = arith.constant 0 : i32
    %lt3A_1208 = vector.broadcast %lt3A_1207 : i32 to vector<16xi32>
    %lt3A_1209 = arith.cmpi slt, %rem3A_1203, %lt3A_1208 : vector<16xi32>
    %lt3A_1210 = arith.constant 0 : i32
    %lt3A_1211 = arith.cmpi slt, %select_n3A_1201, %lt3A_1210 : i32
    %ne3A_1212 = vector.broadcast %lt3A_1211 : i1 to vector<16xi1>
    %ne3A_1213 = vector.broadcast %ne3A_1212 : vector<16xi1> to vector<16xi1>
    %ne3A_1214 = arith.xori %lt3A_1209, %ne3A_1213 : vector<16xi1>
    %and3A_1215 = arith.andi %ne3A_1214, %ne3A_1206 : vector<16xi1>
    %add3A_1216 = vector.broadcast %select_n3A_1201 : i32 to vector<16xi32>
    %add3A_1217 = arith.addi %rem3A_1203, %add3A_1216 : vector<16xi32>
    %select_n3A_1218 = arith.select %and3A_1215, %add3A_1217, %rem3A_1203 : vector<16xi1>, vector<16xi32>
    %jit3A_1219 = arith.constant 8 : i32
    %eq3A_1220 = arith.constant 0 : i32
    %eq3A_1221 = arith.cmpi eq, %jit3A_1219, %eq3A_1220 : i32
    %jit3A_1222 = arith.constant 1 : i32
    %select_n3A_1223 = arith.select %eq3A_1221, %jit3A_1222, %jit3A_1219 : i32
    %rem3A_1224 = vector.broadcast %select_n3A_1223 : i32 to vector<16xi32>
    %rem3A_1225 = arith.remsi %select_n3A_395, %rem3A_1224 : vector<16xi32>
    %ne3A_1226 = arith.constant 0 : i32
    %ne3A_1227 = vector.broadcast %ne3A_1226 : i32 to vector<16xi32>
    %ne3A_1228 = arith.cmpi ne, %rem3A_1225, %ne3A_1227 : vector<16xi32>
    %lt3A_1229 = arith.constant 0 : i32
    %lt3A_1230 = vector.broadcast %lt3A_1229 : i32 to vector<16xi32>
    %lt3A_1231 = arith.cmpi slt, %rem3A_1225, %lt3A_1230 : vector<16xi32>
    %lt3A_1232 = arith.constant 0 : i32
    %lt3A_1233 = arith.cmpi slt, %select_n3A_1223, %lt3A_1232 : i32
    %ne3A_1234 = vector.broadcast %lt3A_1233 : i1 to vector<16xi1>
    %ne3A_1235 = vector.broadcast %ne3A_1234 : vector<16xi1> to vector<16xi1>
    %ne3A_1236 = arith.xori %lt3A_1231, %ne3A_1235 : vector<16xi1>
    %and3A_1237 = arith.andi %ne3A_1236, %ne3A_1228 : vector<16xi1>
    %add3A_1238 = vector.broadcast %select_n3A_1223 : i32 to vector<16xi32>
    %add3A_1239 = arith.addi %rem3A_1225, %add3A_1238 : vector<16xi32>
    %select_n3A_1240 = arith.select %and3A_1237, %add3A_1239, %rem3A_1225 : vector<16xi1>, vector<16xi32>
    %add3A_1241 = arith.constant 0 : i32
    %add3A_1242 = arith.addi %mul3A_2, %add3A_1241 : i32
    %dma_start3A = arith.constant 0 : i32
    %dma_start3A_1243 = arith.constant 0 : i32
    %dma_start3A_1244 = arith.constant 0 : i32
    %dma_start3A_1245 = tpu.memref_slice %arg8[%dma_start3A_1244] : memref<512xi32, #tpu.memory_space<vmem>> -> memref<128xi32, #tpu.memory_space<vmem>>
    %dma_start3A_1246 = arith.constant 0 : i32
    %dma_start3A_1247 = tpu.memref_slice %arg2[%dma_start3A, %add3A_1242, %dma_start3A_1243, %dma_start3A_1246] : memref<25x128x8x128xi32, #tpu.memory_space<hbm>> -> memref<1x1x1x128xi32, #tpu.memory_space<hbm>>
    %dma_start3A_1248 = tpu.memref_squeeze %dma_start3A_1247 : memref<1x1x1x128xi32, #tpu.memory_space<hbm>> -> memref<128xi32, #tpu.memory_space<hbm>>
    %dma_start3A_1249 = arith.constant 0 : i32
    %dma_start3A_1250 = tpu.memref_slice %arg8[%dma_start3A_1249] : memref<512xi32, #tpu.memory_space<vmem>> -> memref<128xi32, #tpu.memory_space<vmem>>
    %dma_start3A_1251 = arith.constant 0 : i32
    %dma_start3A_1252 = tpu.memref_slice %arg2[%dma_start3A, %add3A_1242, %dma_start3A_1243, %dma_start3A_1251] : memref<25x128x8x128xi32, #tpu.memory_space<hbm>> -> memref<1x1x1x128xi32, #tpu.memory_space<hbm>>
    %dma_start3A_1253 = tpu.memref_squeeze %dma_start3A_1252 : memref<1x1x1x128xi32, #tpu.memory_space<hbm>> -> memref<128xi32, #tpu.memory_space<hbm>>
    tpu.enqueue_dma source(%dma_start3A_1253 : memref<128xi32, #tpu.memory_space<hbm>>) target(%dma_start3A_1250 : memref<128xi32, #tpu.memory_space<vmem>>) target_semaphore(%arg18 : memref<!tpu.dma_semaphore, #tpu.memory_space<semaphore_mem>>)
    %add3A_1254 = arith.constant 1 : i32
    %add3A_1255 = arith.addi %mul3A_2, %add3A_1254 : i32
    %dma_start3A_1256 = arith.constant 0 : i32
    %dma_start3A_1257 = arith.constant 0 : i32
    %dma_start3A_1258 = arith.constant 128 : i32
    %dma_start3A_1259 = tpu.memref_slice %arg8[%dma_start3A_1258] : memref<512xi32, #tpu.memory_space<vmem>> -> memref<128xi32, #tpu.memory_space<vmem>>
    %dma_start3A_1260 = arith.constant 0 : i32
    %dma_start3A_1261 = tpu.memref_slice %arg2[%dma_start3A_1256, %add3A_1255, %dma_start3A_1257, %dma_start3A_1260] : memref<25x128x8x128xi32, #tpu.memory_space<hbm>> -> memref<1x1x1x128xi32, #tpu.memory_space<hbm>>
    %dma_start3A_1262 = tpu.memref_squeeze %dma_start3A_1261 : memref<1x1x1x128xi32, #tpu.memory_space<hbm>> -> memref<128xi32, #tpu.memory_space<hbm>>
    %dma_start3A_1263 = arith.constant 128 : i32
    %dma_start3A_1264 = tpu.memref_slice %arg8[%dma_start3A_1263] : memref<512xi32, #tpu.memory_space<vmem>> -> memref<128xi32, #tpu.memory_space<vmem>>
    %dma_start3A_1265 = arith.constant 0 : i32
    %dma_start3A_1266 = tpu.memref_slice %arg2[%dma_start3A_1256, %add3A_1255, %dma_start3A_1257, %dma_start3A_1265] : memref<25x128x8x128xi32, #tpu.memory_space<hbm>> -> memref<1x1x1x128xi32, #tpu.memory_space<hbm>>
    %dma_start3A_1267 = tpu.memref_squeeze %dma_start3A_1266 : memref<1x1x1x128xi32, #tpu.memory_space<hbm>> -> memref<128xi32, #tpu.memory_space<hbm>>
    tpu.enqueue_dma source(%dma_start3A_1267 : memref<128xi32, #tpu.memory_space<hbm>>) target(%dma_start3A_1264 : memref<128xi32, #tpu.memory_space<vmem>>) target_semaphore(%arg18 : memref<!tpu.dma_semaphore, #tpu.memory_space<semaphore_mem>>)
    %add3A_1268 = arith.constant 2 : i32
    %add3A_1269 = arith.addi %mul3A_2, %add3A_1268 : i32
    %dma_start3A_1270 = arith.constant 0 : i32
    %dma_start3A_1271 = arith.constant 0 : i32
    %dma_start3A_1272 = arith.constant 256 : i32
    %dma_start3A_1273 = tpu.memref_slice %arg8[%dma_start3A_1272] : memref<512xi32, #tpu.memory_space<vmem>> -> memref<128xi32, #tpu.memory_space<vmem>>
    %dma_start3A_1274 = arith.constant 0 : i32
    %dma_start3A_1275 = tpu.memref_slice %arg2[%dma_start3A_1270, %add3A_1269, %dma_start3A_1271, %dma_start3A_1274] : memref<25x128x8x128xi32, #tpu.memory_space<hbm>> -> memref<1x1x1x128xi32, #tpu.memory_space<hbm>>
    %dma_start3A_1276 = tpu.memref_squeeze %dma_start3A_1275 : memref<1x1x1x128xi32, #tpu.memory_space<hbm>> -> memref<128xi32, #tpu.memory_space<hbm>>
    %dma_start3A_1277 = arith.constant 256 : i32
    %dma_start3A_1278 = tpu.memref_slice %arg8[%dma_start3A_1277] : memref<512xi32, #tpu.memory_space<vmem>> -> memref<128xi32, #tpu.memory_space<vmem>>
    %dma_start3A_1279 = arith.constant 0 : i32
    %dma_start3A_1280 = tpu.memref_slice %arg2[%dma_start3A_1270, %add3A_1269, %dma_start3A_1271, %dma_start3A_1279] : memref<25x128x8x128xi32, #tpu.memory_space<hbm>> -> memref<1x1x1x128xi32, #tpu.memory_space<hbm>>
    %dma_start3A_1281 = tpu.memref_squeeze %dma_start3A_1280 : memref<1x1x1x128xi32, #tpu.memory_space<hbm>> -> memref<128xi32, #tpu.memory_space<hbm>>
    tpu.enqueue_dma source(%dma_start3A_1281 : memref<128xi32, #tpu.memory_space<hbm>>) target(%dma_start3A_1278 : memref<128xi32, #tpu.memory_space<vmem>>) target_semaphore(%arg18 : memref<!tpu.dma_semaphore, #tpu.memory_space<semaphore_mem>>)
    %add3A_1282 = arith.constant 3 : i32
    %add3A_1283 = arith.addi %mul3A_2, %add3A_1282 : i32
    %dma_start3A_1284 = arith.constant 0 : i32
    %dma_start3A_1285 = arith.constant 0 : i32
    %dma_start3A_1286 = arith.constant 384 : i32
    %dma_start3A_1287 = tpu.memref_slice %arg8[%dma_start3A_1286] : memref<512xi32, #tpu.memory_space<vmem>> -> memref<128xi32, #tpu.memory_space<vmem>>
    %dma_start3A_1288 = arith.constant 0 : i32
    %dma_start3A_1289 = tpu.memref_slice %arg2[%dma_start3A_1284, %add3A_1283, %dma_start3A_1285, %dma_start3A_1288] : memref<25x128x8x128xi32, #tpu.memory_space<hbm>> -> memref<1x1x1x128xi32, #tpu.memory_space<hbm>>
    %dma_start3A_1290 = tpu.memref_squeeze %dma_start3A_1289 : memref<1x1x1x128xi32, #tpu.memory_space<hbm>> -> memref<128xi32, #tpu.memory_space<hbm>>
    %dma_start3A_1291 = arith.constant 384 : i32
    %dma_start3A_1292 = tpu.memref_slice %arg8[%dma_start3A_1291] : memref<512xi32, #tpu.memory_space<vmem>> -> memref<128xi32, #tpu.memory_space<vmem>>
    %dma_start3A_1293 = arith.constant 0 : i32
    %dma_start3A_1294 = tpu.memref_slice %arg2[%dma_start3A_1284, %add3A_1283, %dma_start3A_1285, %dma_start3A_1293] : memref<25x128x8x128xi32, #tpu.memory_space<hbm>> -> memref<1x1x1x128xi32, #tpu.memory_space<hbm>>
    %dma_start3A_1295 = tpu.memref_squeeze %dma_start3A_1294 : memref<1x1x1x128xi32, #tpu.memory_space<hbm>> -> memref<128xi32, #tpu.memory_space<hbm>>
    tpu.enqueue_dma source(%dma_start3A_1295 : memref<128xi32, #tpu.memory_space<hbm>>) target(%dma_start3A_1292 : memref<128xi32, #tpu.memory_space<vmem>>) target_semaphore(%arg18 : memref<!tpu.dma_semaphore, #tpu.memory_space<semaphore_mem>>)
    %add3A_1296 = arith.constant 0 : i32
    %add3A_1297 = arith.addi %mul3A_2, %add3A_1296 : i32
    %dma_start3A_1298 = arith.constant 0 : i32
    %dma_start3A_1299 = arith.constant 1 : i32
    %dma_start3A_1300 = arith.constant 0 : i32
    %dma_start3A_1301 = tpu.memref_slice %arg9[%dma_start3A_1300] : memref<512xi32, #tpu.memory_space<vmem>> -> memref<128xi32, #tpu.memory_space<vmem>>
    %dma_start3A_1302 = arith.constant 0 : i32
    %dma_start3A_1303 = tpu.memref_slice %arg2[%dma_start3A_1298, %add3A_1297, %dma_start3A_1299, %dma_start3A_1302] : memref<25x128x8x128xi32, #tpu.memory_space<hbm>> -> memref<1x1x1x128xi32, #tpu.memory_space<hbm>>
    %dma_start3A_1304 = tpu.memref_squeeze %dma_start3A_1303 : memref<1x1x1x128xi32, #tpu.memory_space<hbm>> -> memref<128xi32, #tpu.memory_space<hbm>>
    %dma_start3A_1305 = arith.constant 0 : i32
    %dma_start3A_1306 = tpu.memref_slice %arg9[%dma_start3A_1305] : memref<512xi32, #tpu.memory_space<vmem>> -> memref<128xi32, #tpu.memory_space<vmem>>
    %dma_start3A_1307 = arith.constant 0 : i32
    %dma_start3A_1308 = tpu.memref_slice %arg2[%dma_start3A_1298, %add3A_1297, %dma_start3A_1299, %dma_start3A_1307] : memref<25x128x8x128xi32, #tpu.memory_space<hbm>> -> memref<1x1x1x128xi32, #tpu.memory_space<hbm>>
    %dma_start3A_1309 = tpu.memref_squeeze %dma_start3A_1308 : memref<1x1x1x128xi32, #tpu.memory_space<hbm>> -> memref<128xi32, #tpu.memory_space<hbm>>
    tpu.enqueue_dma source(%dma_start3A_1309 : memref<128xi32, #tpu.memory_space<hbm>>) target(%dma_start3A_1306 : memref<128xi32, #tpu.memory_space<vmem>>) target_semaphore(%arg19 : memref<!tpu.dma_semaphore, #tpu.memory_space<semaphore_mem>>)
    %add3A_1310 = arith.constant 1 : i32
    %add3A_1311 = arith.addi %mul3A_2, %add3A_1310 : i32
    %dma_start3A_1312 = arith.constant 0 : i32
    %dma_start3A_1313 = arith.constant 1 : i32
    %dma_start3A_1314 = arith.constant 128 : i32
    %dma_start3A_1315 = tpu.memref_slice %arg9[%dma_start3A_1314] : memref<512xi32, #tpu.memory_space<vmem>> -> memref<128xi32, #tpu.memory_space<vmem>>
    %dma_start3A_1316 = arith.constant 0 : i32
    %dma_start3A_1317 = tpu.memref_slice %arg2[%dma_start3A_1312, %add3A_1311, %dma_start3A_1313, %dma_start3A_1316] : memref<25x128x8x128xi32, #tpu.memory_space<hbm>> -> memref<1x1x1x128xi32, #tpu.memory_space<hbm>>
    %dma_start3A_1318 = tpu.memref_squeeze %dma_start3A_1317 : memref<1x1x1x128xi32, #tpu.memory_space<hbm>> -> memref<128xi32, #tpu.memory_space<hbm>>
    %dma_start3A_1319 = arith.constant 128 : i32
    %dma_start3A_1320 = tpu.memref_slice %arg9[%dma_start3A_1319] : memref<512xi32, #tpu.memory_space<vmem>> -> memref<128xi32, #tpu.memory_space<vmem>>
    %dma_start3A_1321 = arith.constant 0 : i32
    %dma_start3A_1322 = tpu.memref_slice %arg2[%dma_start3A_1312, %add3A_1311, %dma_start3A_1313, %dma_start3A_1321] : memref<25x128x8x128xi32, #tpu.memory_space<hbm>> -> memref<1x1x1x128xi32, #tpu.memory_space<hbm>>
    %dma_start3A_1323 = tpu.memref_squeeze %dma_start3A_1322 : memref<1x1x1x128xi32, #tpu.memory_space<hbm>> -> memref<128xi32, #tpu.memory_space<hbm>>
    tpu.enqueue_dma source(%dma_start3A_1323 : memref<128xi32, #tpu.memory_space<hbm>>) target(%dma_start3A_1320 : memref<128xi32, #tpu.memory_space<vmem>>) target_semaphore(%arg19 : memref<!tpu.dma_semaphore, #tpu.memory_space<semaphore_mem>>)
    %add3A_1324 = arith.constant 2 : i32
    %add3A_1325 = arith.addi %mul3A_2, %add3A_1324 : i32
    %dma_start3A_1326 = arith.constant 0 : i32
    %dma_start3A_1327 = arith.constant 1 : i32
    %dma_start3A_1328 = arith.constant 256 : i32
    %dma_start3A_1329 = tpu.memref_slice %arg9[%dma_start3A_1328] : memref<512xi32, #tpu.memory_space<vmem>> -> memref<128xi32, #tpu.memory_space<vmem>>
    %dma_start3A_1330 = arith.constant 0 : i32
    %dma_start3A_1331 = tpu.memref_slice %arg2[%dma_start3A_1326, %add3A_1325, %dma_start3A_1327, %dma_start3A_1330] : memref<25x128x8x128xi32, #tpu.memory_space<hbm>> -> memref<1x1x1x128xi32, #tpu.memory_space<hbm>>
    %dma_start3A_1332 = tpu.memref_squeeze %dma_start3A_1331 : memref<1x1x1x128xi32, #tpu.memory_space<hbm>> -> memref<128xi32, #tpu.memory_space<hbm>>
    %dma_start3A_1333 = arith.constant 256 : i32
    %dma_start3A_1334 = tpu.memref_slice %arg9[%dma_start3A_1333] : memref<512xi32, #tpu.memory_space<vmem>> -> memref<128xi32, #tpu.memory_space<vmem>>
    %dma_start3A_1335 = arith.constant 0 : i32
    %dma_start3A_1336 = tpu.memref_slice %arg2[%dma_start3A_1326, %add3A_1325, %dma_start3A_1327, %dma_start3A_1335] : memref<25x128x8x128xi32, #tpu.memory_space<hbm>> -> memref<1x1x1x128xi32, #tpu.memory_space<hbm>>
    %dma_start3A_1337 = tpu.memref_squeeze %dma_start3A_1336 : memref<1x1x1x128xi32, #tpu.memory_space<hbm>> -> memref<128xi32, #tpu.memory_space<hbm>>
    tpu.enqueue_dma source(%dma_start3A_1337 : memref<128xi32, #tpu.memory_space<hbm>>) target(%dma_start3A_1334 : memref<128xi32, #tpu.memory_space<vmem>>) target_semaphore(%arg19 : memref<!tpu.dma_semaphore, #tpu.memory_space<semaphore_mem>>)
    %add3A_1338 = arith.constant 3 : i32
    %add3A_1339 = arith.addi %mul3A_2, %add3A_1338 : i32
    %dma_start3A_1340 = arith.constant 0 : i32
    %dma_start3A_1341 = arith.constant 1 : i32
    %dma_start3A_1342 = arith.constant 384 : i32
    %dma_start3A_1343 = tpu.memref_slice %arg9[%dma_start3A_1342] : memref<512xi32, #tpu.memory_space<vmem>> -> memref<128xi32, #tpu.memory_space<vmem>>
    %dma_start3A_1344 = arith.constant 0 : i32
    %dma_start3A_1345 = tpu.memref_slice %arg2[%dma_start3A_1340, %add3A_1339, %dma_start3A_1341, %dma_start3A_1344] : memref<25x128x8x128xi32, #tpu.memory_space<hbm>> -> memref<1x1x1x128xi32, #tpu.memory_space<hbm>>
    %dma_start3A_1346 = tpu.memref_squeeze %dma_start3A_1345 : memref<1x1x1x128xi32, #tpu.memory_space<hbm>> -> memref<128xi32, #tpu.memory_space<hbm>>
    %dma_start3A_1347 = arith.constant 384 : i32
    %dma_start3A_1348 = tpu.memref_slice %arg9[%dma_start3A_1347] : memref<512xi32, #tpu.memory_space<vmem>> -> memref<128xi32, #tpu.memory_space<vmem>>
    %dma_start3A_1349 = arith.constant 0 : i32
    %dma_start3A_1350 = tpu.memref_slice %arg2[%dma_start3A_1340, %add3A_1339, %dma_start3A_1341, %dma_start3A_1349] : memref<25x128x8x128xi32, #tpu.memory_space<hbm>> -> memref<1x1x1x128xi32, #tpu.memory_space<hbm>>
    %dma_start3A_1351 = tpu.memref_squeeze %dma_start3A_1350 : memref<1x1x1x128xi32, #tpu.memory_space<hbm>> -> memref<128xi32, #tpu.memory_space<hbm>>
    tpu.enqueue_dma source(%dma_start3A_1351 : memref<128xi32, #tpu.memory_space<hbm>>) target(%dma_start3A_1348 : memref<128xi32, #tpu.memory_space<vmem>>) target_semaphore(%arg19 : memref<!tpu.dma_semaphore, #tpu.memory_space<semaphore_mem>>)
    %dma_wait3A = arith.constant 0 : i32
    %dma_wait3A_1352 = arith.constant 0 : i32
    %dma_wait3A_1353 = arith.constant 0 : i32
    %dma_wait3A_1354 = arith.constant 0 : i32
    %dma_wait3A_1355 = tpu.memref_slice %arg2[%dma_wait3A, %dma_wait3A_1353, %dma_wait3A_1352, %dma_wait3A_1354] : memref<25x128x8x128xi32, #tpu.memory_space<hbm>> -> memref<1x4x1x128xi32, #tpu.memory_space<hbm>>
    %dma_wait3A_1356 = tpu.memref_squeeze %dma_wait3A_1355 : memref<1x4x1x128xi32, #tpu.memory_space<hbm>> -> memref<4x128xi32, #tpu.memory_space<hbm>>
    %dma_wait3A_1357 = arith.constant 0 : i32
    %dma_wait3A_1358 = arith.constant 0 : i32
    %dma_wait3A_1359 = tpu.memref_slice %arg2[%dma_wait3A, %dma_wait3A_1357, %dma_wait3A_1352, %dma_wait3A_1358] : memref<25x128x8x128xi32, #tpu.memory_space<hbm>> -> memref<1x4x1x128xi32, #tpu.memory_space<hbm>>
    %dma_wait3A_1360 = tpu.memref_squeeze %dma_wait3A_1359 : memref<1x4x1x128xi32, #tpu.memory_space<hbm>> -> memref<4x128xi32, #tpu.memory_space<hbm>>
    tpu.wait_dma2 semaphore(%arg18 : memref<!tpu.dma_semaphore, #tpu.memory_space<semaphore_mem>>) src(%dma_wait3A_1360 : memref<4x128xi32, #tpu.memory_space<hbm>>) dst(%arg8 : memref<512xi32, #tpu.memory_space<vmem>>)
    %dma_start3A_1361 = arith.constant 0 : i32
    %dma_start3A_1362 = arith.constant 0 : i32
    %dma_start3A_1363 = tpu.memref_slice %arg3[%dma_start3A_1361, %dma_start3A_1362] : memref<1000000x16xf32, #tpu.memory_space<hbm>> -> memref<1000000x16xf32, #tpu.memory_space<hbm>>
    tpu.enqueue_indirect_dma source(%dma_start3A_1363 : memref<1000000x16xf32, #tpu.memory_space<hbm>>) target(%arg10 : memref<512x16xf32, #tpu.memory_space<vmem>>) offsets(%arg8 : memref<512xi32, #tpu.memory_space<vmem>>) semaphore(%arg20 : memref<!tpu.dma_semaphore, #tpu.memory_space<semaphore_mem>>)
    %dma_start3A_1364 = arith.constant 0 : i32
    %dma_start3A_1365 = arith.constant 0 : i32
    %dma_start3A_1366 = tpu.memref_slice %arg4[%dma_start3A_1364, %dma_start3A_1365] : memref<1000000x16xf32, #tpu.memory_space<hbm>> -> memref<1000000x16xf32, #tpu.memory_space<hbm>>
    tpu.enqueue_indirect_dma source(%dma_start3A_1366 : memref<1000000x16xf32, #tpu.memory_space<hbm>>) target(%arg12 : memref<512x16xf32, #tpu.memory_space<vmem>>) offsets(%arg8 : memref<512xi32, #tpu.memory_space<vmem>>) semaphore(%arg22 : memref<!tpu.dma_semaphore, #tpu.memory_space<semaphore_mem>>)
    %dma_wait3A_1367 = arith.constant 0 : i32
    %dma_wait3A_1368 = arith.constant 0 : i32
    %dma_wait3A_1369 = tpu.memref_slice %arg3[%dma_wait3A_1367, %dma_wait3A_1368] : memref<1000000x16xf32, #tpu.memory_space<hbm>> -> memref<1000000x16xf32, #tpu.memory_space<hbm>>
    tpu.wait_indirect_dma semaphore(%arg20 : memref<!tpu.dma_semaphore, #tpu.memory_space<semaphore_mem>>) src(%dma_wait3A_1369 : memref<1000000x16xf32, #tpu.memory_space<hbm>>) dst(%arg10 : memref<512x16xf32, #tpu.memory_space<vmem>>)
    %dma_wait3A_1370 = arith.constant 0 : i32
    %dma_wait3A_1371 = arith.constant 0 : i32
    %dma_wait3A_1372 = tpu.memref_slice %arg4[%dma_wait3A_1370, %dma_wait3A_1371] : memref<1000000x16xf32, #tpu.memory_space<hbm>> -> memref<1000000x16xf32, #tpu.memory_space<hbm>>
    tpu.wait_indirect_dma semaphore(%arg22 : memref<!tpu.dma_semaphore, #tpu.memory_space<semaphore_mem>>) src(%dma_wait3A_1372 : memref<1000000x16xf32, #tpu.memory_space<hbm>>) dst(%arg12 : memref<512x16xf32, #tpu.memory_space<vmem>>)
    %dma_wait3A_1373 = arith.constant 0 : i32
    %dma_wait3A_1374 = arith.constant 0 : i32
    %dma_wait3A_1375 = arith.constant 0 : i32
    %dma_wait3A_1376 = arith.constant 0 : i32
    %dma_wait3A_1377 = tpu.memref_slice %arg2[%dma_wait3A_1373, %dma_wait3A_1375, %dma_wait3A_1374, %dma_wait3A_1376] : memref<25x128x8x128xi32, #tpu.memory_space<hbm>> -> memref<1x4x1x128xi32, #tpu.memory_space<hbm>>
    %dma_wait3A_1378 = tpu.memref_squeeze %dma_wait3A_1377 : memref<1x4x1x128xi32, #tpu.memory_space<hbm>> -> memref<4x128xi32, #tpu.memory_space<hbm>>
    %dma_wait3A_1379 = arith.constant 0 : i32
    %dma_wait3A_1380 = arith.constant 0 : i32
    %dma_wait3A_1381 = tpu.memref_slice %arg2[%dma_wait3A_1373, %dma_wait3A_1379, %dma_wait3A_1374, %dma_wait3A_1380] : memref<25x128x8x128xi32, #tpu.memory_space<hbm>> -> memref<1x4x1x128xi32, #tpu.memory_space<hbm>>
    %dma_wait3A_1382 = tpu.memref_squeeze %dma_wait3A_1381 : memref<1x4x1x128xi32, #tpu.memory_space<hbm>> -> memref<4x128xi32, #tpu.memory_space<hbm>>
    tpu.wait_dma2 semaphore(%arg19 : memref<!tpu.dma_semaphore, #tpu.memory_space<semaphore_mem>>) src(%dma_wait3A_1382 : memref<4x128xi32, #tpu.memory_space<hbm>>) dst(%arg9 : memref<512xi32, #tpu.memory_space<vmem>>)
    %dma_start3A_1383 = arith.constant 0 : i32
    %dma_start3A_1384 = arith.constant 0 : i32
    %dma_start3A_1385 = tpu.memref_slice %arg3[%dma_start3A_1383, %dma_start3A_1384] : memref<1000000x16xf32, #tpu.memory_space<hbm>> -> memref<1000000x16xf32, #tpu.memory_space<hbm>>
    tpu.enqueue_indirect_dma source(%dma_start3A_1385 : memref<1000000x16xf32, #tpu.memory_space<hbm>>) target(%arg11 : memref<512x16xf32, #tpu.memory_space<vmem>>) offsets(%arg9 : memref<512xi32, #tpu.memory_space<vmem>>) semaphore(%arg21 : memref<!tpu.dma_semaphore, #tpu.memory_space<semaphore_mem>>)
    %dma_start3A_1386 = arith.constant 0 : i32
    %dma_start3A_1387 = arith.constant 0 : i32
    %dma_start3A_1388 = tpu.memref_slice %arg4[%dma_start3A_1386, %dma_start3A_1387] : memref<1000000x16xf32, #tpu.memory_space<hbm>> -> memref<1000000x16xf32, #tpu.memory_space<hbm>>
    tpu.enqueue_indirect_dma source(%dma_start3A_1388 : memref<1000000x16xf32, #tpu.memory_space<hbm>>) target(%arg13 : memref<512x16xf32, #tpu.memory_space<vmem>>) offsets(%arg9 : memref<512xi32, #tpu.memory_space<vmem>>) semaphore(%arg23 : memref<!tpu.dma_semaphore, #tpu.memory_space<semaphore_mem>>)
    %add3A_1389 = arith.constant 0 : i32
    %add3A_1390 = arith.addi %mul3A_2, %add3A_1389 : i32
    %dma_start3A_1391 = arith.constant 0 : i32
    %dma_start3A_1392 = arith.constant 2 : i32
    %dma_start3A_1393 = arith.constant 0 : i32
    %dma_start3A_1394 = tpu.memref_slice %arg8[%dma_start3A_1393] : memref<512xi32, #tpu.memory_space<vmem>> -> memref<128xi32, #tpu.memory_space<vmem>>
    %dma_start3A_1395 = arith.constant 0 : i32
    %dma_start3A_1396 = tpu.memref_slice %arg2[%dma_start3A_1391, %add3A_1390, %dma_start3A_1392, %dma_start3A_1395] : memref<25x128x8x128xi32, #tpu.memory_space<hbm>> -> memref<1x1x1x128xi32, #tpu.memory_space<hbm>>
    %dma_start3A_1397 = tpu.memref_squeeze %dma_start3A_1396 : memref<1x1x1x128xi32, #tpu.memory_space<hbm>> -> memref<128xi32, #tpu.memory_space<hbm>>
    %dma_start3A_1398 = arith.constant 0 : i32
    %dma_start3A_1399 = tpu.memref_slice %arg8[%dma_start3A_1398] : memref<512xi32, #tpu.memory_space<vmem>> -> memref<128xi32, #tpu.memory_space<vmem>>
    %dma_start3A_1400 = arith.constant 0 : i32
    %dma_start3A_1401 = tpu.memref_slice %arg2[%dma_start3A_1391, %add3A_1390, %dma_start3A_1392, %dma_start3A_1400] : memref<25x128x8x128xi32, #tpu.memory_space<hbm>> -> memref<1x1x1x128xi32, #tpu.memory_space<hbm>>
    %dma_start3A_1402 = tpu.memref_squeeze %dma_start3A_1401 : memref<1x1x1x128xi32, #tpu.memory_space<hbm>> -> memref<128xi32, #tpu.memory_space<hbm>>
    tpu.enqueue_dma source(%dma_start3A_1402 : memref<128xi32, #tpu.memory_space<hbm>>) target(%dma_start3A_1399 : memref<128xi32, #tpu.memory_space<vmem>>) target_semaphore(%arg18 : memref<!tpu.dma_semaphore, #tpu.memory_space<semaphore_mem>>)
    %add3A_1403 = arith.constant 1 : i32
    %add3A_1404 = arith.addi %mul3A_2, %add3A_1403 : i32
    %dma_start3A_1405 = arith.constant 0 : i32
    %dma_start3A_1406 = arith.constant 2 : i32
    %dma_start3A_1407 = arith.constant 128 : i32
    %dma_start3A_1408 = tpu.memref_slice %arg8[%dma_start3A_1407] : memref<512xi32, #tpu.memory_space<vmem>> -> memref<128xi32, #tpu.memory_space<vmem>>
    %dma_start3A_1409 = arith.constant 0 : i32
    %dma_start3A_1410 = tpu.memref_slice %arg2[%dma_start3A_1405, %add3A_1404, %dma_start3A_1406, %dma_start3A_1409] : memref<25x128x8x128xi32, #tpu.memory_space<hbm>> -> memref<1x1x1x128xi32, #tpu.memory_space<hbm>>
    %dma_start3A_1411 = tpu.memref_squeeze %dma_start3A_1410 : memref<1x1x1x128xi32, #tpu.memory_space<hbm>> -> memref<128xi32, #tpu.memory_space<hbm>>
    %dma_start3A_1412 = arith.constant 128 : i32
    %dma_start3A_1413 = tpu.memref_slice %arg8[%dma_start3A_1412] : memref<512xi32, #tpu.memory_space<vmem>> -> memref<128xi32, #tpu.memory_space<vmem>>
    %dma_start3A_1414 = arith.constant 0 : i32
    %dma_start3A_1415 = tpu.memref_slice %arg2[%dma_start3A_1405, %add3A_1404, %dma_start3A_1406, %dma_start3A_1414] : memref<25x128x8x128xi32, #tpu.memory_space<hbm>> -> memref<1x1x1x128xi32, #tpu.memory_space<hbm>>
    %dma_start3A_1416 = tpu.memref_squeeze %dma_start3A_1415 : memref<1x1x1x128xi32, #tpu.memory_space<hbm>> -> memref<128xi32, #tpu.memory_space<hbm>>
    tpu.enqueue_dma source(%dma_start3A_1416 : memref<128xi32, #tpu.memory_space<hbm>>) target(%dma_start3A_1413 : memref<128xi32, #tpu.memory_space<vmem>>) target_semaphore(%arg18 : memref<!tpu.dma_semaphore, #tpu.memory_space<semaphore_mem>>)
    %add3A_1417 = arith.constant 2 : i32
    %add3A_1418 = arith.addi %mul3A_2, %add3A_1417 : i32
    %dma_start3A_1419 = arith.constant 0 : i32
    %dma_start3A_1420 = arith.constant 2 : i32
    %dma_start3A_1421 = arith.constant 256 : i32
    %dma_start3A_1422 = tpu.memref_slice %arg8[%dma_start3A_1421] : memref<512xi32, #tpu.memory_space<vmem>> -> memref<128xi32, #tpu.memory_space<vmem>>
    %dma_start3A_1423 = arith.constant 0 : i32
    %dma_start3A_1424 = tpu.memref_slice %arg2[%dma_start3A_1419, %add3A_1418, %dma_start3A_1420, %dma_start3A_1423] : memref<25x128x8x128xi32, #tpu.memory_space<hbm>> -> memref<1x1x1x128xi32, #tpu.memory_space<hbm>>
    %dma_start3A_1425 = tpu.memref_squeeze %dma_start3A_1424 : memref<1x1x1x128xi32, #tpu.memory_space<hbm>> -> memref<128xi32, #tpu.memory_space<hbm>>
    %dma_start3A_1426 = arith.constant 256 : i32
    %dma_start3A_1427 = tpu.memref_slice %arg8[%dma_start3A_1426] : memref<512xi32, #tpu.memory_space<vmem>> -> memref<128xi32, #tpu.memory_space<vmem>>
    %dma_start3A_1428 = arith.constant 0 : i32
    %dma_start3A_1429 = tpu.memref_slice %arg2[%dma_start3A_1419, %add3A_1418, %dma_start3A_1420, %dma_start3A_1428] : memref<25x128x8x128xi32, #tpu.memory_space<hbm>> -> memref<1x1x1x128xi32, #tpu.memory_space<hbm>>
    %dma_start3A_1430 = tpu.memref_squeeze %dma_start3A_1429 : memref<1x1x1x128xi32, #tpu.memory_space<hbm>> -> memref<128xi32, #tpu.memory_space<hbm>>
    tpu.enqueue_dma source(%dma_start3A_1430 : memref<128xi32, #tpu.memory_space<hbm>>) target(%dma_start3A_1427 : memref<128xi32, #tpu.memory_space<vmem>>) target_semaphore(%arg18 : memref<!tpu.dma_semaphore, #tpu.memory_space<semaphore_mem>>)
    %add3A_1431 = arith.constant 3 : i32
    %add3A_1432 = arith.addi %mul3A_2, %add3A_1431 : i32
    %dma_start3A_1433 = arith.constant 0 : i32
    %dma_start3A_1434 = arith.constant 2 : i32
    %dma_start3A_1435 = arith.constant 384 : i32
    %dma_start3A_1436 = tpu.memref_slice %arg8[%dma_start3A_1435] : memref<512xi32, #tpu.memory_space<vmem>> -> memref<128xi32, #tpu.memory_space<vmem>>
    %dma_start3A_1437 = arith.constant 0 : i32
    %dma_start3A_1438 = tpu.memref_slice %arg2[%dma_start3A_1433, %add3A_1432, %dma_start3A_1434, %dma_start3A_1437] : memref<25x128x8x128xi32, #tpu.memory_space<hbm>> -> memref<1x1x1x128xi32, #tpu.memory_space<hbm>>
    %dma_start3A_1439 = tpu.memref_squeeze %dma_start3A_1438 : memref<1x1x1x128xi32, #tpu.memory_space<hbm>> -> memref<128xi32, #tpu.memory_space<hbm>>
    %dma_start3A_1440 = arith.constant 384 : i32
    %dma_start3A_1441 = tpu.memref_slice %arg8[%dma_start3A_1440] : memref<512xi32, #tpu.memory_space<vmem>> -> memref<128xi32, #tpu.memory_space<vmem>>
    %dma_start3A_1442 = arith.constant 0 : i32
    %dma_start3A_1443 = tpu.memref_slice %arg2[%dma_start3A_1433, %add3A_1432, %dma_start3A_1434, %dma_start3A_1442] : memref<25x128x8x128xi32, #tpu.memory_space<hbm>> -> memref<1x1x1x128xi32, #tpu.memory_space<hbm>>
    %dma_start3A_1444 = tpu.memref_squeeze %dma_start3A_1443 : memref<1x1x1x128xi32, #tpu.memory_space<hbm>> -> memref<128xi32, #tpu.memory_space<hbm>>
    tpu.enqueue_dma source(%dma_start3A_1444 : memref<128xi32, #tpu.memory_space<hbm>>) target(%dma_start3A_1441 : memref<128xi32, #tpu.memory_space<vmem>>) target_semaphore(%arg18 : memref<!tpu.dma_semaphore, #tpu.memory_space<semaphore_mem>>)
    %scan3A = arith.constant 0 : i32
    %scan3A_1445 = arith.constant 0 : i32
    %scan3A_1446 = arith.constant 32 : i32
    %scan3A_1447 = arith.addi %scan3A_1445, %scan3A_1446 : i32
    %scan3A_1448 = arith.constant 1 : i32
    %scan3A_1449 = scf.for %scan3A_1849 = %scan3A_1445 to %scan3A_1447 step %scan3A_1448 iter_args(%scan3A_1850 = %scan3A) -> (i32)  : i32 {
      %mul3A_1851 = arith.constant 16 : i32
      %mul3A_1852 = arith.muli %scan3A_1849, %mul3A_1851 : i32
      %add3A_1853 = vector.broadcast %mul3A_1852 : i32 to vector<16xi32>
      %add3A_1854 = arith.addi %iota3A, %add3A_1853 : vector<16xi32>
      %jit3A_1855 = arith.constant 8 : i32
      %eq3A_1856 = arith.constant 0 : i32
      %eq3A_1857 = arith.cmpi eq, %jit3A_1855, %eq3A_1856 : i32
      %jit3A_1858 = arith.constant 1 : i32
      %select_n3A_1859 = arith.select %eq3A_1857, %jit3A_1858, %jit3A_1855 : i32
      %rem3A_1860 = arith.remsi %scan3A_1849, %select_n3A_1859 : i32
      %ne3A_1861 = arith.constant 0 : i32
      %ne3A_1862 = arith.cmpi ne, %rem3A_1860, %ne3A_1861 : i32
      %lt3A_1863 = arith.constant 0 : i32
      %lt3A_1864 = arith.cmpi slt, %rem3A_1860, %lt3A_1863 : i32
      %lt3A_1865 = arith.constant 0 : i32
      %lt3A_1866 = arith.cmpi slt, %select_n3A_1859, %lt3A_1865 : i32
      %ne3A_1867 = arith.xori %lt3A_1864, %lt3A_1866 : i1
      %and3A_1868 = arith.andi %ne3A_1867, %ne3A_1862 : i1
      %add3A_1869 = arith.addi %rem3A_1860, %select_n3A_1859 : i32
      %select_n3A_1870 = arith.select %and3A_1868, %add3A_1869, %rem3A_1860 : i32
      %mul3A_1871 = arith.constant 16 : i32
      %mul3A_1872 = arith.muli %select_n3A_1870, %mul3A_1871 : i32
      %add3A_1873 = vector.broadcast %mul3A_1872 : i32 to vector<16xi32>
      %add3A_1874 = arith.addi %iota3A, %add3A_1873 : vector<16xi32>
      %jit3A_1875 = arith.constant 8 : i32
      %div3A_1876 = arith.divsi %scan3A_1849, %jit3A_1875 : i32
      %sign3A_1877 = arith.constant 0 : i32
      %sign3A_1878 = arith.cmpi sgt, %scan3A_1849, %sign3A_1877 : i32
      %sign3A_1879 = arith.extui %sign3A_1878 : i1 to i32
      %sign3A_1880 = arith.constant 0 : i32
      %sign3A_1881 = arith.cmpi slt, %scan3A_1849, %sign3A_1880 : i32
      %sign3A_1882 = arith.extui %sign3A_1881 : i1 to i32
      %sign3A_1883 = arith.subi %sign3A_1879, %sign3A_1882 : i32
      %sign3A_1884 = arith.constant 0 : i32
      %sign3A_1885 = arith.cmpi sgt, %jit3A_1875, %sign3A_1884 : i32
      %sign3A_1886 = arith.extui %sign3A_1885 : i1 to i32
      %sign3A_1887 = arith.constant 0 : i32
      %sign3A_1888 = arith.cmpi slt, %jit3A_1875, %sign3A_1887 : i32
      %sign3A_1889 = arith.extui %sign3A_1888 : i1 to i32
      %sign3A_1890 = arith.subi %sign3A_1886, %sign3A_1889 : i32
      %ne3A_1891 = arith.cmpi ne, %sign3A_1883, %sign3A_1890 : i32
      %rem3A_1892 = arith.remsi %scan3A_1849, %jit3A_1875 : i32
      %ne3A_1893 = arith.constant 0 : i32
      %ne3A_1894 = arith.cmpi ne, %rem3A_1892, %ne3A_1893 : i32
      %and3A_1895 = arith.andi %ne3A_1891, %ne3A_1894 : i1
      %sub3A_1896 = arith.constant 1 : i32
      %sub3A_1897 = arith.subi %div3A_1876, %sub3A_1896 : i32
      %select_n3A_1898 = arith.select %and3A_1895, %sub3A_1897, %div3A_1876 : i32
      %broadcast_in_dim3A = vector.broadcast %select_n3A_1898 : i32 to vector<16xi32>
      %gather3A = tpu.vector_load_idx %arg10[%add3A_1854, %select_n3A_20] : memref<512x16xf32, #tpu.memory_space<vmem>>[vector<16xi32>, vector<16xi32>], vector<16xf32>,
      tpu.vector_store_idx %arg14[%select_n3A_423, %broadcast_in_dim3A, %select_n3A_910, %add3A_1874], %gather3A : memref<2x4x8x128xf32, #tpu.memory_space<vmem>>[vector<16xi32>, vector<16xi32>, vector<16xi32>, vector<16xi32>], vector<16xf32>,
      %gather3A_1899 = tpu.vector_load_idx %arg10[%add3A_1854, %select_n3A_45] : memref<512x16xf32, #tpu.memory_space<vmem>>[vector<16xi32>, vector<16xi32>], vector<16xf32>,
      tpu.vector_store_idx %arg14[%select_n3A_454, %broadcast_in_dim3A, %select_n3A_932, %add3A_1874], %gather3A_1899 : memref<2x4x8x128xf32, #tpu.memory_space<vmem>>[vector<16xi32>, vector<16xi32>, vector<16xi32>, vector<16xi32>], vector<16xf32>,
      %gather3A_1900 = tpu.vector_load_idx %arg10[%add3A_1854, %select_n3A_70] : memref<512x16xf32, #tpu.memory_space<vmem>>[vector<16xi32>, vector<16xi32>], vector<16xf32>,
      tpu.vector_store_idx %arg14[%select_n3A_485, %broadcast_in_dim3A, %select_n3A_954, %add3A_1874], %gather3A_1900 : memref<2x4x8x128xf32, #tpu.memory_space<vmem>>[vector<16xi32>, vector<16xi32>, vector<16xi32>, vector<16xi32>], vector<16xf32>,
      %gather3A_1901 = tpu.vector_load_idx %arg10[%add3A_1854, %select_n3A_95] : memref<512x16xf32, #tpu.memory_space<vmem>>[vector<16xi32>, vector<16xi32>], vector<16xf32>,
      tpu.vector_store_idx %arg14[%select_n3A_516, %broadcast_in_dim3A, %select_n3A_976, %add3A_1874], %gather3A_1901 : memref<2x4x8x128xf32, #tpu.memory_space<vmem>>[vector<16xi32>, vector<16xi32>, vector<16xi32>, vector<16xi32>], vector<16xf32>,
      %gather3A_1902 = tpu.vector_load_idx %arg10[%add3A_1854, %select_n3A_120] : memref<512x16xf32, #tpu.memory_space<vmem>>[vector<16xi32>, vector<16xi32>], vector<16xf32>,
      tpu.vector_store_idx %arg14[%select_n3A_547, %broadcast_in_dim3A, %select_n3A_998, %add3A_1874], %gather3A_1902 : memref<2x4x8x128xf32, #tpu.memory_space<vmem>>[vector<16xi32>, vector<16xi32>, vector<16xi32>, vector<16xi32>], vector<16xf32>,
      %gather3A_1903 = tpu.vector_load_idx %arg10[%add3A_1854, %select_n3A_145] : memref<512x16xf32, #tpu.memory_space<vmem>>[vector<16xi32>, vector<16xi32>], vector<16xf32>,
      tpu.vector_store_idx %arg14[%select_n3A_578, %broadcast_in_dim3A, %select_n3A_1020, %add3A_1874], %gather3A_1903 : memref<2x4x8x128xf32, #tpu.memory_space<vmem>>[vector<16xi32>, vector<16xi32>, vector<16xi32>, vector<16xi32>], vector<16xf32>,
      %gather3A_1904 = tpu.vector_load_idx %arg10[%add3A_1854, %select_n3A_170] : memref<512x16xf32, #tpu.memory_space<vmem>>[vector<16xi32>, vector<16xi32>], vector<16xf32>,
      tpu.vector_store_idx %arg14[%select_n3A_609, %broadcast_in_dim3A, %select_n3A_1042, %add3A_1874], %gather3A_1904 : memref<2x4x8x128xf32, #tpu.memory_space<vmem>>[vector<16xi32>, vector<16xi32>, vector<16xi32>, vector<16xi32>], vector<16xf32>,
      %gather3A_1905 = tpu.vector_load_idx %arg10[%add3A_1854, %select_n3A_195] : memref<512x16xf32, #tpu.memory_space<vmem>>[vector<16xi32>, vector<16xi32>], vector<16xf32>,
      tpu.vector_store_idx %arg14[%select_n3A_640, %broadcast_in_dim3A, %select_n3A_1064, %add3A_1874], %gather3A_1905 : memref<2x4x8x128xf32, #tpu.memory_space<vmem>>[vector<16xi32>, vector<16xi32>, vector<16xi32>, vector<16xi32>], vector<16xf32>,
      %gather3A_1906 = tpu.vector_load_idx %arg10[%add3A_1854, %select_n3A_220] : memref<512x16xf32, #tpu.memory_space<vmem>>[vector<16xi32>, vector<16xi32>], vector<16xf32>,
      tpu.vector_store_idx %arg14[%select_n3A_671, %broadcast_in_dim3A, %select_n3A_1086, %add3A_1874], %gather3A_1906 : memref<2x4x8x128xf32, #tpu.memory_space<vmem>>[vector<16xi32>, vector<16xi32>, vector<16xi32>, vector<16xi32>], vector<16xf32>,
      %gather3A_1907 = tpu.vector_load_idx %arg10[%add3A_1854, %select_n3A_245] : memref<512x16xf32, #tpu.memory_space<vmem>>[vector<16xi32>, vector<16xi32>], vector<16xf32>,
      tpu.vector_store_idx %arg14[%select_n3A_702, %broadcast_in_dim3A, %select_n3A_1108, %add3A_1874], %gather3A_1907 : memref<2x4x8x128xf32, #tpu.memory_space<vmem>>[vector<16xi32>, vector<16xi32>, vector<16xi32>, vector<16xi32>], vector<16xf32>,
      %gather3A_1908 = tpu.vector_load_idx %arg10[%add3A_1854, %select_n3A_270] : memref<512x16xf32, #tpu.memory_space<vmem>>[vector<16xi32>, vector<16xi32>], vector<16xf32>,
      tpu.vector_store_idx %arg14[%select_n3A_733, %broadcast_in_dim3A, %select_n3A_1130, %add3A_1874], %gather3A_1908 : memref<2x4x8x128xf32, #tpu.memory_space<vmem>>[vector<16xi32>, vector<16xi32>, vector<16xi32>, vector<16xi32>], vector<16xf32>,
      %gather3A_1909 = tpu.vector_load_idx %arg10[%add3A_1854, %select_n3A_295] : memref<512x16xf32, #tpu.memory_space<vmem>>[vector<16xi32>, vector<16xi32>], vector<16xf32>,
      tpu.vector_store_idx %arg14[%select_n3A_764, %broadcast_in_dim3A, %select_n3A_1152, %add3A_1874], %gather3A_1909 : memref<2x4x8x128xf32, #tpu.memory_space<vmem>>[vector<16xi32>, vector<16xi32>, vector<16xi32>, vector<16xi32>], vector<16xf32>,
      %gather3A_1910 = tpu.vector_load_idx %arg10[%add3A_1854, %select_n3A_320] : memref<512x16xf32, #tpu.memory_space<vmem>>[vector<16xi32>, vector<16xi32>], vector<16xf32>,
      tpu.vector_store_idx %arg14[%select_n3A_795, %broadcast_in_dim3A, %select_n3A_1174, %add3A_1874], %gather3A_1910 : memref<2x4x8x128xf32, #tpu.memory_space<vmem>>[vector<16xi32>, vector<16xi32>, vector<16xi32>, vector<16xi32>], vector<16xf32>,
      %gather3A_1911 = tpu.vector_load_idx %arg10[%add3A_1854, %select_n3A_345] : memref<512x16xf32, #tpu.memory_space<vmem>>[vector<16xi32>, vector<16xi32>], vector<16xf32>,
      tpu.vector_store_idx %arg14[%select_n3A_826, %broadcast_in_dim3A, %select_n3A_1196, %add3A_1874], %gather3A_1911 : memref<2x4x8x128xf32, #tpu.memory_space<vmem>>[vector<16xi32>, vector<16xi32>, vector<16xi32>, vector<16xi32>], vector<16xf32>,
      %gather3A_1912 = tpu.vector_load_idx %arg10[%add3A_1854, %select_n3A_370] : memref<512x16xf32, #tpu.memory_space<vmem>>[vector<16xi32>, vector<16xi32>], vector<16xf32>,
      tpu.vector_store_idx %arg14[%select_n3A_857, %broadcast_in_dim3A, %select_n3A_1218, %add3A_1874], %gather3A_1912 : memref<2x4x8x128xf32, #tpu.memory_space<vmem>>[vector<16xi32>, vector<16xi32>, vector<16xi32>, vector<16xi32>], vector<16xf32>,
      %gather3A_1913 = tpu.vector_load_idx %arg10[%add3A_1854, %select_n3A_395] : memref<512x16xf32, #tpu.memory_space<vmem>>[vector<16xi32>, vector<16xi32>], vector<16xf32>,
      tpu.vector_store_idx %arg14[%select_n3A_888, %broadcast_in_dim3A, %select_n3A_1240, %add3A_1874], %gather3A_1913 : memref<2x4x8x128xf32, #tpu.memory_space<vmem>>[vector<16xi32>, vector<16xi32>, vector<16xi32>, vector<16xi32>], vector<16xf32>,
      %gather3A_1914 = tpu.vector_load_idx %arg12[%add3A_1854, %select_n3A_20] : memref<512x16xf32, #tpu.memory_space<vmem>>[vector<16xi32>, vector<16xi32>], vector<16xf32>,
      tpu.vector_store_idx %arg16[%select_n3A_423, %broadcast_in_dim3A, %select_n3A_910, %add3A_1874], %gather3A_1914 : memref<2x4x8x128xf32, #tpu.memory_space<vmem>>[vector<16xi32>, vector<16xi32>, vector<16xi32>, vector<16xi32>], vector<16xf32>,
      %gather3A_1915 = tpu.vector_load_idx %arg12[%add3A_1854, %select_n3A_45] : memref<512x16xf32, #tpu.memory_space<vmem>>[vector<16xi32>, vector<16xi32>], vector<16xf32>,
      tpu.vector_store_idx %arg16[%select_n3A_454, %broadcast_in_dim3A, %select_n3A_932, %add3A_1874], %gather3A_1915 : memref<2x4x8x128xf32, #tpu.memory_space<vmem>>[vector<16xi32>, vector<16xi32>, vector<16xi32>, vector<16xi32>], vector<16xf32>,
      %gather3A_1916 = tpu.vector_load_idx %arg12[%add3A_1854, %select_n3A_70] : memref<512x16xf32, #tpu.memory_space<vmem>>[vector<16xi32>, vector<16xi32>], vector<16xf32>,
      tpu.vector_store_idx %arg16[%select_n3A_485, %broadcast_in_dim3A, %select_n3A_954, %add3A_1874], %gather3A_1916 : memref<2x4x8x128xf32, #tpu.memory_space<vmem>>[vector<16xi32>, vector<16xi32>, vector<16xi32>, vector<16xi32>], vector<16xf32>,
      %gather3A_1917 = tpu.vector_load_idx %arg12[%add3A_1854, %select_n3A_95] : memref<512x16xf32, #tpu.memory_space<vmem>>[vector<16xi32>, vector<16xi32>], vector<16xf32>,
      tpu.vector_store_idx %arg16[%select_n3A_516, %broadcast_in_dim3A, %select_n3A_976, %add3A_1874], %gather3A_1917 : memref<2x4x8x128xf32, #tpu.memory_space<vmem>>[vector<16xi32>, vector<16xi32>, vector<16xi32>, vector<16xi32>], vector<16xf32>,
      %gather3A_1918 = tpu.vector_load_idx %arg12[%add3A_1854, %select_n3A_120] : memref<512x16xf32, #tpu.memory_space<vmem>>[vector<16xi32>, vector<16xi32>], vector<16xf32>,
      tpu.vector_store_idx %arg16[%select_n3A_547, %broadcast_in_dim3A, %select_n3A_998, %add3A_1874], %gather3A_1918 : memref<2x4x8x128xf32, #tpu.memory_space<vmem>>[vector<16xi32>, vector<16xi32>, vector<16xi32>, vector<16xi32>], vector<16xf32>,
      %gather3A_1919 = tpu.vector_load_idx %arg12[%add3A_1854, %select_n3A_145] : memref<512x16xf32, #tpu.memory_space<vmem>>[vector<16xi32>, vector<16xi32>], vector<16xf32>,
      tpu.vector_store_idx %arg16[%select_n3A_578, %broadcast_in_dim3A, %select_n3A_1020, %add3A_1874], %gather3A_1919 : memref<2x4x8x128xf32, #tpu.memory_space<vmem>>[vector<16xi32>, vector<16xi32>, vector<16xi32>, vector<16xi32>], vector<16xf32>,
      %gather3A_1920 = tpu.vector_load_idx %arg12[%add3A_1854, %select_n3A_170] : memref<512x16xf32, #tpu.memory_space<vmem>>[vector<16xi32>, vector<16xi32>], vector<16xf32>,
      tpu.vector_store_idx %arg16[%select_n3A_609, %broadcast_in_dim3A, %select_n3A_1042, %add3A_1874], %gather3A_1920 : memref<2x4x8x128xf32, #tpu.memory_space<vmem>>[vector<16xi32>, vector<16xi32>, vector<16xi32>, vector<16xi32>], vector<16xf32>,
      %gather3A_1921 = tpu.vector_load_idx %arg12[%add3A_1854, %select_n3A_195] : memref<512x16xf32, #tpu.memory_space<vmem>>[vector<16xi32>, vector<16xi32>], vector<16xf32>,
      tpu.vector_store_idx %arg16[%select_n3A_640, %broadcast_in_dim3A, %select_n3A_1064, %add3A_1874], %gather3A_1921 : memref<2x4x8x128xf32, #tpu.memory_space<vmem>>[vector<16xi32>, vector<16xi32>, vector<16xi32>, vector<16xi32>], vector<16xf32>,
      %gather3A_1922 = tpu.vector_load_idx %arg12[%add3A_1854, %select_n3A_220] : memref<512x16xf32, #tpu.memory_space<vmem>>[vector<16xi32>, vector<16xi32>], vector<16xf32>,
      tpu.vector_store_idx %arg16[%select_n3A_671, %broadcast_in_dim3A, %select_n3A_1086, %add3A_1874], %gather3A_1922 : memref<2x4x8x128xf32, #tpu.memory_space<vmem>>[vector<16xi32>, vector<16xi32>, vector<16xi32>, vector<16xi32>], vector<16xf32>,
      %gather3A_1923 = tpu.vector_load_idx %arg12[%add3A_1854, %select_n3A_245] : memref<512x16xf32, #tpu.memory_space<vmem>>[vector<16xi32>, vector<16xi32>], vector<16xf32>,
      tpu.vector_store_idx %arg16[%select_n3A_702, %broadcast_in_dim3A, %select_n3A_1108, %add3A_1874], %gather3A_1923 : memref<2x4x8x128xf32, #tpu.memory_space<vmem>>[vector<16xi32>, vector<16xi32>, vector<16xi32>, vector<16xi32>], vector<16xf32>,
      %gather3A_1924 = tpu.vector_load_idx %arg12[%add3A_1854, %select_n3A_270] : memref<512x16xf32, #tpu.memory_space<vmem>>[vector<16xi32>, vector<16xi32>], vector<16xf32>,
      tpu.vector_store_idx %arg16[%select_n3A_733, %broadcast_in_dim3A, %select_n3A_1130, %add3A_1874], %gather3A_1924 : memref<2x4x8x128xf32, #tpu.memory_space<vmem>>[vector<16xi32>, vector<16xi32>, vector<16xi32>, vector<16xi32>], vector<16xf32>,
      %gather3A_1925 = tpu.vector_load_idx %arg12[%add3A_1854, %select_n3A_295] : memref<512x16xf32, #tpu.memory_space<vmem>>[vector<16xi32>, vector<16xi32>], vector<16xf32>,
      tpu.vector_store_idx %arg16[%select_n3A_764, %broadcast_in_dim3A, %select_n3A_1152, %add3A_1874], %gather3A_1925 : memref<2x4x8x128xf32, #tpu.memory_space<vmem>>[vector<16xi32>, vector<16xi32>, vector<16xi32>, vector<16xi32>], vector<16xf32>,
      %gather3A_1926 = tpu.vector_load_idx %arg12[%add3A_1854, %select_n3A_320] : memref<512x16xf32, #tpu.memory_space<vmem>>[vector<16xi32>, vector<16xi32>], vector<16xf32>,
      tpu.vector_store_idx %arg16[%select_n3A_795, %broadcast_in_dim3A, %select_n3A_1174, %add3A_1874], %gather3A_1926 : memref<2x4x8x128xf32, #tpu.memory_space<vmem>>[vector<16xi32>, vector<16xi32>, vector<16xi32>, vector<16xi32>], vector<16xf32>,
      %gather3A_1927 = tpu.vector_load_idx %arg12[%add3A_1854, %select_n3A_345] : memref<512x16xf32, #tpu.memory_space<vmem>>[vector<16xi32>, vector<16xi32>], vector<16xf32>,
      tpu.vector_store_idx %arg16[%select_n3A_826, %broadcast_in_dim3A, %select_n3A_1196, %add3A_1874], %gather3A_1927 : memref<2x4x8x128xf32, #tpu.memory_space<vmem>>[vector<16xi32>, vector<16xi32>, vector<16xi32>, vector<16xi32>], vector<16xf32>,
      %gather3A_1928 = tpu.vector_load_idx %arg12[%add3A_1854, %select_n3A_370] : memref<512x16xf32, #tpu.memory_space<vmem>>[vector<16xi32>, vector<16xi32>], vector<16xf32>,
      tpu.vector_store_idx %arg16[%select_n3A_857, %broadcast_in_dim3A, %select_n3A_1218, %add3A_1874], %gather3A_1928 : memref<2x4x8x128xf32, #tpu.memory_space<vmem>>[vector<16xi32>, vector<16xi32>, vector<16xi32>, vector<16xi32>], vector<16xf32>,
      %gather3A_1929 = tpu.vector_load_idx %arg12[%add3A_1854, %select_n3A_395] : memref<512x16xf32, #tpu.memory_space<vmem>>[vector<16xi32>, vector<16xi32>], vector<16xf32>,
      tpu.vector_store_idx %arg16[%select_n3A_888, %broadcast_in_dim3A, %select_n3A_1240, %add3A_1874], %gather3A_1929 : memref<2x4x8x128xf32, #tpu.memory_space<vmem>>[vector<16xi32>, vector<16xi32>, vector<16xi32>, vector<16xi32>], vector<16xf32>,
      %scan3A_1930 = arith.constant 0 : i32
      scf.yield %scan3A_1930 : i32
    }
    %scan3A_1450 = arith.constant 32 : i32
    %dma_start3A_1451 = arith.constant 0 : i32
    %dma_start3A_1452 = arith.constant 0 : i32
    %dma_start3A_1453 = arith.constant 0 : i32
    %dma_start3A_1454 = arith.constant 0 : i32
    %dma_start3A_1455 = tpu.memref_slice %arg5[%dma_start3A_1451, %dma_start3A_1452, %mul3A_2, %dma_start3A_1453, %dma_start3A_1454] : memref<200x2x128x8x128xf32, #tpu.memory_space<hbm>> -> memref<1x2x4x8x128xf32, #tpu.memory_space<hbm>>
    %dma_start3A_1456 = tpu.memref_squeeze %dma_start3A_1455 : memref<1x2x4x8x128xf32, #tpu.memory_space<hbm>> -> memref<2x4x8x128xf32, #tpu.memory_space<hbm>>
    %dma_start3A_1457 = arith.constant 0 : i32
    %dma_start3A_1458 = arith.constant 0 : i32
    %dma_start3A_1459 = arith.constant 0 : i32
    %dma_start3A_1460 = tpu.memref_slice %arg5[%dma_start3A_1451, %dma_start3A_1457, %mul3A_2, %dma_start3A_1458, %dma_start3A_1459] : memref<200x2x128x8x128xf32, #tpu.memory_space<hbm>> -> memref<1x2x4x8x128xf32, #tpu.memory_space<hbm>>
    %dma_start3A_1461 = tpu.memref_squeeze %dma_start3A_1460 : memref<1x2x4x8x128xf32, #tpu.memory_space<hbm>> -> memref<2x4x8x128xf32, #tpu.memory_space<hbm>>
    tpu.enqueue_dma source(%arg14 : memref<2x4x8x128xf32, #tpu.memory_space<vmem>>) target(%dma_start3A_1461 : memref<2x4x8x128xf32, #tpu.memory_space<hbm>>) target_semaphore(%arg24 : memref<!tpu.dma_semaphore, #tpu.memory_space<semaphore_mem>>)
    %dma_start3A_1462 = arith.constant 0 : i32
    %dma_start3A_1463 = arith.constant 0 : i32
    %dma_start3A_1464 = arith.constant 0 : i32
    %dma_start3A_1465 = arith.constant 0 : i32
    %dma_start3A_1466 = tpu.memref_slice %arg6[%dma_start3A_1462, %dma_start3A_1463, %mul3A_2, %dma_start3A_1464, %dma_start3A_1465] : memref<200x2x128x8x128xf32, #tpu.memory_space<hbm>> -> memref<1x2x4x8x128xf32, #tpu.memory_space<hbm>>
    %dma_start3A_1467 = tpu.memref_squeeze %dma_start3A_1466 : memref<1x2x4x8x128xf32, #tpu.memory_space<hbm>> -> memref<2x4x8x128xf32, #tpu.memory_space<hbm>>
    %dma_start3A_1468 = arith.constant 0 : i32
    %dma_start3A_1469 = arith.constant 0 : i32
    %dma_start3A_1470 = arith.constant 0 : i32
    %dma_start3A_1471 = tpu.memref_slice %arg6[%dma_start3A_1462, %dma_start3A_1468, %mul3A_2, %dma_start3A_1469, %dma_start3A_1470] : memref<200x2x128x8x128xf32, #tpu.memory_space<hbm>> -> memref<1x2x4x8x128xf32, #tpu.memory_space<hbm>>
    %dma_start3A_1472 = tpu.memref_squeeze %dma_start3A_1471 : memref<1x2x4x8x128xf32, #tpu.memory_space<hbm>> -> memref<2x4x8x128xf32, #tpu.memory_space<hbm>>
    tpu.enqueue_dma source(%arg14 : memref<2x4x8x128xf32, #tpu.memory_space<vmem>>) target(%dma_start3A_1472 : memref<2x4x8x128xf32, #tpu.memory_space<hbm>>) target_semaphore(%arg26 : memref<!tpu.dma_semaphore, #tpu.memory_space<semaphore_mem>>)
    %dma_start3A_1473 = arith.constant 0 : i32
    %dma_start3A_1474 = arith.constant 0 : i32
    %dma_start3A_1475 = arith.constant 0 : i32
    %dma_start3A_1476 = arith.constant 0 : i32
    %dma_start3A_1477 = tpu.memref_slice %arg7[%dma_start3A_1473, %dma_start3A_1474, %mul3A_2, %dma_start3A_1475, %dma_start3A_1476] : memref<200x2x128x8x128xf32, #tpu.memory_space<hbm>> -> memref<1x2x4x8x128xf32, #tpu.memory_space<hbm>>
    %dma_start3A_1478 = tpu.memref_squeeze %dma_start3A_1477 : memref<1x2x4x8x128xf32, #tpu.memory_space<hbm>> -> memref<2x4x8x128xf32, #tpu.memory_space<hbm>>
    %dma_start3A_1479 = arith.constant 0 : i32
    %dma_start3A_1480 = arith.constant 0 : i32
    %dma_start3A_1481 = arith.constant 0 : i32
    %dma_start3A_1482 = tpu.memref_slice %arg7[%dma_start3A_1473, %dma_start3A_1479, %mul3A_2, %dma_start3A_1480, %dma_start3A_1481] : memref<200x2x128x8x128xf32, #tpu.memory_space<hbm>> -> memref<1x2x4x8x128xf32, #tpu.memory_space<hbm>>
    %dma_start3A_1483 = tpu.memref_squeeze %dma_start3A_1482 : memref<1x2x4x8x128xf32, #tpu.memory_space<hbm>> -> memref<2x4x8x128xf32, #tpu.memory_space<hbm>>
    tpu.enqueue_dma source(%arg16 : memref<2x4x8x128xf32, #tpu.memory_space<vmem>>) target(%dma_start3A_1483 : memref<2x4x8x128xf32, #tpu.memory_space<hbm>>) target_semaphore(%arg28 : memref<!tpu.dma_semaphore, #tpu.memory_space<semaphore_mem>>)
    %dma_wait3A_1484 = arith.constant 0 : i32
    %dma_wait3A_1485 = arith.constant 0 : i32
    %dma_wait3A_1486 = tpu.memref_slice %arg3[%dma_wait3A_1484, %dma_wait3A_1485] : memref<1000000x16xf32, #tpu.memory_space<hbm>> -> memref<1000000x16xf32, #tpu.memory_space<hbm>>
    tpu.wait_indirect_dma semaphore(%arg21 : memref<!tpu.dma_semaphore, #tpu.memory_space<semaphore_mem>>) src(%dma_wait3A_1486 : memref<1000000x16xf32, #tpu.memory_space<hbm>>) dst(%arg11 : memref<512x16xf32, #tpu.memory_space<vmem>>)
    %dma_wait3A_1487 = arith.constant 0 : i32
    %dma_wait3A_1488 = arith.constant 0 : i32
    %dma_wait3A_1489 = tpu.memref_slice %arg4[%dma_wait3A_1487, %dma_wait3A_1488] : memref<1000000x16xf32, #tpu.memory_space<hbm>> -> memref<1000000x16xf32, #tpu.memory_space<hbm>>
    tpu.wait_indirect_dma semaphore(%arg23 : memref<!tpu.dma_semaphore, #tpu.memory_space<semaphore_mem>>) src(%dma_wait3A_1489 : memref<1000000x16xf32, #tpu.memory_space<hbm>>) dst(%arg13 : memref<512x16xf32, #tpu.memory_space<vmem>>)
    %dma_wait3A_1490 = arith.constant 0 : i32
    %dma_wait3A_1491 = arith.constant 0 : i32
    %dma_wait3A_1492 = arith.constant 0 : i32
    %dma_wait3A_1493 = arith.constant 0 : i32
    %dma_wait3A_1494 = tpu.memref_slice %arg2[%dma_wait3A_1490, %dma_wait3A_1492, %dma_wait3A_1491, %dma_wait3A_1493] : memref<25x128x8x128xi32, #tpu.memory_space<hbm>> -> memref<1x4x1x128xi32, #tpu.memory_space<hbm>>
    %dma_wait3A_1495 = tpu.memref_squeeze %dma_wait3A_1494 : memref<1x4x1x128xi32, #tpu.memory_space<hbm>> -> memref<4x128xi32, #tpu.memory_space<hbm>>
    %dma_wait3A_1496 = arith.constant 0 : i32
    %dma_wait3A_1497 = arith.constant 0 : i32
    %dma_wait3A_1498 = tpu.memref_slice %arg2[%dma_wait3A_1490, %dma_wait3A_1496, %dma_wait3A_1491, %dma_wait3A_1497] : memref<25x128x8x128xi32, #tpu.memory_space<hbm>> -> memref<1x4x1x128xi32, #tpu.memory_space<hbm>>
    %dma_wait3A_1499 = tpu.memref_squeeze %dma_wait3A_1498 : memref<1x4x1x128xi32, #tpu.memory_space<hbm>> -> memref<4x128xi32, #tpu.memory_space<hbm>>
    tpu.wait_dma2 semaphore(%arg18 : memref<!tpu.dma_semaphore, #tpu.memory_space<semaphore_mem>>) src(%dma_wait3A_1499 : memref<4x128xi32, #tpu.memory_space<hbm>>) dst(%arg8 : memref<512xi32, #tpu.memory_space<vmem>>)
    %dma_start3A_1500 = arith.constant 0 : i32
    %dma_start3A_1501 = arith.constant 0 : i32
    %dma_start3A_1502 = tpu.memref_slice %arg3[%dma_start3A_1500, %dma_start3A_1501] : memref<1000000x16xf32, #tpu.memory_space<hbm>> -> memref<1000000x16xf32, #tpu.memory_space<hbm>>
    tpu.enqueue_indirect_dma source(%dma_start3A_1502 : memref<1000000x16xf32, #tpu.memory_space<hbm>>) target(%arg10 : memref<512x16xf32, #tpu.memory_space<vmem>>) offsets(%arg8 : memref<512xi32, #tpu.memory_space<vmem>>) semaphore(%arg20 : memref<!tpu.dma_semaphore, #tpu.memory_space<semaphore_mem>>)
    %dma_start3A_1503 = arith.constant 0 : i32
    %dma_start3A_1504 = arith.constant 0 : i32
    %dma_start3A_1505 = tpu.memref_slice %arg4[%dma_start3A_1503, %dma_start3A_1504] : memref<1000000x16xf32, #tpu.memory_space<hbm>> -> memref<1000000x16xf32, #tpu.memory_space<hbm>>
    tpu.enqueue_indirect_dma source(%dma_start3A_1505 : memref<1000000x16xf32, #tpu.memory_space<hbm>>) target(%arg12 : memref<512x16xf32, #tpu.memory_space<vmem>>) offsets(%arg8 : memref<512xi32, #tpu.memory_space<vmem>>) semaphore(%arg22 : memref<!tpu.dma_semaphore, #tpu.memory_space<semaphore_mem>>)
    %add3A_1506 = arith.constant 0 : i32
    %add3A_1507 = arith.addi %mul3A_2, %add3A_1506 : i32
    %dma_start3A_1508 = arith.constant 0 : i32
    %dma_start3A_1509 = arith.constant 3 : i32
    %dma_start3A_1510 = arith.constant 0 : i32
    %dma_start3A_1511 = tpu.memref_slice %arg9[%dma_start3A_1510] : memref<512xi32, #tpu.memory_space<vmem>> -> memref<128xi32, #tpu.memory_space<vmem>>
    %dma_start3A_1512 = arith.constant 0 : i32
    %dma_start3A_1513 = tpu.memref_slice %arg2[%dma_start3A_1508, %add3A_1507, %dma_start3A_1509, %dma_start3A_1512] : memref<25x128x8x128xi32, #tpu.memory_space<hbm>> -> memref<1x1x1x128xi32, #tpu.memory_space<hbm>>
    %dma_start3A_1514 = tpu.memref_squeeze %dma_start3A_1513 : memref<1x1x1x128xi32, #tpu.memory_space<hbm>> -> memref<128xi32, #tpu.memory_space<hbm>>
    %dma_start3A_1515 = arith.constant 0 : i32
    %dma_start3A_1516 = tpu.memref_slice %arg9[%dma_start3A_1515] : memref<512xi32, #tpu.memory_space<vmem>> -> memref<128xi32, #tpu.memory_space<vmem>>
    %dma_start3A_1517 = arith.constant 0 : i32
    %dma_start3A_1518 = tpu.memref_slice %arg2[%dma_start3A_1508, %add3A_1507, %dma_start3A_1509, %dma_start3A_1517] : memref<25x128x8x128xi32, #tpu.memory_space<hbm>> -> memref<1x1x1x128xi32, #tpu.memory_space<hbm>>
    %dma_start3A_1519 = tpu.memref_squeeze %dma_start3A_1518 : memref<1x1x1x128xi32, #tpu.memory_space<hbm>> -> memref<128xi32, #tpu.memory_space<hbm>>
    tpu.enqueue_dma source(%dma_start3A_1519 : memref<128xi32, #tpu.memory_space<hbm>>) target(%dma_start3A_1516 : memref<128xi32, #tpu.memory_space<vmem>>) target_semaphore(%arg19 : memref<!tpu.dma_semaphore, #tpu.memory_space<semaphore_mem>>)
    %add3A_1520 = arith.constant 1 : i32
    %add3A_1521 = arith.addi %mul3A_2, %add3A_1520 : i32
    %dma_start3A_1522 = arith.constant 0 : i32
    %dma_start3A_1523 = arith.constant 3 : i32
    %dma_start3A_1524 = arith.constant 128 : i32
    %dma_start3A_1525 = tpu.memref_slice %arg9[%dma_start3A_1524] : memref<512xi32, #tpu.memory_space<vmem>> -> memref<128xi32, #tpu.memory_space<vmem>>
    %dma_start3A_1526 = arith.constant 0 : i32
    %dma_start3A_1527 = tpu.memref_slice %arg2[%dma_start3A_1522, %add3A_1521, %dma_start3A_1523, %dma_start3A_1526] : memref<25x128x8x128xi32, #tpu.memory_space<hbm>> -> memref<1x1x1x128xi32, #tpu.memory_space<hbm>>
    %dma_start3A_1528 = tpu.memref_squeeze %dma_start3A_1527 : memref<1x1x1x128xi32, #tpu.memory_space<hbm>> -> memref<128xi32, #tpu.memory_space<hbm>>
    %dma_start3A_1529 = arith.constant 128 : i32
    %dma_start3A_1530 = tpu.memref_slice %arg9[%dma_start3A_1529] : memref<512xi32, #tpu.memory_space<vmem>> -> memref<128xi32, #tpu.memory_space<vmem>>
    %dma_start3A_1531 = arith.constant 0 : i32
    %dma_start3A_1532 = tpu.memref_slice %arg2[%dma_start3A_1522, %add3A_1521, %dma_start3A_1523, %dma_start3A_1531] : memref<25x128x8x128xi32, #tpu.memory_space<hbm>> -> memref<1x1x1x128xi32, #tpu.memory_space<hbm>>
    %dma_start3A_1533 = tpu.memref_squeeze %dma_start3A_1532 : memref<1x1x1x128xi32, #tpu.memory_space<hbm>> -> memref<128xi32, #tpu.memory_space<hbm>>
    tpu.enqueue_dma source(%dma_start3A_1533 : memref<128xi32, #tpu.memory_space<hbm>>) target(%dma_start3A_1530 : memref<128xi32, #tpu.memory_space<vmem>>) target_semaphore(%arg19 : memref<!tpu.dma_semaphore, #tpu.memory_space<semaphore_mem>>)
    %add3A_1534 = arith.constant 2 : i32
    %add3A_1535 = arith.addi %mul3A_2, %add3A_1534 : i32
    %dma_start3A_1536 = arith.constant 0 : i32
    %dma_start3A_1537 = arith.constant 3 : i32
    %dma_start3A_1538 = arith.constant 256 : i32
    %dma_start3A_1539 = tpu.memref_slice %arg9[%dma_start3A_1538] : memref<512xi32, #tpu.memory_space<vmem>> -> memref<128xi32, #tpu.memory_space<vmem>>
    %dma_start3A_1540 = arith.constant 0 : i32
    %dma_start3A_1541 = tpu.memref_slice %arg2[%dma_start3A_1536, %add3A_1535, %dma_start3A_1537, %dma_start3A_1540] : memref<25x128x8x128xi32, #tpu.memory_space<hbm>> -> memref<1x1x1x128xi32, #tpu.memory_space<hbm>>
    %dma_start3A_1542 = tpu.memref_squeeze %dma_start3A_1541 : memref<1x1x1x128xi32, #tpu.memory_space<hbm>> -> memref<128xi32, #tpu.memory_space<hbm>>
    %dma_start3A_1543 = arith.constant 256 : i32
    %dma_start3A_1544 = tpu.memref_slice %arg9[%dma_start3A_1543] : memref<512xi32, #tpu.memory_space<vmem>> -> memref<128xi32, #tpu.memory_space<vmem>>
    %dma_start3A_1545 = arith.constant 0 : i32
    %dma_start3A_1546 = tpu.memref_slice %arg2[%dma_start3A_1536, %add3A_1535, %dma_start3A_1537, %dma_start3A_1545] : memref<25x128x8x128xi32, #tpu.memory_space<hbm>> -> memref<1x1x1x128xi32, #tpu.memory_space<hbm>>
    %dma_start3A_1547 = tpu.memref_squeeze %dma_start3A_1546 : memref<1x1x1x128xi32, #tpu.memory_space<hbm>> -> memref<128xi32, #tpu.memory_space<hbm>>
    tpu.enqueue_dma source(%dma_start3A_1547 : memref<128xi32, #tpu.memory_space<hbm>>) target(%dma_start3A_1544 : memref<128xi32, #tpu.memory_space<vmem>>) target_semaphore(%arg19 : memref<!tpu.dma_semaphore, #tpu.memory_space<semaphore_mem>>)
    %add3A_1548 = arith.constant 3 : i32
    %add3A_1549 = arith.addi %mul3A_2, %add3A_1548 : i32
    %dma_start3A_1550 = arith.constant 0 : i32
    %dma_start3A_1551 = arith.constant 3 : i32
    %dma_start3A_1552 = arith.constant 384 : i32
    %dma_start3A_1553 = tpu.memref_slice %arg9[%dma_start3A_1552] : memref<512xi32, #tpu.memory_space<vmem>> -> memref<128xi32, #tpu.memory_space<vmem>>
    %dma_start3A_1554 = arith.constant 0 : i32
    %dma_start3A_1555 = tpu.memref_slice %arg2[%dma_start3A_1550, %add3A_1549, %dma_start3A_1551, %dma_start3A_1554] : memref<25x128x8x128xi32, #tpu.memory_space<hbm>> -> memref<1x1x1x128xi32, #tpu.memory_space<hbm>>
    %dma_start3A_1556 = tpu.memref_squeeze %dma_start3A_1555 : memref<1x1x1x128xi32, #tpu.memory_space<hbm>> -> memref<128xi32, #tpu.memory_space<hbm>>
    %dma_start3A_1557 = arith.constant 384 : i32
    %dma_start3A_1558 = tpu.memref_slice %arg9[%dma_start3A_1557] : memref<512xi32, #tpu.memory_space<vmem>> -> memref<128xi32, #tpu.memory_space<vmem>>
    %dma_start3A_1559 = arith.constant 0 : i32
    %dma_start3A_1560 = tpu.memref_slice %arg2[%dma_start3A_1550, %add3A_1549, %dma_start3A_1551, %dma_start3A_1559] : memref<25x128x8x128xi32, #tpu.memory_space<hbm>> -> memref<1x1x1x128xi32, #tpu.memory_space<hbm>>
    %dma_start3A_1561 = tpu.memref_squeeze %dma_start3A_1560 : memref<1x1x1x128xi32, #tpu.memory_space<hbm>> -> memref<128xi32, #tpu.memory_space<hbm>>
    tpu.enqueue_dma source(%dma_start3A_1561 : memref<128xi32, #tpu.memory_space<hbm>>) target(%dma_start3A_1558 : memref<128xi32, #tpu.memory_space<vmem>>) target_semaphore(%arg19 : memref<!tpu.dma_semaphore, #tpu.memory_space<semaphore_mem>>)
    %scan3A_1562 = arith.constant 0 : i32
    %scan3A_1563 = arith.constant 0 : i32
    %scan3A_1564 = arith.constant 32 : i32
    %scan3A_1565 = arith.addi %scan3A_1563, %scan3A_1564 : i32
    %scan3A_1566 = arith.constant 1 : i32
    %scan3A_1567 = scf.for %scan3A_1849 = %scan3A_1563 to %scan3A_1565 step %scan3A_1566 iter_args(%scan3A_1850 = %scan3A_1562) -> (i32)  : i32 {
      %mul3A_1851 = arith.constant 16 : i32
      %mul3A_1852 = arith.muli %scan3A_1849, %mul3A_1851 : i32
      %add3A_1853 = vector.broadcast %mul3A_1852 : i32 to vector<16xi32>
      %add3A_1854 = arith.addi %iota3A, %add3A_1853 : vector<16xi32>
      %jit3A_1855 = arith.constant 8 : i32
      %eq3A_1856 = arith.constant 0 : i32
      %eq3A_1857 = arith.cmpi eq, %jit3A_1855, %eq3A_1856 : i32
      %jit3A_1858 = arith.constant 1 : i32
      %select_n3A_1859 = arith.select %eq3A_1857, %jit3A_1858, %jit3A_1855 : i32
      %rem3A_1860 = arith.remsi %scan3A_1849, %select_n3A_1859 : i32
      %ne3A_1861 = arith.constant 0 : i32
      %ne3A_1862 = arith.cmpi ne, %rem3A_1860, %ne3A_1861 : i32
      %lt3A_1863 = arith.constant 0 : i32
      %lt3A_1864 = arith.cmpi slt, %rem3A_1860, %lt3A_1863 : i32
      %lt3A_1865 = arith.constant 0 : i32
      %lt3A_1866 = arith.cmpi slt, %select_n3A_1859, %lt3A_1865 : i32
      %ne3A_1867 = arith.xori %lt3A_1864, %lt3A_1866 : i1
      %and3A_1868 = arith.andi %ne3A_1867, %ne3A_1862 : i1
      %add3A_1869 = arith.addi %rem3A_1860, %select_n3A_1859 : i32
      %select_n3A_1870 = arith.select %and3A_1868, %add3A_1869, %rem3A_1860 : i32
      %mul3A_1871 = arith.constant 16 : i32
      %mul3A_1872 = arith.muli %select_n3A_1870, %mul3A_1871 : i32
      %add3A_1873 = vector.broadcast %mul3A_1872 : i32 to vector<16xi32>
      %add3A_1874 = arith.addi %iota3A, %add3A_1873 : vector<16xi32>
      %jit3A_1875 = arith.constant 8 : i32
      %div3A_1876 = arith.divsi %scan3A_1849, %jit3A_1875 : i32
      %sign3A_1877 = arith.constant 0 : i32
      %sign3A_1878 = arith.cmpi sgt, %scan3A_1849, %sign3A_1877 : i32
      %sign3A_1879 = arith.extui %sign3A_1878 : i1 to i32
      %sign3A_1880 = arith.constant 0 : i32
      %sign3A_1881 = arith.cmpi slt, %scan3A_1849, %sign3A_1880 : i32
      %sign3A_1882 = arith.extui %sign3A_1881 : i1 to i32
      %sign3A_1883 = arith.subi %sign3A_1879, %sign3A_1882 : i32
      %sign3A_1884 = arith.constant 0 : i32
      %sign3A_1885 = arith.cmpi sgt, %jit3A_1875, %sign3A_1884 : i32
      %sign3A_1886 = arith.extui %sign3A_1885 : i1 to i32
      %sign3A_1887 = arith.constant 0 : i32
      %sign3A_1888 = arith.cmpi slt, %jit3A_1875, %sign3A_1887 : i32
      %sign3A_1889 = arith.extui %sign3A_1888 : i1 to i32
      %sign3A_1890 = arith.subi %sign3A_1886, %sign3A_1889 : i32
      %ne3A_1891 = arith.cmpi ne, %sign3A_1883, %sign3A_1890 : i32
      %rem3A_1892 = arith.remsi %scan3A_1849, %jit3A_1875 : i32
      %ne3A_1893 = arith.constant 0 : i32
      %ne3A_1894 = arith.cmpi ne, %rem3A_1892, %ne3A_1893 : i32
      %and3A_1895 = arith.andi %ne3A_1891, %ne3A_1894 : i1
      %sub3A_1896 = arith.constant 1 : i32
      %sub3A_1897 = arith.subi %div3A_1876, %sub3A_1896 : i32
      %select_n3A_1898 = arith.select %and3A_1895, %sub3A_1897, %div3A_1876 : i32
      %broadcast_in_dim3A = vector.broadcast %select_n3A_1898 : i32 to vector<16xi32>
      %gather3A = tpu.vector_load_idx %arg11[%add3A_1854, %select_n3A_20] : memref<512x16xf32, #tpu.memory_space<vmem>>[vector<16xi32>, vector<16xi32>], vector<16xf32>,
      tpu.vector_store_idx %arg15[%select_n3A_423, %broadcast_in_dim3A, %select_n3A_910, %add3A_1874], %gather3A : memref<2x4x8x128xf32, #tpu.memory_space<vmem>>[vector<16xi32>, vector<16xi32>, vector<16xi32>, vector<16xi32>], vector<16xf32>,
      %gather3A_1899 = tpu.vector_load_idx %arg11[%add3A_1854, %select_n3A_45] : memref<512x16xf32, #tpu.memory_space<vmem>>[vector<16xi32>, vector<16xi32>], vector<16xf32>,
      tpu.vector_store_idx %arg15[%select_n3A_454, %broadcast_in_dim3A, %select_n3A_932, %add3A_1874], %gather3A_1899 : memref<2x4x8x128xf32, #tpu.memory_space<vmem>>[vector<16xi32>, vector<16xi32>, vector<16xi32>, vector<16xi32>], vector<16xf32>,
      %gather3A_1900 = tpu.vector_load_idx %arg11[%add3A_1854, %select_n3A_70] : memref<512x16xf32, #tpu.memory_space<vmem>>[vector<16xi32>, vector<16xi32>], vector<16xf32>,
      tpu.vector_store_idx %arg15[%select_n3A_485, %broadcast_in_dim3A, %select_n3A_954, %add3A_1874], %gather3A_1900 : memref<2x4x8x128xf32, #tpu.memory_space<vmem>>[vector<16xi32>, vector<16xi32>, vector<16xi32>, vector<16xi32>], vector<16xf32>,
      %gather3A_1901 = tpu.vector_load_idx %arg11[%add3A_1854, %select_n3A_95] : memref<512x16xf32, #tpu.memory_space<vmem>>[vector<16xi32>, vector<16xi32>], vector<16xf32>,
      tpu.vector_store_idx %arg15[%select_n3A_516, %broadcast_in_dim3A, %select_n3A_976, %add3A_1874], %gather3A_1901 : memref<2x4x8x128xf32, #tpu.memory_space<vmem>>[vector<16xi32>, vector<16xi32>, vector<16xi32>, vector<16xi32>], vector<16xf32>,
      %gather3A_1902 = tpu.vector_load_idx %arg11[%add3A_1854, %select_n3A_120] : memref<512x16xf32, #tpu.memory_space<vmem>>[vector<16xi32>, vector<16xi32>], vector<16xf32>,
      tpu.vector_store_idx %arg15[%select_n3A_547, %broadcast_in_dim3A, %select_n3A_998, %add3A_1874], %gather3A_1902 : memref<2x4x8x128xf32, #tpu.memory_space<vmem>>[vector<16xi32>, vector<16xi32>, vector<16xi32>, vector<16xi32>], vector<16xf32>,
      %gather3A_1903 = tpu.vector_load_idx %arg11[%add3A_1854, %select_n3A_145] : memref<512x16xf32, #tpu.memory_space<vmem>>[vector<16xi32>, vector<16xi32>], vector<16xf32>,
      tpu.vector_store_idx %arg15[%select_n3A_578, %broadcast_in_dim3A, %select_n3A_1020, %add3A_1874], %gather3A_1903 : memref<2x4x8x128xf32, #tpu.memory_space<vmem>>[vector<16xi32>, vector<16xi32>, vector<16xi32>, vector<16xi32>], vector<16xf32>,
      %gather3A_1904 = tpu.vector_load_idx %arg11[%add3A_1854, %select_n3A_170] : memref<512x16xf32, #tpu.memory_space<vmem>>[vector<16xi32>, vector<16xi32>], vector<16xf32>,
      tpu.vector_store_idx %arg15[%select_n3A_609, %broadcast_in_dim3A, %select_n3A_1042, %add3A_1874], %gather3A_1904 : memref<2x4x8x128xf32, #tpu.memory_space<vmem>>[vector<16xi32>, vector<16xi32>, vector<16xi32>, vector<16xi32>], vector<16xf32>,
      %gather3A_1905 = tpu.vector_load_idx %arg11[%add3A_1854, %select_n3A_195] : memref<512x16xf32, #tpu.memory_space<vmem>>[vector<16xi32>, vector<16xi32>], vector<16xf32>,
      tpu.vector_store_idx %arg15[%select_n3A_640, %broadcast_in_dim3A, %select_n3A_1064, %add3A_1874], %gather3A_1905 : memref<2x4x8x128xf32, #tpu.memory_space<vmem>>[vector<16xi32>, vector<16xi32>, vector<16xi32>, vector<16xi32>], vector<16xf32>,
      %gather3A_1906 = tpu.vector_load_idx %arg11[%add3A_1854, %select_n3A_220] : memref<512x16xf32, #tpu.memory_space<vmem>>[vector<16xi32>, vector<16xi32>], vector<16xf32>,
      tpu.vector_store_idx %arg15[%select_n3A_671, %broadcast_in_dim3A, %select_n3A_1086, %add3A_1874], %gather3A_1906 : memref<2x4x8x128xf32, #tpu.memory_space<vmem>>[vector<16xi32>, vector<16xi32>, vector<16xi32>, vector<16xi32>], vector<16xf32>,
      %gather3A_1907 = tpu.vector_load_idx %arg11[%add3A_1854, %select_n3A_245] : memref<512x16xf32, #tpu.memory_space<vmem>>[vector<16xi32>, vector<16xi32>], vector<16xf32>,
      tpu.vector_store_idx %arg15[%select_n3A_702, %broadcast_in_dim3A, %select_n3A_1108, %add3A_1874], %gather3A_1907 : memref<2x4x8x128xf32, #tpu.memory_space<vmem>>[vector<16xi32>, vector<16xi32>, vector<16xi32>, vector<16xi32>], vector<16xf32>,
      %gather3A_1908 = tpu.vector_load_idx %arg11[%add3A_1854, %select_n3A_270] : memref<512x16xf32, #tpu.memory_space<vmem>>[vector<16xi32>, vector<16xi32>], vector<16xf32>,
      tpu.vector_store_idx %arg15[%select_n3A_733, %broadcast_in_dim3A, %select_n3A_1130, %add3A_1874], %gather3A_1908 : memref<2x4x8x128xf32, #tpu.memory_space<vmem>>[vector<16xi32>, vector<16xi32>, vector<16xi32>, vector<16xi32>], vector<16xf32>,
      %gather3A_1909 = tpu.vector_load_idx %arg11[%add3A_1854, %select_n3A_295] : memref<512x16xf32, #tpu.memory_space<vmem>>[vector<16xi32>, vector<16xi32>], vector<16xf32>,
      tpu.vector_store_idx %arg15[%select_n3A_764, %broadcast_in_dim3A, %select_n3A_1152, %add3A_1874], %gather3A_1909 : memref<2x4x8x128xf32, #tpu.memory_space<vmem>>[vector<16xi32>, vector<16xi32>, vector<16xi32>, vector<16xi32>], vector<16xf32>,
      %gather3A_1910 = tpu.vector_load_idx %arg11[%add3A_1854, %select_n3A_320] : memref<512x16xf32, #tpu.memory_space<vmem>>[vector<16xi32>, vector<16xi32>], vector<16xf32>,
      tpu.vector_store_idx %arg15[%select_n3A_795, %broadcast_in_dim3A, %select_n3A_1174, %add3A_1874], %gather3A_1910 : memref<2x4x8x128xf32, #tpu.memory_space<vmem>>[vector<16xi32>, vector<16xi32>, vector<16xi32>, vector<16xi32>], vector<16xf32>,
      %gather3A_1911 = tpu.vector_load_idx %arg11[%add3A_1854, %select_n3A_345] : memref<512x16xf32, #tpu.memory_space<vmem>>[vector<16xi32>, vector<16xi32>], vector<16xf32>,
      tpu.vector_store_idx %arg15[%select_n3A_826, %broadcast_in_dim3A, %select_n3A_1196, %add3A_1874], %gather3A_1911 : memref<2x4x8x128xf32, #tpu.memory_space<vmem>>[vector<16xi32>, vector<16xi32>, vector<16xi32>, vector<16xi32>], vector<16xf32>,
      %gather3A_1912 = tpu.vector_load_idx %arg11[%add3A_1854, %select_n3A_370] : memref<512x16xf32, #tpu.memory_space<vmem>>[vector<16xi32>, vector<16xi32>], vector<16xf32>,
      tpu.vector_store_idx %arg15[%select_n3A_857, %broadcast_in_dim3A, %select_n3A_1218, %add3A_1874], %gather3A_1912 : memref<2x4x8x128xf32, #tpu.memory_space<vmem>>[vector<16xi32>, vector<16xi32>, vector<16xi32>, vector<16xi32>], vector<16xf32>,
      %gather3A_1913 = tpu.vector_load_idx %arg11[%add3A_1854, %select_n3A_395] : memref<512x16xf32, #tpu.memory_space<vmem>>[vector<16xi32>, vector<16xi32>], vector<16xf32>,
      tpu.vector_store_idx %arg15[%select_n3A_888, %broadcast_in_dim3A, %select_n3A_1240, %add3A_1874], %gather3A_1913 : memref<2x4x8x128xf32, #tpu.memory_space<vmem>>[vector<16xi32>, vector<16xi32>, vector<16xi32>, vector<16xi32>], vector<16xf32>,
      %gather3A_1914 = tpu.vector_load_idx %arg13[%add3A_1854, %select_n3A_20] : memref<512x16xf32, #tpu.memory_space<vmem>>[vector<16xi32>, vector<16xi32>], vector<16xf32>,
      tpu.vector_store_idx %arg17[%select_n3A_423, %broadcast_in_dim3A, %select_n3A_910, %add3A_1874], %gather3A_1914 : memref<2x4x8x128xf32, #tpu.memory_space<vmem>>[vector<16xi32>, vector<16xi32>, vector<16xi32>, vector<16xi32>], vector<16xf32>,
      %gather3A_1915 = tpu.vector_load_idx %arg13[%add3A_1854, %select_n3A_45] : memref<512x16xf32, #tpu.memory_space<vmem>>[vector<16xi32>, vector<16xi32>], vector<16xf32>,
      tpu.vector_store_idx %arg17[%select_n3A_454, %broadcast_in_dim3A, %select_n3A_932, %add3A_1874], %gather3A_1915 : memref<2x4x8x128xf32, #tpu.memory_space<vmem>>[vector<16xi32>, vector<16xi32>, vector<16xi32>, vector<16xi32>], vector<16xf32>,
      %gather3A_1916 = tpu.vector_load_idx %arg13[%add3A_1854, %select_n3A_70] : memref<512x16xf32, #tpu.memory_space<vmem>>[vector<16xi32>, vector<16xi32>], vector<16xf32>,
      tpu.vector_store_idx %arg17[%select_n3A_485, %broadcast_in_dim3A, %select_n3A_954, %add3A_1874], %gather3A_1916 : memref<2x4x8x128xf32, #tpu.memory_space<vmem>>[vector<16xi32>, vector<16xi32>, vector<16xi32>, vector<16xi32>], vector<16xf32>,
      %gather3A_1917 = tpu.vector_load_idx %arg13[%add3A_1854, %select_n3A_95] : memref<512x16xf32, #tpu.memory_space<vmem>>[vector<16xi32>, vector<16xi32>], vector<16xf32>,
      tpu.vector_store_idx %arg17[%select_n3A_516, %broadcast_in_dim3A, %select_n3A_976, %add3A_1874], %gather3A_1917 : memref<2x4x8x128xf32, #tpu.memory_space<vmem>>[vector<16xi32>, vector<16xi32>, vector<16xi32>, vector<16xi32>], vector<16xf32>,
      %gather3A_1918 = tpu.vector_load_idx %arg13[%add3A_1854, %select_n3A_120] : memref<512x16xf32, #tpu.memory_space<vmem>>[vector<16xi32>, vector<16xi32>], vector<16xf32>,
      tpu.vector_store_idx %arg17[%select_n3A_547, %broadcast_in_dim3A, %select_n3A_998, %add3A_1874], %gather3A_1918 : memref<2x4x8x128xf32, #tpu.memory_space<vmem>>[vector<16xi32>, vector<16xi32>, vector<16xi32>, vector<16xi32>], vector<16xf32>,
      %gather3A_1919 = tpu.vector_load_idx %arg13[%add3A_1854, %select_n3A_145] : memref<512x16xf32, #tpu.memory_space<vmem>>[vector<16xi32>, vector<16xi32>], vector<16xf32>,
      tpu.vector_store_idx %arg17[%select_n3A_578, %broadcast_in_dim3A, %select_n3A_1020, %add3A_1874], %gather3A_1919 : memref<2x4x8x128xf32, #tpu.memory_space<vmem>>[vector<16xi32>, vector<16xi32>, vector<16xi32>, vector<16xi32>], vector<16xf32>,
      %gather3A_1920 = tpu.vector_load_idx %arg13[%add3A_1854, %select_n3A_170] : memref<512x16xf32, #tpu.memory_space<vmem>>[vector<16xi32>, vector<16xi32>], vector<16xf32>,
      tpu.vector_store_idx %arg17[%select_n3A_609, %broadcast_in_dim3A, %select_n3A_1042, %add3A_1874], %gather3A_1920 : memref<2x4x8x128xf32, #tpu.memory_space<vmem>>[vector<16xi32>, vector<16xi32>, vector<16xi32>, vector<16xi32>], vector<16xf32>,
      %gather3A_1921 = tpu.vector_load_idx %arg13[%add3A_1854, %select_n3A_195] : memref<512x16xf32, #tpu.memory_space<vmem>>[vector<16xi32>, vector<16xi32>], vector<16xf32>,
      tpu.vector_store_idx %arg17[%select_n3A_640, %broadcast_in_dim3A, %select_n3A_1064, %add3A_1874], %gather3A_1921 : memref<2x4x8x128xf32, #tpu.memory_space<vmem>>[vector<16xi32>, vector<16xi32>, vector<16xi32>, vector<16xi32>], vector<16xf32>,
      %gather3A_1922 = tpu.vector_load_idx %arg13[%add3A_1854, %select_n3A_220] : memref<512x16xf32, #tpu.memory_space<vmem>>[vector<16xi32>, vector<16xi32>], vector<16xf32>,
      tpu.vector_store_idx %arg17[%select_n3A_671, %broadcast_in_dim3A, %select_n3A_1086, %add3A_1874], %gather3A_1922 : memref<2x4x8x128xf32, #tpu.memory_space<vmem>>[vector<16xi32>, vector<16xi32>, vector<16xi32>, vector<16xi32>], vector<16xf32>,
      %gather3A_1923 = tpu.vector_load_idx %arg13[%add3A_1854, %select_n3A_245] : memref<512x16xf32, #tpu.memory_space<vmem>>[vector<16xi32>, vector<16xi32>], vector<16xf32>,
      tpu.vector_store_idx %arg17[%select_n3A_702, %broadcast_in_dim3A, %select_n3A_1108, %add3A_1874], %gather3A_1923 : memref<2x4x8x128xf32, #tpu.memory_space<vmem>>[vector<16xi32>, vector<16xi32>, vector<16xi32>, vector<16xi32>], vector<16xf32>,
      %gather3A_1924 = tpu.vector_load_idx %arg13[%add3A_1854, %select_n3A_270] : memref<512x16xf32, #tpu.memory_space<vmem>>[vector<16xi32>, vector<16xi32>], vector<16xf32>,
      tpu.vector_store_idx %arg17[%select_n3A_733, %broadcast_in_dim3A, %select_n3A_1130, %add3A_1874], %gather3A_1924 : memref<2x4x8x128xf32, #tpu.memory_space<vmem>>[vector<16xi32>, vector<16xi32>, vector<16xi32>, vector<16xi32>], vector<16xf32>,
      %gather3A_1925 = tpu.vector_load_idx %arg13[%add3A_1854, %select_n3A_295] : memref<512x16xf32, #tpu.memory_space<vmem>>[vector<16xi32>, vector<16xi32>], vector<16xf32>,
      tpu.vector_store_idx %arg17[%select_n3A_764, %broadcast_in_dim3A, %select_n3A_1152, %add3A_1874], %gather3A_1925 : memref<2x4x8x128xf32, #tpu.memory_space<vmem>>[vector<16xi32>, vector<16xi32>, vector<16xi32>, vector<16xi32>], vector<16xf32>,
      %gather3A_1926 = tpu.vector_load_idx %arg13[%add3A_1854, %select_n3A_320] : memref<512x16xf32, #tpu.memory_space<vmem>>[vector<16xi32>, vector<16xi32>], vector<16xf32>,
      tpu.vector_store_idx %arg17[%select_n3A_795, %broadcast_in_dim3A, %select_n3A_1174, %add3A_1874], %gather3A_1926 : memref<2x4x8x128xf32, #tpu.memory_space<vmem>>[vector<16xi32>, vector<16xi32>, vector<16xi32>, vector<16xi32>], vector<16xf32>,
      %gather3A_1927 = tpu.vector_load_idx %arg13[%add3A_1854, %select_n3A_345] : memref<512x16xf32, #tpu.memory_space<vmem>>[vector<16xi32>, vector<16xi32>], vector<16xf32>,
      tpu.vector_store_idx %arg17[%select_n3A_826, %broadcast_in_dim3A, %select_n3A_1196, %add3A_1874], %gather3A_1927 : memref<2x4x8x128xf32, #tpu.memory_space<vmem>>[vector<16xi32>, vector<16xi32>, vector<16xi32>, vector<16xi32>], vector<16xf32>,
      %gather3A_1928 = tpu.vector_load_idx %arg13[%add3A_1854, %select_n3A_370] : memref<512x16xf32, #tpu.memory_space<vmem>>[vector<16xi32>, vector<16xi32>], vector<16xf32>,
      tpu.vector_store_idx %arg17[%select_n3A_857, %broadcast_in_dim3A, %select_n3A_1218, %add3A_1874], %gather3A_1928 : memref<2x4x8x128xf32, #tpu.memory_space<vmem>>[vector<16xi32>, vector<16xi32>, vector<16xi32>, vector<16xi32>], vector<16xf32>,
      %gather3A_1929 = tpu.vector_load_idx %arg13[%add3A_1854, %select_n3A_395] : memref<512x16xf32, #tpu.memory_space<vmem>>[vector<16xi32>, vector<16xi32>], vector<16xf32>,
      tpu.vector_store_idx %arg17[%select_n3A_888, %broadcast_in_dim3A, %select_n3A_1240, %add3A_1874], %gather3A_1929 : memref<2x4x8x128xf32, #tpu.memory_space<vmem>>[vector<16xi32>, vector<16xi32>, vector<16xi32>, vector<16xi32>], vector<16xf32>,
      %scan3A_1930 = arith.constant 0 : i32
      scf.yield %scan3A_1930 : i32
    }
    %scan3A_1568 = arith.constant 32 : i32
    %dma_start3A_1569 = arith.constant 1 : i32
    %dma_start3A_1570 = arith.constant 0 : i32
    %dma_start3A_1571 = arith.constant 0 : i32
    %dma_start3A_1572 = arith.constant 0 : i32
    %dma_start3A_1573 = tpu.memref_slice %arg5[%dma_start3A_1569, %dma_start3A_1570, %mul3A_2, %dma_start3A_1571, %dma_start3A_1572] : memref<200x2x128x8x128xf32, #tpu.memory_space<hbm>> -> memref<1x2x4x8x128xf32, #tpu.memory_space<hbm>>
    %dma_start3A_1574 = tpu.memref_squeeze %dma_start3A_1573 : memref<1x2x4x8x128xf32, #tpu.memory_space<hbm>> -> memref<2x4x8x128xf32, #tpu.memory_space<hbm>>
    %dma_start3A_1575 = arith.constant 0 : i32
    %dma_start3A_1576 = arith.constant 0 : i32
    %dma_start3A_1577 = arith.constant 0 : i32
    %dma_start3A_1578 = tpu.memref_slice %arg5[%dma_start3A_1569, %dma_start3A_1575, %mul3A_2, %dma_start3A_1576, %dma_start3A_1577] : memref<200x2x128x8x128xf32, #tpu.memory_space<hbm>> -> memref<1x2x4x8x128xf32, #tpu.memory_space<hbm>>
    %dma_start3A_1579 = tpu.memref_squeeze %dma_start3A_1578 : memref<1x2x4x8x128xf32, #tpu.memory_space<hbm>> -> memref<2x4x8x128xf32, #tpu.memory_space<hbm>>
    tpu.enqueue_dma source(%arg15 : memref<2x4x8x128xf32, #tpu.memory_space<vmem>>) target(%dma_start3A_1579 : memref<2x4x8x128xf32, #tpu.memory_space<hbm>>) target_semaphore(%arg25 : memref<!tpu.dma_semaphore, #tpu.memory_space<semaphore_mem>>)
    %dma_start3A_1580 = arith.constant 1 : i32
    %dma_start3A_1581 = arith.constant 0 : i32
    %dma_start3A_1582 = arith.constant 0 : i32
    %dma_start3A_1583 = arith.constant 0 : i32
    %dma_start3A_1584 = tpu.memref_slice %arg6[%dma_start3A_1580, %dma_start3A_1581, %mul3A_2, %dma_start3A_1582, %dma_start3A_1583] : memref<200x2x128x8x128xf32, #tpu.memory_space<hbm>> -> memref<1x2x4x8x128xf32, #tpu.memory_space<hbm>>
    %dma_start3A_1585 = tpu.memref_squeeze %dma_start3A_1584 : memref<1x2x4x8x128xf32, #tpu.memory_space<hbm>> -> memref<2x4x8x128xf32, #tpu.memory_space<hbm>>
    %dma_start3A_1586 = arith.constant 0 : i32
    %dma_start3A_1587 = arith.constant 0 : i32
    %dma_start3A_1588 = arith.constant 0 : i32
    %dma_start3A_1589 = tpu.memref_slice %arg6[%dma_start3A_1580, %dma_start3A_1586, %mul3A_2, %dma_start3A_1587, %dma_start3A_1588] : memref<200x2x128x8x128xf32, #tpu.memory_space<hbm>> -> memref<1x2x4x8x128xf32, #tpu.memory_space<hbm>>
    %dma_start3A_1590 = tpu.memref_squeeze %dma_start3A_1589 : memref<1x2x4x8x128xf32, #tpu.memory_space<hbm>> -> memref<2x4x8x128xf32, #tpu.memory_space<hbm>>
    tpu.enqueue_dma source(%arg15 : memref<2x4x8x128xf32, #tpu.memory_space<vmem>>) target(%dma_start3A_1590 : memref<2x4x8x128xf32, #tpu.memory_space<hbm>>) target_semaphore(%arg27 : memref<!tpu.dma_semaphore, #tpu.memory_space<semaphore_mem>>)
    %dma_start3A_1591 = arith.constant 1 : i32
    %dma_start3A_1592 = arith.constant 0 : i32
    %dma_start3A_1593 = arith.constant 0 : i32
    %dma_start3A_1594 = arith.constant 0 : i32
    %dma_start3A_1595 = tpu.memref_slice %arg7[%dma_start3A_1591, %dma_start3A_1592, %mul3A_2, %dma_start3A_1593, %dma_start3A_1594] : memref<200x2x128x8x128xf32, #tpu.memory_space<hbm>> -> memref<1x2x4x8x128xf32, #tpu.memory_space<hbm>>
    %dma_start3A_1596 = tpu.memref_squeeze %dma_start3A_1595 : memref<1x2x4x8x128xf32, #tpu.memory_space<hbm>> -> memref<2x4x8x128xf32, #tpu.memory_space<hbm>>
    %dma_start3A_1597 = arith.constant 0 : i32
    %dma_start3A_1598 = arith.constant 0 : i32
    %dma_start3A_1599 = arith.constant 0 : i32
    %dma_start3A_1600 = tpu.memref_slice %arg7[%dma_start3A_1591, %dma_start3A_1597, %mul3A_2, %dma_start3A_1598, %dma_start3A_1599] : memref<200x2x128x8x128xf32, #tpu.memory_space<hbm>> -> memref<1x2x4x8x128xf32, #tpu.memory_space<hbm>>
    %dma_start3A_1601 = tpu.memref_squeeze %dma_start3A_1600 : memref<1x2x4x8x128xf32, #tpu.memory_space<hbm>> -> memref<2x4x8x128xf32, #tpu.memory_space<hbm>>
    tpu.enqueue_dma source(%arg17 : memref<2x4x8x128xf32, #tpu.memory_space<vmem>>) target(%dma_start3A_1601 : memref<2x4x8x128xf32, #tpu.memory_space<hbm>>) target_semaphore(%arg29 : memref<!tpu.dma_semaphore, #tpu.memory_space<semaphore_mem>>)
    %scan3A_1602 = arith.constant 0 : i32
    %scan3A_1603 = arith.constant 1 : i32
    %scan3A_1604 = arith.constant 98 : i32
    %scan3A_1605 = arith.addi %scan3A_1603, %scan3A_1604 : i32
    %scan3A_1606 = arith.constant 1 : i32
    %scan3A_1607 = scf.for %scan3A_1849 = %scan3A_1603 to %scan3A_1605 step %scan3A_1606 iter_args(%scan3A_1850 = %scan3A_1602) -> (i32)  : i32 {
      %mul3A_1851 = arith.constant 2 : i32
      %mul3A_1852 = arith.muli %mul3A_1851, %scan3A_1849 : i32
      %dma_wait3A_1853 = arith.constant 0 : i32
      %dma_wait3A_1854 = arith.constant 0 : i32
      %dma_wait3A_1855 = tpu.memref_slice %arg3[%dma_wait3A_1853, %dma_wait3A_1854] : memref<1000000x16xf32, #tpu.memory_space<hbm>> -> memref<1000000x16xf32, #tpu.memory_space<hbm>>
      tpu.wait_indirect_dma semaphore(%arg20 : memref<!tpu.dma_semaphore, #tpu.memory_space<semaphore_mem>>) src(%dma_wait3A_1855 : memref<1000000x16xf32, #tpu.memory_space<hbm>>) dst(%arg10 : memref<512x16xf32, #tpu.memory_space<vmem>>)
      %dma_wait3A_1856 = arith.constant 0 : i32
      %dma_wait3A_1857 = arith.constant 0 : i32
      %dma_wait3A_1858 = tpu.memref_slice %arg4[%dma_wait3A_1856, %dma_wait3A_1857] : memref<1000000x16xf32, #tpu.memory_space<hbm>> -> memref<1000000x16xf32, #tpu.memory_space<hbm>>
      tpu.wait_indirect_dma semaphore(%arg22 : memref<!tpu.dma_semaphore, #tpu.memory_space<semaphore_mem>>) src(%dma_wait3A_1858 : memref<1000000x16xf32, #tpu.memory_space<hbm>>) dst(%arg12 : memref<512x16xf32, #tpu.memory_space<vmem>>)
      %dma_wait3A_1859 = arith.constant 0 : i32
      %dma_wait3A_1860 = arith.constant 0 : i32
      %dma_wait3A_1861 = arith.constant 0 : i32
      %dma_wait3A_1862 = arith.constant 0 : i32
      %dma_wait3A_1863 = tpu.memref_slice %arg2[%dma_wait3A_1859, %dma_wait3A_1861, %dma_wait3A_1860, %dma_wait3A_1862] : memref<25x128x8x128xi32, #tpu.memory_space<hbm>> -> memref<1x4x1x128xi32, #tpu.memory_space<hbm>>
      %dma_wait3A_1864 = tpu.memref_squeeze %dma_wait3A_1863 : memref<1x4x1x128xi32, #tpu.memory_space<hbm>> -> memref<4x128xi32, #tpu.memory_space<hbm>>
      %dma_wait3A_1865 = arith.constant 0 : i32
      %dma_wait3A_1866 = arith.constant 0 : i32
      %dma_wait3A_1867 = tpu.memref_slice %arg2[%dma_wait3A_1859, %dma_wait3A_1865, %dma_wait3A_1860, %dma_wait3A_1866] : memref<25x128x8x128xi32, #tpu.memory_space<hbm>> -> memref<1x4x1x128xi32, #tpu.memory_space<hbm>>
      %dma_wait3A_1868 = tpu.memref_squeeze %dma_wait3A_1867 : memref<1x4x1x128xi32, #tpu.memory_space<hbm>> -> memref<4x128xi32, #tpu.memory_space<hbm>>
      tpu.wait_dma2 semaphore(%arg19 : memref<!tpu.dma_semaphore, #tpu.memory_space<semaphore_mem>>) src(%dma_wait3A_1868 : memref<4x128xi32, #tpu.memory_space<hbm>>) dst(%arg9 : memref<512xi32, #tpu.memory_space<vmem>>)
      %dma_start3A_1869 = arith.constant 0 : i32
      %dma_start3A_1870 = arith.constant 0 : i32
      %dma_start3A_1871 = tpu.memref_slice %arg3[%dma_start3A_1869, %dma_start3A_1870] : memref<1000000x16xf32, #tpu.memory_space<hbm>> -> memref<1000000x16xf32, #tpu.memory_space<hbm>>
      tpu.enqueue_indirect_dma source(%dma_start3A_1871 : memref<1000000x16xf32, #tpu.memory_space<hbm>>) target(%arg11 : memref<512x16xf32, #tpu.memory_space<vmem>>) offsets(%arg9 : memref<512xi32, #tpu.memory_space<vmem>>) semaphore(%arg21 : memref<!tpu.dma_semaphore, #tpu.memory_space<semaphore_mem>>)
      %dma_start3A_1872 = arith.constant 0 : i32
      %dma_start3A_1873 = arith.constant 0 : i32
      %dma_start3A_1874 = tpu.memref_slice %arg4[%dma_start3A_1872, %dma_start3A_1873] : memref<1000000x16xf32, #tpu.memory_space<hbm>> -> memref<1000000x16xf32, #tpu.memory_space<hbm>>
      tpu.enqueue_indirect_dma source(%dma_start3A_1874 : memref<1000000x16xf32, #tpu.memory_space<hbm>>) target(%arg13 : memref<512x16xf32, #tpu.memory_space<vmem>>) offsets(%arg9 : memref<512xi32, #tpu.memory_space<vmem>>) semaphore(%arg23 : memref<!tpu.dma_semaphore, #tpu.memory_space<semaphore_mem>>)
      %dma_wait3A_1875 = arith.constant 0 : i32
      %dma_wait3A_1876 = arith.constant 0 : i32
      %dma_wait3A_1877 = arith.constant 0 : i32
      %dma_wait3A_1878 = arith.constant 0 : i32
      %dma_wait3A_1879 = tpu.memref_slice %arg5[%dma_wait3A_1875, %dma_wait3A_1876, %mul3A_2, %dma_wait3A_1877, %dma_wait3A_1878] : memref<200x2x128x8x128xf32, #tpu.memory_space<hbm>> -> memref<1x2x4x8x128xf32, #tpu.memory_space<hbm>>
      %dma_wait3A_1880 = tpu.memref_squeeze %dma_wait3A_1879 : memref<1x2x4x8x128xf32, #tpu.memory_space<hbm>> -> memref<2x4x8x128xf32, #tpu.memory_space<hbm>>
      %dma_wait3A_1881 = arith.constant 0 : i32
      %dma_wait3A_1882 = arith.constant 0 : i32
      %dma_wait3A_1883 = arith.constant 0 : i32
      %dma_wait3A_1884 = tpu.memref_slice %arg5[%dma_wait3A_1875, %dma_wait3A_1881, %mul3A_2, %dma_wait3A_1882, %dma_wait3A_1883] : memref<200x2x128x8x128xf32, #tpu.memory_space<hbm>> -> memref<1x2x4x8x128xf32, #tpu.memory_space<hbm>>
      %dma_wait3A_1885 = tpu.memref_squeeze %dma_wait3A_1884 : memref<1x2x4x8x128xf32, #tpu.memory_space<hbm>> -> memref<2x4x8x128xf32, #tpu.memory_space<hbm>>
      tpu.wait_dma2 semaphore(%arg24 : memref<!tpu.dma_semaphore, #tpu.memory_space<semaphore_mem>>) src(%arg14 : memref<2x4x8x128xf32, #tpu.memory_space<vmem>>) dst(%dma_wait3A_1885 : memref<2x4x8x128xf32, #tpu.memory_space<hbm>>)
      %dma_wait3A_1886 = arith.constant 0 : i32
      %dma_wait3A_1887 = arith.constant 0 : i32
      %dma_wait3A_1888 = arith.constant 0 : i32
      %dma_wait3A_1889 = arith.constant 0 : i32
      %dma_wait3A_1890 = tpu.memref_slice %arg6[%dma_wait3A_1886, %dma_wait3A_1887, %mul3A_2, %dma_wait3A_1888, %dma_wait3A_1889] : memref<200x2x128x8x128xf32, #tpu.memory_space<hbm>> -> memref<1x2x4x8x128xf32, #tpu.memory_space<hbm>>
      %dma_wait3A_1891 = tpu.memref_squeeze %dma_wait3A_1890 : memref<1x2x4x8x128xf32, #tpu.memory_space<hbm>> -> memref<2x4x8x128xf32, #tpu.memory_space<hbm>>
      %dma_wait3A_1892 = arith.constant 0 : i32
      %dma_wait3A_1893 = arith.constant 0 : i32
      %dma_wait3A_1894 = arith.constant 0 : i32
      %dma_wait3A_1895 = tpu.memref_slice %arg6[%dma_wait3A_1886, %dma_wait3A_1892, %mul3A_2, %dma_wait3A_1893, %dma_wait3A_1894] : memref<200x2x128x8x128xf32, #tpu.memory_space<hbm>> -> memref<1x2x4x8x128xf32, #tpu.memory_space<hbm>>
      %dma_wait3A_1896 = tpu.memref_squeeze %dma_wait3A_1895 : memref<1x2x4x8x128xf32, #tpu.memory_space<hbm>> -> memref<2x4x8x128xf32, #tpu.memory_space<hbm>>
      tpu.wait_dma2 semaphore(%arg26 : memref<!tpu.dma_semaphore, #tpu.memory_space<semaphore_mem>>) src(%arg14 : memref<2x4x8x128xf32, #tpu.memory_space<vmem>>) dst(%dma_wait3A_1896 : memref<2x4x8x128xf32, #tpu.memory_space<hbm>>)
      %dma_wait3A_1897 = arith.constant 0 : i32
      %dma_wait3A_1898 = arith.constant 0 : i32
      %dma_wait3A_1899 = arith.constant 0 : i32
      %dma_wait3A_1900 = arith.constant 0 : i32
      %dma_wait3A_1901 = tpu.memref_slice %arg7[%dma_wait3A_1897, %dma_wait3A_1898, %mul3A_2, %dma_wait3A_1899, %dma_wait3A_1900] : memref<200x2x128x8x128xf32, #tpu.memory_space<hbm>> -> memref<1x2x4x8x128xf32, #tpu.memory_space<hbm>>
      %dma_wait3A_1902 = tpu.memref_squeeze %dma_wait3A_1901 : memref<1x2x4x8x128xf32, #tpu.memory_space<hbm>> -> memref<2x4x8x128xf32, #tpu.memory_space<hbm>>
      %dma_wait3A_1903 = arith.constant 0 : i32
      %dma_wait3A_1904 = arith.constant 0 : i32
      %dma_wait3A_1905 = arith.constant 0 : i32
      %dma_wait3A_1906 = tpu.memref_slice %arg7[%dma_wait3A_1897, %dma_wait3A_1903, %mul3A_2, %dma_wait3A_1904, %dma_wait3A_1905] : memref<200x2x128x8x128xf32, #tpu.memory_space<hbm>> -> memref<1x2x4x8x128xf32, #tpu.memory_space<hbm>>
      %dma_wait3A_1907 = tpu.memref_squeeze %dma_wait3A_1906 : memref<1x2x4x8x128xf32, #tpu.memory_space<hbm>> -> memref<2x4x8x128xf32, #tpu.memory_space<hbm>>
      tpu.wait_dma2 semaphore(%arg28 : memref<!tpu.dma_semaphore, #tpu.memory_space<semaphore_mem>>) src(%arg16 : memref<2x4x8x128xf32, #tpu.memory_space<vmem>>) dst(%dma_wait3A_1907 : memref<2x4x8x128xf32, #tpu.memory_space<hbm>>)
      %add3A_1908 = arith.constant 2 : i32
      %add3A_1909 = arith.addi %mul3A_1852, %add3A_1908 : i32
      %jit3A_1910 = arith.constant 8 : i32
      %div3A_1911 = arith.divsi %add3A_1909, %jit3A_1910 : i32
      %sign3A_1912 = arith.constant 0 : i32
      %sign3A_1913 = arith.cmpi sgt, %add3A_1909, %sign3A_1912 : i32
      %sign3A_1914 = arith.extui %sign3A_1913 : i1 to i32
      %sign3A_1915 = arith.constant 0 : i32
      %sign3A_1916 = arith.cmpi slt, %add3A_1909, %sign3A_1915 : i32
      %sign3A_1917 = arith.extui %sign3A_1916 : i1 to i32
      %sign3A_1918 = arith.subi %sign3A_1914, %sign3A_1917 : i32
      %sign3A_1919 = arith.constant 0 : i32
      %sign3A_1920 = arith.cmpi sgt, %jit3A_1910, %sign3A_1919 : i32
      %sign3A_1921 = arith.extui %sign3A_1920 : i1 to i32
      %sign3A_1922 = arith.constant 0 : i32
      %sign3A_1923 = arith.cmpi slt, %jit3A_1910, %sign3A_1922 : i32
      %sign3A_1924 = arith.extui %sign3A_1923 : i1 to i32
      %sign3A_1925 = arith.subi %sign3A_1921, %sign3A_1924 : i32
      %ne3A_1926 = arith.cmpi ne, %sign3A_1918, %sign3A_1925 : i32
      %rem3A_1927 = arith.remsi %add3A_1909, %jit3A_1910 : i32
      %ne3A_1928 = arith.constant 0 : i32
      %ne3A_1929 = arith.cmpi ne, %rem3A_1927, %ne3A_1928 : i32
      %and3A_1930 = arith.andi %ne3A_1926, %ne3A_1929 : i1
      %sub3A_1931 = arith.constant 1 : i32
      %sub3A_1932 = arith.subi %div3A_1911, %sub3A_1931 : i32
      %select_n3A_1933 = arith.select %and3A_1930, %sub3A_1932, %div3A_1911 : i32
      %jit3A_1934 = arith.constant 8 : i32
      %eq3A_1935 = arith.constant 0 : i32
      %eq3A_1936 = arith.cmpi eq, %jit3A_1934, %eq3A_1935 : i32
      %jit3A_1937 = arith.constant 1 : i32
      %select_n3A_1938 = arith.select %eq3A_1936, %jit3A_1937, %jit3A_1934 : i32
      %rem3A_1939 = arith.remsi %add3A_1909, %select_n3A_1938 : i32
      %ne3A_1940 = arith.constant 0 : i32
      %ne3A_1941 = arith.cmpi ne, %rem3A_1939, %ne3A_1940 : i32
      %lt3A_1942 = arith.constant 0 : i32
      %lt3A_1943 = arith.cmpi slt, %rem3A_1939, %lt3A_1942 : i32
      %lt3A_1944 = arith.constant 0 : i32
      %lt3A_1945 = arith.cmpi slt, %select_n3A_1938, %lt3A_1944 : i32
      %ne3A_1946 = arith.xori %lt3A_1943, %lt3A_1945 : i1
      %and3A_1947 = arith.andi %ne3A_1946, %ne3A_1941 : i1
      %add3A_1948 = arith.addi %rem3A_1939, %select_n3A_1938 : i32
      %select_n3A_1949 = arith.select %and3A_1947, %add3A_1948, %rem3A_1939 : i32
      %add3A_1950 = arith.constant 0 : i32
      %add3A_1951 = arith.addi %mul3A_2, %add3A_1950 : i32
      %dma_start3A_1952 = arith.constant 0 : i32
      %dma_start3A_1953 = tpu.memref_slice %arg8[%dma_start3A_1952] : memref<512xi32, #tpu.memory_space<vmem>> -> memref<128xi32, #tpu.memory_space<vmem>>
      %dma_start3A_1954 = arith.constant 0 : i32
      %dma_start3A_1955 = tpu.memref_slice %arg2[%select_n3A_1933, %add3A_1951, %select_n3A_1949, %dma_start3A_1954] : memref<25x128x8x128xi32, #tpu.memory_space<hbm>> -> memref<1x1x1x128xi32, #tpu.memory_space<hbm>>
      %dma_start3A_1956 = tpu.memref_squeeze %dma_start3A_1955 : memref<1x1x1x128xi32, #tpu.memory_space<hbm>> -> memref<128xi32, #tpu.memory_space<hbm>>
      %dma_start3A_1957 = arith.constant 0 : i32
      %dma_start3A_1958 = tpu.memref_slice %arg8[%dma_start3A_1957] : memref<512xi32, #tpu.memory_space<vmem>> -> memref<128xi32, #tpu.memory_space<vmem>>
      %dma_start3A_1959 = arith.constant 0 : i32
      %dma_start3A_1960 = tpu.memref_slice %arg2[%select_n3A_1933, %add3A_1951, %select_n3A_1949, %dma_start3A_1959] : memref<25x128x8x128xi32, #tpu.memory_space<hbm>> -> memref<1x1x1x128xi32, #tpu.memory_space<hbm>>
      %dma_start3A_1961 = tpu.memref_squeeze %dma_start3A_1960 : memref<1x1x1x128xi32, #tpu.memory_space<hbm>> -> memref<128xi32, #tpu.memory_space<hbm>>
      tpu.enqueue_dma source(%dma_start3A_1961 : memref<128xi32, #tpu.memory_space<hbm>>) target(%dma_start3A_1958 : memref<128xi32, #tpu.memory_space<vmem>>) target_semaphore(%arg18 : memref<!tpu.dma_semaphore, #tpu.memory_space<semaphore_mem>>)
      %add3A_1962 = arith.constant 1 : i32
      %add3A_1963 = arith.addi %mul3A_2, %add3A_1962 : i32
      %dma_start3A_1964 = arith.constant 128 : i32
      %dma_start3A_1965 = tpu.memref_slice %arg8[%dma_start3A_1964] : memref<512xi32, #tpu.memory_space<vmem>> -> memref<128xi32, #tpu.memory_space<vmem>>
      %dma_start3A_1966 = arith.constant 0 : i32
      %dma_start3A_1967 = tpu.memref_slice %arg2[%select_n3A_1933, %add3A_1963, %select_n3A_1949, %dma_start3A_1966] : memref<25x128x8x128xi32, #tpu.memory_space<hbm>> -> memref<1x1x1x128xi32, #tpu.memory_space<hbm>>
      %dma_start3A_1968 = tpu.memref_squeeze %dma_start3A_1967 : memref<1x1x1x128xi32, #tpu.memory_space<hbm>> -> memref<128xi32, #tpu.memory_space<hbm>>
      %dma_start3A_1969 = arith.constant 128 : i32
      %dma_start3A_1970 = tpu.memref_slice %arg8[%dma_start3A_1969] : memref<512xi32, #tpu.memory_space<vmem>> -> memref<128xi32, #tpu.memory_space<vmem>>
      %dma_start3A_1971 = arith.constant 0 : i32
      %dma_start3A_1972 = tpu.memref_slice %arg2[%select_n3A_1933, %add3A_1963, %select_n3A_1949, %dma_start3A_1971] : memref<25x128x8x128xi32, #tpu.memory_space<hbm>> -> memref<1x1x1x128xi32, #tpu.memory_space<hbm>>
      %dma_start3A_1973 = tpu.memref_squeeze %dma_start3A_1972 : memref<1x1x1x128xi32, #tpu.memory_space<hbm>> -> memref<128xi32, #tpu.memory_space<hbm>>
      tpu.enqueue_dma source(%dma_start3A_1973 : memref<128xi32, #tpu.memory_space<hbm>>) target(%dma_start3A_1970 : memref<128xi32, #tpu.memory_space<vmem>>) target_semaphore(%arg18 : memref<!tpu.dma_semaphore, #tpu.memory_space<semaphore_mem>>)
      %add3A_1974 = arith.constant 2 : i32
      %add3A_1975 = arith.addi %mul3A_2, %add3A_1974 : i32
      %dma_start3A_1976 = arith.constant 256 : i32
      %dma_start3A_1977 = tpu.memref_slice %arg8[%dma_start3A_1976] : memref<512xi32, #tpu.memory_space<vmem>> -> memref<128xi32, #tpu.memory_space<vmem>>
      %dma_start3A_1978 = arith.constant 0 : i32
      %dma_start3A_1979 = tpu.memref_slice %arg2[%select_n3A_1933, %add3A_1975, %select_n3A_1949, %dma_start3A_1978] : memref<25x128x8x128xi32, #tpu.memory_space<hbm>> -> memref<1x1x1x128xi32, #tpu.memory_space<hbm>>
      %dma_start3A_1980 = tpu.memref_squeeze %dma_start3A_1979 : memref<1x1x1x128xi32, #tpu.memory_space<hbm>> -> memref<128xi32, #tpu.memory_space<hbm>>
      %dma_start3A_1981 = arith.constant 256 : i32
      %dma_start3A_1982 = tpu.memref_slice %arg8[%dma_start3A_1981] : memref<512xi32, #tpu.memory_space<vmem>> -> memref<128xi32, #tpu.memory_space<vmem>>
      %dma_start3A_1983 = arith.constant 0 : i32
      %dma_start3A_1984 = tpu.memref_slice %arg2[%select_n3A_1933, %add3A_1975, %select_n3A_1949, %dma_start3A_1983] : memref<25x128x8x128xi32, #tpu.memory_space<hbm>> -> memref<1x1x1x128xi32, #tpu.memory_space<hbm>>
      %dma_start3A_1985 = tpu.memref_squeeze %dma_start3A_1984 : memref<1x1x1x128xi32, #tpu.memory_space<hbm>> -> memref<128xi32, #tpu.memory_space<hbm>>
      tpu.enqueue_dma source(%dma_start3A_1985 : memref<128xi32, #tpu.memory_space<hbm>>) target(%dma_start3A_1982 : memref<128xi32, #tpu.memory_space<vmem>>) target_semaphore(%arg18 : memref<!tpu.dma_semaphore, #tpu.memory_space<semaphore_mem>>)
      %add3A_1986 = arith.constant 3 : i32
      %add3A_1987 = arith.addi %mul3A_2, %add3A_1986 : i32
      %dma_start3A_1988 = arith.constant 384 : i32
      %dma_start3A_1989 = tpu.memref_slice %arg8[%dma_start3A_1988] : memref<512xi32, #tpu.memory_space<vmem>> -> memref<128xi32, #tpu.memory_space<vmem>>
      %dma_start3A_1990 = arith.constant 0 : i32
      %dma_start3A_1991 = tpu.memref_slice %arg2[%select_n3A_1933, %add3A_1987, %select_n3A_1949, %dma_start3A_1990] : memref<25x128x8x128xi32, #tpu.memory_space<hbm>> -> memref<1x1x1x128xi32, #tpu.memory_space<hbm>>
      %dma_start3A_1992 = tpu.memref_squeeze %dma_start3A_1991 : memref<1x1x1x128xi32, #tpu.memory_space<hbm>> -> memref<128xi32, #tpu.memory_space<hbm>>
      %dma_start3A_1993 = arith.constant 384 : i32
      %dma_start3A_1994 = tpu.memref_slice %arg8[%dma_start3A_1993] : memref<512xi32, #tpu.memory_space<vmem>> -> memref<128xi32, #tpu.memory_space<vmem>>
      %dma_start3A_1995 = arith.constant 0 : i32
      %dma_start3A_1996 = tpu.memref_slice %arg2[%select_n3A_1933, %add3A_1987, %select_n3A_1949, %dma_start3A_1995] : memref<25x128x8x128xi32, #tpu.memory_space<hbm>> -> memref<1x1x1x128xi32, #tpu.memory_space<hbm>>
      %dma_start3A_1997 = tpu.memref_squeeze %dma_start3A_1996 : memref<1x1x1x128xi32, #tpu.memory_space<hbm>> -> memref<128xi32, #tpu.memory_space<hbm>>
      tpu.enqueue_dma source(%dma_start3A_1997 : memref<128xi32, #tpu.memory_space<hbm>>) target(%dma_start3A_1994 : memref<128xi32, #tpu.memory_space<vmem>>) target_semaphore(%arg18 : memref<!tpu.dma_semaphore, #tpu.memory_space<semaphore_mem>>)
      %scan3A_1998 = arith.constant 0 : i32
      %scan3A_1999 = arith.constant 0 : i32
      %scan3A_2000 = arith.constant 32 : i32
      %scan3A_2001 = arith.addi %scan3A_1999, %scan3A_2000 : i32
      %scan3A_2002 = arith.constant 1 : i32
      %scan3A_2003 = scf.for %scan3A_2220 = %scan3A_1999 to %scan3A_2001 step %scan3A_2002 iter_args(%scan3A_2221 = %scan3A_1998) -> (i32)  : i32 {
        %mul3A_2222 = arith.constant 16 : i32
        %mul3A_2223 = arith.muli %scan3A_2220, %mul3A_2222 : i32
        %add3A_2224 = vector.broadcast %mul3A_2223 : i32 to vector<16xi32>
        %add3A_2225 = arith.addi %iota3A, %add3A_2224 : vector<16xi32>
        %jit3A_2226 = arith.constant 8 : i32
        %eq3A_2227 = arith.constant 0 : i32
        %eq3A_2228 = arith.cmpi eq, %jit3A_2226, %eq3A_2227 : i32
        %jit3A_2229 = arith.constant 1 : i32
        %select_n3A_2230 = arith.select %eq3A_2228, %jit3A_2229, %jit3A_2226 : i32
        %rem3A_2231 = arith.remsi %scan3A_2220, %select_n3A_2230 : i32
        %ne3A_2232 = arith.constant 0 : i32
        %ne3A_2233 = arith.cmpi ne, %rem3A_2231, %ne3A_2232 : i32
        %lt3A_2234 = arith.constant 0 : i32
        %lt3A_2235 = arith.cmpi slt, %rem3A_2231, %lt3A_2234 : i32
        %lt3A_2236 = arith.constant 0 : i32
        %lt3A_2237 = arith.cmpi slt, %select_n3A_2230, %lt3A_2236 : i32
        %ne3A_2238 = arith.xori %lt3A_2235, %lt3A_2237 : i1
        %and3A_2239 = arith.andi %ne3A_2238, %ne3A_2233 : i1
        %add3A_2240 = arith.addi %rem3A_2231, %select_n3A_2230 : i32
        %select_n3A_2241 = arith.select %and3A_2239, %add3A_2240, %rem3A_2231 : i32
        %mul3A_2242 = arith.constant 16 : i32
        %mul3A_2243 = arith.muli %select_n3A_2241, %mul3A_2242 : i32
        %add3A_2244 = vector.broadcast %mul3A_2243 : i32 to vector<16xi32>
        %add3A_2245 = arith.addi %iota3A, %add3A_2244 : vector<16xi32>
        %jit3A_2246 = arith.constant 8 : i32
        %div3A_2247 = arith.divsi %scan3A_2220, %jit3A_2246 : i32
        %sign3A_2248 = arith.constant 0 : i32
        %sign3A_2249 = arith.cmpi sgt, %scan3A_2220, %sign3A_2248 : i32
        %sign3A_2250 = arith.extui %sign3A_2249 : i1 to i32
        %sign3A_2251 = arith.constant 0 : i32
        %sign3A_2252 = arith.cmpi slt, %scan3A_2220, %sign3A_2251 : i32
        %sign3A_2253 = arith.extui %sign3A_2252 : i1 to i32
        %sign3A_2254 = arith.subi %sign3A_2250, %sign3A_2253 : i32
        %sign3A_2255 = arith.constant 0 : i32
        %sign3A_2256 = arith.cmpi sgt, %jit3A_2246, %sign3A_2255 : i32
        %sign3A_2257 = arith.extui %sign3A_2256 : i1 to i32
        %sign3A_2258 = arith.constant 0 : i32
        %sign3A_2259 = arith.cmpi slt, %jit3A_2246, %sign3A_2258 : i32
        %sign3A_2260 = arith.extui %sign3A_2259 : i1 to i32
        %sign3A_2261 = arith.subi %sign3A_2257, %sign3A_2260 : i32
        %ne3A_2262 = arith.cmpi ne, %sign3A_2254, %sign3A_2261 : i32
        %rem3A_2263 = arith.remsi %scan3A_2220, %jit3A_2246 : i32
        %ne3A_2264 = arith.constant 0 : i32
        %ne3A_2265 = arith.cmpi ne, %rem3A_2263, %ne3A_2264 : i32
        %and3A_2266 = arith.andi %ne3A_2262, %ne3A_2265 : i1
        %sub3A_2267 = arith.constant 1 : i32
        %sub3A_2268 = arith.subi %div3A_2247, %sub3A_2267 : i32
        %select_n3A_2269 = arith.select %and3A_2266, %sub3A_2268, %div3A_2247 : i32
        %broadcast_in_dim3A = vector.broadcast %select_n3A_2269 : i32 to vector<16xi32>
        %gather3A = tpu.vector_load_idx %arg10[%add3A_2225, %select_n3A_20] : memref<512x16xf32, #tpu.memory_space<vmem>>[vector<16xi32>, vector<16xi32>], vector<16xf32>,
        tpu.vector_store_idx %arg14[%select_n3A_423, %broadcast_in_dim3A, %select_n3A_910, %add3A_2245], %gather3A : memref<2x4x8x128xf32, #tpu.memory_space<vmem>>[vector<16xi32>, vector<16xi32>, vector<16xi32>, vector<16xi32>], vector<16xf32>,
        %gather3A_2270 = tpu.vector_load_idx %arg10[%add3A_2225, %select_n3A_45] : memref<512x16xf32, #tpu.memory_space<vmem>>[vector<16xi32>, vector<16xi32>], vector<16xf32>,
        tpu.vector_store_idx %arg14[%select_n3A_454, %broadcast_in_dim3A, %select_n3A_932, %add3A_2245], %gather3A_2270 : memref<2x4x8x128xf32, #tpu.memory_space<vmem>>[vector<16xi32>, vector<16xi32>, vector<16xi32>, vector<16xi32>], vector<16xf32>,
        %gather3A_2271 = tpu.vector_load_idx %arg10[%add3A_2225, %select_n3A_70] : memref<512x16xf32, #tpu.memory_space<vmem>>[vector<16xi32>, vector<16xi32>], vector<16xf32>,
        tpu.vector_store_idx %arg14[%select_n3A_485, %broadcast_in_dim3A, %select_n3A_954, %add3A_2245], %gather3A_2271 : memref<2x4x8x128xf32, #tpu.memory_space<vmem>>[vector<16xi32>, vector<16xi32>, vector<16xi32>, vector<16xi32>], vector<16xf32>,
        %gather3A_2272 = tpu.vector_load_idx %arg10[%add3A_2225, %select_n3A_95] : memref<512x16xf32, #tpu.memory_space<vmem>>[vector<16xi32>, vector<16xi32>], vector<16xf32>,
        tpu.vector_store_idx %arg14[%select_n3A_516, %broadcast_in_dim3A, %select_n3A_976, %add3A_2245], %gather3A_2272 : memref<2x4x8x128xf32, #tpu.memory_space<vmem>>[vector<16xi32>, vector<16xi32>, vector<16xi32>, vector<16xi32>], vector<16xf32>,
        %gather3A_2273 = tpu.vector_load_idx %arg10[%add3A_2225, %select_n3A_120] : memref<512x16xf32, #tpu.memory_space<vmem>>[vector<16xi32>, vector<16xi32>], vector<16xf32>,
        tpu.vector_store_idx %arg14[%select_n3A_547, %broadcast_in_dim3A, %select_n3A_998, %add3A_2245], %gather3A_2273 : memref<2x4x8x128xf32, #tpu.memory_space<vmem>>[vector<16xi32>, vector<16xi32>, vector<16xi32>, vector<16xi32>], vector<16xf32>,
        %gather3A_2274 = tpu.vector_load_idx %arg10[%add3A_2225, %select_n3A_145] : memref<512x16xf32, #tpu.memory_space<vmem>>[vector<16xi32>, vector<16xi32>], vector<16xf32>,
        tpu.vector_store_idx %arg14[%select_n3A_578, %broadcast_in_dim3A, %select_n3A_1020, %add3A_2245], %gather3A_2274 : memref<2x4x8x128xf32, #tpu.memory_space<vmem>>[vector<16xi32>, vector<16xi32>, vector<16xi32>, vector<16xi32>], vector<16xf32>,
        %gather3A_2275 = tpu.vector_load_idx %arg10[%add3A_2225, %select_n3A_170] : memref<512x16xf32, #tpu.memory_space<vmem>>[vector<16xi32>, vector<16xi32>], vector<16xf32>,
        tpu.vector_store_idx %arg14[%select_n3A_609, %broadcast_in_dim3A, %select_n3A_1042, %add3A_2245], %gather3A_2275 : memref<2x4x8x128xf32, #tpu.memory_space<vmem>>[vector<16xi32>, vector<16xi32>, vector<16xi32>, vector<16xi32>], vector<16xf32>,
        %gather3A_2276 = tpu.vector_load_idx %arg10[%add3A_2225, %select_n3A_195] : memref<512x16xf32, #tpu.memory_space<vmem>>[vector<16xi32>, vector<16xi32>], vector<16xf32>,
        tpu.vector_store_idx %arg14[%select_n3A_640, %broadcast_in_dim3A, %select_n3A_1064, %add3A_2245], %gather3A_2276 : memref<2x4x8x128xf32, #tpu.memory_space<vmem>>[vector<16xi32>, vector<16xi32>, vector<16xi32>, vector<16xi32>], vector<16xf32>,
        %gather3A_2277 = tpu.vector_load_idx %arg10[%add3A_2225, %select_n3A_220] : memref<512x16xf32, #tpu.memory_space<vmem>>[vector<16xi32>, vector<16xi32>], vector<16xf32>,
        tpu.vector_store_idx %arg14[%select_n3A_671, %broadcast_in_dim3A, %select_n3A_1086, %add3A_2245], %gather3A_2277 : memref<2x4x8x128xf32, #tpu.memory_space<vmem>>[vector<16xi32>, vector<16xi32>, vector<16xi32>, vector<16xi32>], vector<16xf32>,
        %gather3A_2278 = tpu.vector_load_idx %arg10[%add3A_2225, %select_n3A_245] : memref<512x16xf32, #tpu.memory_space<vmem>>[vector<16xi32>, vector<16xi32>], vector<16xf32>,
        tpu.vector_store_idx %arg14[%select_n3A_702, %broadcast_in_dim3A, %select_n3A_1108, %add3A_2245], %gather3A_2278 : memref<2x4x8x128xf32, #tpu.memory_space<vmem>>[vector<16xi32>, vector<16xi32>, vector<16xi32>, vector<16xi32>], vector<16xf32>,
        %gather3A_2279 = tpu.vector_load_idx %arg10[%add3A_2225, %select_n3A_270] : memref<512x16xf32, #tpu.memory_space<vmem>>[vector<16xi32>, vector<16xi32>], vector<16xf32>,
        tpu.vector_store_idx %arg14[%select_n3A_733, %broadcast_in_dim3A, %select_n3A_1130, %add3A_2245], %gather3A_2279 : memref<2x4x8x128xf32, #tpu.memory_space<vmem>>[vector<16xi32>, vector<16xi32>, vector<16xi32>, vector<16xi32>], vector<16xf32>,
        %gather3A_2280 = tpu.vector_load_idx %arg10[%add3A_2225, %select_n3A_295] : memref<512x16xf32, #tpu.memory_space<vmem>>[vector<16xi32>, vector<16xi32>], vector<16xf32>,
        tpu.vector_store_idx %arg14[%select_n3A_764, %broadcast_in_dim3A, %select_n3A_1152, %add3A_2245], %gather3A_2280 : memref<2x4x8x128xf32, #tpu.memory_space<vmem>>[vector<16xi32>, vector<16xi32>, vector<16xi32>, vector<16xi32>], vector<16xf32>,
        %gather3A_2281 = tpu.vector_load_idx %arg10[%add3A_2225, %select_n3A_320] : memref<512x16xf32, #tpu.memory_space<vmem>>[vector<16xi32>, vector<16xi32>], vector<16xf32>,
        tpu.vector_store_idx %arg14[%select_n3A_795, %broadcast_in_dim3A, %select_n3A_1174, %add3A_2245], %gather3A_2281 : memref<2x4x8x128xf32, #tpu.memory_space<vmem>>[vector<16xi32>, vector<16xi32>, vector<16xi32>, vector<16xi32>], vector<16xf32>,
        %gather3A_2282 = tpu.vector_load_idx %arg10[%add3A_2225, %select_n3A_345] : memref<512x16xf32, #tpu.memory_space<vmem>>[vector<16xi32>, vector<16xi32>], vector<16xf32>,
        tpu.vector_store_idx %arg14[%select_n3A_826, %broadcast_in_dim3A, %select_n3A_1196, %add3A_2245], %gather3A_2282 : memref<2x4x8x128xf32, #tpu.memory_space<vmem>>[vector<16xi32>, vector<16xi32>, vector<16xi32>, vector<16xi32>], vector<16xf32>,
        %gather3A_2283 = tpu.vector_load_idx %arg10[%add3A_2225, %select_n3A_370] : memref<512x16xf32, #tpu.memory_space<vmem>>[vector<16xi32>, vector<16xi32>], vector<16xf32>,
        tpu.vector_store_idx %arg14[%select_n3A_857, %broadcast_in_dim3A, %select_n3A_1218, %add3A_2245], %gather3A_2283 : memref<2x4x8x128xf32, #tpu.memory_space<vmem>>[vector<16xi32>, vector<16xi32>, vector<16xi32>, vector<16xi32>], vector<16xf32>,
        %gather3A_2284 = tpu.vector_load_idx %arg10[%add3A_2225, %select_n3A_395] : memref<512x16xf32, #tpu.memory_space<vmem>>[vector<16xi32>, vector<16xi32>], vector<16xf32>,
        tpu.vector_store_idx %arg14[%select_n3A_888, %broadcast_in_dim3A, %select_n3A_1240, %add3A_2245], %gather3A_2284 : memref<2x4x8x128xf32, #tpu.memory_space<vmem>>[vector<16xi32>, vector<16xi32>, vector<16xi32>, vector<16xi32>], vector<16xf32>,
        %gather3A_2285 = tpu.vector_load_idx %arg12[%add3A_2225, %select_n3A_20] : memref<512x16xf32, #tpu.memory_space<vmem>>[vector<16xi32>, vector<16xi32>], vector<16xf32>,
        tpu.vector_store_idx %arg16[%select_n3A_423, %broadcast_in_dim3A, %select_n3A_910, %add3A_2245], %gather3A_2285 : memref<2x4x8x128xf32, #tpu.memory_space<vmem>>[vector<16xi32>, vector<16xi32>, vector<16xi32>, vector<16xi32>], vector<16xf32>,
        %gather3A_2286 = tpu.vector_load_idx %arg12[%add3A_2225, %select_n3A_45] : memref<512x16xf32, #tpu.memory_space<vmem>>[vector<16xi32>, vector<16xi32>], vector<16xf32>,
        tpu.vector_store_idx %arg16[%select_n3A_454, %broadcast_in_dim3A, %select_n3A_932, %add3A_2245], %gather3A_2286 : memref<2x4x8x128xf32, #tpu.memory_space<vmem>>[vector<16xi32>, vector<16xi32>, vector<16xi32>, vector<16xi32>], vector<16xf32>,
        %gather3A_2287 = tpu.vector_load_idx %arg12[%add3A_2225, %select_n3A_70] : memref<512x16xf32, #tpu.memory_space<vmem>>[vector<16xi32>, vector<16xi32>], vector<16xf32>,
        tpu.vector_store_idx %arg16[%select_n3A_485, %broadcast_in_dim3A, %select_n3A_954, %add3A_2245], %gather3A_2287 : memref<2x4x8x128xf32, #tpu.memory_space<vmem>>[vector<16xi32>, vector<16xi32>, vector<16xi32>, vector<16xi32>], vector<16xf32>,
        %gather3A_2288 = tpu.vector_load_idx %arg12[%add3A_2225, %select_n3A_95] : memref<512x16xf32, #tpu.memory_space<vmem>>[vector<16xi32>, vector<16xi32>], vector<16xf32>,
        tpu.vector_store_idx %arg16[%select_n3A_516, %broadcast_in_dim3A, %select_n3A_976, %add3A_2245], %gather3A_2288 : memref<2x4x8x128xf32, #tpu.memory_space<vmem>>[vector<16xi32>, vector<16xi32>, vector<16xi32>, vector<16xi32>], vector<16xf32>,
        %gather3A_2289 = tpu.vector_load_idx %arg12[%add3A_2225, %select_n3A_120] : memref<512x16xf32, #tpu.memory_space<vmem>>[vector<16xi32>, vector<16xi32>], vector<16xf32>,
        tpu.vector_store_idx %arg16[%select_n3A_547, %broadcast_in_dim3A, %select_n3A_998, %add3A_2245], %gather3A_2289 : memref<2x4x8x128xf32, #tpu.memory_space<vmem>>[vector<16xi32>, vector<16xi32>, vector<16xi32>, vector<16xi32>], vector<16xf32>,
        %gather3A_2290 = tpu.vector_load_idx %arg12[%add3A_2225, %select_n3A_145] : memref<512x16xf32, #tpu.memory_space<vmem>>[vector<16xi32>, vector<16xi32>], vector<16xf32>,
        tpu.vector_store_idx %arg16[%select_n3A_578, %broadcast_in_dim3A, %select_n3A_1020, %add3A_2245], %gather3A_2290 : memref<2x4x8x128xf32, #tpu.memory_space<vmem>>[vector<16xi32>, vector<16xi32>, vector<16xi32>, vector<16xi32>], vector<16xf32>,
        %gather3A_2291 = tpu.vector_load_idx %arg12[%add3A_2225, %select_n3A_170] : memref<512x16xf32, #tpu.memory_space<vmem>>[vector<16xi32>, vector<16xi32>], vector<16xf32>,
        tpu.vector_store_idx %arg16[%select_n3A_609, %broadcast_in_dim3A, %select_n3A_1042, %add3A_2245], %gather3A_2291 : memref<2x4x8x128xf32, #tpu.memory_space<vmem>>[vector<16xi32>, vector<16xi32>, vector<16xi32>, vector<16xi32>], vector<16xf32>,
        %gather3A_2292 = tpu.vector_load_idx %arg12[%add3A_2225, %select_n3A_195] : memref<512x16xf32, #tpu.memory_space<vmem>>[vector<16xi32>, vector<16xi32>], vector<16xf32>,
        tpu.vector_store_idx %arg16[%select_n3A_640, %broadcast_in_dim3A, %select_n3A_1064, %add3A_2245], %gather3A_2292 : memref<2x4x8x128xf32, #tpu.memory_space<vmem>>[vector<16xi32>, vector<16xi32>, vector<16xi32>, vector<16xi32>], vector<16xf32>,
        %gather3A_2293 = tpu.vector_load_idx %arg12[%add3A_2225, %select_n3A_220] : memref<512x16xf32, #tpu.memory_space<vmem>>[vector<16xi32>, vector<16xi32>], vector<16xf32>,
        tpu.vector_store_idx %arg16[%select_n3A_671, %broadcast_in_dim3A, %select_n3A_1086, %add3A_2245], %gather3A_2293 : memref<2x4x8x128xf32, #tpu.memory_space<vmem>>[vector<16xi32>, vector<16xi32>, vector<16xi32>, vector<16xi32>], vector<16xf32>,
        %gather3A_2294 = tpu.vector_load_idx %arg12[%add3A_2225, %select_n3A_245] : memref<512x16xf32, #tpu.memory_space<vmem>>[vector<16xi32>, vector<16xi32>], vector<16xf32>,
        tpu.vector_store_idx %arg16[%select_n3A_702, %broadcast_in_dim3A, %select_n3A_1108, %add3A_2245], %gather3A_2294 : memref<2x4x8x128xf32, #tpu.memory_space<vmem>>[vector<16xi32>, vector<16xi32>, vector<16xi32>, vector<16xi32>], vector<16xf32>,
        %gather3A_2295 = tpu.vector_load_idx %arg12[%add3A_2225, %select_n3A_270] : memref<512x16xf32, #tpu.memory_space<vmem>>[vector<16xi32>, vector<16xi32>], vector<16xf32>,
        tpu.vector_store_idx %arg16[%select_n3A_733, %broadcast_in_dim3A, %select_n3A_1130, %add3A_2245], %gather3A_2295 : memref<2x4x8x128xf32, #tpu.memory_space<vmem>>[vector<16xi32>, vector<16xi32>, vector<16xi32>, vector<16xi32>], vector<16xf32>,
        %gather3A_2296 = tpu.vector_load_idx %arg12[%add3A_2225, %select_n3A_295] : memref<512x16xf32, #tpu.memory_space<vmem>>[vector<16xi32>, vector<16xi32>], vector<16xf32>,
        tpu.vector_store_idx %arg16[%select_n3A_764, %broadcast_in_dim3A, %select_n3A_1152, %add3A_2245], %gather3A_2296 : memref<2x4x8x128xf32, #tpu.memory_space<vmem>>[vector<16xi32>, vector<16xi32>, vector<16xi32>, vector<16xi32>], vector<16xf32>,
        %gather3A_2297 = tpu.vector_load_idx %arg12[%add3A_2225, %select_n3A_320] : memref<512x16xf32, #tpu.memory_space<vmem>>[vector<16xi32>, vector<16xi32>], vector<16xf32>,
        tpu.vector_store_idx %arg16[%select_n3A_795, %broadcast_in_dim3A, %select_n3A_1174, %add3A_2245], %gather3A_2297 : memref<2x4x8x128xf32, #tpu.memory_space<vmem>>[vector<16xi32>, vector<16xi32>, vector<16xi32>, vector<16xi32>], vector<16xf32>,
        %gather3A_2298 = tpu.vector_load_idx %arg12[%add3A_2225, %select_n3A_345] : memref<512x16xf32, #tpu.memory_space<vmem>>[vector<16xi32>, vector<16xi32>], vector<16xf32>,
        tpu.vector_store_idx %arg16[%select_n3A_826, %broadcast_in_dim3A, %select_n3A_1196, %add3A_2245], %gather3A_2298 : memref<2x4x8x128xf32, #tpu.memory_space<vmem>>[vector<16xi32>, vector<16xi32>, vector<16xi32>, vector<16xi32>], vector<16xf32>,
        %gather3A_2299 = tpu.vector_load_idx %arg12[%add3A_2225, %select_n3A_370] : memref<512x16xf32, #tpu.memory_space<vmem>>[vector<16xi32>, vector<16xi32>], vector<16xf32>,
        tpu.vector_store_idx %arg16[%select_n3A_857, %broadcast_in_dim3A, %select_n3A_1218, %add3A_2245], %gather3A_2299 : memref<2x4x8x128xf32, #tpu.memory_space<vmem>>[vector<16xi32>, vector<16xi32>, vector<16xi32>, vector<16xi32>], vector<16xf32>,
        %gather3A_2300 = tpu.vector_load_idx %arg12[%add3A_2225, %select_n3A_395] : memref<512x16xf32, #tpu.memory_space<vmem>>[vector<16xi32>, vector<16xi32>], vector<16xf32>,
        tpu.vector_store_idx %arg16[%select_n3A_888, %broadcast_in_dim3A, %select_n3A_1240, %add3A_2245], %gather3A_2300 : memref<2x4x8x128xf32, #tpu.memory_space<vmem>>[vector<16xi32>, vector<16xi32>, vector<16xi32>, vector<16xi32>], vector<16xf32>,
        %scan3A_2301 = arith.constant 0 : i32
        scf.yield %scan3A_2301 : i32
      }
      %scan3A_2004 = arith.constant 32 : i32
      %dma_start3A_2005 = arith.constant 0 : i32
      %dma_start3A_2006 = arith.constant 0 : i32
      %dma_start3A_2007 = arith.constant 0 : i32
      %dma_start3A_2008 = tpu.memref_slice %arg5[%mul3A_1852, %dma_start3A_2005, %mul3A_2, %dma_start3A_2006, %dma_start3A_2007] : memref<200x2x128x8x128xf32, #tpu.memory_space<hbm>> -> memref<1x2x4x8x128xf32, #tpu.memory_space<hbm>>
      %dma_start3A_2009 = tpu.memref_squeeze %dma_start3A_2008 : memref<1x2x4x8x128xf32, #tpu.memory_space<hbm>> -> memref<2x4x8x128xf32, #tpu.memory_space<hbm>>
      %dma_start3A_2010 = arith.constant 0 : i32
      %dma_start3A_2011 = arith.constant 0 : i32
      %dma_start3A_2012 = arith.constant 0 : i32
      %dma_start3A_2013 = tpu.memref_slice %arg5[%mul3A_1852, %dma_start3A_2010, %mul3A_2, %dma_start3A_2011, %dma_start3A_2012] : memref<200x2x128x8x128xf32, #tpu.memory_space<hbm>> -> memref<1x2x4x8x128xf32, #tpu.memory_space<hbm>>
      %dma_start3A_2014 = tpu.memref_squeeze %dma_start3A_2013 : memref<1x2x4x8x128xf32, #tpu.memory_space<hbm>> -> memref<2x4x8x128xf32, #tpu.memory_space<hbm>>
      tpu.enqueue_dma source(%arg14 : memref<2x4x8x128xf32, #tpu.memory_space<vmem>>) target(%dma_start3A_2014 : memref<2x4x8x128xf32, #tpu.memory_space<hbm>>) target_semaphore(%arg24 : memref<!tpu.dma_semaphore, #tpu.memory_space<semaphore_mem>>)
      %dma_start3A_2015 = arith.constant 0 : i32
      %dma_start3A_2016 = arith.constant 0 : i32
      %dma_start3A_2017 = arith.constant 0 : i32
      %dma_start3A_2018 = tpu.memref_slice %arg6[%mul3A_1852, %dma_start3A_2015, %mul3A_2, %dma_start3A_2016, %dma_start3A_2017] : memref<200x2x128x8x128xf32, #tpu.memory_space<hbm>> -> memref<1x2x4x8x128xf32, #tpu.memory_space<hbm>>
      %dma_start3A_2019 = tpu.memref_squeeze %dma_start3A_2018 : memref<1x2x4x8x128xf32, #tpu.memory_space<hbm>> -> memref<2x4x8x128xf32, #tpu.memory_space<hbm>>
      %dma_start3A_2020 = arith.constant 0 : i32
      %dma_start3A_2021 = arith.constant 0 : i32
      %dma_start3A_2022 = arith.constant 0 : i32
      %dma_start3A_2023 = tpu.memref_slice %arg6[%mul3A_1852, %dma_start3A_2020, %mul3A_2, %dma_start3A_2021, %dma_start3A_2022] : memref<200x2x128x8x128xf32, #tpu.memory_space<hbm>> -> memref<1x2x4x8x128xf32, #tpu.memory_space<hbm>>
      %dma_start3A_2024 = tpu.memref_squeeze %dma_start3A_2023 : memref<1x2x4x8x128xf32, #tpu.memory_space<hbm>> -> memref<2x4x8x128xf32, #tpu.memory_space<hbm>>
      tpu.enqueue_dma source(%arg14 : memref<2x4x8x128xf32, #tpu.memory_space<vmem>>) target(%dma_start3A_2024 : memref<2x4x8x128xf32, #tpu.memory_space<hbm>>) target_semaphore(%arg26 : memref<!tpu.dma_semaphore, #tpu.memory_space<semaphore_mem>>)
      %dma_start3A_2025 = arith.constant 0 : i32
      %dma_start3A_2026 = arith.constant 0 : i32
      %dma_start3A_2027 = arith.constant 0 : i32
      %dma_start3A_2028 = tpu.memref_slice %arg7[%mul3A_1852, %dma_start3A_2025, %mul3A_2, %dma_start3A_2026, %dma_start3A_2027] : memref<200x2x128x8x128xf32, #tpu.memory_space<hbm>> -> memref<1x2x4x8x128xf32, #tpu.memory_space<hbm>>
      %dma_start3A_2029 = tpu.memref_squeeze %dma_start3A_2028 : memref<1x2x4x8x128xf32, #tpu.memory_space<hbm>> -> memref<2x4x8x128xf32, #tpu.memory_space<hbm>>
      %dma_start3A_2030 = arith.constant 0 : i32
      %dma_start3A_2031 = arith.constant 0 : i32
      %dma_start3A_2032 = arith.constant 0 : i32
      %dma_start3A_2033 = tpu.memref_slice %arg7[%mul3A_1852, %dma_start3A_2030, %mul3A_2, %dma_start3A_2031, %dma_start3A_2032] : memref<200x2x128x8x128xf32, #tpu.memory_space<hbm>> -> memref<1x2x4x8x128xf32, #tpu.memory_space<hbm>>
      %dma_start3A_2034 = tpu.memref_squeeze %dma_start3A_2033 : memref<1x2x4x8x128xf32, #tpu.memory_space<hbm>> -> memref<2x4x8x128xf32, #tpu.memory_space<hbm>>
      tpu.enqueue_dma source(%arg16 : memref<2x4x8x128xf32, #tpu.memory_space<vmem>>) target(%dma_start3A_2034 : memref<2x4x8x128xf32, #tpu.memory_space<hbm>>) target_semaphore(%arg28 : memref<!tpu.dma_semaphore, #tpu.memory_space<semaphore_mem>>)
      %add3A_2035 = arith.constant 1 : i32
      %add3A_2036 = arith.addi %mul3A_1852, %add3A_2035 : i32
      %dma_wait3A_2037 = arith.constant 0 : i32
      %dma_wait3A_2038 = arith.constant 0 : i32
      %dma_wait3A_2039 = tpu.memref_slice %arg3[%dma_wait3A_2037, %dma_wait3A_2038] : memref<1000000x16xf32, #tpu.memory_space<hbm>> -> memref<1000000x16xf32, #tpu.memory_space<hbm>>
      tpu.wait_indirect_dma semaphore(%arg21 : memref<!tpu.dma_semaphore, #tpu.memory_space<semaphore_mem>>) src(%dma_wait3A_2039 : memref<1000000x16xf32, #tpu.memory_space<hbm>>) dst(%arg11 : memref<512x16xf32, #tpu.memory_space<vmem>>)
      %dma_wait3A_2040 = arith.constant 0 : i32
      %dma_wait3A_2041 = arith.constant 0 : i32
      %dma_wait3A_2042 = tpu.memref_slice %arg4[%dma_wait3A_2040, %dma_wait3A_2041] : memref<1000000x16xf32, #tpu.memory_space<hbm>> -> memref<1000000x16xf32, #tpu.memory_space<hbm>>
      tpu.wait_indirect_dma semaphore(%arg23 : memref<!tpu.dma_semaphore, #tpu.memory_space<semaphore_mem>>) src(%dma_wait3A_2042 : memref<1000000x16xf32, #tpu.memory_space<hbm>>) dst(%arg13 : memref<512x16xf32, #tpu.memory_space<vmem>>)
      %dma_wait3A_2043 = arith.constant 0 : i32
      %dma_wait3A_2044 = arith.constant 0 : i32
      %dma_wait3A_2045 = arith.constant 0 : i32
      %dma_wait3A_2046 = arith.constant 0 : i32
      %dma_wait3A_2047 = tpu.memref_slice %arg2[%dma_wait3A_2043, %dma_wait3A_2045, %dma_wait3A_2044, %dma_wait3A_2046] : memref<25x128x8x128xi32, #tpu.memory_space<hbm>> -> memref<1x4x1x128xi32, #tpu.memory_space<hbm>>
      %dma_wait3A_2048 = tpu.memref_squeeze %dma_wait3A_2047 : memref<1x4x1x128xi32, #tpu.memory_space<hbm>> -> memref<4x128xi32, #tpu.memory_space<hbm>>
      %dma_wait3A_2049 = arith.constant 0 : i32
      %dma_wait3A_2050 = arith.constant 0 : i32
      %dma_wait3A_2051 = tpu.memref_slice %arg2[%dma_wait3A_2043, %dma_wait3A_2049, %dma_wait3A_2044, %dma_wait3A_2050] : memref<25x128x8x128xi32, #tpu.memory_space<hbm>> -> memref<1x4x1x128xi32, #tpu.memory_space<hbm>>
      %dma_wait3A_2052 = tpu.memref_squeeze %dma_wait3A_2051 : memref<1x4x1x128xi32, #tpu.memory_space<hbm>> -> memref<4x128xi32, #tpu.memory_space<hbm>>
      tpu.wait_dma2 semaphore(%arg18 : memref<!tpu.dma_semaphore, #tpu.memory_space<semaphore_mem>>) src(%dma_wait3A_2052 : memref<4x128xi32, #tpu.memory_space<hbm>>) dst(%arg8 : memref<512xi32, #tpu.memory_space<vmem>>)
      %dma_start3A_2053 = arith.constant 0 : i32
      %dma_start3A_2054 = arith.constant 0 : i32
      %dma_start3A_2055 = tpu.memref_slice %arg3[%dma_start3A_2053, %dma_start3A_2054] : memref<1000000x16xf32, #tpu.memory_space<hbm>> -> memref<1000000x16xf32, #tpu.memory_space<hbm>>
      tpu.enqueue_indirect_dma source(%dma_start3A_2055 : memref<1000000x16xf32, #tpu.memory_space<hbm>>) target(%arg10 : memref<512x16xf32, #tpu.memory_space<vmem>>) offsets(%arg8 : memref<512xi32, #tpu.memory_space<vmem>>) semaphore(%arg20 : memref<!tpu.dma_semaphore, #tpu.memory_space<semaphore_mem>>)
      %dma_start3A_2056 = arith.constant 0 : i32
      %dma_start3A_2057 = arith.constant 0 : i32
      %dma_start3A_2058 = tpu.memref_slice %arg4[%dma_start3A_2056, %dma_start3A_2057] : memref<1000000x16xf32, #tpu.memory_space<hbm>> -> memref<1000000x16xf32, #tpu.memory_space<hbm>>
      tpu.enqueue_indirect_dma source(%dma_start3A_2058 : memref<1000000x16xf32, #tpu.memory_space<hbm>>) target(%arg12 : memref<512x16xf32, #tpu.memory_space<vmem>>) offsets(%arg8 : memref<512xi32, #tpu.memory_space<vmem>>) semaphore(%arg22 : memref<!tpu.dma_semaphore, #tpu.memory_space<semaphore_mem>>)
      %dma_wait3A_2059 = arith.constant 0 : i32
      %dma_wait3A_2060 = arith.constant 0 : i32
      %dma_wait3A_2061 = arith.constant 0 : i32
      %dma_wait3A_2062 = arith.constant 0 : i32
      %dma_wait3A_2063 = tpu.memref_slice %arg5[%dma_wait3A_2059, %dma_wait3A_2060, %mul3A_2, %dma_wait3A_2061, %dma_wait3A_2062] : memref<200x2x128x8x128xf32, #tpu.memory_space<hbm>> -> memref<1x2x4x8x128xf32, #tpu.memory_space<hbm>>
      %dma_wait3A_2064 = tpu.memref_squeeze %dma_wait3A_2063 : memref<1x2x4x8x128xf32, #tpu.memory_space<hbm>> -> memref<2x4x8x128xf32, #tpu.memory_space<hbm>>
      %dma_wait3A_2065 = arith.constant 0 : i32
      %dma_wait3A_2066 = arith.constant 0 : i32
      %dma_wait3A_2067 = arith.constant 0 : i32
      %dma_wait3A_2068 = tpu.memref_slice %arg5[%dma_wait3A_2059, %dma_wait3A_2065, %mul3A_2, %dma_wait3A_2066, %dma_wait3A_2067] : memref<200x2x128x8x128xf32, #tpu.memory_space<hbm>> -> memref<1x2x4x8x128xf32, #tpu.memory_space<hbm>>
      %dma_wait3A_2069 = tpu.memref_squeeze %dma_wait3A_2068 : memref<1x2x4x8x128xf32, #tpu.memory_space<hbm>> -> memref<2x4x8x128xf32, #tpu.memory_space<hbm>>
      tpu.wait_dma2 semaphore(%arg25 : memref<!tpu.dma_semaphore, #tpu.memory_space<semaphore_mem>>) src(%arg15 : memref<2x4x8x128xf32, #tpu.memory_space<vmem>>) dst(%dma_wait3A_2069 : memref<2x4x8x128xf32, #tpu.memory_space<hbm>>)
      %dma_wait3A_2070 = arith.constant 0 : i32
      %dma_wait3A_2071 = arith.constant 0 : i32
      %dma_wait3A_2072 = arith.constant 0 : i32
      %dma_wait3A_2073 = arith.constant 0 : i32
      %dma_wait3A_2074 = tpu.memref_slice %arg6[%dma_wait3A_2070, %dma_wait3A_2071, %mul3A_2, %dma_wait3A_2072, %dma_wait3A_2073] : memref<200x2x128x8x128xf32, #tpu.memory_space<hbm>> -> memref<1x2x4x8x128xf32, #tpu.memory_space<hbm>>
      %dma_wait3A_2075 = tpu.memref_squeeze %dma_wait3A_2074 : memref<1x2x4x8x128xf32, #tpu.memory_space<hbm>> -> memref<2x4x8x128xf32, #tpu.memory_space<hbm>>
      %dma_wait3A_2076 = arith.constant 0 : i32
      %dma_wait3A_2077 = arith.constant 0 : i32
      %dma_wait3A_2078 = arith.constant 0 : i32
      %dma_wait3A_2079 = tpu.memref_slice %arg6[%dma_wait3A_2070, %dma_wait3A_2076, %mul3A_2, %dma_wait3A_2077, %dma_wait3A_2078] : memref<200x2x128x8x128xf32, #tpu.memory_space<hbm>> -> memref<1x2x4x8x128xf32, #tpu.memory_space<hbm>>
      %dma_wait3A_2080 = tpu.memref_squeeze %dma_wait3A_2079 : memref<1x2x4x8x128xf32, #tpu.memory_space<hbm>> -> memref<2x4x8x128xf32, #tpu.memory_space<hbm>>
      tpu.wait_dma2 semaphore(%arg27 : memref<!tpu.dma_semaphore, #tpu.memory_space<semaphore_mem>>) src(%arg15 : memref<2x4x8x128xf32, #tpu.memory_space<vmem>>) dst(%dma_wait3A_2080 : memref<2x4x8x128xf32, #tpu.memory_space<hbm>>)
      %dma_wait3A_2081 = arith.constant 0 : i32
      %dma_wait3A_2082 = arith.constant 0 : i32
      %dma_wait3A_2083 = arith.constant 0 : i32
      %dma_wait3A_2084 = arith.constant 0 : i32
      %dma_wait3A_2085 = tpu.memref_slice %arg7[%dma_wait3A_2081, %dma_wait3A_2082, %mul3A_2, %dma_wait3A_2083, %dma_wait3A_2084] : memref<200x2x128x8x128xf32, #tpu.memory_space<hbm>> -> memref<1x2x4x8x128xf32, #tpu.memory_space<hbm>>
      %dma_wait3A_2086 = tpu.memref_squeeze %dma_wait3A_2085 : memref<1x2x4x8x128xf32, #tpu.memory_space<hbm>> -> memref<2x4x8x128xf32, #tpu.memory_space<hbm>>
      %dma_wait3A_2087 = arith.constant 0 : i32
      %dma_wait3A_2088 = arith.constant 0 : i32
      %dma_wait3A_2089 = arith.constant 0 : i32
      %dma_wait3A_2090 = tpu.memref_slice %arg7[%dma_wait3A_2081, %dma_wait3A_2087, %mul3A_2, %dma_wait3A_2088, %dma_wait3A_2089] : memref<200x2x128x8x128xf32, #tpu.memory_space<hbm>> -> memref<1x2x4x8x128xf32, #tpu.memory_space<hbm>>
      %dma_wait3A_2091 = tpu.memref_squeeze %dma_wait3A_2090 : memref<1x2x4x8x128xf32, #tpu.memory_space<hbm>> -> memref<2x4x8x128xf32, #tpu.memory_space<hbm>>
      tpu.wait_dma2 semaphore(%arg29 : memref<!tpu.dma_semaphore, #tpu.memory_space<semaphore_mem>>) src(%arg17 : memref<2x4x8x128xf32, #tpu.memory_space<vmem>>) dst(%dma_wait3A_2091 : memref<2x4x8x128xf32, #tpu.memory_space<hbm>>)
      %add3A_2092 = arith.constant 2 : i32
      %add3A_2093 = arith.addi %add3A_2036, %add3A_2092 : i32
      %jit3A_2094 = arith.constant 8 : i32
      %div3A_2095 = arith.divsi %add3A_2093, %jit3A_2094 : i32
      %sign3A_2096 = arith.constant 0 : i32
      %sign3A_2097 = arith.cmpi sgt, %add3A_2093, %sign3A_2096 : i32
      %sign3A_2098 = arith.extui %sign3A_2097 : i1 to i32
      %sign3A_2099 = arith.constant 0 : i32
      %sign3A_2100 = arith.cmpi slt, %add3A_2093, %sign3A_2099 : i32
      %sign3A_2101 = arith.extui %sign3A_2100 : i1 to i32
      %sign3A_2102 = arith.subi %sign3A_2098, %sign3A_2101 : i32
      %sign3A_2103 = arith.constant 0 : i32
      %sign3A_2104 = arith.cmpi sgt, %jit3A_2094, %sign3A_2103 : i32
      %sign3A_2105 = arith.extui %sign3A_2104 : i1 to i32
      %sign3A_2106 = arith.constant 0 : i32
      %sign3A_2107 = arith.cmpi slt, %jit3A_2094, %sign3A_2106 : i32
      %sign3A_2108 = arith.extui %sign3A_2107 : i1 to i32
      %sign3A_2109 = arith.subi %sign3A_2105, %sign3A_2108 : i32
      %ne3A_2110 = arith.cmpi ne, %sign3A_2102, %sign3A_2109 : i32
      %rem3A_2111 = arith.remsi %add3A_2093, %jit3A_2094 : i32
      %ne3A_2112 = arith.constant 0 : i32
      %ne3A_2113 = arith.cmpi ne, %rem3A_2111, %ne3A_2112 : i32
      %and3A_2114 = arith.andi %ne3A_2110, %ne3A_2113 : i1
      %sub3A_2115 = arith.constant 1 : i32
      %sub3A_2116 = arith.subi %div3A_2095, %sub3A_2115 : i32
      %select_n3A_2117 = arith.select %and3A_2114, %sub3A_2116, %div3A_2095 : i32
      %jit3A_2118 = arith.constant 8 : i32
      %eq3A_2119 = arith.constant 0 : i32
      %eq3A_2120 = arith.cmpi eq, %jit3A_2118, %eq3A_2119 : i32
      %jit3A_2121 = arith.constant 1 : i32
      %select_n3A_2122 = arith.select %eq3A_2120, %jit3A_2121, %jit3A_2118 : i32
      %rem3A_2123 = arith.remsi %add3A_2093, %select_n3A_2122 : i32
      %ne3A_2124 = arith.constant 0 : i32
      %ne3A_2125 = arith.cmpi ne, %rem3A_2123, %ne3A_2124 : i32
      %lt3A_2126 = arith.constant 0 : i32
      %lt3A_2127 = arith.cmpi slt, %rem3A_2123, %lt3A_2126 : i32
      %lt3A_2128 = arith.constant 0 : i32
      %lt3A_2129 = arith.cmpi slt, %select_n3A_2122, %lt3A_2128 : i32
      %ne3A_2130 = arith.xori %lt3A_2127, %lt3A_2129 : i1
      %and3A_2131 = arith.andi %ne3A_2130, %ne3A_2125 : i1
      %add3A_2132 = arith.addi %rem3A_2123, %select_n3A_2122 : i32
      %select_n3A_2133 = arith.select %and3A_2131, %add3A_2132, %rem3A_2123 : i32
      %add3A_2134 = arith.constant 0 : i32
      %add3A_2135 = arith.addi %mul3A_2, %add3A_2134 : i32
      %dma_start3A_2136 = arith.constant 0 : i32
      %dma_start3A_2137 = tpu.memref_slice %arg9[%dma_start3A_2136] : memref<512xi32, #tpu.memory_space<vmem>> -> memref<128xi32, #tpu.memory_space<vmem>>
      %dma_start3A_2138 = arith.constant 0 : i32
      %dma_start3A_2139 = tpu.memref_slice %arg2[%select_n3A_2117, %add3A_2135, %select_n3A_2133, %dma_start3A_2138] : memref<25x128x8x128xi32, #tpu.memory_space<hbm>> -> memref<1x1x1x128xi32, #tpu.memory_space<hbm>>
      %dma_start3A_2140 = tpu.memref_squeeze %dma_start3A_2139 : memref<1x1x1x128xi32, #tpu.memory_space<hbm>> -> memref<128xi32, #tpu.memory_space<hbm>>
      %dma_start3A_2141 = arith.constant 0 : i32
      %dma_start3A_2142 = tpu.memref_slice %arg9[%dma_start3A_2141] : memref<512xi32, #tpu.memory_space<vmem>> -> memref<128xi32, #tpu.memory_space<vmem>>
      %dma_start3A_2143 = arith.constant 0 : i32
      %dma_start3A_2144 = tpu.memref_slice %arg2[%select_n3A_2117, %add3A_2135, %select_n3A_2133, %dma_start3A_2143] : memref<25x128x8x128xi32, #tpu.memory_space<hbm>> -> memref<1x1x1x128xi32, #tpu.memory_space<hbm>>
      %dma_start3A_2145 = tpu.memref_squeeze %dma_start3A_2144 : memref<1x1x1x128xi32, #tpu.memory_space<hbm>> -> memref<128xi32, #tpu.memory_space<hbm>>
      tpu.enqueue_dma source(%dma_start3A_2145 : memref<128xi32, #tpu.memory_space<hbm>>) target(%dma_start3A_2142 : memref<128xi32, #tpu.memory_space<vmem>>) target_semaphore(%arg19 : memref<!tpu.dma_semaphore, #tpu.memory_space<semaphore_mem>>)
      %add3A_2146 = arith.constant 1 : i32
      %add3A_2147 = arith.addi %mul3A_2, %add3A_2146 : i32
      %dma_start3A_2148 = arith.constant 128 : i32
      %dma_start3A_2149 = tpu.memref_slice %arg9[%dma_start3A_2148] : memref<512xi32, #tpu.memory_space<vmem>> -> memref<128xi32, #tpu.memory_space<vmem>>
      %dma_start3A_2150 = arith.constant 0 : i32
      %dma_start3A_2151 = tpu.memref_slice %arg2[%select_n3A_2117, %add3A_2147, %select_n3A_2133, %dma_start3A_2150] : memref<25x128x8x128xi32, #tpu.memory_space<hbm>> -> memref<1x1x1x128xi32, #tpu.memory_space<hbm>>
      %dma_start3A_2152 = tpu.memref_squeeze %dma_start3A_2151 : memref<1x1x1x128xi32, #tpu.memory_space<hbm>> -> memref<128xi32, #tpu.memory_space<hbm>>
      %dma_start3A_2153 = arith.constant 128 : i32
      %dma_start3A_2154 = tpu.memref_slice %arg9[%dma_start3A_2153] : memref<512xi32, #tpu.memory_space<vmem>> -> memref<128xi32, #tpu.memory_space<vmem>>
      %dma_start3A_2155 = arith.constant 0 : i32
      %dma_start3A_2156 = tpu.memref_slice %arg2[%select_n3A_2117, %add3A_2147, %select_n3A_2133, %dma_start3A_2155] : memref<25x128x8x128xi32, #tpu.memory_space<hbm>> -> memref<1x1x1x128xi32, #tpu.memory_space<hbm>>
      %dma_start3A_2157 = tpu.memref_squeeze %dma_start3A_2156 : memref<1x1x1x128xi32, #tpu.memory_space<hbm>> -> memref<128xi32, #tpu.memory_space<hbm>>
      tpu.enqueue_dma source(%dma_start3A_2157 : memref<128xi32, #tpu.memory_space<hbm>>) target(%dma_start3A_2154 : memref<128xi32, #tpu.memory_space<vmem>>) target_semaphore(%arg19 : memref<!tpu.dma_semaphore, #tpu.memory_space<semaphore_mem>>)
      %add3A_2158 = arith.constant 2 : i32
      %add3A_2159 = arith.addi %mul3A_2, %add3A_2158 : i32
      %dma_start3A_2160 = arith.constant 256 : i32
      %dma_start3A_2161 = tpu.memref_slice %arg9[%dma_start3A_2160] : memref<512xi32, #tpu.memory_space<vmem>> -> memref<128xi32, #tpu.memory_space<vmem>>
      %dma_start3A_2162 = arith.constant 0 : i32
      %dma_start3A_2163 = tpu.memref_slice %arg2[%select_n3A_2117, %add3A_2159, %select_n3A_2133, %dma_start3A_2162] : memref<25x128x8x128xi32, #tpu.memory_space<hbm>> -> memref<1x1x1x128xi32, #tpu.memory_space<hbm>>
      %dma_start3A_2164 = tpu.memref_squeeze %dma_start3A_2163 : memref<1x1x1x128xi32, #tpu.memory_space<hbm>> -> memref<128xi32, #tpu.memory_space<hbm>>
      %dma_start3A_2165 = arith.constant 256 : i32
      %dma_start3A_2166 = tpu.memref_slice %arg9[%dma_start3A_2165] : memref<512xi32, #tpu.memory_space<vmem>> -> memref<128xi32, #tpu.memory_space<vmem>>
      %dma_start3A_2167 = arith.constant 0 : i32
      %dma_start3A_2168 = tpu.memref_slice %arg2[%select_n3A_2117, %add3A_2159, %select_n3A_2133, %dma_start3A_2167] : memref<25x128x8x128xi32, #tpu.memory_space<hbm>> -> memref<1x1x1x128xi32, #tpu.memory_space<hbm>>
      %dma_start3A_2169 = tpu.memref_squeeze %dma_start3A_2168 : memref<1x1x1x128xi32, #tpu.memory_space<hbm>> -> memref<128xi32, #tpu.memory_space<hbm>>
      tpu.enqueue_dma source(%dma_start3A_2169 : memref<128xi32, #tpu.memory_space<hbm>>) target(%dma_start3A_2166 : memref<128xi32, #tpu.memory_space<vmem>>) target_semaphore(%arg19 : memref<!tpu.dma_semaphore, #tpu.memory_space<semaphore_mem>>)
      %add3A_2170 = arith.constant 3 : i32
      %add3A_2171 = arith.addi %mul3A_2, %add3A_2170 : i32
      %dma_start3A_2172 = arith.constant 384 : i32
      %dma_start3A_2173 = tpu.memref_slice %arg9[%dma_start3A_2172] : memref<512xi32, #tpu.memory_space<vmem>> -> memref<128xi32, #tpu.memory_space<vmem>>
      %dma_start3A_2174 = arith.constant 0 : i32
      %dma_start3A_2175 = tpu.memref_slice %arg2[%select_n3A_2117, %add3A_2171, %select_n3A_2133, %dma_start3A_2174] : memref<25x128x8x128xi32, #tpu.memory_space<hbm>> -> memref<1x1x1x128xi32, #tpu.memory_space<hbm>>
      %dma_start3A_2176 = tpu.memref_squeeze %dma_start3A_2175 : memref<1x1x1x128xi32, #tpu.memory_space<hbm>> -> memref<128xi32, #tpu.memory_space<hbm>>
      %dma_start3A_2177 = arith.constant 384 : i32
      %dma_start3A_2178 = tpu.memref_slice %arg9[%dma_start3A_2177] : memref<512xi32, #tpu.memory_space<vmem>> -> memref<128xi32, #tpu.memory_space<vmem>>
      %dma_start3A_2179 = arith.constant 0 : i32
      %dma_start3A_2180 = tpu.memref_slice %arg2[%select_n3A_2117, %add3A_2171, %select_n3A_2133, %dma_start3A_2179] : memref<25x128x8x128xi32, #tpu.memory_space<hbm>> -> memref<1x1x1x128xi32, #tpu.memory_space<hbm>>
      %dma_start3A_2181 = tpu.memref_squeeze %dma_start3A_2180 : memref<1x1x1x128xi32, #tpu.memory_space<hbm>> -> memref<128xi32, #tpu.memory_space<hbm>>
      tpu.enqueue_dma source(%dma_start3A_2181 : memref<128xi32, #tpu.memory_space<hbm>>) target(%dma_start3A_2178 : memref<128xi32, #tpu.memory_space<vmem>>) target_semaphore(%arg19 : memref<!tpu.dma_semaphore, #tpu.memory_space<semaphore_mem>>)
      %scan3A_2182 = arith.constant 0 : i32
      %scan3A_2183 = arith.constant 0 : i32
      %scan3A_2184 = arith.constant 32 : i32
      %scan3A_2185 = arith.addi %scan3A_2183, %scan3A_2184 : i32
      %scan3A_2186 = arith.constant 1 : i32
      %scan3A_2187 = scf.for %scan3A_2220 = %scan3A_2183 to %scan3A_2185 step %scan3A_2186 iter_args(%scan3A_2221 = %scan3A_2182) -> (i32)  : i32 {
        %mul3A_2222 = arith.constant 16 : i32
        %mul3A_2223 = arith.muli %scan3A_2220, %mul3A_2222 : i32
        %add3A_2224 = vector.broadcast %mul3A_2223 : i32 to vector<16xi32>
        %add3A_2225 = arith.addi %iota3A, %add3A_2224 : vector<16xi32>
        %jit3A_2226 = arith.constant 8 : i32
        %eq3A_2227 = arith.constant 0 : i32
        %eq3A_2228 = arith.cmpi eq, %jit3A_2226, %eq3A_2227 : i32
        %jit3A_2229 = arith.constant 1 : i32
        %select_n3A_2230 = arith.select %eq3A_2228, %jit3A_2229, %jit3A_2226 : i32
        %rem3A_2231 = arith.remsi %scan3A_2220, %select_n3A_2230 : i32
        %ne3A_2232 = arith.constant 0 : i32
        %ne3A_2233 = arith.cmpi ne, %rem3A_2231, %ne3A_2232 : i32
        %lt3A_2234 = arith.constant 0 : i32
        %lt3A_2235 = arith.cmpi slt, %rem3A_2231, %lt3A_2234 : i32
        %lt3A_2236 = arith.constant 0 : i32
        %lt3A_2237 = arith.cmpi slt, %select_n3A_2230, %lt3A_2236 : i32
        %ne3A_2238 = arith.xori %lt3A_2235, %lt3A_2237 : i1
        %and3A_2239 = arith.andi %ne3A_2238, %ne3A_2233 : i1
        %add3A_2240 = arith.addi %rem3A_2231, %select_n3A_2230 : i32
        %select_n3A_2241 = arith.select %and3A_2239, %add3A_2240, %rem3A_2231 : i32
        %mul3A_2242 = arith.constant 16 : i32
        %mul3A_2243 = arith.muli %select_n3A_2241, %mul3A_2242 : i32
        %add3A_2244 = vector.broadcast %mul3A_2243 : i32 to vector<16xi32>
        %add3A_2245 = arith.addi %iota3A, %add3A_2244 : vector<16xi32>
        %jit3A_2246 = arith.constant 8 : i32
        %div3A_2247 = arith.divsi %scan3A_2220, %jit3A_2246 : i32
        %sign3A_2248 = arith.constant 0 : i32
        %sign3A_2249 = arith.cmpi sgt, %scan3A_2220, %sign3A_2248 : i32
        %sign3A_2250 = arith.extui %sign3A_2249 : i1 to i32
        %sign3A_2251 = arith.constant 0 : i32
        %sign3A_2252 = arith.cmpi slt, %scan3A_2220, %sign3A_2251 : i32
        %sign3A_2253 = arith.extui %sign3A_2252 : i1 to i32
        %sign3A_2254 = arith.subi %sign3A_2250, %sign3A_2253 : i32
        %sign3A_2255 = arith.constant 0 : i32
        %sign3A_2256 = arith.cmpi sgt, %jit3A_2246, %sign3A_2255 : i32
        %sign3A_2257 = arith.extui %sign3A_2256 : i1 to i32
        %sign3A_2258 = arith.constant 0 : i32
        %sign3A_2259 = arith.cmpi slt, %jit3A_2246, %sign3A_2258 : i32
        %sign3A_2260 = arith.extui %sign3A_2259 : i1 to i32
        %sign3A_2261 = arith.subi %sign3A_2257, %sign3A_2260 : i32
        %ne3A_2262 = arith.cmpi ne, %sign3A_2254, %sign3A_2261 : i32
        %rem3A_2263 = arith.remsi %scan3A_2220, %jit3A_2246 : i32
        %ne3A_2264 = arith.constant 0 : i32
        %ne3A_2265 = arith.cmpi ne, %rem3A_2263, %ne3A_2264 : i32
        %and3A_2266 = arith.andi %ne3A_2262, %ne3A_2265 : i1
        %sub3A_2267 = arith.constant 1 : i32
        %sub3A_2268 = arith.subi %div3A_2247, %sub3A_2267 : i32
        %select_n3A_2269 = arith.select %and3A_2266, %sub3A_2268, %div3A_2247 : i32
        %broadcast_in_dim3A = vector.broadcast %select_n3A_2269 : i32 to vector<16xi32>
        %gather3A = tpu.vector_load_idx %arg11[%add3A_2225, %select_n3A_20] : memref<512x16xf32, #tpu.memory_space<vmem>>[vector<16xi32>, vector<16xi32>], vector<16xf32>,
        tpu.vector_store_idx %arg15[%select_n3A_423, %broadcast_in_dim3A, %select_n3A_910, %add3A_2245], %gather3A : memref<2x4x8x128xf32, #tpu.memory_space<vmem>>[vector<16xi32>, vector<16xi32>, vector<16xi32>, vector<16xi32>], vector<16xf32>,
        %gather3A_2270 = tpu.vector_load_idx %arg11[%add3A_2225, %select_n3A_45] : memref<512x16xf32, #tpu.memory_space<vmem>>[vector<16xi32>, vector<16xi32>], vector<16xf32>,
        tpu.vector_store_idx %arg15[%select_n3A_454, %broadcast_in_dim3A, %select_n3A_932, %add3A_2245], %gather3A_2270 : memref<2x4x8x128xf32, #tpu.memory_space<vmem>>[vector<16xi32>, vector<16xi32>, vector<16xi32>, vector<16xi32>], vector<16xf32>,
        %gather3A_2271 = tpu.vector_load_idx %arg11[%add3A_2225, %select_n3A_70] : memref<512x16xf32, #tpu.memory_space<vmem>>[vector<16xi32>, vector<16xi32>], vector<16xf32>,
        tpu.vector_store_idx %arg15[%select_n3A_485, %broadcast_in_dim3A, %select_n3A_954, %add3A_2245], %gather3A_2271 : memref<2x4x8x128xf32, #tpu.memory_space<vmem>>[vector<16xi32>, vector<16xi32>, vector<16xi32>, vector<16xi32>], vector<16xf32>,
        %gather3A_2272 = tpu.vector_load_idx %arg11[%add3A_2225, %select_n3A_95] : memref<512x16xf32, #tpu.memory_space<vmem>>[vector<16xi32>, vector<16xi32>], vector<16xf32>,
        tpu.vector_store_idx %arg15[%select_n3A_516, %broadcast_in_dim3A, %select_n3A_976, %add3A_2245], %gather3A_2272 : memref<2x4x8x128xf32, #tpu.memory_space<vmem>>[vector<16xi32>, vector<16xi32>, vector<16xi32>, vector<16xi32>], vector<16xf32>,
        %gather3A_2273 = tpu.vector_load_idx %arg11[%add3A_2225, %select_n3A_120] : memref<512x16xf32, #tpu.memory_space<vmem>>[vector<16xi32>, vector<16xi32>], vector<16xf32>,
        tpu.vector_store_idx %arg15[%select_n3A_547, %broadcast_in_dim3A, %select_n3A_998, %add3A_2245], %gather3A_2273 : memref<2x4x8x128xf32, #tpu.memory_space<vmem>>[vector<16xi32>, vector<16xi32>, vector<16xi32>, vector<16xi32>], vector<16xf32>,
        %gather3A_2274 = tpu.vector_load_idx %arg11[%add3A_2225, %select_n3A_145] : memref<512x16xf32, #tpu.memory_space<vmem>>[vector<16xi32>, vector<16xi32>], vector<16xf32>,
        tpu.vector_store_idx %arg15[%select_n3A_578, %broadcast_in_dim3A, %select_n3A_1020, %add3A_2245], %gather3A_2274 : memref<2x4x8x128xf32, #tpu.memory_space<vmem>>[vector<16xi32>, vector<16xi32>, vector<16xi32>, vector<16xi32>], vector<16xf32>,
        %gather3A_2275 = tpu.vector_load_idx %arg11[%add3A_2225, %select_n3A_170] : memref<512x16xf32, #tpu.memory_space<vmem>>[vector<16xi32>, vector<16xi32>], vector<16xf32>,
        tpu.vector_store_idx %arg15[%select_n3A_609, %broadcast_in_dim3A, %select_n3A_1042, %add3A_2245], %gather3A_2275 : memref<2x4x8x128xf32, #tpu.memory_space<vmem>>[vector<16xi32>, vector<16xi32>, vector<16xi32>, vector<16xi32>], vector<16xf32>,
        %gather3A_2276 = tpu.vector_load_idx %arg11[%add3A_2225, %select_n3A_195] : memref<512x16xf32, #tpu.memory_space<vmem>>[vector<16xi32>, vector<16xi32>], vector<16xf32>,
        tpu.vector_store_idx %arg15[%select_n3A_640, %broadcast_in_dim3A, %select_n3A_1064, %add3A_2245], %gather3A_2276 : memref<2x4x8x128xf32, #tpu.memory_space<vmem>>[vector<16xi32>, vector<16xi32>, vector<16xi32>, vector<16xi32>], vector<16xf32>,
        %gather3A_2277 = tpu.vector_load_idx %arg11[%add3A_2225, %select_n3A_220] : memref<512x16xf32, #tpu.memory_space<vmem>>[vector<16xi32>, vector<16xi32>], vector<16xf32>,
        tpu.vector_store_idx %arg15[%select_n3A_671, %broadcast_in_dim3A, %select_n3A_1086, %add3A_2245], %gather3A_2277 : memref<2x4x8x128xf32, #tpu.memory_space<vmem>>[vector<16xi32>, vector<16xi32>, vector<16xi32>, vector<16xi32>], vector<16xf32>,
        %gather3A_2278 = tpu.vector_load_idx %arg11[%add3A_2225, %select_n3A_245] : memref<512x16xf32, #tpu.memory_space<vmem>>[vector<16xi32>, vector<16xi32>], vector<16xf32>,
        tpu.vector_store_idx %arg15[%select_n3A_702, %broadcast_in_dim3A, %select_n3A_1108, %add3A_2245], %gather3A_2278 : memref<2x4x8x128xf32, #tpu.memory_space<vmem>>[vector<16xi32>, vector<16xi32>, vector<16xi32>, vector<16xi32>], vector<16xf32>,
        %gather3A_2279 = tpu.vector_load_idx %arg11[%add3A_2225, %select_n3A_270] : memref<512x16xf32, #tpu.memory_space<vmem>>[vector<16xi32>, vector<16xi32>], vector<16xf32>,
        tpu.vector_store_idx %arg15[%select_n3A_733, %broadcast_in_dim3A, %select_n3A_1130, %add3A_2245], %gather3A_2279 : memref<2x4x8x128xf32, #tpu.memory_space<vmem>>[vector<16xi32>, vector<16xi32>, vector<16xi32>, vector<16xi32>], vector<16xf32>,
        %gather3A_2280 = tpu.vector_load_idx %arg11[%add3A_2225, %select_n3A_295] : memref<512x16xf32, #tpu.memory_space<vmem>>[vector<16xi32>, vector<16xi32>], vector<16xf32>,
        tpu.vector_store_idx %arg15[%select_n3A_764, %broadcast_in_dim3A, %select_n3A_1152, %add3A_2245], %gather3A_2280 : memref<2x4x8x128xf32, #tpu.memory_space<vmem>>[vector<16xi32>, vector<16xi32>, vector<16xi32>, vector<16xi32>], vector<16xf32>,
        %gather3A_2281 = tpu.vector_load_idx %arg11[%add3A_2225, %select_n3A_320] : memref<512x16xf32, #tpu.memory_space<vmem>>[vector<16xi32>, vector<16xi32>], vector<16xf32>,
        tpu.vector_store_idx %arg15[%select_n3A_795, %broadcast_in_dim3A, %select_n3A_1174, %add3A_2245], %gather3A_2281 : memref<2x4x8x128xf32, #tpu.memory_space<vmem>>[vector<16xi32>, vector<16xi32>, vector<16xi32>, vector<16xi32>], vector<16xf32>,
        %gather3A_2282 = tpu.vector_load_idx %arg11[%add3A_2225, %select_n3A_345] : memref<512x16xf32, #tpu.memory_space<vmem>>[vector<16xi32>, vector<16xi32>], vector<16xf32>,
        tpu.vector_store_idx %arg15[%select_n3A_826, %broadcast_in_dim3A, %select_n3A_1196, %add3A_2245], %gather3A_2282 : memref<2x4x8x128xf32, #tpu.memory_space<vmem>>[vector<16xi32>, vector<16xi32>, vector<16xi32>, vector<16xi32>], vector<16xf32>,
        %gather3A_2283 = tpu.vector_load_idx %arg11[%add3A_2225, %select_n3A_370] : memref<512x16xf32, #tpu.memory_space<vmem>>[vector<16xi32>, vector<16xi32>], vector<16xf32>,
        tpu.vector_store_idx %arg15[%select_n3A_857, %broadcast_in_dim3A, %select_n3A_1218, %add3A_2245], %gather3A_2283 : memref<2x4x8x128xf32, #tpu.memory_space<vmem>>[vector<16xi32>, vector<16xi32>, vector<16xi32>, vector<16xi32>], vector<16xf32>,
        %gather3A_2284 = tpu.vector_load_idx %arg11[%add3A_2225, %select_n3A_395] : memref<512x16xf32, #tpu.memory_space<vmem>>[vector<16xi32>, vector<16xi32>], vector<16xf32>,
        tpu.vector_store_idx %arg15[%select_n3A_888, %broadcast_in_dim3A, %select_n3A_1240, %add3A_2245], %gather3A_2284 : memref<2x4x8x128xf32, #tpu.memory_space<vmem>>[vector<16xi32>, vector<16xi32>, vector<16xi32>, vector<16xi32>], vector<16xf32>,
        %gather3A_2285 = tpu.vector_load_idx %arg13[%add3A_2225, %select_n3A_20] : memref<512x16xf32, #tpu.memory_space<vmem>>[vector<16xi32>, vector<16xi32>], vector<16xf32>,
        tpu.vector_store_idx %arg17[%select_n3A_423, %broadcast_in_dim3A, %select_n3A_910, %add3A_2245], %gather3A_2285 : memref<2x4x8x128xf32, #tpu.memory_space<vmem>>[vector<16xi32>, vector<16xi32>, vector<16xi32>, vector<16xi32>], vector<16xf32>,
        %gather3A_2286 = tpu.vector_load_idx %arg13[%add3A_2225, %select_n3A_45] : memref<512x16xf32, #tpu.memory_space<vmem>>[vector<16xi32>, vector<16xi32>], vector<16xf32>,
        tpu.vector_store_idx %arg17[%select_n3A_454, %broadcast_in_dim3A, %select_n3A_932, %add3A_2245], %gather3A_2286 : memref<2x4x8x128xf32, #tpu.memory_space<vmem>>[vector<16xi32>, vector<16xi32>, vector<16xi32>, vector<16xi32>], vector<16xf32>,
        %gather3A_2287 = tpu.vector_load_idx %arg13[%add3A_2225, %select_n3A_70] : memref<512x16xf32, #tpu.memory_space<vmem>>[vector<16xi32>, vector<16xi32>], vector<16xf32>,
        tpu.vector_store_idx %arg17[%select_n3A_485, %broadcast_in_dim3A, %select_n3A_954, %add3A_2245], %gather3A_2287 : memref<2x4x8x128xf32, #tpu.memory_space<vmem>>[vector<16xi32>, vector<16xi32>, vector<16xi32>, vector<16xi32>], vector<16xf32>,
        %gather3A_2288 = tpu.vector_load_idx %arg13[%add3A_2225, %select_n3A_95] : memref<512x16xf32, #tpu.memory_space<vmem>>[vector<16xi32>, vector<16xi32>], vector<16xf32>,
        tpu.vector_store_idx %arg17[%select_n3A_516, %broadcast_in_dim3A, %select_n3A_976, %add3A_2245], %gather3A_2288 : memref<2x4x8x128xf32, #tpu.memory_space<vmem>>[vector<16xi32>, vector<16xi32>, vector<16xi32>, vector<16xi32>], vector<16xf32>,
        %gather3A_2289 = tpu.vector_load_idx %arg13[%add3A_2225, %select_n3A_120] : memref<512x16xf32, #tpu.memory_space<vmem>>[vector<16xi32>, vector<16xi32>], vector<16xf32>,
        tpu.vector_store_idx %arg17[%select_n3A_547, %broadcast_in_dim3A, %select_n3A_998, %add3A_2245], %gather3A_2289 : memref<2x4x8x128xf32, #tpu.memory_space<vmem>>[vector<16xi32>, vector<16xi32>, vector<16xi32>, vector<16xi32>], vector<16xf32>,
        %gather3A_2290 = tpu.vector_load_idx %arg13[%add3A_2225, %select_n3A_145] : memref<512x16xf32, #tpu.memory_space<vmem>>[vector<16xi32>, vector<16xi32>], vector<16xf32>,
        tpu.vector_store_idx %arg17[%select_n3A_578, %broadcast_in_dim3A, %select_n3A_1020, %add3A_2245], %gather3A_2290 : memref<2x4x8x128xf32, #tpu.memory_space<vmem>>[vector<16xi32>, vector<16xi32>, vector<16xi32>, vector<16xi32>], vector<16xf32>,
        %gather3A_2291 = tpu.vector_load_idx %arg13[%add3A_2225, %select_n3A_170] : memref<512x16xf32, #tpu.memory_space<vmem>>[vector<16xi32>, vector<16xi32>], vector<16xf32>,
        tpu.vector_store_idx %arg17[%select_n3A_609, %broadcast_in_dim3A, %select_n3A_1042, %add3A_2245], %gather3A_2291 : memref<2x4x8x128xf32, #tpu.memory_space<vmem>>[vector<16xi32>, vector<16xi32>, vector<16xi32>, vector<16xi32>], vector<16xf32>,
        %gather3A_2292 = tpu.vector_load_idx %arg13[%add3A_2225, %select_n3A_195] : memref<512x16xf32, #tpu.memory_space<vmem>>[vector<16xi32>, vector<16xi32>], vector<16xf32>,
        tpu.vector_store_idx %arg17[%select_n3A_640, %broadcast_in_dim3A, %select_n3A_1064, %add3A_2245], %gather3A_2292 : memref<2x4x8x128xf32, #tpu.memory_space<vmem>>[vector<16xi32>, vector<16xi32>, vector<16xi32>, vector<16xi32>], vector<16xf32>,
        %gather3A_2293 = tpu.vector_load_idx %arg13[%add3A_2225, %select_n3A_220] : memref<512x16xf32, #tpu.memory_space<vmem>>[vector<16xi32>, vector<16xi32>], vector<16xf32>,
        tpu.vector_store_idx %arg17[%select_n3A_671, %broadcast_in_dim3A, %select_n3A_1086, %add3A_2245], %gather3A_2293 : memref<2x4x8x128xf32, #tpu.memory_space<vmem>>[vector<16xi32>, vector<16xi32>, vector<16xi32>, vector<16xi32>], vector<16xf32>,
        %gather3A_2294 = tpu.vector_load_idx %arg13[%add3A_2225, %select_n3A_245] : memref<512x16xf32, #tpu.memory_space<vmem>>[vector<16xi32>, vector<16xi32>], vector<16xf32>,
        tpu.vector_store_idx %arg17[%select_n3A_702, %broadcast_in_dim3A, %select_n3A_1108, %add3A_2245], %gather3A_2294 : memref<2x4x8x128xf32, #tpu.memory_space<vmem>>[vector<16xi32>, vector<16xi32>, vector<16xi32>, vector<16xi32>], vector<16xf32>,
        %gather3A_2295 = tpu.vector_load_idx %arg13[%add3A_2225, %select_n3A_270] : memref<512x16xf32, #tpu.memory_space<vmem>>[vector<16xi32>, vector<16xi32>], vector<16xf32>,
        tpu.vector_store_idx %arg17[%select_n3A_733, %broadcast_in_dim3A, %select_n3A_1130, %add3A_2245], %gather3A_2295 : memref<2x4x8x128xf32, #tpu.memory_space<vmem>>[vector<16xi32>, vector<16xi32>, vector<16xi32>, vector<16xi32>], vector<16xf32>,
        %gather3A_2296 = tpu.vector_load_idx %arg13[%add3A_2225, %select_n3A_295] : memref<512x16xf32, #tpu.memory_space<vmem>>[vector<16xi32>, vector<16xi32>], vector<16xf32>,
        tpu.vector_store_idx %arg17[%select_n3A_764, %broadcast_in_dim3A, %select_n3A_1152, %add3A_2245], %gather3A_2296 : memref<2x4x8x128xf32, #tpu.memory_space<vmem>>[vector<16xi32>, vector<16xi32>, vector<16xi32>, vector<16xi32>], vector<16xf32>,
        %gather3A_2297 = tpu.vector_load_idx %arg13[%add3A_2225, %select_n3A_320] : memref<512x16xf32, #tpu.memory_space<vmem>>[vector<16xi32>, vector<16xi32>], vector<16xf32>,
        tpu.vector_store_idx %arg17[%select_n3A_795, %broadcast_in_dim3A, %select_n3A_1174, %add3A_2245], %gather3A_2297 : memref<2x4x8x128xf32, #tpu.memory_space<vmem>>[vector<16xi32>, vector<16xi32>, vector<16xi32>, vector<16xi32>], vector<16xf32>,
        %gather3A_2298 = tpu.vector_load_idx %arg13[%add3A_2225, %select_n3A_345] : memref<512x16xf32, #tpu.memory_space<vmem>>[vector<16xi32>, vector<16xi32>], vector<16xf32>,
        tpu.vector_store_idx %arg17[%select_n3A_826, %broadcast_in_dim3A, %select_n3A_1196, %add3A_2245], %gather3A_2298 : memref<2x4x8x128xf32, #tpu.memory_space<vmem>>[vector<16xi32>, vector<16xi32>, vector<16xi32>, vector<16xi32>], vector<16xf32>,
        %gather3A_2299 = tpu.vector_load_idx %arg13[%add3A_2225, %select_n3A_370] : memref<512x16xf32, #tpu.memory_space<vmem>>[vector<16xi32>, vector<16xi32>], vector<16xf32>,
        tpu.vector_store_idx %arg17[%select_n3A_857, %broadcast_in_dim3A, %select_n3A_1218, %add3A_2245], %gather3A_2299 : memref<2x4x8x128xf32, #tpu.memory_space<vmem>>[vector<16xi32>, vector<16xi32>, vector<16xi32>, vector<16xi32>], vector<16xf32>,
        %gather3A_2300 = tpu.vector_load_idx %arg13[%add3A_2225, %select_n3A_395] : memref<512x16xf32, #tpu.memory_space<vmem>>[vector<16xi32>, vector<16xi32>], vector<16xf32>,
        tpu.vector_store_idx %arg17[%select_n3A_888, %broadcast_in_dim3A, %select_n3A_1240, %add3A_2245], %gather3A_2300 : memref<2x4x8x128xf32, #tpu.memory_space<vmem>>[vector<16xi32>, vector<16xi32>, vector<16xi32>, vector<16xi32>], vector<16xf32>,
        %scan3A_2301 = arith.constant 0 : i32
        scf.yield %scan3A_2301 : i32
      }
      %scan3A_2188 = arith.constant 32 : i32
      %dma_start3A_2189 = arith.constant 0 : i32
      %dma_start3A_2190 = arith.constant 0 : i32
      %dma_start3A_2191 = arith.constant 0 : i32
      %dma_start3A_2192 = tpu.memref_slice %arg5[%add3A_2036, %dma_start3A_2189, %mul3A_2, %dma_start3A_2190, %dma_start3A_2191] : memref<200x2x128x8x128xf32, #tpu.memory_space<hbm>> -> memref<1x2x4x8x128xf32, #tpu.memory_space<hbm>>
      %dma_start3A_2193 = tpu.memref_squeeze %dma_start3A_2192 : memref<1x2x4x8x128xf32, #tpu.memory_space<hbm>> -> memref<2x4x8x128xf32, #tpu.memory_space<hbm>>
      %dma_start3A_2194 = arith.constant 0 : i32
      %dma_start3A_2195 = arith.constant 0 : i32
      %dma_start3A_2196 = arith.constant 0 : i32
      %dma_start3A_2197 = tpu.memref_slice %arg5[%add3A_2036, %dma_start3A_2194, %mul3A_2, %dma_start3A_2195, %dma_start3A_2196] : memref<200x2x128x8x128xf32, #tpu.memory_space<hbm>> -> memref<1x2x4x8x128xf32, #tpu.memory_space<hbm>>
      %dma_start3A_2198 = tpu.memref_squeeze %dma_start3A_2197 : memref<1x2x4x8x128xf32, #tpu.memory_space<hbm>> -> memref<2x4x8x128xf32, #tpu.memory_space<hbm>>
      tpu.enqueue_dma source(%arg15 : memref<2x4x8x128xf32, #tpu.memory_space<vmem>>) target(%dma_start3A_2198 : memref<2x4x8x128xf32, #tpu.memory_space<hbm>>) target_semaphore(%arg25 : memref<!tpu.dma_semaphore, #tpu.memory_space<semaphore_mem>>)
      %dma_start3A_2199 = arith.constant 0 : i32
      %dma_start3A_2200 = arith.constant 0 : i32
      %dma_start3A_2201 = arith.constant 0 : i32
      %dma_start3A_2202 = tpu.memref_slice %arg6[%add3A_2036, %dma_start3A_2199, %mul3A_2, %dma_start3A_2200, %dma_start3A_2201] : memref<200x2x128x8x128xf32, #tpu.memory_space<hbm>> -> memref<1x2x4x8x128xf32, #tpu.memory_space<hbm>>
      %dma_start3A_2203 = tpu.memref_squeeze %dma_start3A_2202 : memref<1x2x4x8x128xf32, #tpu.memory_space<hbm>> -> memref<2x4x8x128xf32, #tpu.memory_space<hbm>>
      %dma_start3A_2204 = arith.constant 0 : i32
      %dma_start3A_2205 = arith.constant 0 : i32
      %dma_start3A_2206 = arith.constant 0 : i32
      %dma_start3A_2207 = tpu.memref_slice %arg6[%add3A_2036, %dma_start3A_2204, %mul3A_2, %dma_start3A_2205, %dma_start3A_2206] : memref<200x2x128x8x128xf32, #tpu.memory_space<hbm>> -> memref<1x2x4x8x128xf32, #tpu.memory_space<hbm>>
      %dma_start3A_2208 = tpu.memref_squeeze %dma_start3A_2207 : memref<1x2x4x8x128xf32, #tpu.memory_space<hbm>> -> memref<2x4x8x128xf32, #tpu.memory_space<hbm>>
      tpu.enqueue_dma source(%arg15 : memref<2x4x8x128xf32, #tpu.memory_space<vmem>>) target(%dma_start3A_2208 : memref<2x4x8x128xf32, #tpu.memory_space<hbm>>) target_semaphore(%arg27 : memref<!tpu.dma_semaphore, #tpu.memory_space<semaphore_mem>>)
      %dma_start3A_2209 = arith.constant 0 : i32
      %dma_start3A_2210 = arith.constant 0 : i32
      %dma_start3A_2211 = arith.constant 0 : i32
      %dma_start3A_2212 = tpu.memref_slice %arg7[%add3A_2036, %dma_start3A_2209, %mul3A_2, %dma_start3A_2210, %dma_start3A_2211] : memref<200x2x128x8x128xf32, #tpu.memory_space<hbm>> -> memref<1x2x4x8x128xf32, #tpu.memory_space<hbm>>
      %dma_start3A_2213 = tpu.memref_squeeze %dma_start3A_2212 : memref<1x2x4x8x128xf32, #tpu.memory_space<hbm>> -> memref<2x4x8x128xf32, #tpu.memory_space<hbm>>
      %dma_start3A_2214 = arith.constant 0 : i32
      %dma_start3A_2215 = arith.constant 0 : i32
      %dma_start3A_2216 = arith.constant 0 : i32
      %dma_start3A_2217 = tpu.memref_slice %arg7[%add3A_2036, %dma_start3A_2214, %mul3A_2, %dma_start3A_2215, %dma_start3A_2216] : memref<200x2x128x8x128xf32, #tpu.memory_space<hbm>> -> memref<1x2x4x8x128xf32, #tpu.memory_space<hbm>>
      %dma_start3A_2218 = tpu.memref_squeeze %dma_start3A_2217 : memref<1x2x4x8x128xf32, #tpu.memory_space<hbm>> -> memref<2x4x8x128xf32, #tpu.memory_space<hbm>>
      tpu.enqueue_dma source(%arg17 : memref<2x4x8x128xf32, #tpu.memory_space<vmem>>) target(%dma_start3A_2218 : memref<2x4x8x128xf32, #tpu.memory_space<hbm>>) target_semaphore(%arg29 : memref<!tpu.dma_semaphore, #tpu.memory_space<semaphore_mem>>)
      %scan3A_2219 = arith.constant 0 : i32
      scf.yield %scan3A_2219 : i32
    }
    %scan3A_1608 = arith.constant 98 : i32
    %dma_wait3A_1609 = arith.constant 0 : i32
    %dma_wait3A_1610 = arith.constant 0 : i32
    %dma_wait3A_1611 = tpu.memref_slice %arg3[%dma_wait3A_1609, %dma_wait3A_1610] : memref<1000000x16xf32, #tpu.memory_space<hbm>> -> memref<1000000x16xf32, #tpu.memory_space<hbm>>
    tpu.wait_indirect_dma semaphore(%arg20 : memref<!tpu.dma_semaphore, #tpu.memory_space<semaphore_mem>>) src(%dma_wait3A_1611 : memref<1000000x16xf32, #tpu.memory_space<hbm>>) dst(%arg10 : memref<512x16xf32, #tpu.memory_space<vmem>>)
    %dma_wait3A_1612 = arith.constant 0 : i32
    %dma_wait3A_1613 = arith.constant 0 : i32
    %dma_wait3A_1614 = tpu.memref_slice %arg4[%dma_wait3A_1612, %dma_wait3A_1613] : memref<1000000x16xf32, #tpu.memory_space<hbm>> -> memref<1000000x16xf32, #tpu.memory_space<hbm>>
    tpu.wait_indirect_dma semaphore(%arg22 : memref<!tpu.dma_semaphore, #tpu.memory_space<semaphore_mem>>) src(%dma_wait3A_1614 : memref<1000000x16xf32, #tpu.memory_space<hbm>>) dst(%arg12 : memref<512x16xf32, #tpu.memory_space<vmem>>)
    %dma_wait3A_1615 = arith.constant 0 : i32
    %dma_wait3A_1616 = arith.constant 0 : i32
    %dma_wait3A_1617 = arith.constant 0 : i32
    %dma_wait3A_1618 = arith.constant 0 : i32
    %dma_wait3A_1619 = tpu.memref_slice %arg2[%dma_wait3A_1615, %dma_wait3A_1617, %dma_wait3A_1616, %dma_wait3A_1618] : memref<25x128x8x128xi32, #tpu.memory_space<hbm>> -> memref<1x4x1x128xi32, #tpu.memory_space<hbm>>
    %dma_wait3A_1620 = tpu.memref_squeeze %dma_wait3A_1619 : memref<1x4x1x128xi32, #tpu.memory_space<hbm>> -> memref<4x128xi32, #tpu.memory_space<hbm>>
    %dma_wait3A_1621 = arith.constant 0 : i32
    %dma_wait3A_1622 = arith.constant 0 : i32
    %dma_wait3A_1623 = tpu.memref_slice %arg2[%dma_wait3A_1615, %dma_wait3A_1621, %dma_wait3A_1616, %dma_wait3A_1622] : memref<25x128x8x128xi32, #tpu.memory_space<hbm>> -> memref<1x4x1x128xi32, #tpu.memory_space<hbm>>
    %dma_wait3A_1624 = tpu.memref_squeeze %dma_wait3A_1623 : memref<1x4x1x128xi32, #tpu.memory_space<hbm>> -> memref<4x128xi32, #tpu.memory_space<hbm>>
    tpu.wait_dma2 semaphore(%arg19 : memref<!tpu.dma_semaphore, #tpu.memory_space<semaphore_mem>>) src(%dma_wait3A_1624 : memref<4x128xi32, #tpu.memory_space<hbm>>) dst(%arg9 : memref<512xi32, #tpu.memory_space<vmem>>)
    %dma_start3A_1625 = arith.constant 0 : i32
    %dma_start3A_1626 = arith.constant 0 : i32
    %dma_start3A_1627 = tpu.memref_slice %arg3[%dma_start3A_1625, %dma_start3A_1626] : memref<1000000x16xf32, #tpu.memory_space<hbm>> -> memref<1000000x16xf32, #tpu.memory_space<hbm>>
    tpu.enqueue_indirect_dma source(%dma_start3A_1627 : memref<1000000x16xf32, #tpu.memory_space<hbm>>) target(%arg11 : memref<512x16xf32, #tpu.memory_space<vmem>>) offsets(%arg9 : memref<512xi32, #tpu.memory_space<vmem>>) semaphore(%arg21 : memref<!tpu.dma_semaphore, #tpu.memory_space<semaphore_mem>>)
    %dma_start3A_1628 = arith.constant 0 : i32
    %dma_start3A_1629 = arith.constant 0 : i32
    %dma_start3A_1630 = tpu.memref_slice %arg4[%dma_start3A_1628, %dma_start3A_1629] : memref<1000000x16xf32, #tpu.memory_space<hbm>> -> memref<1000000x16xf32, #tpu.memory_space<hbm>>
    tpu.enqueue_indirect_dma source(%dma_start3A_1630 : memref<1000000x16xf32, #tpu.memory_space<hbm>>) target(%arg13 : memref<512x16xf32, #tpu.memory_space<vmem>>) offsets(%arg9 : memref<512xi32, #tpu.memory_space<vmem>>) semaphore(%arg23 : memref<!tpu.dma_semaphore, #tpu.memory_space<semaphore_mem>>)
    %dma_wait3A_1631 = arith.constant 0 : i32
    %dma_wait3A_1632 = arith.constant 0 : i32
    %dma_wait3A_1633 = arith.constant 0 : i32
    %dma_wait3A_1634 = arith.constant 0 : i32
    %dma_wait3A_1635 = tpu.memref_slice %arg5[%dma_wait3A_1631, %dma_wait3A_1632, %mul3A_2, %dma_wait3A_1633, %dma_wait3A_1634] : memref<200x2x128x8x128xf32, #tpu.memory_space<hbm>> -> memref<1x2x4x8x128xf32, #tpu.memory_space<hbm>>
    %dma_wait3A_1636 = tpu.memref_squeeze %dma_wait3A_1635 : memref<1x2x4x8x128xf32, #tpu.memory_space<hbm>> -> memref<2x4x8x128xf32, #tpu.memory_space<hbm>>
    %dma_wait3A_1637 = arith.constant 0 : i32
    %dma_wait3A_1638 = arith.constant 0 : i32
    %dma_wait3A_1639 = arith.constant 0 : i32
    %dma_wait3A_1640 = tpu.memref_slice %arg5[%dma_wait3A_1631, %dma_wait3A_1637, %mul3A_2, %dma_wait3A_1638, %dma_wait3A_1639] : memref<200x2x128x8x128xf32, #tpu.memory_space<hbm>> -> memref<1x2x4x8x128xf32, #tpu.memory_space<hbm>>
    %dma_wait3A_1641 = tpu.memref_squeeze %dma_wait3A_1640 : memref<1x2x4x8x128xf32, #tpu.memory_space<hbm>> -> memref<2x4x8x128xf32, #tpu.memory_space<hbm>>
    tpu.wait_dma2 semaphore(%arg24 : memref<!tpu.dma_semaphore, #tpu.memory_space<semaphore_mem>>) src(%arg14 : memref<2x4x8x128xf32, #tpu.memory_space<vmem>>) dst(%dma_wait3A_1641 : memref<2x4x8x128xf32, #tpu.memory_space<hbm>>)
    %dma_wait3A_1642 = arith.constant 0 : i32
    %dma_wait3A_1643 = arith.constant 0 : i32
    %dma_wait3A_1644 = arith.constant 0 : i32
    %dma_wait3A_1645 = arith.constant 0 : i32
    %dma_wait3A_1646 = tpu.memref_slice %arg6[%dma_wait3A_1642, %dma_wait3A_1643, %mul3A_2, %dma_wait3A_1644, %dma_wait3A_1645] : memref<200x2x128x8x128xf32, #tpu.memory_space<hbm>> -> memref<1x2x4x8x128xf32, #tpu.memory_space<hbm>>
    %dma_wait3A_1647 = tpu.memref_squeeze %dma_wait3A_1646 : memref<1x2x4x8x128xf32, #tpu.memory_space<hbm>> -> memref<2x4x8x128xf32, #tpu.memory_space<hbm>>
    %dma_wait3A_1648 = arith.constant 0 : i32
    %dma_wait3A_1649 = arith.constant 0 : i32
    %dma_wait3A_1650 = arith.constant 0 : i32
    %dma_wait3A_1651 = tpu.memref_slice %arg6[%dma_wait3A_1642, %dma_wait3A_1648, %mul3A_2, %dma_wait3A_1649, %dma_wait3A_1650] : memref<200x2x128x8x128xf32, #tpu.memory_space<hbm>> -> memref<1x2x4x8x128xf32, #tpu.memory_space<hbm>>
    %dma_wait3A_1652 = tpu.memref_squeeze %dma_wait3A_1651 : memref<1x2x4x8x128xf32, #tpu.memory_space<hbm>> -> memref<2x4x8x128xf32, #tpu.memory_space<hbm>>
    tpu.wait_dma2 semaphore(%arg26 : memref<!tpu.dma_semaphore, #tpu.memory_space<semaphore_mem>>) src(%arg14 : memref<2x4x8x128xf32, #tpu.memory_space<vmem>>) dst(%dma_wait3A_1652 : memref<2x4x8x128xf32, #tpu.memory_space<hbm>>)
    %dma_wait3A_1653 = arith.constant 0 : i32
    %dma_wait3A_1654 = arith.constant 0 : i32
    %dma_wait3A_1655 = arith.constant 0 : i32
    %dma_wait3A_1656 = arith.constant 0 : i32
    %dma_wait3A_1657 = tpu.memref_slice %arg7[%dma_wait3A_1653, %dma_wait3A_1654, %mul3A_2, %dma_wait3A_1655, %dma_wait3A_1656] : memref<200x2x128x8x128xf32, #tpu.memory_space<hbm>> -> memref<1x2x4x8x128xf32, #tpu.memory_space<hbm>>
    %dma_wait3A_1658 = tpu.memref_squeeze %dma_wait3A_1657 : memref<1x2x4x8x128xf32, #tpu.memory_space<hbm>> -> memref<2x4x8x128xf32, #tpu.memory_space<hbm>>
    %dma_wait3A_1659 = arith.constant 0 : i32
    %dma_wait3A_1660 = arith.constant 0 : i32
    %dma_wait3A_1661 = arith.constant 0 : i32
    %dma_wait3A_1662 = tpu.memref_slice %arg7[%dma_wait3A_1653, %dma_wait3A_1659, %mul3A_2, %dma_wait3A_1660, %dma_wait3A_1661] : memref<200x2x128x8x128xf32, #tpu.memory_space<hbm>> -> memref<1x2x4x8x128xf32, #tpu.memory_space<hbm>>
    %dma_wait3A_1663 = tpu.memref_squeeze %dma_wait3A_1662 : memref<1x2x4x8x128xf32, #tpu.memory_space<hbm>> -> memref<2x4x8x128xf32, #tpu.memory_space<hbm>>
    tpu.wait_dma2 semaphore(%arg28 : memref<!tpu.dma_semaphore, #tpu.memory_space<semaphore_mem>>) src(%arg16 : memref<2x4x8x128xf32, #tpu.memory_space<vmem>>) dst(%dma_wait3A_1663 : memref<2x4x8x128xf32, #tpu.memory_space<hbm>>)
    %scan3A_1664 = arith.constant 0 : i32
    %scan3A_1665 = arith.constant 0 : i32
    %scan3A_1666 = arith.constant 32 : i32
    %scan3A_1667 = arith.addi %scan3A_1665, %scan3A_1666 : i32
    %scan3A_1668 = arith.constant 1 : i32
    %scan3A_1669 = scf.for %scan3A_1849 = %scan3A_1665 to %scan3A_1667 step %scan3A_1668 iter_args(%scan3A_1850 = %scan3A_1664) -> (i32)  : i32 {
      %mul3A_1851 = arith.constant 16 : i32
      %mul3A_1852 = arith.muli %scan3A_1849, %mul3A_1851 : i32
      %add3A_1853 = vector.broadcast %mul3A_1852 : i32 to vector<16xi32>
      %add3A_1854 = arith.addi %iota3A, %add3A_1853 : vector<16xi32>
      %jit3A_1855 = arith.constant 8 : i32
      %eq3A_1856 = arith.constant 0 : i32
      %eq3A_1857 = arith.cmpi eq, %jit3A_1855, %eq3A_1856 : i32
      %jit3A_1858 = arith.constant 1 : i32
      %select_n3A_1859 = arith.select %eq3A_1857, %jit3A_1858, %jit3A_1855 : i32
      %rem3A_1860 = arith.remsi %scan3A_1849, %select_n3A_1859 : i32
      %ne3A_1861 = arith.constant 0 : i32
      %ne3A_1862 = arith.cmpi ne, %rem3A_1860, %ne3A_1861 : i32
      %lt3A_1863 = arith.constant 0 : i32
      %lt3A_1864 = arith.cmpi slt, %rem3A_1860, %lt3A_1863 : i32
      %lt3A_1865 = arith.constant 0 : i32
      %lt3A_1866 = arith.cmpi slt, %select_n3A_1859, %lt3A_1865 : i32
      %ne3A_1867 = arith.xori %lt3A_1864, %lt3A_1866 : i1
      %and3A_1868 = arith.andi %ne3A_1867, %ne3A_1862 : i1
      %add3A_1869 = arith.addi %rem3A_1860, %select_n3A_1859 : i32
      %select_n3A_1870 = arith.select %and3A_1868, %add3A_1869, %rem3A_1860 : i32
      %mul3A_1871 = arith.constant 16 : i32
      %mul3A_1872 = arith.muli %select_n3A_1870, %mul3A_1871 : i32
      %add3A_1873 = vector.broadcast %mul3A_1872 : i32 to vector<16xi32>
      %add3A_1874 = arith.addi %iota3A, %add3A_1873 : vector<16xi32>
      %jit3A_1875 = arith.constant 8 : i32
      %div3A_1876 = arith.divsi %scan3A_1849, %jit3A_1875 : i32
      %sign3A_1877 = arith.constant 0 : i32
      %sign3A_1878 = arith.cmpi sgt, %scan3A_1849, %sign3A_1877 : i32
      %sign3A_1879 = arith.extui %sign3A_1878 : i1 to i32
      %sign3A_1880 = arith.constant 0 : i32
      %sign3A_1881 = arith.cmpi slt, %scan3A_1849, %sign3A_1880 : i32
      %sign3A_1882 = arith.extui %sign3A_1881 : i1 to i32
      %sign3A_1883 = arith.subi %sign3A_1879, %sign3A_1882 : i32
      %sign3A_1884 = arith.constant 0 : i32
      %sign3A_1885 = arith.cmpi sgt, %jit3A_1875, %sign3A_1884 : i32
      %sign3A_1886 = arith.extui %sign3A_1885 : i1 to i32
      %sign3A_1887 = arith.constant 0 : i32
      %sign3A_1888 = arith.cmpi slt, %jit3A_1875, %sign3A_1887 : i32
      %sign3A_1889 = arith.extui %sign3A_1888 : i1 to i32
      %sign3A_1890 = arith.subi %sign3A_1886, %sign3A_1889 : i32
      %ne3A_1891 = arith.cmpi ne, %sign3A_1883, %sign3A_1890 : i32
      %rem3A_1892 = arith.remsi %scan3A_1849, %jit3A_1875 : i32
      %ne3A_1893 = arith.constant 0 : i32
      %ne3A_1894 = arith.cmpi ne, %rem3A_1892, %ne3A_1893 : i32
      %and3A_1895 = arith.andi %ne3A_1891, %ne3A_1894 : i1
      %sub3A_1896 = arith.constant 1 : i32
      %sub3A_1897 = arith.subi %div3A_1876, %sub3A_1896 : i32
      %select_n3A_1898 = arith.select %and3A_1895, %sub3A_1897, %div3A_1876 : i32
      %broadcast_in_dim3A = vector.broadcast %select_n3A_1898 : i32 to vector<16xi32>
      %gather3A = tpu.vector_load_idx %arg10[%add3A_1854, %select_n3A_20] : memref<512x16xf32, #tpu.memory_space<vmem>>[vector<16xi32>, vector<16xi32>], vector<16xf32>,
      tpu.vector_store_idx %arg14[%select_n3A_423, %broadcast_in_dim3A, %select_n3A_910, %add3A_1874], %gather3A : memref<2x4x8x128xf32, #tpu.memory_space<vmem>>[vector<16xi32>, vector<16xi32>, vector<16xi32>, vector<16xi32>], vector<16xf32>,
      %gather3A_1899 = tpu.vector_load_idx %arg10[%add3A_1854, %select_n3A_45] : memref<512x16xf32, #tpu.memory_space<vmem>>[vector<16xi32>, vector<16xi32>], vector<16xf32>,
      tpu.vector_store_idx %arg14[%select_n3A_454, %broadcast_in_dim3A, %select_n3A_932, %add3A_1874], %gather3A_1899 : memref<2x4x8x128xf32, #tpu.memory_space<vmem>>[vector<16xi32>, vector<16xi32>, vector<16xi32>, vector<16xi32>], vector<16xf32>,
      %gather3A_1900 = tpu.vector_load_idx %arg10[%add3A_1854, %select_n3A_70] : memref<512x16xf32, #tpu.memory_space<vmem>>[vector<16xi32>, vector<16xi32>], vector<16xf32>,
      tpu.vector_store_idx %arg14[%select_n3A_485, %broadcast_in_dim3A, %select_n3A_954, %add3A_1874], %gather3A_1900 : memref<2x4x8x128xf32, #tpu.memory_space<vmem>>[vector<16xi32>, vector<16xi32>, vector<16xi32>, vector<16xi32>], vector<16xf32>,
      %gather3A_1901 = tpu.vector_load_idx %arg10[%add3A_1854, %select_n3A_95] : memref<512x16xf32, #tpu.memory_space<vmem>>[vector<16xi32>, vector<16xi32>], vector<16xf32>,
      tpu.vector_store_idx %arg14[%select_n3A_516, %broadcast_in_dim3A, %select_n3A_976, %add3A_1874], %gather3A_1901 : memref<2x4x8x128xf32, #tpu.memory_space<vmem>>[vector<16xi32>, vector<16xi32>, vector<16xi32>, vector<16xi32>], vector<16xf32>,
      %gather3A_1902 = tpu.vector_load_idx %arg10[%add3A_1854, %select_n3A_120] : memref<512x16xf32, #tpu.memory_space<vmem>>[vector<16xi32>, vector<16xi32>], vector<16xf32>,
      tpu.vector_store_idx %arg14[%select_n3A_547, %broadcast_in_dim3A, %select_n3A_998, %add3A_1874], %gather3A_1902 : memref<2x4x8x128xf32, #tpu.memory_space<vmem>>[vector<16xi32>, vector<16xi32>, vector<16xi32>, vector<16xi32>], vector<16xf32>,
      %gather3A_1903 = tpu.vector_load_idx %arg10[%add3A_1854, %select_n3A_145] : memref<512x16xf32, #tpu.memory_space<vmem>>[vector<16xi32>, vector<16xi32>], vector<16xf32>,
      tpu.vector_store_idx %arg14[%select_n3A_578, %broadcast_in_dim3A, %select_n3A_1020, %add3A_1874], %gather3A_1903 : memref<2x4x8x128xf32, #tpu.memory_space<vmem>>[vector<16xi32>, vector<16xi32>, vector<16xi32>, vector<16xi32>], vector<16xf32>,
      %gather3A_1904 = tpu.vector_load_idx %arg10[%add3A_1854, %select_n3A_170] : memref<512x16xf32, #tpu.memory_space<vmem>>[vector<16xi32>, vector<16xi32>], vector<16xf32>,
      tpu.vector_store_idx %arg14[%select_n3A_609, %broadcast_in_dim3A, %select_n3A_1042, %add3A_1874], %gather3A_1904 : memref<2x4x8x128xf32, #tpu.memory_space<vmem>>[vector<16xi32>, vector<16xi32>, vector<16xi32>, vector<16xi32>], vector<16xf32>,
      %gather3A_1905 = tpu.vector_load_idx %arg10[%add3A_1854, %select_n3A_195] : memref<512x16xf32, #tpu.memory_space<vmem>>[vector<16xi32>, vector<16xi32>], vector<16xf32>,
      tpu.vector_store_idx %arg14[%select_n3A_640, %broadcast_in_dim3A, %select_n3A_1064, %add3A_1874], %gather3A_1905 : memref<2x4x8x128xf32, #tpu.memory_space<vmem>>[vector<16xi32>, vector<16xi32>, vector<16xi32>, vector<16xi32>], vector<16xf32>,
      %gather3A_1906 = tpu.vector_load_idx %arg10[%add3A_1854, %select_n3A_220] : memref<512x16xf32, #tpu.memory_space<vmem>>[vector<16xi32>, vector<16xi32>], vector<16xf32>,
      tpu.vector_store_idx %arg14[%select_n3A_671, %broadcast_in_dim3A, %select_n3A_1086, %add3A_1874], %gather3A_1906 : memref<2x4x8x128xf32, #tpu.memory_space<vmem>>[vector<16xi32>, vector<16xi32>, vector<16xi32>, vector<16xi32>], vector<16xf32>,
      %gather3A_1907 = tpu.vector_load_idx %arg10[%add3A_1854, %select_n3A_245] : memref<512x16xf32, #tpu.memory_space<vmem>>[vector<16xi32>, vector<16xi32>], vector<16xf32>,
      tpu.vector_store_idx %arg14[%select_n3A_702, %broadcast_in_dim3A, %select_n3A_1108, %add3A_1874], %gather3A_1907 : memref<2x4x8x128xf32, #tpu.memory_space<vmem>>[vector<16xi32>, vector<16xi32>, vector<16xi32>, vector<16xi32>], vector<16xf32>,
      %gather3A_1908 = tpu.vector_load_idx %arg10[%add3A_1854, %select_n3A_270] : memref<512x16xf32, #tpu.memory_space<vmem>>[vector<16xi32>, vector<16xi32>], vector<16xf32>,
      tpu.vector_store_idx %arg14[%select_n3A_733, %broadcast_in_dim3A, %select_n3A_1130, %add3A_1874], %gather3A_1908 : memref<2x4x8x128xf32, #tpu.memory_space<vmem>>[vector<16xi32>, vector<16xi32>, vector<16xi32>, vector<16xi32>], vector<16xf32>,
      %gather3A_1909 = tpu.vector_load_idx %arg10[%add3A_1854, %select_n3A_295] : memref<512x16xf32, #tpu.memory_space<vmem>>[vector<16xi32>, vector<16xi32>], vector<16xf32>,
      tpu.vector_store_idx %arg14[%select_n3A_764, %broadcast_in_dim3A, %select_n3A_1152, %add3A_1874], %gather3A_1909 : memref<2x4x8x128xf32, #tpu.memory_space<vmem>>[vector<16xi32>, vector<16xi32>, vector<16xi32>, vector<16xi32>], vector<16xf32>,
      %gather3A_1910 = tpu.vector_load_idx %arg10[%add3A_1854, %select_n3A_320] : memref<512x16xf32, #tpu.memory_space<vmem>>[vector<16xi32>, vector<16xi32>], vector<16xf32>,
      tpu.vector_store_idx %arg14[%select_n3A_795, %broadcast_in_dim3A, %select_n3A_1174, %add3A_1874], %gather3A_1910 : memref<2x4x8x128xf32, #tpu.memory_space<vmem>>[vector<16xi32>, vector<16xi32>, vector<16xi32>, vector<16xi32>], vector<16xf32>,
      %gather3A_1911 = tpu.vector_load_idx %arg10[%add3A_1854, %select_n3A_345] : memref<512x16xf32, #tpu.memory_space<vmem>>[vector<16xi32>, vector<16xi32>], vector<16xf32>,
      tpu.vector_store_idx %arg14[%select_n3A_826, %broadcast_in_dim3A, %select_n3A_1196, %add3A_1874], %gather3A_1911 : memref<2x4x8x128xf32, #tpu.memory_space<vmem>>[vector<16xi32>, vector<16xi32>, vector<16xi32>, vector<16xi32>], vector<16xf32>,
      %gather3A_1912 = tpu.vector_load_idx %arg10[%add3A_1854, %select_n3A_370] : memref<512x16xf32, #tpu.memory_space<vmem>>[vector<16xi32>, vector<16xi32>], vector<16xf32>,
      tpu.vector_store_idx %arg14[%select_n3A_857, %broadcast_in_dim3A, %select_n3A_1218, %add3A_1874], %gather3A_1912 : memref<2x4x8x128xf32, #tpu.memory_space<vmem>>[vector<16xi32>, vector<16xi32>, vector<16xi32>, vector<16xi32>], vector<16xf32>,
      %gather3A_1913 = tpu.vector_load_idx %arg10[%add3A_1854, %select_n3A_395] : memref<512x16xf32, #tpu.memory_space<vmem>>[vector<16xi32>, vector<16xi32>], vector<16xf32>,
      tpu.vector_store_idx %arg14[%select_n3A_888, %broadcast_in_dim3A, %select_n3A_1240, %add3A_1874], %gather3A_1913 : memref<2x4x8x128xf32, #tpu.memory_space<vmem>>[vector<16xi32>, vector<16xi32>, vector<16xi32>, vector<16xi32>], vector<16xf32>,
      %gather3A_1914 = tpu.vector_load_idx %arg12[%add3A_1854, %select_n3A_20] : memref<512x16xf32, #tpu.memory_space<vmem>>[vector<16xi32>, vector<16xi32>], vector<16xf32>,
      tpu.vector_store_idx %arg16[%select_n3A_423, %broadcast_in_dim3A, %select_n3A_910, %add3A_1874], %gather3A_1914 : memref<2x4x8x128xf32, #tpu.memory_space<vmem>>[vector<16xi32>, vector<16xi32>, vector<16xi32>, vector<16xi32>], vector<16xf32>,
      %gather3A_1915 = tpu.vector_load_idx %arg12[%add3A_1854, %select_n3A_45] : memref<512x16xf32, #tpu.memory_space<vmem>>[vector<16xi32>, vector<16xi32>], vector<16xf32>,
      tpu.vector_store_idx %arg16[%select_n3A_454, %broadcast_in_dim3A, %select_n3A_932, %add3A_1874], %gather3A_1915 : memref<2x4x8x128xf32, #tpu.memory_space<vmem>>[vector<16xi32>, vector<16xi32>, vector<16xi32>, vector<16xi32>], vector<16xf32>,
      %gather3A_1916 = tpu.vector_load_idx %arg12[%add3A_1854, %select_n3A_70] : memref<512x16xf32, #tpu.memory_space<vmem>>[vector<16xi32>, vector<16xi32>], vector<16xf32>,
      tpu.vector_store_idx %arg16[%select_n3A_485, %broadcast_in_dim3A, %select_n3A_954, %add3A_1874], %gather3A_1916 : memref<2x4x8x128xf32, #tpu.memory_space<vmem>>[vector<16xi32>, vector<16xi32>, vector<16xi32>, vector<16xi32>], vector<16xf32>,
      %gather3A_1917 = tpu.vector_load_idx %arg12[%add3A_1854, %select_n3A_95] : memref<512x16xf32, #tpu.memory_space<vmem>>[vector<16xi32>, vector<16xi32>], vector<16xf32>,
      tpu.vector_store_idx %arg16[%select_n3A_516, %broadcast_in_dim3A, %select_n3A_976, %add3A_1874], %gather3A_1917 : memref<2x4x8x128xf32, #tpu.memory_space<vmem>>[vector<16xi32>, vector<16xi32>, vector<16xi32>, vector<16xi32>], vector<16xf32>,
      %gather3A_1918 = tpu.vector_load_idx %arg12[%add3A_1854, %select_n3A_120] : memref<512x16xf32, #tpu.memory_space<vmem>>[vector<16xi32>, vector<16xi32>], vector<16xf32>,
      tpu.vector_store_idx %arg16[%select_n3A_547, %broadcast_in_dim3A, %select_n3A_998, %add3A_1874], %gather3A_1918 : memref<2x4x8x128xf32, #tpu.memory_space<vmem>>[vector<16xi32>, vector<16xi32>, vector<16xi32>, vector<16xi32>], vector<16xf32>,
      %gather3A_1919 = tpu.vector_load_idx %arg12[%add3A_1854, %select_n3A_145] : memref<512x16xf32, #tpu.memory_space<vmem>>[vector<16xi32>, vector<16xi32>], vector<16xf32>,
      tpu.vector_store_idx %arg16[%select_n3A_578, %broadcast_in_dim3A, %select_n3A_1020, %add3A_1874], %gather3A_1919 : memref<2x4x8x128xf32, #tpu.memory_space<vmem>>[vector<16xi32>, vector<16xi32>, vector<16xi32>, vector<16xi32>], vector<16xf32>,
      %gather3A_1920 = tpu.vector_load_idx %arg12[%add3A_1854, %select_n3A_170] : memref<512x16xf32, #tpu.memory_space<vmem>>[vector<16xi32>, vector<16xi32>], vector<16xf32>,
      tpu.vector_store_idx %arg16[%select_n3A_609, %broadcast_in_dim3A, %select_n3A_1042, %add3A_1874], %gather3A_1920 : memref<2x4x8x128xf32, #tpu.memory_space<vmem>>[vector<16xi32>, vector<16xi32>, vector<16xi32>, vector<16xi32>], vector<16xf32>,
      %gather3A_1921 = tpu.vector_load_idx %arg12[%add3A_1854, %select_n3A_195] : memref<512x16xf32, #tpu.memory_space<vmem>>[vector<16xi32>, vector<16xi32>], vector<16xf32>,
      tpu.vector_store_idx %arg16[%select_n3A_640, %broadcast_in_dim3A, %select_n3A_1064, %add3A_1874], %gather3A_1921 : memref<2x4x8x128xf32, #tpu.memory_space<vmem>>[vector<16xi32>, vector<16xi32>, vector<16xi32>, vector<16xi32>], vector<16xf32>,
      %gather3A_1922 = tpu.vector_load_idx %arg12[%add3A_1854, %select_n3A_220] : memref<512x16xf32, #tpu.memory_space<vmem>>[vector<16xi32>, vector<16xi32>], vector<16xf32>,
      tpu.vector_store_idx %arg16[%select_n3A_671, %broadcast_in_dim3A, %select_n3A_1086, %add3A_1874], %gather3A_1922 : memref<2x4x8x128xf32, #tpu.memory_space<vmem>>[vector<16xi32>, vector<16xi32>, vector<16xi32>, vector<16xi32>], vector<16xf32>,
      %gather3A_1923 = tpu.vector_load_idx %arg12[%add3A_1854, %select_n3A_245] : memref<512x16xf32, #tpu.memory_space<vmem>>[vector<16xi32>, vector<16xi32>], vector<16xf32>,
      tpu.vector_store_idx %arg16[%select_n3A_702, %broadcast_in_dim3A, %select_n3A_1108, %add3A_1874], %gather3A_1923 : memref<2x4x8x128xf32, #tpu.memory_space<vmem>>[vector<16xi32>, vector<16xi32>, vector<16xi32>, vector<16xi32>], vector<16xf32>,
      %gather3A_1924 = tpu.vector_load_idx %arg12[%add3A_1854, %select_n3A_270] : memref<512x16xf32, #tpu.memory_space<vmem>>[vector<16xi32>, vector<16xi32>], vector<16xf32>,
      tpu.vector_store_idx %arg16[%select_n3A_733, %broadcast_in_dim3A, %select_n3A_1130, %add3A_1874], %gather3A_1924 : memref<2x4x8x128xf32, #tpu.memory_space<vmem>>[vector<16xi32>, vector<16xi32>, vector<16xi32>, vector<16xi32>], vector<16xf32>,
      %gather3A_1925 = tpu.vector_load_idx %arg12[%add3A_1854, %select_n3A_295] : memref<512x16xf32, #tpu.memory_space<vmem>>[vector<16xi32>, vector<16xi32>], vector<16xf32>,
      tpu.vector_store_idx %arg16[%select_n3A_764, %broadcast_in_dim3A, %select_n3A_1152, %add3A_1874], %gather3A_1925 : memref<2x4x8x128xf32, #tpu.memory_space<vmem>>[vector<16xi32>, vector<16xi32>, vector<16xi32>, vector<16xi32>], vector<16xf32>,
      %gather3A_1926 = tpu.vector_load_idx %arg12[%add3A_1854, %select_n3A_320] : memref<512x16xf32, #tpu.memory_space<vmem>>[vector<16xi32>, vector<16xi32>], vector<16xf32>,
      tpu.vector_store_idx %arg16[%select_n3A_795, %broadcast_in_dim3A, %select_n3A_1174, %add3A_1874], %gather3A_1926 : memref<2x4x8x128xf32, #tpu.memory_space<vmem>>[vector<16xi32>, vector<16xi32>, vector<16xi32>, vector<16xi32>], vector<16xf32>,
      %gather3A_1927 = tpu.vector_load_idx %arg12[%add3A_1854, %select_n3A_345] : memref<512x16xf32, #tpu.memory_space<vmem>>[vector<16xi32>, vector<16xi32>], vector<16xf32>,
      tpu.vector_store_idx %arg16[%select_n3A_826, %broadcast_in_dim3A, %select_n3A_1196, %add3A_1874], %gather3A_1927 : memref<2x4x8x128xf32, #tpu.memory_space<vmem>>[vector<16xi32>, vector<16xi32>, vector<16xi32>, vector<16xi32>], vector<16xf32>,
      %gather3A_1928 = tpu.vector_load_idx %arg12[%add3A_1854, %select_n3A_370] : memref<512x16xf32, #tpu.memory_space<vmem>>[vector<16xi32>, vector<16xi32>], vector<16xf32>,
      tpu.vector_store_idx %arg16[%select_n3A_857, %broadcast_in_dim3A, %select_n3A_1218, %add3A_1874], %gather3A_1928 : memref<2x4x8x128xf32, #tpu.memory_space<vmem>>[vector<16xi32>, vector<16xi32>, vector<16xi32>, vector<16xi32>], vector<16xf32>,
      %gather3A_1929 = tpu.vector_load_idx %arg12[%add3A_1854, %select_n3A_395] : memref<512x16xf32, #tpu.memory_space<vmem>>[vector<16xi32>, vector<16xi32>], vector<16xf32>,
      tpu.vector_store_idx %arg16[%select_n3A_888, %broadcast_in_dim3A, %select_n3A_1240, %add3A_1874], %gather3A_1929 : memref<2x4x8x128xf32, #tpu.memory_space<vmem>>[vector<16xi32>, vector<16xi32>, vector<16xi32>, vector<16xi32>], vector<16xf32>,
      %scan3A_1930 = arith.constant 0 : i32
      scf.yield %scan3A_1930 : i32
    }
    %scan3A_1670 = arith.constant 32 : i32
    %dma_start3A_1671 = arith.constant 198 : i32
    %dma_start3A_1672 = arith.constant 0 : i32
    %dma_start3A_1673 = arith.constant 0 : i32
    %dma_start3A_1674 = arith.constant 0 : i32
    %dma_start3A_1675 = tpu.memref_slice %arg5[%dma_start3A_1671, %dma_start3A_1672, %mul3A_2, %dma_start3A_1673, %dma_start3A_1674] : memref<200x2x128x8x128xf32, #tpu.memory_space<hbm>> -> memref<1x2x4x8x128xf32, #tpu.memory_space<hbm>>
    %dma_start3A_1676 = tpu.memref_squeeze %dma_start3A_1675 : memref<1x2x4x8x128xf32, #tpu.memory_space<hbm>> -> memref<2x4x8x128xf32, #tpu.memory_space<hbm>>
    %dma_start3A_1677 = arith.constant 0 : i32
    %dma_start3A_1678 = arith.constant 0 : i32
    %dma_start3A_1679 = arith.constant 0 : i32
    %dma_start3A_1680 = tpu.memref_slice %arg5[%dma_start3A_1671, %dma_start3A_1677, %mul3A_2, %dma_start3A_1678, %dma_start3A_1679] : memref<200x2x128x8x128xf32, #tpu.memory_space<hbm>> -> memref<1x2x4x8x128xf32, #tpu.memory_space<hbm>>
    %dma_start3A_1681 = tpu.memref_squeeze %dma_start3A_1680 : memref<1x2x4x8x128xf32, #tpu.memory_space<hbm>> -> memref<2x4x8x128xf32, #tpu.memory_space<hbm>>
    tpu.enqueue_dma source(%arg14 : memref<2x4x8x128xf32, #tpu.memory_space<vmem>>) target(%dma_start3A_1681 : memref<2x4x8x128xf32, #tpu.memory_space<hbm>>) target_semaphore(%arg24 : memref<!tpu.dma_semaphore, #tpu.memory_space<semaphore_mem>>)
    %dma_start3A_1682 = arith.constant 198 : i32
    %dma_start3A_1683 = arith.constant 0 : i32
    %dma_start3A_1684 = arith.constant 0 : i32
    %dma_start3A_1685 = arith.constant 0 : i32
    %dma_start3A_1686 = tpu.memref_slice %arg6[%dma_start3A_1682, %dma_start3A_1683, %mul3A_2, %dma_start3A_1684, %dma_start3A_1685] : memref<200x2x128x8x128xf32, #tpu.memory_space<hbm>> -> memref<1x2x4x8x128xf32, #tpu.memory_space<hbm>>
    %dma_start3A_1687 = tpu.memref_squeeze %dma_start3A_1686 : memref<1x2x4x8x128xf32, #tpu.memory_space<hbm>> -> memref<2x4x8x128xf32, #tpu.memory_space<hbm>>
    %dma_start3A_1688 = arith.constant 0 : i32
    %dma_start3A_1689 = arith.constant 0 : i32
    %dma_start3A_1690 = arith.constant 0 : i32
    %dma_start3A_1691 = tpu.memref_slice %arg6[%dma_start3A_1682, %dma_start3A_1688, %mul3A_2, %dma_start3A_1689, %dma_start3A_1690] : memref<200x2x128x8x128xf32, #tpu.memory_space<hbm>> -> memref<1x2x4x8x128xf32, #tpu.memory_space<hbm>>
    %dma_start3A_1692 = tpu.memref_squeeze %dma_start3A_1691 : memref<1x2x4x8x128xf32, #tpu.memory_space<hbm>> -> memref<2x4x8x128xf32, #tpu.memory_space<hbm>>
    tpu.enqueue_dma source(%arg14 : memref<2x4x8x128xf32, #tpu.memory_space<vmem>>) target(%dma_start3A_1692 : memref<2x4x8x128xf32, #tpu.memory_space<hbm>>) target_semaphore(%arg26 : memref<!tpu.dma_semaphore, #tpu.memory_space<semaphore_mem>>)
    %dma_start3A_1693 = arith.constant 198 : i32
    %dma_start3A_1694 = arith.constant 0 : i32
    %dma_start3A_1695 = arith.constant 0 : i32
    %dma_start3A_1696 = arith.constant 0 : i32
    %dma_start3A_1697 = tpu.memref_slice %arg7[%dma_start3A_1693, %dma_start3A_1694, %mul3A_2, %dma_start3A_1695, %dma_start3A_1696] : memref<200x2x128x8x128xf32, #tpu.memory_space<hbm>> -> memref<1x2x4x8x128xf32, #tpu.memory_space<hbm>>
    %dma_start3A_1698 = tpu.memref_squeeze %dma_start3A_1697 : memref<1x2x4x8x128xf32, #tpu.memory_space<hbm>> -> memref<2x4x8x128xf32, #tpu.memory_space<hbm>>
    %dma_start3A_1699 = arith.constant 0 : i32
    %dma_start3A_1700 = arith.constant 0 : i32
    %dma_start3A_1701 = arith.constant 0 : i32
    %dma_start3A_1702 = tpu.memref_slice %arg7[%dma_start3A_1693, %dma_start3A_1699, %mul3A_2, %dma_start3A_1700, %dma_start3A_1701] : memref<200x2x128x8x128xf32, #tpu.memory_space<hbm>> -> memref<1x2x4x8x128xf32, #tpu.memory_space<hbm>>
    %dma_start3A_1703 = tpu.memref_squeeze %dma_start3A_1702 : memref<1x2x4x8x128xf32, #tpu.memory_space<hbm>> -> memref<2x4x8x128xf32, #tpu.memory_space<hbm>>
    tpu.enqueue_dma source(%arg16 : memref<2x4x8x128xf32, #tpu.memory_space<vmem>>) target(%dma_start3A_1703 : memref<2x4x8x128xf32, #tpu.memory_space<hbm>>) target_semaphore(%arg28 : memref<!tpu.dma_semaphore, #tpu.memory_space<semaphore_mem>>)
    %dma_wait3A_1704 = arith.constant 0 : i32
    %dma_wait3A_1705 = arith.constant 0 : i32
    %dma_wait3A_1706 = tpu.memref_slice %arg3[%dma_wait3A_1704, %dma_wait3A_1705] : memref<1000000x16xf32, #tpu.memory_space<hbm>> -> memref<1000000x16xf32, #tpu.memory_space<hbm>>
    tpu.wait_indirect_dma semaphore(%arg21 : memref<!tpu.dma_semaphore, #tpu.memory_space<semaphore_mem>>) src(%dma_wait3A_1706 : memref<1000000x16xf32, #tpu.memory_space<hbm>>) dst(%arg11 : memref<512x16xf32, #tpu.memory_space<vmem>>)
    %dma_wait3A_1707 = arith.constant 0 : i32
    %dma_wait3A_1708 = arith.constant 0 : i32
    %dma_wait3A_1709 = tpu.memref_slice %arg4[%dma_wait3A_1707, %dma_wait3A_1708] : memref<1000000x16xf32, #tpu.memory_space<hbm>> -> memref<1000000x16xf32, #tpu.memory_space<hbm>>
    tpu.wait_indirect_dma semaphore(%arg23 : memref<!tpu.dma_semaphore, #tpu.memory_space<semaphore_mem>>) src(%dma_wait3A_1709 : memref<1000000x16xf32, #tpu.memory_space<hbm>>) dst(%arg13 : memref<512x16xf32, #tpu.memory_space<vmem>>)
    %dma_wait3A_1710 = arith.constant 0 : i32
    %dma_wait3A_1711 = arith.constant 0 : i32
    %dma_wait3A_1712 = arith.constant 0 : i32
    %dma_wait3A_1713 = arith.constant 0 : i32
    %dma_wait3A_1714 = tpu.memref_slice %arg5[%dma_wait3A_1710, %dma_wait3A_1711, %mul3A_2, %dma_wait3A_1712, %dma_wait3A_1713] : memref<200x2x128x8x128xf32, #tpu.memory_space<hbm>> -> memref<1x2x4x8x128xf32, #tpu.memory_space<hbm>>
    %dma_wait3A_1715 = tpu.memref_squeeze %dma_wait3A_1714 : memref<1x2x4x8x128xf32, #tpu.memory_space<hbm>> -> memref<2x4x8x128xf32, #tpu.memory_space<hbm>>
    %dma_wait3A_1716 = arith.constant 0 : i32
    %dma_wait3A_1717 = arith.constant 0 : i32
    %dma_wait3A_1718 = arith.constant 0 : i32
    %dma_wait3A_1719 = tpu.memref_slice %arg5[%dma_wait3A_1710, %dma_wait3A_1716, %mul3A_2, %dma_wait3A_1717, %dma_wait3A_1718] : memref<200x2x128x8x128xf32, #tpu.memory_space<hbm>> -> memref<1x2x4x8x128xf32, #tpu.memory_space<hbm>>
    %dma_wait3A_1720 = tpu.memref_squeeze %dma_wait3A_1719 : memref<1x2x4x8x128xf32, #tpu.memory_space<hbm>> -> memref<2x4x8x128xf32, #tpu.memory_space<hbm>>
    tpu.wait_dma2 semaphore(%arg25 : memref<!tpu.dma_semaphore, #tpu.memory_space<semaphore_mem>>) src(%arg15 : memref<2x4x8x128xf32, #tpu.memory_space<vmem>>) dst(%dma_wait3A_1720 : memref<2x4x8x128xf32, #tpu.memory_space<hbm>>)
    %dma_wait3A_1721 = arith.constant 0 : i32
    %dma_wait3A_1722 = arith.constant 0 : i32
    %dma_wait3A_1723 = arith.constant 0 : i32
    %dma_wait3A_1724 = arith.constant 0 : i32
    %dma_wait3A_1725 = tpu.memref_slice %arg6[%dma_wait3A_1721, %dma_wait3A_1722, %mul3A_2, %dma_wait3A_1723, %dma_wait3A_1724] : memref<200x2x128x8x128xf32, #tpu.memory_space<hbm>> -> memref<1x2x4x8x128xf32, #tpu.memory_space<hbm>>
    %dma_wait3A_1726 = tpu.memref_squeeze %dma_wait3A_1725 : memref<1x2x4x8x128xf32, #tpu.memory_space<hbm>> -> memref<2x4x8x128xf32, #tpu.memory_space<hbm>>
    %dma_wait3A_1727 = arith.constant 0 : i32
    %dma_wait3A_1728 = arith.constant 0 : i32
    %dma_wait3A_1729 = arith.constant 0 : i32
    %dma_wait3A_1730 = tpu.memref_slice %arg6[%dma_wait3A_1721, %dma_wait3A_1727, %mul3A_2, %dma_wait3A_1728, %dma_wait3A_1729] : memref<200x2x128x8x128xf32, #tpu.memory_space<hbm>> -> memref<1x2x4x8x128xf32, #tpu.memory_space<hbm>>
    %dma_wait3A_1731 = tpu.memref_squeeze %dma_wait3A_1730 : memref<1x2x4x8x128xf32, #tpu.memory_space<hbm>> -> memref<2x4x8x128xf32, #tpu.memory_space<hbm>>
    tpu.wait_dma2 semaphore(%arg27 : memref<!tpu.dma_semaphore, #tpu.memory_space<semaphore_mem>>) src(%arg15 : memref<2x4x8x128xf32, #tpu.memory_space<vmem>>) dst(%dma_wait3A_1731 : memref<2x4x8x128xf32, #tpu.memory_space<hbm>>)
    %dma_wait3A_1732 = arith.constant 0 : i32
    %dma_wait3A_1733 = arith.constant 0 : i32
    %dma_wait3A_1734 = arith.constant 0 : i32
    %dma_wait3A_1735 = arith.constant 0 : i32
    %dma_wait3A_1736 = tpu.memref_slice %arg7[%dma_wait3A_1732, %dma_wait3A_1733, %mul3A_2, %dma_wait3A_1734, %dma_wait3A_1735] : memref<200x2x128x8x128xf32, #tpu.memory_space<hbm>> -> memref<1x2x4x8x128xf32, #tpu.memory_space<hbm>>
    %dma_wait3A_1737 = tpu.memref_squeeze %dma_wait3A_1736 : memref<1x2x4x8x128xf32, #tpu.memory_space<hbm>> -> memref<2x4x8x128xf32, #tpu.memory_space<hbm>>
    %dma_wait3A_1738 = arith.constant 0 : i32
    %dma_wait3A_1739 = arith.constant 0 : i32
    %dma_wait3A_1740 = arith.constant 0 : i32
    %dma_wait3A_1741 = tpu.memref_slice %arg7[%dma_wait3A_1732, %dma_wait3A_1738, %mul3A_2, %dma_wait3A_1739, %dma_wait3A_1740] : memref<200x2x128x8x128xf32, #tpu.memory_space<hbm>> -> memref<1x2x4x8x128xf32, #tpu.memory_space<hbm>>
    %dma_wait3A_1742 = tpu.memref_squeeze %dma_wait3A_1741 : memref<1x2x4x8x128xf32, #tpu.memory_space<hbm>> -> memref<2x4x8x128xf32, #tpu.memory_space<hbm>>
    tpu.wait_dma2 semaphore(%arg29 : memref<!tpu.dma_semaphore, #tpu.memory_space<semaphore_mem>>) src(%arg17 : memref<2x4x8x128xf32, #tpu.memory_space<vmem>>) dst(%dma_wait3A_1742 : memref<2x4x8x128xf32, #tpu.memory_space<hbm>>)
    %scan3A_1743 = arith.constant 0 : i32
    %scan3A_1744 = arith.constant 0 : i32
    %scan3A_1745 = arith.constant 32 : i32
    %scan3A_1746 = arith.addi %scan3A_1744, %scan3A_1745 : i32
    %scan3A_1747 = arith.constant 1 : i32
    %scan3A_1748 = scf.for %scan3A_1849 = %scan3A_1744 to %scan3A_1746 step %scan3A_1747 iter_args(%scan3A_1850 = %scan3A_1743) -> (i32)  : i32 {
      %mul3A_1851 = arith.constant 16 : i32
      %mul3A_1852 = arith.muli %scan3A_1849, %mul3A_1851 : i32
      %add3A_1853 = vector.broadcast %mul3A_1852 : i32 to vector<16xi32>
      %add3A_1854 = arith.addi %iota3A, %add3A_1853 : vector<16xi32>
      %jit3A_1855 = arith.constant 8 : i32
      %eq3A_1856 = arith.constant 0 : i32
      %eq3A_1857 = arith.cmpi eq, %jit3A_1855, %eq3A_1856 : i32
      %jit3A_1858 = arith.constant 1 : i32
      %select_n3A_1859 = arith.select %eq3A_1857, %jit3A_1858, %jit3A_1855 : i32
      %rem3A_1860 = arith.remsi %scan3A_1849, %select_n3A_1859 : i32
      %ne3A_1861 = arith.constant 0 : i32
      %ne3A_1862 = arith.cmpi ne, %rem3A_1860, %ne3A_1861 : i32
      %lt3A_1863 = arith.constant 0 : i32
      %lt3A_1864 = arith.cmpi slt, %rem3A_1860, %lt3A_1863 : i32
      %lt3A_1865 = arith.constant 0 : i32
      %lt3A_1866 = arith.cmpi slt, %select_n3A_1859, %lt3A_1865 : i32
      %ne3A_1867 = arith.xori %lt3A_1864, %lt3A_1866 : i1
      %and3A_1868 = arith.andi %ne3A_1867, %ne3A_1862 : i1
      %add3A_1869 = arith.addi %rem3A_1860, %select_n3A_1859 : i32
      %select_n3A_1870 = arith.select %and3A_1868, %add3A_1869, %rem3A_1860 : i32
      %mul3A_1871 = arith.constant 16 : i32
      %mul3A_1872 = arith.muli %select_n3A_1870, %mul3A_1871 : i32
      %add3A_1873 = vector.broadcast %mul3A_1872 : i32 to vector<16xi32>
      %add3A_1874 = arith.addi %iota3A, %add3A_1873 : vector<16xi32>
      %jit3A_1875 = arith.constant 8 : i32
      %div3A_1876 = arith.divsi %scan3A_1849, %jit3A_1875 : i32
      %sign3A_1877 = arith.constant 0 : i32
      %sign3A_1878 = arith.cmpi sgt, %scan3A_1849, %sign3A_1877 : i32
      %sign3A_1879 = arith.extui %sign3A_1878 : i1 to i32
      %sign3A_1880 = arith.constant 0 : i32
      %sign3A_1881 = arith.cmpi slt, %scan3A_1849, %sign3A_1880 : i32
      %sign3A_1882 = arith.extui %sign3A_1881 : i1 to i32
      %sign3A_1883 = arith.subi %sign3A_1879, %sign3A_1882 : i32
      %sign3A_1884 = arith.constant 0 : i32
      %sign3A_1885 = arith.cmpi sgt, %jit3A_1875, %sign3A_1884 : i32
      %sign3A_1886 = arith.extui %sign3A_1885 : i1 to i32
      %sign3A_1887 = arith.constant 0 : i32
      %sign3A_1888 = arith.cmpi slt, %jit3A_1875, %sign3A_1887 : i32
      %sign3A_1889 = arith.extui %sign3A_1888 : i1 to i32
      %sign3A_1890 = arith.subi %sign3A_1886, %sign3A_1889 : i32
      %ne3A_1891 = arith.cmpi ne, %sign3A_1883, %sign3A_1890 : i32
      %rem3A_1892 = arith.remsi %scan3A_1849, %jit3A_1875 : i32
      %ne3A_1893 = arith.constant 0 : i32
      %ne3A_1894 = arith.cmpi ne, %rem3A_1892, %ne3A_1893 : i32
      %and3A_1895 = arith.andi %ne3A_1891, %ne3A_1894 : i1
      %sub3A_1896 = arith.constant 1 : i32
      %sub3A_1897 = arith.subi %div3A_1876, %sub3A_1896 : i32
      %select_n3A_1898 = arith.select %and3A_1895, %sub3A_1897, %div3A_1876 : i32
      %broadcast_in_dim3A = vector.broadcast %select_n3A_1898 : i32 to vector<16xi32>
      %gather3A = tpu.vector_load_idx %arg11[%add3A_1854, %select_n3A_20] : memref<512x16xf32, #tpu.memory_space<vmem>>[vector<16xi32>, vector<16xi32>], vector<16xf32>,
      tpu.vector_store_idx %arg15[%select_n3A_423, %broadcast_in_dim3A, %select_n3A_910, %add3A_1874], %gather3A : memref<2x4x8x128xf32, #tpu.memory_space<vmem>>[vector<16xi32>, vector<16xi32>, vector<16xi32>, vector<16xi32>], vector<16xf32>,
      %gather3A_1899 = tpu.vector_load_idx %arg11[%add3A_1854, %select_n3A_45] : memref<512x16xf32, #tpu.memory_space<vmem>>[vector<16xi32>, vector<16xi32>], vector<16xf32>,
      tpu.vector_store_idx %arg15[%select_n3A_454, %broadcast_in_dim3A, %select_n3A_932, %add3A_1874], %gather3A_1899 : memref<2x4x8x128xf32, #tpu.memory_space<vmem>>[vector<16xi32>, vector<16xi32>, vector<16xi32>, vector<16xi32>], vector<16xf32>,
      %gather3A_1900 = tpu.vector_load_idx %arg11[%add3A_1854, %select_n3A_70] : memref<512x16xf32, #tpu.memory_space<vmem>>[vector<16xi32>, vector<16xi32>], vector<16xf32>,
      tpu.vector_store_idx %arg15[%select_n3A_485, %broadcast_in_dim3A, %select_n3A_954, %add3A_1874], %gather3A_1900 : memref<2x4x8x128xf32, #tpu.memory_space<vmem>>[vector<16xi32>, vector<16xi32>, vector<16xi32>, vector<16xi32>], vector<16xf32>,
      %gather3A_1901 = tpu.vector_load_idx %arg11[%add3A_1854, %select_n3A_95] : memref<512x16xf32, #tpu.memory_space<vmem>>[vector<16xi32>, vector<16xi32>], vector<16xf32>,
      tpu.vector_store_idx %arg15[%select_n3A_516, %broadcast_in_dim3A, %select_n3A_976, %add3A_1874], %gather3A_1901 : memref<2x4x8x128xf32, #tpu.memory_space<vmem>>[vector<16xi32>, vector<16xi32>, vector<16xi32>, vector<16xi32>], vector<16xf32>,
      %gather3A_1902 = tpu.vector_load_idx %arg11[%add3A_1854, %select_n3A_120] : memref<512x16xf32, #tpu.memory_space<vmem>>[vector<16xi32>, vector<16xi32>], vector<16xf32>,
      tpu.vector_store_idx %arg15[%select_n3A_547, %broadcast_in_dim3A, %select_n3A_998, %add3A_1874], %gather3A_1902 : memref<2x4x8x128xf32, #tpu.memory_space<vmem>>[vector<16xi32>, vector<16xi32>, vector<16xi32>, vector<16xi32>], vector<16xf32>,
      %gather3A_1903 = tpu.vector_load_idx %arg11[%add3A_1854, %select_n3A_145] : memref<512x16xf32, #tpu.memory_space<vmem>>[vector<16xi32>, vector<16xi32>], vector<16xf32>,
      tpu.vector_store_idx %arg15[%select_n3A_578, %broadcast_in_dim3A, %select_n3A_1020, %add3A_1874], %gather3A_1903 : memref<2x4x8x128xf32, #tpu.memory_space<vmem>>[vector<16xi32>, vector<16xi32>, vector<16xi32>, vector<16xi32>], vector<16xf32>,
      %gather3A_1904 = tpu.vector_load_idx %arg11[%add3A_1854, %select_n3A_170] : memref<512x16xf32, #tpu.memory_space<vmem>>[vector<16xi32>, vector<16xi32>], vector<16xf32>,
      tpu.vector_store_idx %arg15[%select_n3A_609, %broadcast_in_dim3A, %select_n3A_1042, %add3A_1874], %gather3A_1904 : memref<2x4x8x128xf32, #tpu.memory_space<vmem>>[vector<16xi32>, vector<16xi32>, vector<16xi32>, vector<16xi32>], vector<16xf32>,
      %gather3A_1905 = tpu.vector_load_idx %arg11[%add3A_1854, %select_n3A_195] : memref<512x16xf32, #tpu.memory_space<vmem>>[vector<16xi32>, vector<16xi32>], vector<16xf32>,
      tpu.vector_store_idx %arg15[%select_n3A_640, %broadcast_in_dim3A, %select_n3A_1064, %add3A_1874], %gather3A_1905 : memref<2x4x8x128xf32, #tpu.memory_space<vmem>>[vector<16xi32>, vector<16xi32>, vector<16xi32>, vector<16xi32>], vector<16xf32>,
      %gather3A_1906 = tpu.vector_load_idx %arg11[%add3A_1854, %select_n3A_220] : memref<512x16xf32, #tpu.memory_space<vmem>>[vector<16xi32>, vector<16xi32>], vector<16xf32>,
      tpu.vector_store_idx %arg15[%select_n3A_671, %broadcast_in_dim3A, %select_n3A_1086, %add3A_1874], %gather3A_1906 : memref<2x4x8x128xf32, #tpu.memory_space<vmem>>[vector<16xi32>, vector<16xi32>, vector<16xi32>, vector<16xi32>], vector<16xf32>,
      %gather3A_1907 = tpu.vector_load_idx %arg11[%add3A_1854, %select_n3A_245] : memref<512x16xf32, #tpu.memory_space<vmem>>[vector<16xi32>, vector<16xi32>], vector<16xf32>,
      tpu.vector_store_idx %arg15[%select_n3A_702, %broadcast_in_dim3A, %select_n3A_1108, %add3A_1874], %gather3A_1907 : memref<2x4x8x128xf32, #tpu.memory_space<vmem>>[vector<16xi32>, vector<16xi32>, vector<16xi32>, vector<16xi32>], vector<16xf32>,
      %gather3A_1908 = tpu.vector_load_idx %arg11[%add3A_1854, %select_n3A_270] : memref<512x16xf32, #tpu.memory_space<vmem>>[vector<16xi32>, vector<16xi32>], vector<16xf32>,
      tpu.vector_store_idx %arg15[%select_n3A_733, %broadcast_in_dim3A, %select_n3A_1130, %add3A_1874], %gather3A_1908 : memref<2x4x8x128xf32, #tpu.memory_space<vmem>>[vector<16xi32>, vector<16xi32>, vector<16xi32>, vector<16xi32>], vector<16xf32>,
      %gather3A_1909 = tpu.vector_load_idx %arg11[%add3A_1854, %select_n3A_295] : memref<512x16xf32, #tpu.memory_space<vmem>>[vector<16xi32>, vector<16xi32>], vector<16xf32>,
      tpu.vector_store_idx %arg15[%select_n3A_764, %broadcast_in_dim3A, %select_n3A_1152, %add3A_1874], %gather3A_1909 : memref<2x4x8x128xf32, #tpu.memory_space<vmem>>[vector<16xi32>, vector<16xi32>, vector<16xi32>, vector<16xi32>], vector<16xf32>,
      %gather3A_1910 = tpu.vector_load_idx %arg11[%add3A_1854, %select_n3A_320] : memref<512x16xf32, #tpu.memory_space<vmem>>[vector<16xi32>, vector<16xi32>], vector<16xf32>,
      tpu.vector_store_idx %arg15[%select_n3A_795, %broadcast_in_dim3A, %select_n3A_1174, %add3A_1874], %gather3A_1910 : memref<2x4x8x128xf32, #tpu.memory_space<vmem>>[vector<16xi32>, vector<16xi32>, vector<16xi32>, vector<16xi32>], vector<16xf32>,
      %gather3A_1911 = tpu.vector_load_idx %arg11[%add3A_1854, %select_n3A_345] : memref<512x16xf32, #tpu.memory_space<vmem>>[vector<16xi32>, vector<16xi32>], vector<16xf32>,
      tpu.vector_store_idx %arg15[%select_n3A_826, %broadcast_in_dim3A, %select_n3A_1196, %add3A_1874], %gather3A_1911 : memref<2x4x8x128xf32, #tpu.memory_space<vmem>>[vector<16xi32>, vector<16xi32>, vector<16xi32>, vector<16xi32>], vector<16xf32>,
      %gather3A_1912 = tpu.vector_load_idx %arg11[%add3A_1854, %select_n3A_370] : memref<512x16xf32, #tpu.memory_space<vmem>>[vector<16xi32>, vector<16xi32>], vector<16xf32>,
      tpu.vector_store_idx %arg15[%select_n3A_857, %broadcast_in_dim3A, %select_n3A_1218, %add3A_1874], %gather3A_1912 : memref<2x4x8x128xf32, #tpu.memory_space<vmem>>[vector<16xi32>, vector<16xi32>, vector<16xi32>, vector<16xi32>], vector<16xf32>,
      %gather3A_1913 = tpu.vector_load_idx %arg11[%add3A_1854, %select_n3A_395] : memref<512x16xf32, #tpu.memory_space<vmem>>[vector<16xi32>, vector<16xi32>], vector<16xf32>,
      tpu.vector_store_idx %arg15[%select_n3A_888, %broadcast_in_dim3A, %select_n3A_1240, %add3A_1874], %gather3A_1913 : memref<2x4x8x128xf32, #tpu.memory_space<vmem>>[vector<16xi32>, vector<16xi32>, vector<16xi32>, vector<16xi32>], vector<16xf32>,
      %gather3A_1914 = tpu.vector_load_idx %arg13[%add3A_1854, %select_n3A_20] : memref<512x16xf32, #tpu.memory_space<vmem>>[vector<16xi32>, vector<16xi32>], vector<16xf32>,
      tpu.vector_store_idx %arg17[%select_n3A_423, %broadcast_in_dim3A, %select_n3A_910, %add3A_1874], %gather3A_1914 : memref<2x4x8x128xf32, #tpu.memory_space<vmem>>[vector<16xi32>, vector<16xi32>, vector<16xi32>, vector<16xi32>], vector<16xf32>,
      %gather3A_1915 = tpu.vector_load_idx %arg13[%add3A_1854, %select_n3A_45] : memref<512x16xf32, #tpu.memory_space<vmem>>[vector<16xi32>, vector<16xi32>], vector<16xf32>,
      tpu.vector_store_idx %arg17[%select_n3A_454, %broadcast_in_dim3A, %select_n3A_932, %add3A_1874], %gather3A_1915 : memref<2x4x8x128xf32, #tpu.memory_space<vmem>>[vector<16xi32>, vector<16xi32>, vector<16xi32>, vector<16xi32>], vector<16xf32>,
      %gather3A_1916 = tpu.vector_load_idx %arg13[%add3A_1854, %select_n3A_70] : memref<512x16xf32, #tpu.memory_space<vmem>>[vector<16xi32>, vector<16xi32>], vector<16xf32>,
      tpu.vector_store_idx %arg17[%select_n3A_485, %broadcast_in_dim3A, %select_n3A_954, %add3A_1874], %gather3A_1916 : memref<2x4x8x128xf32, #tpu.memory_space<vmem>>[vector<16xi32>, vector<16xi32>, vector<16xi32>, vector<16xi32>], vector<16xf32>,
      %gather3A_1917 = tpu.vector_load_idx %arg13[%add3A_1854, %select_n3A_95] : memref<512x16xf32, #tpu.memory_space<vmem>>[vector<16xi32>, vector<16xi32>], vector<16xf32>,
      tpu.vector_store_idx %arg17[%select_n3A_516, %broadcast_in_dim3A, %select_n3A_976, %add3A_1874], %gather3A_1917 : memref<2x4x8x128xf32, #tpu.memory_space<vmem>>[vector<16xi32>, vector<16xi32>, vector<16xi32>, vector<16xi32>], vector<16xf32>,
      %gather3A_1918 = tpu.vector_load_idx %arg13[%add3A_1854, %select_n3A_120] : memref<512x16xf32, #tpu.memory_space<vmem>>[vector<16xi32>, vector<16xi32>], vector<16xf32>,
      tpu.vector_store_idx %arg17[%select_n3A_547, %broadcast_in_dim3A, %select_n3A_998, %add3A_1874], %gather3A_1918 : memref<2x4x8x128xf32, #tpu.memory_space<vmem>>[vector<16xi32>, vector<16xi32>, vector<16xi32>, vector<16xi32>], vector<16xf32>,
      %gather3A_1919 = tpu.vector_load_idx %arg13[%add3A_1854, %select_n3A_145] : memref<512x16xf32, #tpu.memory_space<vmem>>[vector<16xi32>, vector<16xi32>], vector<16xf32>,
      tpu.vector_store_idx %arg17[%select_n3A_578, %broadcast_in_dim3A, %select_n3A_1020, %add3A_1874], %gather3A_1919 : memref<2x4x8x128xf32, #tpu.memory_space<vmem>>[vector<16xi32>, vector<16xi32>, vector<16xi32>, vector<16xi32>], vector<16xf32>,
      %gather3A_1920 = tpu.vector_load_idx %arg13[%add3A_1854, %select_n3A_170] : memref<512x16xf32, #tpu.memory_space<vmem>>[vector<16xi32>, vector<16xi32>], vector<16xf32>,
      tpu.vector_store_idx %arg17[%select_n3A_609, %broadcast_in_dim3A, %select_n3A_1042, %add3A_1874], %gather3A_1920 : memref<2x4x8x128xf32, #tpu.memory_space<vmem>>[vector<16xi32>, vector<16xi32>, vector<16xi32>, vector<16xi32>], vector<16xf32>,
      %gather3A_1921 = tpu.vector_load_idx %arg13[%add3A_1854, %select_n3A_195] : memref<512x16xf32, #tpu.memory_space<vmem>>[vector<16xi32>, vector<16xi32>], vector<16xf32>,
      tpu.vector_store_idx %arg17[%select_n3A_640, %broadcast_in_dim3A, %select_n3A_1064, %add3A_1874], %gather3A_1921 : memref<2x4x8x128xf32, #tpu.memory_space<vmem>>[vector<16xi32>, vector<16xi32>, vector<16xi32>, vector<16xi32>], vector<16xf32>,
      %gather3A_1922 = tpu.vector_load_idx %arg13[%add3A_1854, %select_n3A_220] : memref<512x16xf32, #tpu.memory_space<vmem>>[vector<16xi32>, vector<16xi32>], vector<16xf32>,
      tpu.vector_store_idx %arg17[%select_n3A_671, %broadcast_in_dim3A, %select_n3A_1086, %add3A_1874], %gather3A_1922 : memref<2x4x8x128xf32, #tpu.memory_space<vmem>>[vector<16xi32>, vector<16xi32>, vector<16xi32>, vector<16xi32>], vector<16xf32>,
      %gather3A_1923 = tpu.vector_load_idx %arg13[%add3A_1854, %select_n3A_245] : memref<512x16xf32, #tpu.memory_space<vmem>>[vector<16xi32>, vector<16xi32>], vector<16xf32>,
      tpu.vector_store_idx %arg17[%select_n3A_702, %broadcast_in_dim3A, %select_n3A_1108, %add3A_1874], %gather3A_1923 : memref<2x4x8x128xf32, #tpu.memory_space<vmem>>[vector<16xi32>, vector<16xi32>, vector<16xi32>, vector<16xi32>], vector<16xf32>,
      %gather3A_1924 = tpu.vector_load_idx %arg13[%add3A_1854, %select_n3A_270] : memref<512x16xf32, #tpu.memory_space<vmem>>[vector<16xi32>, vector<16xi32>], vector<16xf32>,
      tpu.vector_store_idx %arg17[%select_n3A_733, %broadcast_in_dim3A, %select_n3A_1130, %add3A_1874], %gather3A_1924 : memref<2x4x8x128xf32, #tpu.memory_space<vmem>>[vector<16xi32>, vector<16xi32>, vector<16xi32>, vector<16xi32>], vector<16xf32>,
      %gather3A_1925 = tpu.vector_load_idx %arg13[%add3A_1854, %select_n3A_295] : memref<512x16xf32, #tpu.memory_space<vmem>>[vector<16xi32>, vector<16xi32>], vector<16xf32>,
      tpu.vector_store_idx %arg17[%select_n3A_764, %broadcast_in_dim3A, %select_n3A_1152, %add3A_1874], %gather3A_1925 : memref<2x4x8x128xf32, #tpu.memory_space<vmem>>[vector<16xi32>, vector<16xi32>, vector<16xi32>, vector<16xi32>], vector<16xf32>,
      %gather3A_1926 = tpu.vector_load_idx %arg13[%add3A_1854, %select_n3A_320] : memref<512x16xf32, #tpu.memory_space<vmem>>[vector<16xi32>, vector<16xi32>], vector<16xf32>,
      tpu.vector_store_idx %arg17[%select_n3A_795, %broadcast_in_dim3A, %select_n3A_1174, %add3A_1874], %gather3A_1926 : memref<2x4x8x128xf32, #tpu.memory_space<vmem>>[vector<16xi32>, vector<16xi32>, vector<16xi32>, vector<16xi32>], vector<16xf32>,
      %gather3A_1927 = tpu.vector_load_idx %arg13[%add3A_1854, %select_n3A_345] : memref<512x16xf32, #tpu.memory_space<vmem>>[vector<16xi32>, vector<16xi32>], vector<16xf32>,
      tpu.vector_store_idx %arg17[%select_n3A_826, %broadcast_in_dim3A, %select_n3A_1196, %add3A_1874], %gather3A_1927 : memref<2x4x8x128xf32, #tpu.memory_space<vmem>>[vector<16xi32>, vector<16xi32>, vector<16xi32>, vector<16xi32>], vector<16xf32>,
      %gather3A_1928 = tpu.vector_load_idx %arg13[%add3A_1854, %select_n3A_370] : memref<512x16xf32, #tpu.memory_space<vmem>>[vector<16xi32>, vector<16xi32>], vector<16xf32>,
      tpu.vector_store_idx %arg17[%select_n3A_857, %broadcast_in_dim3A, %select_n3A_1218, %add3A_1874], %gather3A_1928 : memref<2x4x8x128xf32, #tpu.memory_space<vmem>>[vector<16xi32>, vector<16xi32>, vector<16xi32>, vector<16xi32>], vector<16xf32>,
      %gather3A_1929 = tpu.vector_load_idx %arg13[%add3A_1854, %select_n3A_395] : memref<512x16xf32, #tpu.memory_space<vmem>>[vector<16xi32>, vector<16xi32>], vector<16xf32>,
      tpu.vector_store_idx %arg17[%select_n3A_888, %broadcast_in_dim3A, %select_n3A_1240, %add3A_1874], %gather3A_1929 : memref<2x4x8x128xf32, #tpu.memory_space<vmem>>[vector<16xi32>, vector<16xi32>, vector<16xi32>, vector<16xi32>], vector<16xf32>,
      %scan3A_1930 = arith.constant 0 : i32
      scf.yield %scan3A_1930 : i32
    }
    %scan3A_1749 = arith.constant 32 : i32
    %dma_start3A_1750 = arith.constant 199 : i32
    %dma_start3A_1751 = arith.constant 0 : i32
    %dma_start3A_1752 = arith.constant 0 : i32
    %dma_start3A_1753 = arith.constant 0 : i32
    %dma_start3A_1754 = tpu.memref_slice %arg5[%dma_start3A_1750, %dma_start3A_1751, %mul3A_2, %dma_start3A_1752, %dma_start3A_1753] : memref<200x2x128x8x128xf32, #tpu.memory_space<hbm>> -> memref<1x2x4x8x128xf32, #tpu.memory_space<hbm>>
    %dma_start3A_1755 = tpu.memref_squeeze %dma_start3A_1754 : memref<1x2x4x8x128xf32, #tpu.memory_space<hbm>> -> memref<2x4x8x128xf32, #tpu.memory_space<hbm>>
    %dma_start3A_1756 = arith.constant 0 : i32
    %dma_start3A_1757 = arith.constant 0 : i32
    %dma_start3A_1758 = arith.constant 0 : i32
    %dma_start3A_1759 = tpu.memref_slice %arg5[%dma_start3A_1750, %dma_start3A_1756, %mul3A_2, %dma_start3A_1757, %dma_start3A_1758] : memref<200x2x128x8x128xf32, #tpu.memory_space<hbm>> -> memref<1x2x4x8x128xf32, #tpu.memory_space<hbm>>
    %dma_start3A_1760 = tpu.memref_squeeze %dma_start3A_1759 : memref<1x2x4x8x128xf32, #tpu.memory_space<hbm>> -> memref<2x4x8x128xf32, #tpu.memory_space<hbm>>
    tpu.enqueue_dma source(%arg15 : memref<2x4x8x128xf32, #tpu.memory_space<vmem>>) target(%dma_start3A_1760 : memref<2x4x8x128xf32, #tpu.memory_space<hbm>>) target_semaphore(%arg25 : memref<!tpu.dma_semaphore, #tpu.memory_space<semaphore_mem>>)
    %dma_start3A_1761 = arith.constant 199 : i32
    %dma_start3A_1762 = arith.constant 0 : i32
    %dma_start3A_1763 = arith.constant 0 : i32
    %dma_start3A_1764 = arith.constant 0 : i32
    %dma_start3A_1765 = tpu.memref_slice %arg6[%dma_start3A_1761, %dma_start3A_1762, %mul3A_2, %dma_start3A_1763, %dma_start3A_1764] : memref<200x2x128x8x128xf32, #tpu.memory_space<hbm>> -> memref<1x2x4x8x128xf32, #tpu.memory_space<hbm>>
    %dma_start3A_1766 = tpu.memref_squeeze %dma_start3A_1765 : memref<1x2x4x8x128xf32, #tpu.memory_space<hbm>> -> memref<2x4x8x128xf32, #tpu.memory_space<hbm>>
    %dma_start3A_1767 = arith.constant 0 : i32
    %dma_start3A_1768 = arith.constant 0 : i32
    %dma_start3A_1769 = arith.constant 0 : i32
    %dma_start3A_1770 = tpu.memref_slice %arg6[%dma_start3A_1761, %dma_start3A_1767, %mul3A_2, %dma_start3A_1768, %dma_start3A_1769] : memref<200x2x128x8x128xf32, #tpu.memory_space<hbm>> -> memref<1x2x4x8x128xf32, #tpu.memory_space<hbm>>
    %dma_start3A_1771 = tpu.memref_squeeze %dma_start3A_1770 : memref<1x2x4x8x128xf32, #tpu.memory_space<hbm>> -> memref<2x4x8x128xf32, #tpu.memory_space<hbm>>
    tpu.enqueue_dma source(%arg15 : memref<2x4x8x128xf32, #tpu.memory_space<vmem>>) target(%dma_start3A_1771 : memref<2x4x8x128xf32, #tpu.memory_space<hbm>>) target_semaphore(%arg27 : memref<!tpu.dma_semaphore, #tpu.memory_space<semaphore_mem>>)
    %dma_start3A_1772 = arith.constant 199 : i32
    %dma_start3A_1773 = arith.constant 0 : i32
    %dma_start3A_1774 = arith.constant 0 : i32
    %dma_start3A_1775 = arith.constant 0 : i32
    %dma_start3A_1776 = tpu.memref_slice %arg7[%dma_start3A_1772, %dma_start3A_1773, %mul3A_2, %dma_start3A_1774, %dma_start3A_1775] : memref<200x2x128x8x128xf32, #tpu.memory_space<hbm>> -> memref<1x2x4x8x128xf32, #tpu.memory_space<hbm>>
    %dma_start3A_1777 = tpu.memref_squeeze %dma_start3A_1776 : memref<1x2x4x8x128xf32, #tpu.memory_space<hbm>> -> memref<2x4x8x128xf32, #tpu.memory_space<hbm>>
    %dma_start3A_1778 = arith.constant 0 : i32
    %dma_start3A_1779 = arith.constant 0 : i32
    %dma_start3A_1780 = arith.constant 0 : i32
    %dma_start3A_1781 = tpu.memref_slice %arg7[%dma_start3A_1772, %dma_start3A_1778, %mul3A_2, %dma_start3A_1779, %dma_start3A_1780] : memref<200x2x128x8x128xf32, #tpu.memory_space<hbm>> -> memref<1x2x4x8x128xf32, #tpu.memory_space<hbm>>
    %dma_start3A_1782 = tpu.memref_squeeze %dma_start3A_1781 : memref<1x2x4x8x128xf32, #tpu.memory_space<hbm>> -> memref<2x4x8x128xf32, #tpu.memory_space<hbm>>
    tpu.enqueue_dma source(%arg17 : memref<2x4x8x128xf32, #tpu.memory_space<vmem>>) target(%dma_start3A_1782 : memref<2x4x8x128xf32, #tpu.memory_space<hbm>>) target_semaphore(%arg29 : memref<!tpu.dma_semaphore, #tpu.memory_space<semaphore_mem>>)
    %dma_wait3A_1783 = arith.constant 0 : i32
    %dma_wait3A_1784 = arith.constant 0 : i32
    %dma_wait3A_1785 = arith.constant 0 : i32
    %dma_wait3A_1786 = arith.constant 0 : i32
    %dma_wait3A_1787 = tpu.memref_slice %arg5[%dma_wait3A_1783, %dma_wait3A_1784, %mul3A_2, %dma_wait3A_1785, %dma_wait3A_1786] : memref<200x2x128x8x128xf32, #tpu.memory_space<hbm>> -> memref<1x2x4x8x128xf32, #tpu.memory_space<hbm>>
    %dma_wait3A_1788 = tpu.memref_squeeze %dma_wait3A_1787 : memref<1x2x4x8x128xf32, #tpu.memory_space<hbm>> -> memref<2x4x8x128xf32, #tpu.memory_space<hbm>>
    %dma_wait3A_1789 = arith.constant 0 : i32
    %dma_wait3A_1790 = arith.constant 0 : i32
    %dma_wait3A_1791 = arith.constant 0 : i32
    %dma_wait3A_1792 = tpu.memref_slice %arg5[%dma_wait3A_1783, %dma_wait3A_1789, %mul3A_2, %dma_wait3A_1790, %dma_wait3A_1791] : memref<200x2x128x8x128xf32, #tpu.memory_space<hbm>> -> memref<1x2x4x8x128xf32, #tpu.memory_space<hbm>>
    %dma_wait3A_1793 = tpu.memref_squeeze %dma_wait3A_1792 : memref<1x2x4x8x128xf32, #tpu.memory_space<hbm>> -> memref<2x4x8x128xf32, #tpu.memory_space<hbm>>
    tpu.wait_dma2 semaphore(%arg24 : memref<!tpu.dma_semaphore, #tpu.memory_space<semaphore_mem>>) src(%arg14 : memref<2x4x8x128xf32, #tpu.memory_space<vmem>>) dst(%dma_wait3A_1793 : memref<2x4x8x128xf32, #tpu.memory_space<hbm>>)
    %dma_wait3A_1794 = arith.constant 0 : i32
    %dma_wait3A_1795 = arith.constant 0 : i32
    %dma_wait3A_1796 = arith.constant 0 : i32
    %dma_wait3A_1797 = arith.constant 0 : i32
    %dma_wait3A_1798 = tpu.memref_slice %arg6[%dma_wait3A_1794, %dma_wait3A_1795, %mul3A_2, %dma_wait3A_1796, %dma_wait3A_1797] : memref<200x2x128x8x128xf32, #tpu.memory_space<hbm>> -> memref<1x2x4x8x128xf32, #tpu.memory_space<hbm>>
    %dma_wait3A_1799 = tpu.memref_squeeze %dma_wait3A_1798 : memref<1x2x4x8x128xf32, #tpu.memory_space<hbm>> -> memref<2x4x8x128xf32, #tpu.memory_space<hbm>>
    %dma_wait3A_1800 = arith.constant 0 : i32
    %dma_wait3A_1801 = arith.constant 0 : i32
    %dma_wait3A_1802 = arith.constant 0 : i32
    %dma_wait3A_1803 = tpu.memref_slice %arg6[%dma_wait3A_1794, %dma_wait3A_1800, %mul3A_2, %dma_wait3A_1801, %dma_wait3A_1802] : memref<200x2x128x8x128xf32, #tpu.memory_space<hbm>> -> memref<1x2x4x8x128xf32, #tpu.memory_space<hbm>>
    %dma_wait3A_1804 = tpu.memref_squeeze %dma_wait3A_1803 : memref<1x2x4x8x128xf32, #tpu.memory_space<hbm>> -> memref<2x4x8x128xf32, #tpu.memory_space<hbm>>
    tpu.wait_dma2 semaphore(%arg26 : memref<!tpu.dma_semaphore, #tpu.memory_space<semaphore_mem>>) src(%arg14 : memref<2x4x8x128xf32, #tpu.memory_space<vmem>>) dst(%dma_wait3A_1804 : memref<2x4x8x128xf32, #tpu.memory_space<hbm>>)
    %dma_wait3A_1805 = arith.constant 0 : i32
    %dma_wait3A_1806 = arith.constant 0 : i32
    %dma_wait3A_1807 = arith.constant 0 : i32
    %dma_wait3A_1808 = arith.constant 0 : i32
    %dma_wait3A_1809 = tpu.memref_slice %arg7[%dma_wait3A_1805, %dma_wait3A_1806, %mul3A_2, %dma_wait3A_1807, %dma_wait3A_1808] : memref<200x2x128x8x128xf32, #tpu.memory_space<hbm>> -> memref<1x2x4x8x128xf32, #tpu.memory_space<hbm>>
    %dma_wait3A_1810 = tpu.memref_squeeze %dma_wait3A_1809 : memref<1x2x4x8x128xf32, #tpu.memory_space<hbm>> -> memref<2x4x8x128xf32, #tpu.memory_space<hbm>>
    %dma_wait3A_1811 = arith.constant 0 : i32
    %dma_wait3A_1812 = arith.constant 0 : i32
    %dma_wait3A_1813 = arith.constant 0 : i32
    %dma_wait3A_1814 = tpu.memref_slice %arg7[%dma_wait3A_1805, %dma_wait3A_1811, %mul3A_2, %dma_wait3A_1812, %dma_wait3A_1813] : memref<200x2x128x8x128xf32, #tpu.memory_space<hbm>> -> memref<1x2x4x8x128xf32, #tpu.memory_space<hbm>>
    %dma_wait3A_1815 = tpu.memref_squeeze %dma_wait3A_1814 : memref<1x2x4x8x128xf32, #tpu.memory_space<hbm>> -> memref<2x4x8x128xf32, #tpu.memory_space<hbm>>
    tpu.wait_dma2 semaphore(%arg28 : memref<!tpu.dma_semaphore, #tpu.memory_space<semaphore_mem>>) src(%arg16 : memref<2x4x8x128xf32, #tpu.memory_space<vmem>>) dst(%dma_wait3A_1815 : memref<2x4x8x128xf32, #tpu.memory_space<hbm>>)
    %dma_wait3A_1816 = arith.constant 0 : i32
    %dma_wait3A_1817 = arith.constant 0 : i32
    %dma_wait3A_1818 = arith.constant 0 : i32
    %dma_wait3A_1819 = arith.constant 0 : i32
    %dma_wait3A_1820 = tpu.memref_slice %arg5[%dma_wait3A_1816, %dma_wait3A_1817, %mul3A_2, %dma_wait3A_1818, %dma_wait3A_1819] : memref<200x2x128x8x128xf32, #tpu.memory_space<hbm>> -> memref<1x2x4x8x128xf32, #tpu.memory_space<hbm>>
    %dma_wait3A_1821 = tpu.memref_squeeze %dma_wait3A_1820 : memref<1x2x4x8x128xf32, #tpu.memory_space<hbm>> -> memref<2x4x8x128xf32, #tpu.memory_space<hbm>>
    %dma_wait3A_1822 = arith.constant 0 : i32
    %dma_wait3A_1823 = arith.constant 0 : i32
    %dma_wait3A_1824 = arith.constant 0 : i32
    %dma_wait3A_1825 = tpu.memref_slice %arg5[%dma_wait3A_1816, %dma_wait3A_1822, %mul3A_2, %dma_wait3A_1823, %dma_wait3A_1824] : memref<200x2x128x8x128xf32, #tpu.memory_space<hbm>> -> memref<1x2x4x8x128xf32, #tpu.memory_space<hbm>>
    %dma_wait3A_1826 = tpu.memref_squeeze %dma_wait3A_1825 : memref<1x2x4x8x128xf32, #tpu.memory_space<hbm>> -> memref<2x4x8x128xf32, #tpu.memory_space<hbm>>
    tpu.wait_dma2 semaphore(%arg25 : memref<!tpu.dma_semaphore, #tpu.memory_space<semaphore_mem>>) src(%arg15 : memref<2x4x8x128xf32, #tpu.memory_space<vmem>>) dst(%dma_wait3A_1826 : memref<2x4x8x128xf32, #tpu.memory_space<hbm>>)
    %dma_wait3A_1827 = arith.constant 0 : i32
    %dma_wait3A_1828 = arith.constant 0 : i32
    %dma_wait3A_1829 = arith.constant 0 : i32
    %dma_wait3A_1830 = arith.constant 0 : i32
    %dma_wait3A_1831 = tpu.memref_slice %arg6[%dma_wait3A_1827, %dma_wait3A_1828, %mul3A_2, %dma_wait3A_1829, %dma_wait3A_1830] : memref<200x2x128x8x128xf32, #tpu.memory_space<hbm>> -> memref<1x2x4x8x128xf32, #tpu.memory_space<hbm>>
    %dma_wait3A_1832 = tpu.memref_squeeze %dma_wait3A_1831 : memref<1x2x4x8x128xf32, #tpu.memory_space<hbm>> -> memref<2x4x8x128xf32, #tpu.memory_space<hbm>>
    %dma_wait3A_1833 = arith.constant 0 : i32
    %dma_wait3A_1834 = arith.constant 0 : i32
    %dma_wait3A_1835 = arith.constant 0 : i32
    %dma_wait3A_1836 = tpu.memref_slice %arg6[%dma_wait3A_1827, %dma_wait3A_1833, %mul3A_2, %dma_wait3A_1834, %dma_wait3A_1835] : memref<200x2x128x8x128xf32, #tpu.memory_space<hbm>> -> memref<1x2x4x8x128xf32, #tpu.memory_space<hbm>>
    %dma_wait3A_1837 = tpu.memref_squeeze %dma_wait3A_1836 : memref<1x2x4x8x128xf32, #tpu.memory_space<hbm>> -> memref<2x4x8x128xf32, #tpu.memory_space<hbm>>
    tpu.wait_dma2 semaphore(%arg27 : memref<!tpu.dma_semaphore, #tpu.memory_space<semaphore_mem>>) src(%arg15 : memref<2x4x8x128xf32, #tpu.memory_space<vmem>>) dst(%dma_wait3A_1837 : memref<2x4x8x128xf32, #tpu.memory_space<hbm>>)
    %dma_wait3A_1838 = arith.constant 0 : i32
    %dma_wait3A_1839 = arith.constant 0 : i32
    %dma_wait3A_1840 = arith.constant 0 : i32
    %dma_wait3A_1841 = arith.constant 0 : i32
    %dma_wait3A_1842 = tpu.memref_slice %arg7[%dma_wait3A_1838, %dma_wait3A_1839, %mul3A_2, %dma_wait3A_1840, %dma_wait3A_1841] : memref<200x2x128x8x128xf32, #tpu.memory_space<hbm>> -> memref<1x2x4x8x128xf32, #tpu.memory_space<hbm>>
    %dma_wait3A_1843 = tpu.memref_squeeze %dma_wait3A_1842 : memref<1x2x4x8x128xf32, #tpu.memory_space<hbm>> -> memref<2x4x8x128xf32, #tpu.memory_space<hbm>>
    %dma_wait3A_1844 = arith.constant 0 : i32
    %dma_wait3A_1845 = arith.constant 0 : i32
    %dma_wait3A_1846 = arith.constant 0 : i32
    %dma_wait3A_1847 = tpu.memref_slice %arg7[%dma_wait3A_1838, %dma_wait3A_1844, %mul3A_2, %dma_wait3A_1845, %dma_wait3A_1846] : memref<200x2x128x8x128xf32, #tpu.memory_space<hbm>> -> memref<1x2x4x8x128xf32, #tpu.memory_space<hbm>>
    %dma_wait3A_1848 = tpu.memref_squeeze %dma_wait3A_1847 : memref<1x2x4x8x128xf32, #tpu.memory_space<hbm>> -> memref<2x4x8x128xf32, #tpu.memory_space<hbm>>
    tpu.wait_dma2 semaphore(%arg29 : memref<!tpu.dma_semaphore, #tpu.memory_space<semaphore_mem>>) src(%arg17 : memref<2x4x8x128xf32, #tpu.memory_space<vmem>>) dst(%dma_wait3A_1848 : memref<2x4x8x128xf32, #tpu.memory_space<hbm>>)
    return
  }
}

</mosaic_0001>

<sc_bundles>
// kernel: _run.3.cloned.1.call-start
scs
__scs_entry_jumppad:
0x0: {  	(pc) =	sbr.rel $0x88, $3  }
0x1: {  	(tag) =	ssettag $0x0;
	lr =	simm.s32 $0x1  }
0x2: {  	[smem:$0x3F9E] =	sst lr;
	_ =	strace $0xD0000000  }
0x3: {  	_ = 	snop  }
0x4: {  	_ = 	snop  }
0x5: {  	_ = 	snop  }
0x6: {  	_ = 	snop  }
0x7: {  	_ = 	snop  }
__scs_overlays_trampoline_lowered:
0x8: {  	[smem:$0x3FAD] =	sst s0  }
0x9: {  	[smem:$0x3FAE] =	sst s1  }
0xa: {  	[smem:$0x3FAF] =	sst s2  }
0xb: {  	[smem:$0x3FB0] =	sst s3  }
0xc: {  	[smem:$0x3FB1] =	sst s4  }
0xd: {  	[smem:$0x3FB2] =	sst s5  }
0xe: {  	[smem:$0x3FB3] =	sst s6  }
0xf: {  	[smem:$0x3FB4] =	sst s7  }
0x10: {  	[smem:$0x3FB5] =	sst s8  }
0x11: {  	[smem:$0x3FB6] =	sst s9;
	s0 =	simm.s32 @!p0 $0x0  }
0x12: {  	s1 =	sld [smem:$0x3F9C];
	s0 =	simm.s32 @p0 $0x1  }
0x13: {  	[smem:$0x3FB7] =	sst s0;
	s0 =	simm.s32 @!p1 $0x0  }
0x14: {  	s2 =	sld [smem:$0x3F9B];
	s0 =	simm.s32 @p1 $0x1  }
0x15: {  	[smem:$0x3FB8] =	sst s0;
	s0 =	simm.s32 @!p2 $0x0  }
0x16: {  	s3 =	sld [smem:$0x3FDB];
	s0 =	simm.s32 @p2 $0x1  }
0x17: {  	s4 =	simm.s32 $0x1BF5;
	[smem:$0x3FBA] =	sst s0  }
0x18: {  	s0 =	sld [smem:$0x3F9D];
	_ =	swait.ge [sflag:s4], $0x0  }
0x19: {  	s7 =	sld [smem:$0x3F9E]  }
0x1a: {  	s8 =	sadd.s32 $0xFFFFE003, lr  }
0x1b: {  	s9 =	sadd.s32 $0xFFFFFEF7, lr;
	s5 =	simm.s32 $0xFFFFFFFF;
	p2 =	slt.u32 s8, $0xFFFFF086  }
0x1c: {  	p1 =	slt.u32 s9, $0xF7A;
	s5 =	simm.s32 @!p2 $0x0  }
0x1d: {  	s5 =	simm.s32 @p1 $0x1;
	p0 =	seq.s32 s7, s2  }
0x1e: {  	s7 =	smul.u32 @!p0 $0xF7A, s2;
	p2 =	seq.s32 @!p0 s5, $0x0  }
0x1f: {  	s9 =	smul.u32 $0xF7A, s1;
	s8 =	simm.s32 @!p0 $0x1BF5;
	p2 =	por !p2, p0  }
0x20: {  	[sflag:s8] =	ssyncset.s32 @!p0 $0xFFFFF086;
	s6 =	sadd.s32 @!p0 s3, s7;
	s7 =	simm.s32 @!p0 $0x108  }
0x21: {  	s3 =	sadd.s32 s3, s9;
	s6 =	sadd.s32 @!p0 $0x88, s6;
	s7 =	simm.s32 @p2 $0x1082  }
0x22: {  	[simem:s7], [sflag:s8] =	dma.local @!p0 [hbm:s6], $0xF7A  }
0x23: {  	s9 =	sor.u32 $0xD0000000, s2;
	s6 =	simm.s32 $0x108;
	_ =	swait.ge @!p0 [sflag:s8], $0x0  }
0x24: {  	s3 =	sadd.s32 $0x88, s3;
	s6 =	simm.s32 @!p1 $0x1082;
	[sflag:s4] =	ssyncset.s32 $0xFFFFF086  }
0x25: {  	[simem:s6], [sflag:s4] =	dma.local [hbm:s3], $0xF7A  }
0x26: {  	[smem:$0x3F9E] =	sst s1;
	(tag) =	ssettag s2;
	_ =	strace s9  }
0x27: {  	s1 =	sld [smem:$0x3FAE]  }
0x28: {  	s2 =	sld [smem:$0x3FAF]  }
0x29: {  	s4 =	sld [smem:$0x3FB1]  }
0x2a: {  	p0 =	seq.s32 s5, $0x0;
	s5 =	sld [smem:$0x3FB2]  }
0x2b: {  	s6 =	sld [smem:$0x3FB3]  }
0x2c: {  	s7 =	sld [smem:$0x3FB4]  }
0x2d: {  	s3 =	simm.s32 $0x108;
	s8 =	sld [smem:$0x3FB5]  }
0x2e: {  	s3 =	simm.s32 @!p0 $0x1082;
	s9 =	sld [smem:$0x3FB6]  }
0x2f: {  	lr =	sadd.s32 s0, s3;
	s0 =	sld [smem:$0x3FAD]  }
0x30: {  	s3 =	sld [smem:$0x3FB0]  }
0x31: {  	[smem:$0x3FB9] =	sst s10  }
0x32: {  	s10 =	sld [smem:$0x3FB7];
	_ =	sdelay $0x3  }
0x33: {  	p0 =	seq.s32 s10, $0x1;
	s10 =	sld [smem:$0x3FB9];
	_ =	sdelay $0x3  }
0x34: {  	[smem:$0x3FB9] =	sst s10  }
0x35: {  	s10 =	sld [smem:$0x3FB8];
	_ =	sdelay $0x3  }
0x36: {  	p1 =	seq.s32 s10, $0x1;
	s10 =	sld [smem:$0x3FB9];
	_ =	sdelay $0x3  }
0x37: {  	[smem:$0x3FB9] =	sst s10  }
0x38: {  	s10 =	sld [smem:$0x3FBA]  }
0x39: {  	_ = 	snop;
	(pc) =	sbr.ind lr, $3  }
0x3a: {  	_ = 	snop  }
0x3b: {  	_ = 	snop  }
0x3c: {  	p2 =	seq.s32 s10, $0x1;
	s10 =	sld [smem:$0x3FB9]  }
0x3d: {  	_ =	shalt  }
0x3e: {  	_ =	shalt  }
0x3f: {  	_ =	shalt  }
0x40: {  	_ =	shalt  }
0x41: {  	_ =	shalt  }
0x42: {  	_ =	shalt  }
0x43: {  	_ =	shalt  }
0x44: {  	_ =	shalt  }
0x45: {  	_ =	shalt  }
0x46: {  	_ =	shalt  }
0x47: {  	_ =	shalt  }
0x48: {  	_ =	shalt  }
0x49: {  	_ =	shalt  }
0x4a: {  	_ =	shalt  }
0x4b: {  	_ =	shalt  }
0x4c: {  	_ =	shalt  }
0x4d: {  	_ =	shalt  }
0x4e: {  	_ =	shalt  }
0x4f: {  	_ =	shalt  }
0x50: {  	_ =	shalt  }
0x51: {  	_ =	shalt  }
0x52: {  	_ =	shalt  }
0x53: {  	_ =	shalt  }
0x54: {  	_ =	shalt  }
0x55: {  	_ =	shalt  }
0x56: {  	_ =	shalt  }
0x57: {  	_ =	shalt  }
0x58: {  	_ =	shalt  }
0x59: {  	_ =	shalt  }
0x5a: {  	_ =	shalt  }
0x5b: {  	_ =	shalt  }
0x5c: {  	_ =	shalt  }
0x5d: {  	_ =	shalt  }
0x5e: {  	_ =	shalt  }
0x5f: {  	_ =	shalt  }
0x60: {  	_ =	shalt  }
0x61: {  	_ =	shalt  }
0x62: {  	_ =	shalt  }
0x63: {  	_ =	shalt  }
0x64: {  	_ =	shalt  }
0x65: {  	_ =	shalt  }
0x66: {  	_ =	shalt  }
0x67: {  	_ =	shalt  }
0x68: {  	_ =	shalt  }
0x69: {  	_ =	shalt  }
0x6a: {  	_ =	shalt  }
0x6b: {  	_ =	shalt  }
0x6c: {  	_ =	shalt  }
0x6d: {  	_ =	shalt  }
0x6e: {  	_ =	shalt  }
0x6f: {  	_ =	shalt  }
0x70: {  	_ =	shalt  }
0x71: {  	_ =	shalt  }
0x72: {  	_ =	shalt  }
0x73: {  	_ =	shalt  }
0x74: {  	_ =	shalt  }
0x75: {  	_ =	shalt  }
0x76: {  	_ =	shalt  }
0x77: {  	_ =	shalt  }
0x78: {  	_ =	shalt  }
0x79: {  	_ =	shalt  }
0x7a: {  	_ =	shalt  }
0x7b: {  	_ =	shalt  }
0x7c: {  	_ =	shalt  }
0x7d: {  	_ =	shalt  }
0x7e: {  	_ =	shalt  }
0x7f: {  	_ =	shalt  }
0x80: {  	_ =	shalt  }
0x81: {  	_ =	shalt  }
0x82: {  	_ =	shalt  }
0x83: {  	_ =	shalt  }
0x84: {  	_ =	shalt  }
0x85: {  	_ =	shalt  }
0x86: {  	_ =	shalt  }
0x87: {  	_ =	shalt  }
.Lfunc_end0:
.L_simem_size_0:
called_computation_lowered:
.L_overlay_start_0:
0x88: {  	s2 =	sld [smem:$0x3FD9]  }
0x89: {  	s3 =	sld [smem:$0x3FFE];
	_ =	sdelay $0x1  }
0x8a: {  	s1 =	srdreg.scid  }
0x8b: {  	s0 =	sand.u32 $0x1, s1  }
0x8c: {  	s14 =	sshll.u32 s0, $0xA;
	s2 =	sadd.s32 s3, s2  }
0x8d: {  	s2 =	sadd.s32 s2, s14  }
0x8e: {  	[smem:$0x3FC5] =	sst s2  }
0x8f: {  	_ = 	snop  }
0x90: {  	s2 =	sld [smem:$0x3FD0];
	_ =	sdelay $0x2  }
0x91: {  	s4 =	simm.s32 $0xA;
	s5 =	simm.s32 $0x10;
	s15 =	sld [smem:$0x3FC9]  }
0x92: {  	[smem:s5], [sflag:s4] =	dma.local [hbm:s2], $0x1  }
0x93: {  	_ =	swait.eq [sflag:s4], $0x1  }
0x94: {  	s16 =	sld [smem:$0x10];
	[sflag:s4] =	ssyncset.done $0x0  }
0x95: {  	s17 =	sld [smem:$0x11];
	[sflag:s4] =	ssyncadd.s32 $0xFFFFFFFF  }
0x96: {  	s18 =	sld [smem:$0x12];
	(tm) =	ssettm $0x1  }
0x97: {  	s6 =	sld [smem:$0x3FFB];
	_ =	sdelay $0x3  }
0x98: {  	_ =	strace s6  }
0x99: {  	s6 =	sld [smem:$0x3FFC];
	_ =	sdelay $0x3  }
0x9a: {  	_ =	strace s6  }
0x9b: {  	s6 =	sld [smem:$0x3FFD];
	_ =	sdelay $0x3  }
0x9c: {  	_ =	strace s6  }
0x9d: {  	_ =	strace $0x8FFFFFFF  }
0x9e: {  	s19 =	sld [smem:$0x3FDB];
	_ =	sdelay $0x1  }
0x9f: {  	s7 =	simm.s32 $_scs_section_size  }
0xa0: {  	s8 =	simm.s32 $_size__tile_overlayer_lowered;
	s9 =	simm.s32 $_tile_overlayer_lowered  }
0xa1: {  	s22 =	simm.s32 $0x1BFF;
	s21 =	sshll.u32 s9, $0x1;
	s6 =	sadd.s32 s7, s19  }
0xa2: {  	s10 =	simm.s32 $0x0;
	s20 =	sshll.u32 s8, $0x1;
	s8 =	sadd.s32 s21, s6  }
0xa3: {  	[timem:s10], [sflag:s22] =	dma.local [hbm:s8], s20  }
0xa4: {  	_ =	swait.ge [sflag:s22], s20  }
0xa5: {  	s7 =	ssub.s32 $0x0, s20;
	[sflag:s22] =	ssyncset.done $0x0  }
0xa6: {  	[sflag:s22] =	ssyncadd.s32 s7;
	_ =	sdelay $0x1  }
0xa7: {  	s23 =	simm.s32 $0x1B8B  }
0xa8: {  	_ =	swait.ge [sflag:s23], $0x1  }
0xa9: {  	[sflag:s23] =	ssyncset.done $0x0  }
0xaa: {  	s25 =	simm.s32 $0x1B8E;
	s24 =	sld [smem:$0x3FFE];
	[sflag:s23] =	ssyncadd.s32 $0xFFFFFFFF  }
0xab: {  	s26 =	simm.s32 $execute0_lowered;
	[smem:$0x3FD2] =	sst s25  }
0xac: {  	s8 =	sshll.u32 s26, $0x1;
	_ =	strace $0x80000046;
	[dreg:$0x1] =	wrdreg $0xFFFFFFFF  }
0xad: {  	s28 =	simm.s32 $_size_execute0_lowered;
	s6 =	sadd.s32 s6, s8;
	[dreg:$0x0] =	wrdreg $0x0  }
0xae: {  	s8 =	sshll.u32 s28, $0x1;
	[dreg:$0x2] =	wrdreg s6  }
0xaf: {  	[dreg:$0x3] =	wrdreg s8  }
0xb0: {  	[dreg:$0x4] =	wrdreg $0xC0  }
0xb1: {  	_ =	task [dreg:s10], $0x5FFFF  }
0xb2: {  	[dreg:$0x1] =	wrdreg $0xFFFFFFFF  }
0xb3: {  	[dreg:$0x0] =	wrdreg $0x60  }
0xb4: {  	[dreg:$0x2] =	wrdreg s15  }
0xb5: {  	[dreg:$0x3] =	wrdreg s24  }
0xb6: {  	[dreg:$0x4] =	wrdreg s16  }
0xb7: {  	[dreg:$0x5] =	wrdreg s17  }
0xb8: {  	[dreg:$0x6] =	wrdreg s18  }
0xb9: {  	[dreg:$0x7] =	wrdreg $0x9  }
0xba: {  	_ =	task.clear_ibuf [dreg:s10], $0x8FFFF;
	_ =	strace $0x90000046  }
0xbb: {  	s29 =	simm.s32 $0x9;
	_ =	strace $0x80000048  }
0xbc: {  	_ =	swait.ge [sflag:s29], $0x1  }
0xbd: {  	[sflag:s29] =	ssyncadd.s32 $0xFFFFFFFF  }
0xbe: {  	_ =	strace $0x90000048  }
0xbf: {  	_ =	sfence  }
0xc0: {  	s30 =	sld [smem:$0x0];
	_ =	sdelay $0x2  }
0xc1: {  	s31 =	sshll.u32 s1, $0xD;
	s1 =	sshrl.u32 s1, $0x2  }
0xc2: {  	s3 =	sand.u32 $0x4000, s31;
	s1 =	sadd.s32 s1, s30  }
0xc3: {  	s0 =	sor.u32 s3, s0;
	s1 =	sshll.u32 s1, $0x11  }
0xc4: {  	s0 =	sor.u32 s1, s0  }
0xc5: {  	s0 =	sadd.s32 $0x8F2B, s0  }
0xc6: {  	[sflag:s0] =	ssyncadd.remote.s32 $0x1  }
0xc7: {  	_ =	sfence.sel $0xFFFF  }
0xc8: {  	[dreg:$0x0] =	wrdreg $0xFFFFFFFF;
	(pc) =	sbr.abs _section_cstart, $3  }
0xc9: {  	[dreg:$0x1] =	wrdreg $0xFFFFFFFF  }
0xca: {  	_ =	task.clear_ibuf [dreg:s10], $0x2FFFF;
	_ =	strace $0x9FFFFFFF  }
0xcb: {  	(tm) =	ssettm $0x7FFFFFFF  }
tec
execute0_lowered:
.L_overlay_start_1:
0x0: {  	(tag) =	ssettag $0x1  }
0x1: {  	v0 =	vimm.s32 $0x138F;
	vm14 =	vcmask $0x300;
	vm13 =	vcmask $0x704  }
0x2: {  	vm12 =	vcmask $0xB08;
	vm11 =	vcmask $0xF0C;
	vm10 =	vcmask $0x1310  }
0x3: {  	vm9 =	vcmask $0x1714;
	vm8 =	vcmask $0x1B18;
	vm7 =	vcmask $0x1F1C  }
0x4: {  	vm6 =	vcmask $0x2320;
	v3 =	vlaneseq.u32;
	vm5 =	vcmask $0x2724  }
0x5: {  	vm3 =	vcmask $0x2B28;
	v1 =	vimm.s32 $0xF;
	vm2 =	vcmask $0x2F2C  }
0x6: {  	vm1 =	vcmask $0x3330;
	vm0 =	vcmask $0x3734;
	v4 =	vimm.s32 $0xFEDCBA9  }
0x7: {  	vm4 =	vcmask $0x3B38;
	v7 =	vimm.s32 $0x10F;
	v8 =	vimm.s32 $0x18F  }
0x8: {  	v9 =	vimm.s32 $0xA9876543;
	v10 =	vimm.s32 $0xBA987654;
	v13 =	vimm.s32 $0x28F  }
0x9: {  	v14 =	vimm.s32 $0xCBA98765;
	v15 =	vimm.s32 $0xDCBA9876;
	v24 =	vimm.s32 $0x76543210  }
0xa: {  	v57 =	vimm.s32 $0x38F;
	v33 =	vimm.s32 $0x108F;
	v59 =	vimm.s32 $0x110F  }
0xb: {  	v61 =	vimm.s32 $0x120F;
	v0 =	vsel vm14, $0x0, v0;
	v1 =	vsel vm14, $0x80, v1  }
0xc: {  	v3 =	vmul.u32 $0x10, v3;
	v5 =	vunpack.c.l.s4.s8 v4;
	v0 =	vsel vm13, $0x81, v0  }
0xd: {  	v4 =	vimm.s32 $0x87654321;
	v8 =	vsel vm14, $0x200, v8;
	v0 =	vsel vm12, $0x102, v0  }
0xe: {  	v9 =	vunpack.c.l.s4.s8 v9;
	v10 =	vunpack.c.l.s4.s8 v10;
	v0 =	vsel vm11, $0x183, v0  }
0xf: {  	v13 =	vsel vm14, $0x300, v13;
	v14 =	vunpack.c.l.s4.s8 v14;
	v0 =	vsel vm10, $0x204, v0  }
0x10: {  	v15 =	vunpack.c.l.s4.s8 v15;
	v24 =	vunpack.c.l.s4.s8 v24;
	v0 =	vsel vm9, $0x285, v0  }
0x11: {  	v1 =	vsel vm13, $0x101, v1;
	v4 =	vunpack.c.l.s4.s8 v4;
	v0 =	vsel vm8, $0x306, v0  }
0x12: {  	v8 =	vsel vm13, $0x281, v8;
	v1 =	vsel vm12, $0x182, v1;
	v0 =	vsel vm7, $0x387, v0  }
0x13: {  	v13 =	vsel vm13, $0x381, v13;
	v1 =	vsel vm11, $0x203, v1;
	v0 =	vsel vm6, $0x1008, v0  }
0x14: {  	v17 =	vunpack.c.0.s8.s32 v5;
	v1 =	vsel vm10, $0x284, v1;
	v0 =	vsel vm5, $0x1089, v0  }
0x15: {  	v5 =	vimm.s32 $0x8F;
	v1 =	vsel vm9, $0x305, v1;
	v0 =	vsel vm3, $0x110A, v0  }
0x16: {  	v18 =	vunpack.c.0.s8.s32 v4;
	v1 =	vsel vm8, $0x386, v1;
	v0 =	vsel vm2, $0x118B, v0  }
0x17: {  	v4 =	vsel vm14, $0x100, v5;
	v1 =	vsel vm7, $0x1007, v1;
	v0 =	vsel vm1, $0x120C, v0  }
0x18: {  	v6 =	vsel vm13, $0x181, v4;
	v1 =	vsel vm6, $0x1088, v1;
	v0 =	vsel vm0, $0x128D, v0  }
0x19: {  	v5 =	vsel vm5, $0x1109, v1;
	v1 =	vsel vm12, $0x202, v6;
	v0 =	vsel vm4, $0x130E, v0  }
0x1a: {  	v8 =	vsel vm12, $0x302, v8;
	[tilespmem:$0x1FFB0] =	vst v0;
	v0 =	vsel vm3, $0x118A, v5;
	v5 =	vsel vm11, $0x283, v1  }
0x1b: {  	v21 =	vunpack.c.0.s8.s32 v9;
	v9 =	vimm.s32 $0x3210FEDC;
	v1 =	vsel vm10, $0x304, v5  }
0x1c: {  	v23 =	vunpack.c.0.s8.s32 v10;
	v5 =	vimm.s32 $0x10FEDCBA;
	v1 =	vsel vm9, $0x385, v1  }
0x1d: {  	v26 =	vunpack.c.0.s8.s32 v14;
	v5 =	vunpack.c.l.s4.s8 v5;
	v1 =	vsel vm8, $0x1006, v1  }
0x1e: {  	v29 =	vunpack.c.0.s8.s32 v15;
	v15 =	vimm.s32 $0xEDCBA987;
	v1 =	vsel vm7, $0x1087, v1  }
0x1f: {  	v19 =	vunpack.c.0.s8.s32 v5;
	v5 =	vsel vm14, $0x180, v7;
	v1 =	vsel vm6, $0x1108, v1  }
0x20: {  	v0 =	vsel vm2, $0x120B, v0;
	v5 =	vsel vm13, $0x201, v5;
	v1 =	vsel vm5, $0x1189, v1  }
0x21: {  	v0 =	vsel vm1, $0x128C, v0;
	v5 =	vsel vm12, $0x282, v5;
	v1 =	vsel vm3, $0x120A, v1  }
0x22: {  	v0 =	vsel vm0, $0x130D, v0;
	v7 =	vsel vm2, $0x128B, v1;
	v1 =	vsel vm11, $0x303, v5  }
0x23: {  	v5 =	vsel vm4, $0x138E, v0;
	v0 =	vsel vm1, $0x130C, v7;
	v7 =	vsel vm10, $0x384, v1  }
0x24: {  	v8 =	vsel vm11, $0x383, v8;
	v9 =	vunpack.c.l.s4.s8 v9;
	v7 =	vsel vm9, $0x1005, v7  }
0x25: {  	v15 =	vunpack.c.l.s4.s8 v15;
	v0 =	vsel vm0, $0x138D, v0;
	v7 =	vsel vm8, $0x1086, v7  }
0x26: {  	[tilespmem:$0x1FFA0] =	vst v3;
	v3 =	vsel vm4, $0xE, v0;
	v0 =	vimm.s32 $0x210FEDCB;
	v7 =	vsel vm7, $0x1107, v7  }
0x27: {  	v8 =	vsel vm10, $0x1004, v8;
	v0 =	vunpack.c.l.s4.s8 v0;
	v7 =	vsel vm6, $0x1188, v7  }
0x28: {  	v4 =	vcombine.low v18, v17;
	v8 =	vsel vm9, $0x1085, v8;
	v7 =	vsel vm5, $0x1209, v7  }
0x29: {  	v22 =	vunpack.c.0.s8.s32 v9;
	v0 =	vunpack.c.0.s8.s32 v0;
	v7 =	vsel vm3, $0x128A, v7  }
0x2a: {  	v58 =	vcombine.low v17, v18;
	v17 =	vimm.s32 $0x100F;
	v7 =	vsel vm2, $0x130B, v7  }
0x2b: {  	v11 =	vcombine.low v21, v0;
	v12 =	vsel vm1, $0x138C, v7;
	v7 =	vsel vm8, $0x1106, v8  }
0x2c: {  	v31 =	vunpack.c.0.s8.s32 v15;
	v17 =	vsel vm14, $0x1080, v17;
	v8 =	vsel vm7, $0x1187, v7  }
0x2d: {  	v10 =	vcombine.low v23, v22;
	v7 =	vand.u32 $0xF, v11;
	v8 =	vsel vm6, $0x1208, v8  }
0x2e: {  	v9 =	vsel vm0, $0xD, v12;
	v12 =	vimm.s32 $0x20F;
	v11 =	vsel vm5, $0x1289, v8  }
0x2f: {  	v12 =	vsel vm14, $0x280, v12;
	v8 =	vsel vm4, $0x8E, v9;
	v11 =	vsel vm3, $0x130A, v11  }
0x30: {  	v9 =	vand.u32 $0xF, v10;
	v10 =	vsel vm2, $0x138B, v11;
	v11 =	vsel vm13, $0x301, v12  }
0x31: {  	v4 =	vand.u32 $0xF, v4;
	v12 =	vimm.s32 $0x43210FED;
	v11 =	vsel vm12, $0x382, v11  }
0x32: {  	v17 =	vsel vm13, $0x1101, v17;
	v12 =	vunpack.c.l.s4.s8 v12;
	v11 =	vsel vm11, $0x1003, v11  }
0x33: {  	v60 =	vcombine.low v22, v23;
	v22 =	vimm.s32 $0x118F;
	v11 =	vsel vm10, $0x1084, v11  }
0x34: {  	v25 =	vunpack.c.0.s8.s32 v12;
	v12 =	vsel vm12, $0x1002, v13;
	v11 =	vsel vm9, $0x1105, v11  }
0x35: {  	v17 =	vsel vm12, $0x1182, v17;
	v12 =	vsel vm11, $0x1083, v12;
	v11 =	vsel vm8, $0x1186, v11  }
0x36: {  	v22 =	vsel vm14, $0x1200, v22;
	v12 =	vsel vm10, $0x1104, v12;
	v11 =	vsel vm7, $0x1207, v11  }
0x37: {  	v6 =	vimm.s32 $0x98765432;
	v12 =	vsel vm9, $0x1185, v12;
	v11 =	vsel vm6, $0x1288, v11  }
0x38: {  	v13 =	vcombine.low v26, v25;
	v12 =	vsel vm8, $0x1206, v12;
	v11 =	vsel vm5, $0x1309, v11  }
0x39: {  	v17 =	vsel vm11, $0x1203, v17;
	v12 =	vsel vm7, $0x1287, v12;
	v14 =	vsel vm3, $0x138A, v11  }
0x3a: {  	v11 =	vand.u32 $0xF, v13;
	v13 =	vsel vm2, $0xB, v14;
	v14 =	vimm.s32 $0x543210FE  }
0x3b: {  	v12 =	vsel vm6, $0x1308, v12;
	v13 =	vsel vm1, $0x8C, v13;
	v14 =	vunpack.c.l.s4.s8 v14  }
0x3c: {  	v22 =	vsel vm13, $0x1281, v22;
	v12 =	vsel vm5, $0x1389, v12;
	v13 =	vsel vm0, $0x10D, v13  }
0x3d: {  	v16 =	vsel vm3, $0xA, v12;
	v12 =	vsel vm4, $0x18E, v13;
	v28 =	vunpack.c.0.s8.s32 v14  }
0x3e: {  	v13 =	vsel vm2, $0x8B, v16;
	v14 =	vimm.s32 $0x6543210F;
	v16 =	vimm.s32 $0xFEDCBA98  }
0x3f: {  	v6 =	vunpack.c.l.s4.s8 v6;
	v14 =	vunpack.c.l.s4.s8 v14;
	v16 =	vunpack.c.l.s4.s8 v16  }
0x40: {  	v17 =	vsel vm10, $0x1284, v17;
	v22 =	vsel vm12, $0x1302, v22;
	v27 =	vcombine.low v29, v28  }
0x41: {  	v13 =	vsel vm1, $0x10C, v13;
	v30 =	vunpack.c.0.s8.s32 v14;
	v15 =	vunpack.c.0.s8.s32 v16  }
0x42: {  	v32 =	vsel vm0, $0x18D, v13;
	v16 =	vunpack.c.0.s8.s32 v24;
	v13 =	vand.u32 $0xF, v27  }
0x43: {  	v27 =	vimm.s32 $0x30F;
	v24 =	vcombine.low v31, v30;
	v15 =	vand.u32 $0xF, v15  }
0x44: {  	v17 =	vsel vm9, $0x1305, v17;
	v27 =	vsel vm14, $0x380, v27;
	v15 =	vcombine.low v15, v16  }
0x45: {  	v16 =	vand.u32 $0xF, v24;
	v24 =	vsel vm13, $0x1001, v27;
	v27 =	vsel vm14, $0x1000, v57  }
0x46: {  	v22 =	vsel vm11, $0x1383, v22;
	v20 =	vunpack.c.0.s8.s32 v6;
	v27 =	vsel vm13, $0x1081, v27  }
0x47: {  	v17 =	vsel vm8, $0x1386, v17;
	v18 =	vsel vm12, $0x1082, v24;
	v24 =	vsel vm12, $0x1102, v27  }
0x48: {  	v22 =	vsel vm10, $0x4, v22;
	v18 =	vsel vm11, $0x1103, v18;
	v24 =	vsel vm11, $0x1183, v24  }
0x49: {  	v17 =	vsel vm7, $0x7, v17;
	v18 =	vsel vm10, $0x1184, v18;
	v24 =	vsel vm10, $0x1204, v24  }
0x4a: {  	v22 =	vsel vm9, $0x85, v22;
	v18 =	vsel vm9, $0x1205, v18;
	v24 =	vsel vm9, $0x1285, v24  }
0x4b: {  	v17 =	vsel vm6, $0x88, v17;
	v18 =	vsel vm8, $0x1286, v18;
	v24 =	vsel vm8, $0x1306, v24  }
0x4c: {  	v22 =	vsel vm8, $0x106, v22;
	v18 =	vsel vm7, $0x1307, v18;
	v24 =	vsel vm7, $0x1387, v24  }
0x4d: {  	v17 =	vsel vm5, $0x109, v17;
	v18 =	vsel vm6, $0x1388, v18;
	v24 =	vsel vm6, $0x8, v24  }
0x4e: {  	v22 =	vsel vm7, $0x187, v22;
	v18 =	vsel vm5, $0x9, v18;
	v24 =	vsel vm5, $0x89, v24  }
0x4f: {  	v17 =	vsel vm3, $0x18A, v17;
	v18 =	vsel vm3, $0x8A, v18;
	v24 =	vsel vm3, $0x10A, v24  }
0x50: {  	s2 =	simm.s32 $0x0;
	s11 =	srdreg.scid;
	v22 =	vsel vm6, $0x208, v22;
	v18 =	vsel vm2, $0x10B, v18;
	v24 =	vsel vm2, $0x18B, v24  }
0x51: {  	s3 =	stileid.u32;
	[smem:$0x7FF] =	sst s2;
	s2 =	sand.u32 $0x1, s11;
	v22 =	vsel vm5, $0x289, v22;
	v18 =	vsel vm1, $0x18C, v18;
	v24 =	vsel vm1, $0x20C, v24  }
0x52: {  	s0 =	rddreg [dreg:$0x0];
	s3 =	sshll.u32 s3, $0x3;
	s4 =	sshll.u32 s2, $0x2;
	v27 =	vsel vm2, $0x20B, v17;
	v18 =	vsel vm0, $0x20D, v18;
	v24 =	vsel vm0, $0x28D, v24  }
0x53: {  	s1 =	rddreg [dreg:$0x1];
	s13 =	sor.u32 s4, s3;
	v17 =	vsel vm4, $0x28E, v18;
	v18 =	vsel vm4, $0x30E, v24;
	v24 =	vsel vm1, $0x28C, v27  }
0x54: {  	s5 =	rddreg [dreg:$0x2];
	s9 =	sshll.u32 s13, $0xA;
	v6 =	vcombine.low v20, v19;
	v10 =	vsel vm1, $0xC, v10;
	v24 =	vsel vm0, $0x30D, v24  }
0x55: {  	s6 =	rddreg [dreg:$0x3];
	s12 =	ssub.s32 $0x2, s2;
	s11 =	sor.u32 $0x400, s9;
	v27 =	vcombine.low v19, v20;
	v20 =	vsel vm4, $0x38E, v24;
	v24 =	vsel vm14, $0x1100, v33  }
0x56: {  	s2 =	sshll.u32 s13, $0x7;
	s13 =	sor.u32 $0xC00, s9;
	s15 =	sshrl.u32 s11, $0x3;
	v6 =	vand.u32 $0xF, v6;
	v10 =	vsel vm0, $0x8D, v10;
	v24 =	vsel vm13, $0x1181, v24  }
0x57: {  	s10 =	rddreg [dreg:$0x4];
	s17 =	sshrl.u32 s13, $0x3;
	s3 =	sadd.s32 s0, s15;
	v0 =	vcombine.low v0, v21;
	v10 =	vsel vm4, $0x10E, v10;
	v24 =	vsel vm12, $0x1202, v24  }
0x58: {  	s18 =	sadd.s32 s0, s17;
	_ =	strace $0x80000047;
	[dreg:$0x7] =	wrdreg s3;
	v29 =	vcombine.low v28, v29;
	v28 =	vimm.s32 $0x128F;
	v23 =	vsel vm11, $0x1283, v24  }
0x59: {  	s7 =	sadd.s32 $0xF42C00, s1;
	s19 =	sadd.s32 s5, s2;
	[dreg:$0x9] =	wrdreg s18;
	v14 =	vsel vm4, $0x20E, v32;
	v28 =	vsel vm14, $0x1300, v28;
	v23 =	vsel vm10, $0x1304, v23  }
0x5a: {  	s8 =	sadd.s32 $0x112B200, s1;
	s20 =	sadd.s32 s6, s2;
	[dreg:$0xa] =	wrdreg s19;
	v28 =	vsel vm13, $0x1381, v28;
	v29 =	vand.u32 $0xF, v29;
	v23 =	vsel vm9, $0x1385, v23  }
0x5b: {  	s21 =	sadd.s32 s10, s2;
	s22 =	sor.u32 $0x8000, s2;
	[dreg:$0xb] =	wrdreg s20;
	v31 =	vcombine.low v30, v31;
	v30 =	vimm.s32 $0x130F;
	v23 =	vsel vm8, $0x6, v23  }
0x5c: {  	s14 =	sshrl.u32 s12, $0x1;
	s23 =	sadd.s32 s5, s22;
	[dreg:$0xc] =	wrdreg s21;
	v28 =	vsel vm12, $0x2, v28;
	v30 =	vsel vm14, $0x1380, v30;
	v23 =	vsel vm7, $0x87, v23  }
0x5d: {  	s25 =	sor.u32 $0x630000, s2;
	s24 =	sadd.s32 s6, s22;
	[dreg:$0xd] =	wrdreg s23;
	v28 =	vsel vm11, $0x83, v28;
	v30 =	vsel vm13, $0x1, v30;
	v23 =	vsel vm6, $0x108, v23  }
0x5e: {  	s1 =	ssub.s32 s12, s14;
	s26 =	sadd.s32 s5, s25;
	[dreg:$0xe] =	wrdreg s24;
	v28 =	vsel vm10, $0x104, v28;
	v31 =	vand.u32 $0xF, v31;
	v23 =	vsel vm5, $0x189, v23  }
0x5f: {  	s14 =	sadd.s32 s0, s2;
	s31 =	sadd.s32 s6, s25;
	[dreg:$0x10] =	wrdreg s26;
	v21 =	vand.u32 $0xF, v27;
	v27 =	vsel vm14, $0x1180, v59;
	v23 =	vsel vm3, $0x20A, v23  }
0x60: {  	s2 =	sor.u32 $0x638000, s2;
	s4 =	sadd.s32 s10, s25;
	[dreg:$0x11] =	wrdreg s31;
	v30 =	vsel vm12, $0x82, v30;
	v27 =	vsel vm13, $0x1201, v27;
	v23 =	vsel vm2, $0x28B, v23  }
0x61: {  	s5 =	sadd.s32 s5, s2;
	[dreg:$0x12] =	wrdreg s4;
	v24 =	vsel vm12, $0x1282, v27;
	v27 =	vsel vm3, $0x30A, v22;
	v23 =	vsel vm1, $0x30C, v23  }
0x62: {  	s15 =	sadd.s32 s6, s2;
	[dreg:$0x13] =	wrdreg s5;
	v28 =	vsel vm9, $0x185, v28;
	v27 =	vsel vm2, $0x38B, v27;
	v23 =	vsel vm0, $0x38D, v23  }
0x63: {  	s2 =	sadd.s32 s10, s2;
	[dreg:$0x14] =	wrdreg s15;
	v22 =	vsel vm4, $0x100E, v23;
	v23 =	vand.u32 $0xF, v0;
	v0 =	vsel vm1, $0x100C, v27  }
0x64: {  	s1 =	smax.u32 s1, $0x1;
	[dreg:$0x15] =	wrdreg s2;
	v30 =	vsel vm11, $0x103, v30;
	v28 =	vsel vm8, $0x206, v28;
	v0 =	vsel vm0, $0x108D, v0  }
0x65: {  	s17 =	sadd.s32 $0x90, s14;
	[dreg:$0x16] =	wrdreg s1;
	v27 =	vcombine.low v25, v26;
	v26 =	vsel vm4, $0x110E, v0;
	v0 =	vsel vm14, $0x1280, v61  }
0x66: {  	s12 =	sor.u32 $0x800, s9;
	s25 =	sadd.s32 $0xB0, s14;
	[dreg:$0x18] =	wrdreg s17;
	v30 =	vsel vm10, $0x184, v30;
	v28 =	vsel vm7, $0x287, v28;
	v0 =	vsel vm13, $0x1301, v0  }
0x67: {  	s28 =	simm.s32 $0x9;
	s16 =	sshrl.u32 s12, $0x3;
	[smem:$0x7FB] =	sst s25;
	v30 =	vsel vm9, $0x205, v30;
	v28 =	vsel vm6, $0x308, v28;
	v0 =	vsel vm12, $0x1382, v0  }
0x68: {  	s29 =	simm.s32 $0xB;
	s3 =	sadd.s32 s0, s16;
	[dreg:$0x6] =	wrdreg s14;
	v30 =	vsel vm8, $0x286, v30;
	v28 =	vsel vm5, $0x389, v28;
	v0 =	vsel vm11, $0x3, v0  }
0x69: {  	s30 =	simm.s32 $0x8;
	s16 =	sadd.s32 $0x10, s14;
	[dreg:$0x8] =	wrdreg s3;
	v30 =	vsel vm7, $0x307, v30;
	v28 =	vsel vm3, $0x100A, v28;
	v0 =	vsel vm10, $0x84, v0  }
0x6a: {  	s6 =	simm.s32 $0x4400;
	s18 =	sadd.s32 $0x110, s14;
	[dreg:$0x17] =	wrdreg s16;
	v30 =	vsel vm6, $0x388, v30;
	v24 =	vsel vm11, $0x1303, v24;
	v0 =	vsel vm9, $0x105, v0  }
0x6b: {  	s19 =	sadd.s32 $0x190, s14;
	s20 =	sadd.s32 $0x20, s14;
	[dreg:$0x19] =	wrdreg s18;
	v62 =	vsel vm2, $0x108B, v28;
	v24 =	vsel vm10, $0x1384, v24;
	v0 =	vsel vm8, $0x186, v0  }
0x6c: {  	s21 =	sadd.s32 $0xA0, s14;
	s23 =	sadd.s32 $0x1A0, s14;
	[dreg:$0x1a] =	wrdreg s19;
	v30 =	vsel vm5, $0x1009, v30;
	v24 =	vsel vm9, $0x5, v24;
	v0 =	vsel vm7, $0x207, v0  }
0x6d: {  	s24 =	sadd.s32 $0x30, s14;
	s26 =	sadd.s32 $0x130, s14;
	[dreg:$0x1b] =	wrdreg s20;
	v30 =	vsel vm3, $0x108A, v30;
	v24 =	vsel vm8, $0x86, v24;
	v0 =	vsel vm6, $0x288, v0  }
0x6e: {  	s31 =	sadd.s32 $0x1B0, s14;
	s17 =	simm.s32 $0x2400;
	[dreg:$0x1c] =	wrdreg s21;
	v30 =	vsel vm2, $0x110B, v30;
	v24 =	vsel vm7, $0x107, v24;
	v0 =	vsel vm5, $0x309, v0  }
0x6f: {  	s25 =	simm.s32 $0x7;
	s1 =	simm.s32 $0xA;
	[dreg:$0x1e] =	wrdreg s23;
	v30 =	vsel vm1, $0x118C, v30;
	v24 =	vsel vm6, $0x188, v24;
	v0 =	vsel vm3, $0x38A, v0  }
0x70: {  	s2 =	simm.s32 $0xC;
	s5 =	simm.s32 $0x0;
	[smem:$0x7FC] =	sst s26;
	v63 =	vsel vm0, $0x120D, v30;
	v24 =	vsel vm5, $0x209, v24;
	v0 =	vsel vm2, $0x100B, v0  }
0x71: {  	[tilespmem:$0x1FFD0] =	vst v4;
	s3 =	sadd.s32 s10, s22;
	s22 =	sadd.s32 $0x120, s14;
	[smem:$0x7FD] =	sst s31;
	v32 =	vsel vm4, $0x128E, v63;
	v24 =	vsel vm3, $0x28A, v24;
	v0 =	vsel vm1, $0x108C, v0  }
0x72: {  	s26 =	simm.s32 $0x200;
	s18 =	simm.s32 $0x6400;
	s19 =	simm.s32 $0x8400;
	v19 =	vand.u32 $0xF, v58;
	v24 =	vsel vm2, $0x30B, v24;
	v0 =	vsel vm0, $0x110D, v0  }
0x73: {  	[dreg:$0x1f] =	wrdreg s24;
	s20 =	simm.s32 $0xC400;
	s21 =	simm.s32 $0x1000;
	[tilespmem:$0x1FFC0] =	vst v5;
	v24 =	vsel vm1, $0x38C, v24;
	v28 =	vsel vm4, $0x118E, v0;
	v0 =	vsel vm1, $0x110C, v62  }
0x74: {  	s23 =	simm.s32 $0xA400;
	s24 =	simm.s32 $0xE400;
	[dreg:$0xf] =	wrdreg s3;
	[tilespmem:$0x1FFE0] =	vst v6;
	v24 =	vsel vm0, $0x100D, v24;
	v25 =	vand.u32 $0xF, v60;
	v0 =	vsel vm0, $0x118D, v0  }
0x75: {  	[dreg:$0x1d] =	wrdreg s22;
	s3 =	simm.s32 $0x400;
	s22 =	simm.s32 $0x20000;
	[tilespmem:$0x1FFF0] =	vst v3;
	v24 =	vsel vm4, $0x108E, v24;
	v27 =	vand.u32 $0xF, v27;
	v30 =	vsel vm4, $0x120E, v0  }
.LBB2_1:
0x76: {  	[smem:$0x7FA] =	sst s5  }
0x77: {  	s5 =	simm.s32 $0x0;
	s4 =	rddreg [dreg:$0x6]  }
0x78: {  	[tilespmem:s5], [sflag:$0x1] =	stream.linear.gather [hbm4b:s4+s5], $0x80, $0x38;
	[tilespmem:$0x10400] =	vst v63  }
0x79: {  	s15 =	rddreg [dreg:$0x7];
	s10 =	simm.s32 $0x80  }
0x7a: {  	[tilespmem:s10], [sflag:$0x1] =	stream.linear.gather [hbm4b:s15+s5], $0x80, $0x38;
	[tilespmem:$0x10400] =	vst v63  }
0x7b: {  	s16 =	rddreg [dreg:$0x8];
	s14 =	simm.s32 $0x100  }
0x7c: {  	[tilespmem:s14], [sflag:$0x1] =	stream.linear.gather [hbm4b:s16+s5], $0x80, $0x38;
	[tilespmem:$0x10400] =	vst v63  }
0x7d: {  	s31 =	rddreg [dreg:$0x9];
	s15 =	simm.s32 $0x180  }
0x7e: {  	[tilespmem:s15], [sflag:$0x1] =	stream.linear.gather [hbm4b:s31+s5], $0x80, $0x38;
	[tilespmem:$0x10400] =	vst v63  }
0x7f: {  	s16 =	rddreg [dreg:$0x17]  }
0x80: {  	[tilespmem:s26], [sflag:$0x2] =	stream.linear.gather [hbm4b:s16+s5], $0x80, $0x38;
	[tilespmem:$0x10400] =	vst v63  }
0x81: {  	s31 =	rddreg [dreg:$0x18];
	s16 =	simm.s32 $0x280  }
0x82: {  	[tilespmem:s16], [sflag:$0x2] =	stream.linear.gather [hbm4b:s31+s5], $0x80, $0x38;
	[tilespmem:$0x10400] =	vst v63  }
0x83: {  	s16 =	rddreg [dreg:$0x19];
	s31 =	simm.s32 $0x300  }
0x84: {  	[tilespmem:s31], [sflag:$0x2] =	stream.linear.gather [hbm4b:s16+s5], $0x80, $0x38;
	[tilespmem:$0x10400] =	vst v63  }
0x85: {  	s16 =	rddreg [dreg:$0x1a];
	s31 =	simm.s32 $0x380  }
0x86: {  	[tilespmem:s31], [sflag:$0x2] =	stream.linear.gather [hbm4b:s16+s5], $0x80, $0x38;
	[tilespmem:$0x10400] =	vst v63  }
0x87: {  	s16 =	simm.s32 $0x1  }
0x88: {  	_ =	swait.ge [sflag:s16], $0x200  }
0x89: {  	[sflag:s16] =	ssyncset.done $0x0  }
0x8a: {  	[sflag:s16] =	ssyncadd.s32 $0xFFFFFE00  }
0x8b: {  	[tilespmem:s3], [sflag:$0x3] =	stream.indirect.gather [hbm4b:s7+s26], $0x10, s5, s26, $0xb8;
	[tilespmem:$0x10400] =	vst v63  }
0x8c: {  	s31 =	simm.s32 $0x3  }
0x8d: {  	[tilespmem:s6], [sflag:$0x5] =	stream.indirect.gather [hbm4b:s8+s26], $0x10, s5, s26, $0xb8;
	[tilespmem:$0x10400] =	vst v63  }
0x8e: {  	_ =	swait.ge [sflag:s31], $0x2000  }
0x8f: {  	[sflag:s31] =	ssyncset.done $0x0  }
0x90: {  	s16 =	simm.s32 $0x5;
	[sflag:s31] =	ssyncadd.s32 $0xFFFFE000  }
0x91: {  	_ =	swait.ge [sflag:s16], $0x2000  }
0x92: {  	[sflag:s16] =	ssyncset.done $0x0  }
0x93: {  	s31 =	simm.s32 $0x2;
	[sflag:s16] =	ssyncadd.s32 $0xFFFFE000  }
0x94: {  	_ =	swait.ge [sflag:s31], $0x200  }
0x95: {  	[sflag:s31] =	ssyncset.done $0x0  }
0x96: {  	[sflag:s31] =	ssyncadd.s32 $0xFFFFFE00  }
0x97: {  	v1 =	vld [tilespmem:$0x1FFA0];
	[tilespmem:s17], [sflag:$0x4] =	stream.indirect.gather [hbm4b:s7+s26], $0x10, s26, s26, $0xb8  }
0x98: {  	_ = 	snop  }
0x99: {  	[tilespmem:s18], [sflag:$0x6] =	stream.indirect.gather [hbm4b:s8+s26], $0x10, s26, s26, $0xb8;
	[tilespmem:$0x10400] =	vst v63  }
0x9a: {  	v0 =	vmov s5;
	s16 =	rddreg [dreg:$0x1b]  }
0x9b: {  	v0 =	vshll.u32 v0, $0x4;
	[tilespmem:s5], [sflag:$0x1] =	stream.linear.gather [hbm4b:s16+s5], $0x80, $0x38;
	[tilespmem:$0x10400] =	vst v63  }
0x9c: {  	s31 =	rddreg [dreg:$0x1c];
	v0 =	vor.u32 v1, v0;
	v1 =	vlaneseq.u32;
	s16 =	simm.s32 $0x0  }
0x9d: {  	v2 =	vor.u32 v1, v0;
	v1 =	vld [tilespmem:$0x1FFB0];
	[tilespmem:s10], [sflag:$0x1] =	stream.linear.gather [hbm4b:s31+s5], $0x80, $0x38  }
0x9e: {  	s4 =	sand.u32 $0xFFFFFC00, s16;
	s10 =	rddreg [dreg:$0x1d];
	s31 =	sand.u32 $0x70, s5  }
0x9f: {  	[tilespmem:s14], [sflag:$0x1] =	stream.linear.gather [hbm4b:s10+s5], $0x80, $0x38;
	[tilespmem:$0x10400] =	vst v63  }
0xa0: {  	s4 =	sor.u32 s31, s4;
	s14 =	rddreg [dreg:$0x1e]  }
0xa1: {  	[tilespmem:s15], [sflag:$0x1] =	stream.linear.gather [hbm4b:s14+s5], $0x80, $0x38;
	[tilespmem:$0x10400] =	vst v63  }
0xa2: {  	v36 =	vor.u32 s4, v1;
	v33 =	vld.idx.msk [tilespmem:v2+s3+$0x0], $0xffff  }
0xa3: {  	v37 =	vor.u32 v4, v0;
	_ =	sdelay $0x3  }
0xa4: {  	[tilespmem:v36+s19+$0x0] =	vst.idx.msk $0xffff, v33  }
0xa5: {  	v38 =	vor.u32 s4, v5;
	v33 =	vld.idx.msk [tilespmem:v37+s3+$0x0], $0xffff  }
0xa6: {  	v39 =	vor.u32 v6, v0;
	_ =	sdelay $0x3  }
0xa7: {  	[tilespmem:v38+s19+$0x0] =	vst.idx.msk $0xffff, v33  }
0xa8: {  	v40 =	vor.u32 s4, v3;
	v33 =	vld.idx.msk [tilespmem:v39+s3+$0x0], $0xffff  }
0xa9: {  	v41 =	vor.u32 v7, v0;
	_ =	sdelay $0x3  }
0xaa: {  	[tilespmem:v40+s19+$0x0] =	vst.idx.msk $0xffff, v33  }
0xab: {  	v42 =	vor.u32 s4, v8;
	v33 =	vld.idx.msk [tilespmem:v41+s3+$0x0], $0xffff  }
0xac: {  	v43 =	vor.u32 v9, v0;
	_ =	sdelay $0x3  }
0xad: {  	[tilespmem:v42+s19+$0x0] =	vst.idx.msk $0xffff, v33  }
0xae: {  	v44 =	vor.u32 s4, v10;
	v33 =	vld.idx.msk [tilespmem:v43+s3+$0x0], $0xffff  }
0xaf: {  	v45 =	vor.u32 v11, v0;
	_ =	sdelay $0x3  }
0xb0: {  	[tilespmem:v44+s19+$0x0] =	vst.idx.msk $0xffff, v33  }
0xb1: {  	v46 =	vor.u32 s4, v12;
	v33 =	vld.idx.msk [tilespmem:v45+s3+$0x0], $0xffff  }
0xb2: {  	v47 =	vor.u32 v13, v0;
	_ =	sdelay $0x3  }
0xb3: {  	[tilespmem:v46+s19+$0x0] =	vst.idx.msk $0xffff, v33  }
0xb4: {  	v48 =	vor.u32 s4, v14;
	v33 =	vld.idx.msk [tilespmem:v47+s3+$0x0], $0xffff  }
0xb5: {  	v49 =	vor.u32 v16, v0;
	_ =	sdelay $0x3  }
0xb6: {  	[tilespmem:v48+s19+$0x0] =	vst.idx.msk $0xffff, v33  }
0xb7: {  	v50 =	vor.u32 s4, v17;
	v33 =	vld.idx.msk [tilespmem:v49+s3+$0x0], $0xffff  }
0xb8: {  	v51 =	vor.u32 v15, v0;
	_ =	sdelay $0x3  }
0xb9: {  	[tilespmem:v50+s19+$0x0] =	vst.idx.msk $0xffff, v33  }
0xba: {  	v52 =	vor.u32 s4, v18;
	v33 =	vld.idx.msk [tilespmem:v51+s3+$0x0], $0xffff  }
0xbb: {  	v53 =	vor.u32 v19, v0;
	_ =	sdelay $0x3  }
0xbc: {  	[tilespmem:v52+s19+$0x0] =	vst.idx.msk $0xffff, v33  }
0xbd: {  	v54 =	vor.u32 s4, v20;
	v33 =	vld.idx.msk [tilespmem:v53+s3+$0x0], $0xffff  }
0xbe: {  	v55 =	vor.u32 v21, v0;
	_ =	sdelay $0x3  }
0xbf: {  	[tilespmem:v54+s19+$0x0] =	vst.idx.msk $0xffff, v33  }
0xc0: {  	v56 =	vor.u32 s4, v22;
	v33 =	vld.idx.msk [tilespmem:v55+s3+$0x0], $0xffff  }
0xc1: {  	v57 =	vor.u32 v23, v0;
	_ =	sdelay $0x3  }
0xc2: {  	[tilespmem:v56+s19+$0x0] =	vst.idx.msk $0xffff, v33  }
0xc3: {  	v58 =	vor.u32 s4, v24;
	v33 =	vld.idx.msk [tilespmem:v57+s3+$0x0], $0xffff  }
0xc4: {  	v59 =	vor.u32 v25, v0;
	_ =	sdelay $0x3  }
0xc5: {  	[tilespmem:v58+s19+$0x0] =	vst.idx.msk $0xffff, v33  }
0xc6: {  	v60 =	vor.u32 s4, v26;
	v33 =	vld.idx.msk [tilespmem:v59+s3+$0x0], $0xffff  }
0xc7: {  	v61 =	vor.u32 v27, v0;
	_ =	sdelay $0x3  }
0xc8: {  	[tilespmem:v60+s19+$0x0] =	vst.idx.msk $0xffff, v33  }
0xc9: {  	v62 =	vor.u32 s4, v28;
	v33 =	vld.idx.msk [tilespmem:v61+s3+$0x0], $0xffff  }
0xca: {  	v63 =	vor.u32 v29, v0;
	_ =	sdelay $0x3  }
0xcb: {  	[tilespmem:v62+s19+$0x0] =	vst.idx.msk $0xffff, v33  }
0xcc: {  	v35 =	vor.u32 s4, v30;
	v33 =	vld.idx.msk [tilespmem:v63+s3+$0x0], $0xffff  }
0xcd: {  	v34 =	vor.u32 v31, v0;
	_ =	sdelay $0x3  }
0xce: {  	[tilespmem:v35+s19+$0x0] =	vst.idx.msk $0xffff, v33  }
0xcf: {  	v33 =	vor.u32 s4, v32;
	v0 =	vld.idx.msk [tilespmem:v34+s3+$0x0], $0xffff;
	_ =	sdelay $0x4  }
0xd0: {  	[tilespmem:v33+s19+$0x0] =	vst.idx.msk $0xffff, v0  }
0xd1: {  	v0 =	vld.idx.msk [tilespmem:v2+s6+$0x0], $0xffff;
	_ =	sdelay $0x4  }
0xd2: {  	[tilespmem:v36+s20+$0x0] =	vst.idx.msk $0xffff, v0  }
0xd3: {  	v0 =	vld.idx.msk [tilespmem:v37+s6+$0x0], $0xffff;
	_ =	sdelay $0x4  }
0xd4: {  	[tilespmem:v38+s20+$0x0] =	vst.idx.msk $0xffff, v0  }
0xd5: {  	v0 =	vld.idx.msk [tilespmem:v39+s6+$0x0], $0xffff;
	_ =	sdelay $0x4  }
0xd6: {  	[tilespmem:v40+s20+$0x0] =	vst.idx.msk $0xffff, v0  }
0xd7: {  	v0 =	vld.idx.msk [tilespmem:v41+s6+$0x0], $0xffff;
	_ =	sdelay $0x4  }
0xd8: {  	[tilespmem:v42+s20+$0x0] =	vst.idx.msk $0xffff, v0  }
0xd9: {  	v0 =	vld.idx.msk [tilespmem:v43+s6+$0x0], $0xffff;
	_ =	sdelay $0x4  }
0xda: {  	[tilespmem:v44+s20+$0x0] =	vst.idx.msk $0xffff, v0  }
0xdb: {  	v0 =	vld.idx.msk [tilespmem:v45+s6+$0x0], $0xffff;
	_ =	sdelay $0x4  }
0xdc: {  	[tilespmem:v46+s20+$0x0] =	vst.idx.msk $0xffff, v0  }
0xdd: {  	v0 =	vld.idx.msk [tilespmem:v47+s6+$0x0], $0xffff;
	_ =	sdelay $0x4  }
0xde: {  	[tilespmem:v48+s20+$0x0] =	vst.idx.msk $0xffff, v0  }
0xdf: {  	v0 =	vld.idx.msk [tilespmem:v49+s6+$0x0], $0xffff;
	_ =	sdelay $0x4  }
0xe0: {  	[tilespmem:v50+s20+$0x0] =	vst.idx.msk $0xffff, v0  }
0xe1: {  	v0 =	vld.idx.msk [tilespmem:v51+s6+$0x0], $0xffff;
	_ =	sdelay $0x4  }
0xe2: {  	[tilespmem:v52+s20+$0x0] =	vst.idx.msk $0xffff, v0  }
0xe3: {  	v0 =	vld.idx.msk [tilespmem:v53+s6+$0x0], $0xffff;
	_ =	sdelay $0x4  }
0xe4: {  	[tilespmem:v54+s20+$0x0] =	vst.idx.msk $0xffff, v0  }
0xe5: {  	v0 =	vld.idx.msk [tilespmem:v55+s6+$0x0], $0xffff;
	_ =	sdelay $0x4  }
0xe6: {  	[tilespmem:v56+s20+$0x0] =	vst.idx.msk $0xffff, v0  }
0xe7: {  	v0 =	vld.idx.msk [tilespmem:v57+s6+$0x0], $0xffff;
	_ =	sdelay $0x4  }
0xe8: {  	[tilespmem:v58+s20+$0x0] =	vst.idx.msk $0xffff, v0  }
0xe9: {  	v0 =	vld.idx.msk [tilespmem:v59+s6+$0x0], $0xffff;
	_ =	sdelay $0x4  }
0xea: {  	[tilespmem:v60+s20+$0x0] =	vst.idx.msk $0xffff, v0  }
0xeb: {  	v0 =	vld.idx.msk [tilespmem:v61+s6+$0x0], $0xffff;
	_ =	sdelay $0x4  }
0xec: {  	[tilespmem:v62+s20+$0x0] =	vst.idx.msk $0xffff, v0  }
0xed: {  	v0 =	vld.idx.msk [tilespmem:v63+s6+$0x0], $0xffff;
	_ =	sdelay $0x3  }
0xee: {  	s4 =	simm.s32 $0x10  }
0xef: {  	s14 =	simm.s32 $0x1;
	s15 =	simm.s32 $0x2;
	[tilespmem:v35+s20+$0x0] =	vst.idx.msk $0xffff, v0;
	v0 =	vmov s4  }
.LBB2_2:
0xf0: {  	v1 =	vld [tilespmem:$0x1FFA0];
	_ =	sdelay $0x3  }
0xf1: {  	v0 =	vshll.u32 v0, $0x4  }
0xf2: {  	v36 =	vld.idx.msk [tilespmem:v34+s6+$0x0], $0xffff;
	v34 =	vor.u32 v1, v0;
	v0 =	vlaneseq.u32  }
0xf3: {  	v1 =	vld [tilespmem:$0x1FFB0];
	v2 =	vor.u32 v0, v34;
	_ =	sdelay $0x1  }
0xf4: {  	s10 =	sshll.u32 s14, $0x7  }
0xf5: {  	s16 =	sand.u32 $0x70, s4;
	s10 =	sand.u32 $0xFFFFFC00, s10  }
0xf6: {  	s16 =	sor.u32 s16, s10;
	[tilespmem:v33+s20+$0x0] =	vst.idx.msk $0xffff, v36  }
0xf7: {  	v36 =	vor.u32 s16, v1;
	v0 =	vld.idx.msk [tilespmem:v2+s3+$0x0], $0xffff  }
0xf8: {  	v37 =	vor.u32 v4, v34;
	_ =	sdelay $0x3  }
0xf9: {  	[tilespmem:v36+s19+$0x0] =	vst.idx.msk $0xffff, v0  }
0xfa: {  	v38 =	vor.u32 s16, v5;
	v0 =	vld.idx.msk [tilespmem:v37+s3+$0x0], $0xffff  }
0xfb: {  	v39 =	vor.u32 v6, v34;
	_ =	sdelay $0x3  }
0xfc: {  	[tilespmem:v38+s19+$0x0] =	vst.idx.msk $0xffff, v0  }
0xfd: {  	v40 =	vor.u32 s16, v3;
	v0 =	vld.idx.msk [tilespmem:v39+s3+$0x0], $0xffff  }
0xfe: {  	v41 =	vor.u32 v7, v34;
	_ =	sdelay $0x3  }
0xff: {  	[tilespmem:v40+s19+$0x0] =	vst.idx.msk $0xffff, v0  }
0x100: {  	v42 =	vor.u32 s16, v8;
	v0 =	vld.idx.msk [tilespmem:v41+s3+$0x0], $0xffff  }
0x101: {  	v43 =	vor.u32 v9, v34;
	_ =	sdelay $0x3  }
0x102: {  	[tilespmem:v42+s19+$0x0] =	vst.idx.msk $0xffff, v0  }
0x103: {  	v44 =	vor.u32 s16, v10;
	v0 =	vld.idx.msk [tilespmem:v43+s3+$0x0], $0xffff  }
0x104: {  	v45 =	vor.u32 v11, v34;
	_ =	sdelay $0x3  }
0x105: {  	[tilespmem:v44+s19+$0x0] =	vst.idx.msk $0xffff, v0  }
0x106: {  	v46 =	vor.u32 s16, v12;
	v0 =	vld.idx.msk [tilespmem:v45+s3+$0x0], $0xffff  }
0x107: {  	v47 =	vor.u32 v13, v34;
	_ =	sdelay $0x3  }
0x108: {  	[tilespmem:v46+s19+$0x0] =	vst.idx.msk $0xffff, v0  }
0x109: {  	v48 =	vor.u32 s16, v14;
	v0 =	vld.idx.msk [tilespmem:v47+s3+$0x0], $0xffff  }
0x10a: {  	v49 =	vor.u32 v16, v34;
	_ =	sdelay $0x3  }
0x10b: {  	[tilespmem:v48+s19+$0x0] =	vst.idx.msk $0xffff, v0  }
0x10c: {  	v50 =	vor.u32 s16, v17;
	v0 =	vld.idx.msk [tilespmem:v49+s3+$0x0], $0xffff  }
0x10d: {  	v51 =	vor.u32 v15, v34;
	_ =	sdelay $0x3  }
0x10e: {  	[tilespmem:v50+s19+$0x0] =	vst.idx.msk $0xffff, v0  }
0x10f: {  	v52 =	vor.u32 s16, v18;
	v0 =	vld.idx.msk [tilespmem:v51+s3+$0x0], $0xffff  }
0x110: {  	v53 =	vor.u32 v19, v34;
	_ =	sdelay $0x3  }
0x111: {  	[tilespmem:v52+s19+$0x0] =	vst.idx.msk $0xffff, v0  }
0x112: {  	v54 =	vor.u32 s16, v20;
	v0 =	vld.idx.msk [tilespmem:v53+s3+$0x0], $0xffff  }
0x113: {  	v55 =	vor.u32 v21, v34;
	_ =	sdelay $0x3  }
0x114: {  	[tilespmem:v54+s19+$0x0] =	vst.idx.msk $0xffff, v0  }
0x115: {  	v56 =	vor.u32 s16, v22;
	v0 =	vld.idx.msk [tilespmem:v55+s3+$0x0], $0xffff  }
0x116: {  	v57 =	vor.u32 v23, v34;
	_ =	sdelay $0x3  }
0x117: {  	[tilespmem:v56+s19+$0x0] =	vst.idx.msk $0xffff, v0  }
0x118: {  	v58 =	vor.u32 s16, v24;
	v0 =	vld.idx.msk [tilespmem:v57+s3+$0x0], $0xffff  }
0x119: {  	v59 =	vor.u32 v25, v34;
	_ =	sdelay $0x3  }
0x11a: {  	[tilespmem:v58+s19+$0x0] =	vst.idx.msk $0xffff, v0  }
0x11b: {  	v60 =	vor.u32 s16, v26;
	v0 =	vld.idx.msk [tilespmem:v59+s3+$0x0], $0xffff  }
0x11c: {  	v61 =	vor.u32 v27, v34;
	_ =	sdelay $0x3  }
0x11d: {  	[tilespmem:v60+s19+$0x0] =	vst.idx.msk $0xffff, v0  }
0x11e: {  	v63 =	vor.u32 s16, v28;
	v33 =	vld.idx.msk [tilespmem:v61+s3+$0x0], $0xffff  }
0x11f: {  	v35 =	vor.u32 v29, v34;
	_ =	sdelay $0x3  }
0x120: {  	[tilespmem:v63+s19+$0x0] =	vst.idx.msk $0xffff, v33  }
0x121: {  	v62 =	vor.u32 s16, v30;
	v33 =	vld.idx.msk [tilespmem:v35+s3+$0x0], $0xffff  }
0x122: {  	v34 =	vor.u32 v31, v34;
	_ =	sdelay $0x3  }
0x123: {  	[tilespmem:v62+s19+$0x0] =	vst.idx.msk $0xffff, v33  }
0x124: {  	v33 =	vor.u32 s16, v32;
	v0 =	vld.idx.msk [tilespmem:v34+s3+$0x0], $0xffff;
	_ =	sdelay $0x4  }
0x125: {  	[tilespmem:v33+s19+$0x0] =	vst.idx.msk $0xffff, v0  }
0x126: {  	v0 =	vld.idx.msk [tilespmem:v2+s6+$0x0], $0xffff;
	_ =	sdelay $0x4  }
0x127: {  	[tilespmem:v36+s20+$0x0] =	vst.idx.msk $0xffff, v0  }
0x128: {  	v0 =	vld.idx.msk [tilespmem:v37+s6+$0x0], $0xffff;
	_ =	sdelay $0x4  }
0x129: {  	[tilespmem:v38+s20+$0x0] =	vst.idx.msk $0xffff, v0  }
0x12a: {  	v0 =	vld.idx.msk [tilespmem:v39+s6+$0x0], $0xffff;
	_ =	sdelay $0x4  }
0x12b: {  	[tilespmem:v40+s20+$0x0] =	vst.idx.msk $0xffff, v0  }
0x12c: {  	v0 =	vld.idx.msk [tilespmem:v41+s6+$0x0], $0xffff;
	_ =	sdelay $0x4  }
0x12d: {  	[tilespmem:v42+s20+$0x0] =	vst.idx.msk $0xffff, v0  }
0x12e: {  	v0 =	vld.idx.msk [tilespmem:v43+s6+$0x0], $0xffff;
	_ =	sdelay $0x4  }
0x12f: {  	[tilespmem:v44+s20+$0x0] =	vst.idx.msk $0xffff, v0  }
0x130: {  	v0 =	vld.idx.msk [tilespmem:v45+s6+$0x0], $0xffff;
	_ =	sdelay $0x4  }
0x131: {  	[tilespmem:v46+s20+$0x0] =	vst.idx.msk $0xffff, v0  }
0x132: {  	v0 =	vld.idx.msk [tilespmem:v47+s6+$0x0], $0xffff;
	_ =	sdelay $0x4  }
0x133: {  	[tilespmem:v48+s20+$0x0] =	vst.idx.msk $0xffff, v0  }
0x134: {  	v0 =	vld.idx.msk [tilespmem:v49+s6+$0x0], $0xffff;
	_ =	sdelay $0x4  }
0x135: {  	[tilespmem:v50+s20+$0x0] =	vst.idx.msk $0xffff, v0  }
0x136: {  	v0 =	vld.idx.msk [tilespmem:v51+s6+$0x0], $0xffff;
	_ =	sdelay $0x4  }
0x137: {  	[tilespmem:v52+s20+$0x0] =	vst.idx.msk $0xffff, v0  }
0x138: {  	v0 =	vld.idx.msk [tilespmem:v53+s6+$0x0], $0xffff;
	_ =	sdelay $0x4  }
0x139: {  	[tilespmem:v54+s20+$0x0] =	vst.idx.msk $0xffff, v0  }
0x13a: {  	v0 =	vld.idx.msk [tilespmem:v55+s6+$0x0], $0xffff;
	_ =	sdelay $0x4  }
0x13b: {  	[tilespmem:v56+s20+$0x0] =	vst.idx.msk $0xffff, v0  }
0x13c: {  	v0 =	vld.idx.msk [tilespmem:v57+s6+$0x0], $0xffff;
	_ =	sdelay $0x4  }
0x13d: {  	[tilespmem:v58+s20+$0x0] =	vst.idx.msk $0xffff, v0  }
0x13e: {  	v0 =	vld.idx.msk [tilespmem:v59+s6+$0x0], $0xffff;
	_ =	sdelay $0x4  }
0x13f: {  	[tilespmem:v60+s20+$0x0] =	vst.idx.msk $0xffff, v0  }
0x140: {  	v0 =	vld.idx.msk [tilespmem:v61+s6+$0x0], $0xffff;
	_ =	sdelay $0x4  }
0x141: {  	[tilespmem:v63+s20+$0x0] =	vst.idx.msk $0xffff, v0  }
0x142: {  	p0 =	sne.s32 s15, $0x1F;
	v35 =	vld.idx.msk [tilespmem:v35+s6+$0x0], $0xffff  }
.Ltmp0:
0x143: {  	_ = 	snop;
	(pc) =	sbr.rel @p0 .LBB2_2-.Ltmp0, $3  }
0x144: {  	_ =	sdelay $0x1  }
0x145: {  	s4 =	sadd.s32 $0x10, s4  }
0x146: {  	s14 =	smov.u32 s15;
	s15 =	sadd.s32 $0x1, s15;
	v0 =	vmov s4;
	[tilespmem:v62+s20+$0x0] =	vst.idx.msk $0xffff, v35  }
0x147: {  	v2 =	vld [tilespmem:$0x1FFA0];
	_ =	sdelay $0x3  }
0x148: {  	v0 =	vshll.u32 v0, $0x4  }
0x149: {  	v34 =	vld.idx.msk [tilespmem:v34+s6+$0x0], $0xffff;
	v1 =	vlaneseq.u32;
	v0 =	vor.u32 v2, v0  }
0x14a: {  	v62 =	vld [tilespmem:$0x1FFB0];
	v1 =	vor.u32 v1, v0;
	_ =	sdelay $0x1  }
0x14b: {  	s10 =	sshll.u32 s14, $0x7  }
0x14c: {  	s4 =	sand.u32 $0x70, s4;
	s10 =	sand.u32 $0xFFFFFC00, s10  }
0x14d: {  	s4 =	sor.u32 s4, s10;
	[tilespmem:v33+s20+$0x0] =	vst.idx.msk $0xffff, v34  }
0x14e: {  	v35 =	vor.u32 s4, v62;
	v33 =	vld.idx.msk [tilespmem:v1+s3+$0x0], $0xffff  }
0x14f: {  	v36 =	vor.u32 v4, v0;
	_ =	sdelay $0x3  }
0x150: {  	[tilespmem:v35+s19+$0x0] =	vst.idx.msk $0xffff, v33  }
0x151: {  	v37 =	vor.u32 s4, v5;
	v33 =	vld.idx.msk [tilespmem:v36+s3+$0x0], $0xffff  }
0x152: {  	v38 =	vor.u32 v6, v0;
	_ =	sdelay $0x3  }
0x153: {  	[tilespmem:v37+s19+$0x0] =	vst.idx.msk $0xffff, v33  }
0x154: {  	v39 =	vor.u32 s4, v3;
	v33 =	vld.idx.msk [tilespmem:v38+s3+$0x0], $0xffff  }
0x155: {  	v40 =	vor.u32 v7, v0;
	_ =	sdelay $0x3  }
0x156: {  	[tilespmem:v39+s19+$0x0] =	vst.idx.msk $0xffff, v33  }
0x157: {  	v41 =	vor.u32 s4, v8;
	v33 =	vld.idx.msk [tilespmem:v40+s3+$0x0], $0xffff  }
0x158: {  	v42 =	vor.u32 v9, v0;
	_ =	sdelay $0x3  }
0x159: {  	[tilespmem:v41+s19+$0x0] =	vst.idx.msk $0xffff, v33  }
0x15a: {  	v43 =	vor.u32 s4, v10;
	v33 =	vld.idx.msk [tilespmem:v42+s3+$0x0], $0xffff  }
0x15b: {  	v44 =	vor.u32 v11, v0;
	_ =	sdelay $0x3  }
0x15c: {  	[tilespmem:v43+s19+$0x0] =	vst.idx.msk $0xffff, v33  }
0x15d: {  	v45 =	vor.u32 s4, v12;
	v33 =	vld.idx.msk [tilespmem:v44+s3+$0x0], $0xffff  }
0x15e: {  	v46 =	vor.u32 v13, v0;
	_ =	sdelay $0x3  }
0x15f: {  	[tilespmem:v45+s19+$0x0] =	vst.idx.msk $0xffff, v33  }
0x160: {  	v47 =	vor.u32 s4, v14;
	v33 =	vld.idx.msk [tilespmem:v46+s3+$0x0], $0xffff  }
0x161: {  	v48 =	vor.u32 v16, v0;
	_ =	sdelay $0x3  }
0x162: {  	[tilespmem:v47+s19+$0x0] =	vst.idx.msk $0xffff, v33  }
0x163: {  	v49 =	vor.u32 s4, v17;
	v33 =	vld.idx.msk [tilespmem:v48+s3+$0x0], $0xffff  }
0x164: {  	v50 =	vor.u32 v15, v0;
	_ =	sdelay $0x3  }
0x165: {  	[tilespmem:v49+s19+$0x0] =	vst.idx.msk $0xffff, v33  }
0x166: {  	v51 =	vor.u32 s4, v18;
	v33 =	vld.idx.msk [tilespmem:v50+s3+$0x0], $0xffff  }
0x167: {  	v52 =	vor.u32 v19, v0;
	_ =	sdelay $0x3  }
0x168: {  	[tilespmem:v51+s19+$0x0] =	vst.idx.msk $0xffff, v33  }
0x169: {  	v53 =	vor.u32 s4, v20;
	v33 =	vld.idx.msk [tilespmem:v52+s3+$0x0], $0xffff  }
0x16a: {  	v54 =	vor.u32 v21, v0;
	_ =	sdelay $0x3  }
0x16b: {  	[tilespmem:v53+s19+$0x0] =	vst.idx.msk $0xffff, v33  }
0x16c: {  	v55 =	vor.u32 s4, v22;
	v33 =	vld.idx.msk [tilespmem:v54+s3+$0x0], $0xffff  }
0x16d: {  	v56 =	vor.u32 v23, v0;
	_ =	sdelay $0x3  }
0x16e: {  	[tilespmem:v55+s19+$0x0] =	vst.idx.msk $0xffff, v33  }
0x16f: {  	v57 =	vor.u32 s4, v24;
	v33 =	vld.idx.msk [tilespmem:v56+s3+$0x0], $0xffff  }
0x170: {  	v58 =	vor.u32 v25, v0;
	_ =	sdelay $0x3  }
0x171: {  	[tilespmem:v57+s19+$0x0] =	vst.idx.msk $0xffff, v33  }
0x172: {  	v59 =	vor.u32 s4, v26;
	v33 =	vld.idx.msk [tilespmem:v58+s3+$0x0], $0xffff  }
0x173: {  	v60 =	vor.u32 v27, v0;
	_ =	sdelay $0x3  }
0x174: {  	[tilespmem:v59+s19+$0x0] =	vst.idx.msk $0xffff, v33  }
0x175: {  	v61 =	vor.u32 s4, v28;
	v33 =	vld.idx.msk [tilespmem:v60+s3+$0x0], $0xffff  }
0x176: {  	v62 =	vor.u32 v29, v0;
	_ =	sdelay $0x3  }
0x177: {  	[tilespmem:v61+s19+$0x0] =	vst.idx.msk $0xffff, v33  }
0x178: {  	v63 =	vor.u32 s4, v30;
	v33 =	vld.idx.msk [tilespmem:v62+s3+$0x0], $0xffff  }
0x179: {  	v34 =	vor.u32 v31, v0;
	_ =	sdelay $0x3  }
0x17a: {  	[tilespmem:v63+s19+$0x0] =	vst.idx.msk $0xffff, v33  }
0x17b: {  	v0 =	vor.u32 s4, v32;
	v33 =	vld.idx.msk [tilespmem:v34+s3+$0x0], $0xffff;
	_ =	sdelay $0x4  }
0x17c: {  	[tilespmem:v0+s19+$0x0] =	vst.idx.msk $0xffff, v33  }
0x17d: {  	v33 =	vld.idx.msk [tilespmem:v1+s6+$0x0], $0xffff;
	_ =	sdelay $0x4  }
0x17e: {  	[tilespmem:v35+s20+$0x0] =	vst.idx.msk $0xffff, v33  }
0x17f: {  	v33 =	vld.idx.msk [tilespmem:v36+s6+$0x0], $0xffff;
	_ =	sdelay $0x4  }
0x180: {  	[tilespmem:v37+s20+$0x0] =	vst.idx.msk $0xffff, v33  }
0x181: {  	v33 =	vld.idx.msk [tilespmem:v38+s6+$0x0], $0xffff;
	_ =	sdelay $0x4  }
0x182: {  	[tilespmem:v39+s20+$0x0] =	vst.idx.msk $0xffff, v33  }
0x183: {  	v33 =	vld.idx.msk [tilespmem:v40+s6+$0x0], $0xffff;
	_ =	sdelay $0x4  }
0x184: {  	[tilespmem:v41+s20+$0x0] =	vst.idx.msk $0xffff, v33  }
0x185: {  	v33 =	vld.idx.msk [tilespmem:v42+s6+$0x0], $0xffff;
	_ =	sdelay $0x4  }
0x186: {  	[tilespmem:v43+s20+$0x0] =	vst.idx.msk $0xffff, v33  }
0x187: {  	v33 =	vld.idx.msk [tilespmem:v44+s6+$0x0], $0xffff;
	_ =	sdelay $0x4  }
0x188: {  	[tilespmem:v45+s20+$0x0] =	vst.idx.msk $0xffff, v33  }
0x189: {  	v33 =	vld.idx.msk [tilespmem:v46+s6+$0x0], $0xffff;
	_ =	sdelay $0x4  }
0x18a: {  	[tilespmem:v47+s20+$0x0] =	vst.idx.msk $0xffff, v33  }
0x18b: {  	v33 =	vld.idx.msk [tilespmem:v48+s6+$0x0], $0xffff;
	_ =	sdelay $0x4  }
0x18c: {  	[tilespmem:v49+s20+$0x0] =	vst.idx.msk $0xffff, v33  }
0x18d: {  	v33 =	vld.idx.msk [tilespmem:v50+s6+$0x0], $0xffff;
	_ =	sdelay $0x4  }
0x18e: {  	[tilespmem:v51+s20+$0x0] =	vst.idx.msk $0xffff, v33  }
0x18f: {  	v33 =	vld.idx.msk [tilespmem:v52+s6+$0x0], $0xffff;
	_ =	sdelay $0x4  }
0x190: {  	[tilespmem:v53+s20+$0x0] =	vst.idx.msk $0xffff, v33  }
0x191: {  	v33 =	vld.idx.msk [tilespmem:v54+s6+$0x0], $0xffff;
	_ =	sdelay $0x4  }
0x192: {  	[tilespmem:v55+s20+$0x0] =	vst.idx.msk $0xffff, v33  }
0x193: {  	v33 =	vld.idx.msk [tilespmem:v56+s6+$0x0], $0xffff;
	_ =	sdelay $0x4  }
0x194: {  	[tilespmem:v57+s20+$0x0] =	vst.idx.msk $0xffff, v33  }
0x195: {  	v33 =	vld.idx.msk [tilespmem:v58+s6+$0x0], $0xffff;
	_ =	sdelay $0x4  }
0x196: {  	[tilespmem:v59+s20+$0x0] =	vst.idx.msk $0xffff, v33  }
0x197: {  	v33 =	vld.idx.msk [tilespmem:v60+s6+$0x0], $0xffff;
	_ =	sdelay $0x4  }
0x198: {  	[tilespmem:v61+s20+$0x0] =	vst.idx.msk $0xffff, v33  }
0x199: {  	v33 =	vld.idx.msk [tilespmem:v62+s6+$0x0], $0xffff;
	_ =	sdelay $0x4  }
0x19a: {  	[tilespmem:v63+s20+$0x0] =	vst.idx.msk $0xffff, v33  }
0x19b: {  	v33 =	vld.idx.msk [tilespmem:v34+s6+$0x0], $0xffff;
	_ =	sdelay $0x4  }
0x19c: {  	s16 =	rddreg [dreg:$0xa];
	[tilespmem:v0+s20+$0x0] =	vst.idx.msk $0xffff, v33  }
0x19d: {  	[hbm4b:s16+s21] =	stream.strided.scatter [tilespmem:s19], [sflag:$0x7], $0x2000, s22, s21, $0x38;
	[tilespmem:$0x10400] =	vst v63  }
0x19e: {  	s31 =	rddreg [dreg:$0xb]  }
0x19f: {  	[hbm4b:s31+s21] =	stream.strided.scatter [tilespmem:s19], [sflag:$0x9], $0x2000, s22, s21, $0x38;
	[tilespmem:$0x10400] =	vst v63  }
0x1a0: {  	s5 =	rddreg [dreg:$0xc];
	s10 =	simm.s32 $0x4  }
0x1a1: {  	[hbm4b:s5+s21] =	stream.strided.scatter [tilespmem:s20], [sflag:$0xB], $0x2000, s22, s21, $0x38;
	[tilespmem:$0x10400] =	vst v63  }
0x1a2: {  	_ =	swait.ge [sflag:s10], $0x2000  }
0x1a3: {  	[sflag:s10] =	ssyncset.done $0x0  }
0x1a4: {  	s14 =	simm.s32 $0x6;
	[sflag:s10] =	ssyncadd.s32 $0xFFFFE000  }
0x1a5: {  	_ =	swait.ge [sflag:s14], $0x2000  }
0x1a6: {  	[sflag:s14] =	ssyncset.done $0x0  }
0x1a7: {  	s15 =	simm.s32 $0x1;
	[sflag:s14] =	ssyncadd.s32 $0xFFFFE000  }
0x1a8: {  	_ =	swait.ge [sflag:s15], $0x200  }
0x1a9: {  	[sflag:s15] =	ssyncset.done $0x0  }
0x1aa: {  	s4 =	simm.s32 $0x0;
	[sflag:s15] =	ssyncadd.s32 $0xFFFFFE00  }
0x1ab: {  	[tilespmem:s3], [sflag:$0x3] =	stream.indirect.gather [hbm4b:s7+s26], $0x10, s4, s26, $0xb8;
	[tilespmem:$0x10400] =	vst v63  }
0x1ac: {  	s5 =	rddreg [dreg:$0x1f]  }
0x1ad: {  	[tilespmem:s6], [sflag:$0x5] =	stream.indirect.gather [hbm4b:s8+s26], $0x10, s4, s26, $0xb8;
	[tilespmem:$0x10400] =	vst v63  }
0x1ae: {  	v0 =	vmov s4;
	s16 =	sld [smem:$0x7FB]  }
0x1af: {  	v0 =	vshll.u32 v0, $0x4;
	[tilespmem:s26], [sflag:$0x2] =	stream.linear.gather [hbm4b:s5+s4], $0x80, $0x38;
	[tilespmem:$0x10400] =	vst v63  }
0x1b0: {  	v63 =	vlaneseq.u32;
	v0 =	vor.u32 v2, v0;
	s31 =	simm.s32 $0x280;
	s10 =	sld [smem:$0x7FC]  }
0x1b1: {  	v1 =	vor.u32 v63, v0;
	[tilespmem:s31], [sflag:$0x2] =	stream.linear.gather [hbm4b:s16+s4], $0x80, $0x38;
	[tilespmem:$0x10400] =	vst v63  }
0x1b2: {  	s14 =	simm.s32 $0x300;
	s15 =	sld [smem:$0x7FD]  }
0x1b3: {  	[tilespmem:s14], [sflag:$0x2] =	stream.linear.gather [hbm4b:s10+s4], $0x80, $0x38;
	[tilespmem:$0x10400] =	vst v63  }
0x1b4: {  	s16 =	simm.s32 $0x380  }
0x1b5: {  	[tilespmem:s16], [sflag:$0x2] =	stream.linear.gather [hbm4b:s15+s4], $0x80, $0x38;
	[tilespmem:$0x10400] =	vst v63  }
0x1b6: {  	v33 =	vld.idx.msk [tilespmem:v1+s17+$0x0], $0xffff  }
0x1b7: {  	[tilespmem:$0x1FF90] =	vst v1;
	v1 =	vld [tilespmem:$0x1FFB0];
	_ =	sdelay $0x1  }
0x1b8: {  	s31 =	simm.s32 $0x0  }
0x1b9: {  	s10 =	sand.u32 $0xFFFFFC00, s31;
	s4 =	sand.u32 $0x70, s4  }
0x1ba: {  	s4 =	sor.u32 s4, s10  }
0x1bb: {  	v36 =	vor.u32 s4, v1;
	v1 =	vld [tilespmem:$0x1FFD0];
	_ =	sdelay $0x4  }
0x1bc: {  	v37 =	vor.u32 v1, v0;
	v1 =	vld [tilespmem:$0x1FFC0];
	_ =	sdelay $0x4  }
0x1bd: {  	v38 =	vor.u32 s4, v1;
	v1 =	vld [tilespmem:$0x1FFE0];
	_ =	sdelay $0x2  }
0x1be: {  	[tilespmem:v36+s23+$0x0] =	vst.idx.msk $0xffff, v33  }
0x1bf: {  	v33 =	vld.idx.msk [tilespmem:v37+s17+$0x0], $0xffff  }
0x1c0: {  	v39 =	vor.u32 v1, v0;
	v1 =	vld [tilespmem:$0x1FFF0];
	_ =	sdelay $0x3  }
0x1c1: {  	[tilespmem:v38+s23+$0x0] =	vst.idx.msk $0xffff, v33  }
0x1c2: {  	v33 =	vld.idx.msk [tilespmem:v39+s17+$0x0], $0xffff;
	v40 =	vor.u32 s4, v1  }
0x1c3: {  	v41 =	vor.u32 v7, v0;
	_ =	sdelay $0x3  }
0x1c4: {  	[tilespmem:v40+s23+$0x0] =	vst.idx.msk $0xffff, v33  }
0x1c5: {  	v42 =	vor.u32 s4, v8;
	v33 =	vld.idx.msk [tilespmem:v41+s17+$0x0], $0xffff  }
0x1c6: {  	v43 =	vor.u32 v9, v0;
	_ =	sdelay $0x3  }
0x1c7: {  	[tilespmem:v42+s23+$0x0] =	vst.idx.msk $0xffff, v33  }
0x1c8: {  	v44 =	vor.u32 s4, v10;
	v33 =	vld.idx.msk [tilespmem:v43+s17+$0x0], $0xffff  }
0x1c9: {  	v45 =	vor.u32 v11, v0;
	_ =	sdelay $0x3  }
0x1ca: {  	[tilespmem:v44+s23+$0x0] =	vst.idx.msk $0xffff, v33  }
0x1cb: {  	v46 =	vor.u32 s4, v12;
	v33 =	vld.idx.msk [tilespmem:v45+s17+$0x0], $0xffff  }
0x1cc: {  	v47 =	vor.u32 v13, v0;
	_ =	sdelay $0x3  }
0x1cd: {  	[tilespmem:v46+s23+$0x0] =	vst.idx.msk $0xffff, v33  }
0x1ce: {  	v48 =	vor.u32 s4, v14;
	v33 =	vld.idx.msk [tilespmem:v47+s17+$0x0], $0xffff  }
0x1cf: {  	v49 =	vor.u32 v16, v0;
	_ =	sdelay $0x3  }
0x1d0: {  	[tilespmem:v48+s23+$0x0] =	vst.idx.msk $0xffff, v33  }
0x1d1: {  	v50 =	vor.u32 s4, v17;
	v33 =	vld.idx.msk [tilespmem:v49+s17+$0x0], $0xffff  }
0x1d2: {  	v51 =	vor.u32 v15, v0;
	_ =	sdelay $0x3  }
0x1d3: {  	[tilespmem:v50+s23+$0x0] =	vst.idx.msk $0xffff, v33  }
0x1d4: {  	v52 =	vor.u32 s4, v18;
	v33 =	vld.idx.msk [tilespmem:v51+s17+$0x0], $0xffff  }
0x1d5: {  	v53 =	vor.u32 v19, v0;
	_ =	sdelay $0x3  }
0x1d6: {  	[tilespmem:v52+s23+$0x0] =	vst.idx.msk $0xffff, v33  }
0x1d7: {  	v54 =	vor.u32 s4, v20;
	v33 =	vld.idx.msk [tilespmem:v53+s17+$0x0], $0xffff  }
0x1d8: {  	v55 =	vor.u32 v21, v0;
	_ =	sdelay $0x3  }
0x1d9: {  	[tilespmem:v54+s23+$0x0] =	vst.idx.msk $0xffff, v33  }
0x1da: {  	v56 =	vor.u32 s4, v22;
	v33 =	vld.idx.msk [tilespmem:v55+s17+$0x0], $0xffff  }
0x1db: {  	v57 =	vor.u32 v23, v0;
	_ =	sdelay $0x3  }
0x1dc: {  	[tilespmem:v56+s23+$0x0] =	vst.idx.msk $0xffff, v33  }
0x1dd: {  	v58 =	vor.u32 s4, v24;
	v33 =	vld.idx.msk [tilespmem:v57+s17+$0x0], $0xffff  }
0x1de: {  	v59 =	vor.u32 v25, v0;
	_ =	sdelay $0x3  }
0x1df: {  	[tilespmem:v58+s23+$0x0] =	vst.idx.msk $0xffff, v33  }
0x1e0: {  	v60 =	vor.u32 s4, v26;
	v33 =	vld.idx.msk [tilespmem:v59+s17+$0x0], $0xffff  }
0x1e1: {  	v61 =	vor.u32 v27, v0;
	_ =	sdelay $0x3  }
0x1e2: {  	[tilespmem:v60+s23+$0x0] =	vst.idx.msk $0xffff, v33  }
0x1e3: {  	v62 =	vor.u32 s4, v28;
	v33 =	vld.idx.msk [tilespmem:v61+s17+$0x0], $0xffff  }
0x1e4: {  	v63 =	vor.u32 v29, v0;
	_ =	sdelay $0x3  }
0x1e5: {  	[tilespmem:v62+s23+$0x0] =	vst.idx.msk $0xffff, v33  }
0x1e6: {  	v35 =	vor.u32 s4, v30;
	v33 =	vld.idx.msk [tilespmem:v63+s17+$0x0], $0xffff  }
0x1e7: {  	v34 =	vor.u32 v31, v0;
	_ =	sdelay $0x3  }
0x1e8: {  	[tilespmem:v35+s23+$0x0] =	vst.idx.msk $0xffff, v33  }
0x1e9: {  	v33 =	vor.u32 s4, v32;
	v0 =	vld.idx.msk [tilespmem:v34+s17+$0x0], $0xffff;
	_ =	sdelay $0x4  }
0x1ea: {  	[tilespmem:v33+s23+$0x0] =	vst.idx.msk $0xffff, v0;
	v0 =	vld [tilespmem:$0x1FF90];
	_ =	sdelay $0x7  }
0x1eb: {  	v0 =	vld.idx.msk [tilespmem:v0+s18+$0x0], $0xffff;
	_ =	sdelay $0x4  }
0x1ec: {  	[tilespmem:v36+s24+$0x0] =	vst.idx.msk $0xffff, v0  }
0x1ed: {  	v0 =	vld.idx.msk [tilespmem:v37+s18+$0x0], $0xffff;
	_ =	sdelay $0x4  }
0x1ee: {  	[tilespmem:v38+s24+$0x0] =	vst.idx.msk $0xffff, v0  }
0x1ef: {  	v0 =	vld.idx.msk [tilespmem:v39+s18+$0x0], $0xffff;
	_ =	sdelay $0x4  }
0x1f0: {  	[tilespmem:v40+s24+$0x0] =	vst.idx.msk $0xffff, v0  }
0x1f1: {  	v0 =	vld.idx.msk [tilespmem:v41+s18+$0x0], $0xffff;
	_ =	sdelay $0x4  }
0x1f2: {  	[tilespmem:v42+s24+$0x0] =	vst.idx.msk $0xffff, v0  }
0x1f3: {  	v0 =	vld.idx.msk [tilespmem:v43+s18+$0x0], $0xffff;
	_ =	sdelay $0x4  }
0x1f4: {  	[tilespmem:v44+s24+$0x0] =	vst.idx.msk $0xffff, v0  }
0x1f5: {  	v0 =	vld.idx.msk [tilespmem:v45+s18+$0x0], $0xffff;
	_ =	sdelay $0x4  }
0x1f6: {  	[tilespmem:v46+s24+$0x0] =	vst.idx.msk $0xffff, v0  }
0x1f7: {  	v0 =	vld.idx.msk [tilespmem:v47+s18+$0x0], $0xffff;
	_ =	sdelay $0x4  }
0x1f8: {  	[tilespmem:v48+s24+$0x0] =	vst.idx.msk $0xffff, v0  }
0x1f9: {  	v0 =	vld.idx.msk [tilespmem:v49+s18+$0x0], $0xffff;
	_ =	sdelay $0x4  }
0x1fa: {  	[tilespmem:v50+s24+$0x0] =	vst.idx.msk $0xffff, v0  }
0x1fb: {  	v0 =	vld.idx.msk [tilespmem:v51+s18+$0x0], $0xffff;
	_ =	sdelay $0x4  }
0x1fc: {  	[tilespmem:v52+s24+$0x0] =	vst.idx.msk $0xffff, v0  }
0x1fd: {  	v0 =	vld.idx.msk [tilespmem:v53+s18+$0x0], $0xffff;
	_ =	sdelay $0x4  }
0x1fe: {  	[tilespmem:v54+s24+$0x0] =	vst.idx.msk $0xffff, v0  }
0x1ff: {  	v0 =	vld.idx.msk [tilespmem:v55+s18+$0x0], $0xffff;
	_ =	sdelay $0x4  }
0x200: {  	[tilespmem:v56+s24+$0x0] =	vst.idx.msk $0xffff, v0  }
0x201: {  	v0 =	vld.idx.msk [tilespmem:v57+s18+$0x0], $0xffff;
	_ =	sdelay $0x4  }
0x202: {  	[tilespmem:v58+s24+$0x0] =	vst.idx.msk $0xffff, v0  }
0x203: {  	v0 =	vld.idx.msk [tilespmem:v59+s18+$0x0], $0xffff;
	_ =	sdelay $0x4  }
0x204: {  	[tilespmem:v60+s24+$0x0] =	vst.idx.msk $0xffff, v0  }
0x205: {  	v0 =	vld.idx.msk [tilespmem:v61+s18+$0x0], $0xffff;
	_ =	sdelay $0x4  }
0x206: {  	[tilespmem:v62+s24+$0x0] =	vst.idx.msk $0xffff, v0  }
0x207: {  	v0 =	vld.idx.msk [tilespmem:v63+s18+$0x0], $0xffff;
	_ =	sdelay $0x3  }
0x208: {  	s4 =	simm.s32 $0x10  }
0x209: {  	v2 =	vlaneseq.u32;
	s14 =	simm.s32 $0x1;
	s15 =	simm.s32 $0x2;
	[tilespmem:v35+s24+$0x0] =	vst.idx.msk $0xffff, v0;
	v0 =	vmov s4  }
.LBB2_4:
0x20a: {  	v1 =	vld [tilespmem:$0x1FFA0];
	_ =	sdelay $0x3  }
0x20b: {  	v0 =	vshll.u32 v0, $0x4  }
0x20c: {  	v36 =	vld.idx.msk [tilespmem:v34+s18+$0x0], $0xffff;
	v34 =	vor.u32 v1, v0  }
0x20d: {  	v1 =	vld [tilespmem:$0x1FFB0];
	v0 =	vor.u32 v2, v34;
	_ =	sdelay $0x1  }
0x20e: {  	s10 =	sshll.u32 s14, $0x7  }
0x20f: {  	s16 =	sand.u32 $0x70, s4;
	s10 =	sand.u32 $0xFFFFFC00, s10  }
0x210: {  	s16 =	sor.u32 s16, s10;
	[tilespmem:v33+s24+$0x0] =	vst.idx.msk $0xffff, v36  }
0x211: {  	[tilespmem:$0x1FF80] =	vst v0;
	v36 =	vor.u32 s16, v1;
	v0 =	vld.idx.msk [tilespmem:v0+s17+$0x0], $0xffff  }
0x212: {  	v37 =	vor.u32 v4, v34;
	_ =	sdelay $0x3  }
0x213: {  	[tilespmem:v36+s23+$0x0] =	vst.idx.msk $0xffff, v0  }
0x214: {  	v38 =	vor.u32 s16, v5;
	v0 =	vld.idx.msk [tilespmem:v37+s17+$0x0], $0xffff  }
0x215: {  	v39 =	vor.u32 v6, v34;
	_ =	sdelay $0x3  }
0x216: {  	[tilespmem:v38+s23+$0x0] =	vst.idx.msk $0xffff, v0  }
0x217: {  	v40 =	vor.u32 s16, v3;
	v0 =	vld.idx.msk [tilespmem:v39+s17+$0x0], $0xffff  }
0x218: {  	v41 =	vor.u32 v7, v34;
	_ =	sdelay $0x3  }
0x219: {  	[tilespmem:v40+s23+$0x0] =	vst.idx.msk $0xffff, v0  }
0x21a: {  	v42 =	vor.u32 s16, v8;
	v0 =	vld.idx.msk [tilespmem:v41+s17+$0x0], $0xffff  }
0x21b: {  	v43 =	vor.u32 v9, v34;
	_ =	sdelay $0x3  }
0x21c: {  	[tilespmem:v42+s23+$0x0] =	vst.idx.msk $0xffff, v0  }
0x21d: {  	v44 =	vor.u32 s16, v10;
	v0 =	vld.idx.msk [tilespmem:v43+s17+$0x0], $0xffff  }
0x21e: {  	v45 =	vor.u32 v11, v34;
	_ =	sdelay $0x3  }
0x21f: {  	[tilespmem:v44+s23+$0x0] =	vst.idx.msk $0xffff, v0  }
0x220: {  	v46 =	vor.u32 s16, v12;
	v0 =	vld.idx.msk [tilespmem:v45+s17+$0x0], $0xffff  }
0x221: {  	v47 =	vor.u32 v13, v34;
	_ =	sdelay $0x3  }
0x222: {  	[tilespmem:v46+s23+$0x0] =	vst.idx.msk $0xffff, v0  }
0x223: {  	v48 =	vor.u32 s16, v14;
	v0 =	vld.idx.msk [tilespmem:v47+s17+$0x0], $0xffff  }
0x224: {  	v49 =	vor.u32 v16, v34;
	_ =	sdelay $0x3  }
0x225: {  	[tilespmem:v48+s23+$0x0] =	vst.idx.msk $0xffff, v0  }
0x226: {  	v50 =	vor.u32 s16, v17;
	v0 =	vld.idx.msk [tilespmem:v49+s17+$0x0], $0xffff  }
0x227: {  	v51 =	vor.u32 v15, v34;
	_ =	sdelay $0x3  }
0x228: {  	[tilespmem:v50+s23+$0x0] =	vst.idx.msk $0xffff, v0  }
0x229: {  	v52 =	vor.u32 s16, v18;
	v0 =	vld.idx.msk [tilespmem:v51+s17+$0x0], $0xffff  }
0x22a: {  	v53 =	vor.u32 v19, v34;
	_ =	sdelay $0x3  }
0x22b: {  	[tilespmem:v52+s23+$0x0] =	vst.idx.msk $0xffff, v0  }
0x22c: {  	v54 =	vor.u32 s16, v20;
	v0 =	vld.idx.msk [tilespmem:v53+s17+$0x0], $0xffff  }
0x22d: {  	v55 =	vor.u32 v21, v34;
	_ =	sdelay $0x3  }
0x22e: {  	[tilespmem:v54+s23+$0x0] =	vst.idx.msk $0xffff, v0  }
0x22f: {  	v56 =	vor.u32 s16, v22;
	v0 =	vld.idx.msk [tilespmem:v55+s17+$0x0], $0xffff  }
0x230: {  	v57 =	vor.u32 v23, v34;
	_ =	sdelay $0x3  }
0x231: {  	[tilespmem:v56+s23+$0x0] =	vst.idx.msk $0xffff, v0  }
0x232: {  	v58 =	vor.u32 s16, v24;
	v0 =	vld.idx.msk [tilespmem:v57+s17+$0x0], $0xffff  }
0x233: {  	v59 =	vor.u32 v25, v34;
	_ =	sdelay $0x3  }
0x234: {  	[tilespmem:v58+s23+$0x0] =	vst.idx.msk $0xffff, v0  }
0x235: {  	v60 =	vor.u32 s16, v26;
	v0 =	vld.idx.msk [tilespmem:v59+s17+$0x0], $0xffff  }
0x236: {  	v61 =	vor.u32 v27, v34;
	_ =	sdelay $0x3  }
0x237: {  	[tilespmem:v60+s23+$0x0] =	vst.idx.msk $0xffff, v0  }
0x238: {  	v35 =	vor.u32 s16, v28;
	v33 =	vld.idx.msk [tilespmem:v61+s17+$0x0], $0xffff  }
0x239: {  	v63 =	vor.u32 v29, v34;
	_ =	sdelay $0x3  }
0x23a: {  	[tilespmem:v35+s23+$0x0] =	vst.idx.msk $0xffff, v33  }
0x23b: {  	v62 =	vor.u32 s16, v30;
	v33 =	vld.idx.msk [tilespmem:v63+s17+$0x0], $0xffff  }
0x23c: {  	v34 =	vor.u32 v31, v34;
	_ =	sdelay $0x3  }
0x23d: {  	[tilespmem:v62+s23+$0x0] =	vst.idx.msk $0xffff, v33  }
0x23e: {  	v33 =	vor.u32 s16, v32;
	v0 =	vld.idx.msk [tilespmem:v34+s17+$0x0], $0xffff;
	_ =	sdelay $0x4  }
0x23f: {  	[tilespmem:v33+s23+$0x0] =	vst.idx.msk $0xffff, v0;
	v0 =	vld [tilespmem:$0x1FF80];
	_ =	sdelay $0x7  }
0x240: {  	v0 =	vld.idx.msk [tilespmem:v0+s18+$0x0], $0xffff;
	_ =	sdelay $0x4  }
0x241: {  	[tilespmem:v36+s24+$0x0] =	vst.idx.msk $0xffff, v0  }
0x242: {  	v0 =	vld.idx.msk [tilespmem:v37+s18+$0x0], $0xffff;
	_ =	sdelay $0x4  }
0x243: {  	[tilespmem:v38+s24+$0x0] =	vst.idx.msk $0xffff, v0  }
0x244: {  	v0 =	vld.idx.msk [tilespmem:v39+s18+$0x0], $0xffff;
	_ =	sdelay $0x4  }
0x245: {  	[tilespmem:v40+s24+$0x0] =	vst.idx.msk $0xffff, v0  }
0x246: {  	v0 =	vld.idx.msk [tilespmem:v41+s18+$0x0], $0xffff;
	_ =	sdelay $0x4  }
0x247: {  	[tilespmem:v42+s24+$0x0] =	vst.idx.msk $0xffff, v0  }
0x248: {  	v0 =	vld.idx.msk [tilespmem:v43+s18+$0x0], $0xffff;
	_ =	sdelay $0x4  }
0x249: {  	[tilespmem:v44+s24+$0x0] =	vst.idx.msk $0xffff, v0  }
0x24a: {  	v0 =	vld.idx.msk [tilespmem:v45+s18+$0x0], $0xffff;
	_ =	sdelay $0x4  }
0x24b: {  	[tilespmem:v46+s24+$0x0] =	vst.idx.msk $0xffff, v0  }
0x24c: {  	v0 =	vld.idx.msk [tilespmem:v47+s18+$0x0], $0xffff;
	_ =	sdelay $0x4  }
0x24d: {  	[tilespmem:v48+s24+$0x0] =	vst.idx.msk $0xffff, v0  }
0x24e: {  	v0 =	vld.idx.msk [tilespmem:v49+s18+$0x0], $0xffff;
	_ =	sdelay $0x4  }
0x24f: {  	[tilespmem:v50+s24+$0x0] =	vst.idx.msk $0xffff, v0  }
0x250: {  	v0 =	vld.idx.msk [tilespmem:v51+s18+$0x0], $0xffff;
	_ =	sdelay $0x4  }
0x251: {  	[tilespmem:v52+s24+$0x0] =	vst.idx.msk $0xffff, v0  }
0x252: {  	v0 =	vld.idx.msk [tilespmem:v53+s18+$0x0], $0xffff;
	_ =	sdelay $0x4  }
0x253: {  	[tilespmem:v54+s24+$0x0] =	vst.idx.msk $0xffff, v0  }
0x254: {  	v0 =	vld.idx.msk [tilespmem:v55+s18+$0x0], $0xffff;
	_ =	sdelay $0x4  }
0x255: {  	[tilespmem:v56+s24+$0x0] =	vst.idx.msk $0xffff, v0  }
0x256: {  	v0 =	vld.idx.msk [tilespmem:v57+s18+$0x0], $0xffff;
	_ =	sdelay $0x4  }
0x257: {  	[tilespmem:v58+s24+$0x0] =	vst.idx.msk $0xffff, v0  }
0x258: {  	v0 =	vld.idx.msk [tilespmem:v59+s18+$0x0], $0xffff;
	_ =	sdelay $0x4  }
0x259: {  	[tilespmem:v60+s24+$0x0] =	vst.idx.msk $0xffff, v0  }
0x25a: {  	v0 =	vld.idx.msk [tilespmem:v61+s18+$0x0], $0xffff;
	_ =	sdelay $0x4  }
0x25b: {  	[tilespmem:v35+s24+$0x0] =	vst.idx.msk $0xffff, v0  }
0x25c: {  	p0 =	sne.s32 s15, $0x1F;
	v35 =	vld.idx.msk [tilespmem:v63+s18+$0x0], $0xffff  }
.Ltmp1:
0x25d: {  	_ = 	snop;
	(pc) =	sbr.rel @p0 .LBB2_4-.Ltmp1, $3  }
0x25e: {  	_ =	sdelay $0x1  }
0x25f: {  	s4 =	sadd.s32 $0x10, s4  }
0x260: {  	s14 =	smov.u32 s15;
	s15 =	sadd.s32 $0x1, s15;
	v0 =	vmov s4;
	[tilespmem:v62+s24+$0x0] =	vst.idx.msk $0xffff, v35  }
0x261: {  	v1 =	vld [tilespmem:$0x1FFA0];
	_ =	sdelay $0x3  }
0x262: {  	v0 =	vshll.u32 v0, $0x4  }
0x263: {  	v34 =	vld.idx.msk [tilespmem:v34+s18+$0x0], $0xffff;
	v0 =	vor.u32 v1, v0  }
0x264: {  	v1 =	vor.u32 v2, v0;
	_ =	sdelay $0x3  }
0x265: {  	[tilespmem:v33+s24+$0x0] =	vst.idx.msk $0xffff, v34  }
0x266: {  	v33 =	vld.idx.msk [tilespmem:v1+s17+$0x0], $0xffff  }
0x267: {  	[tilespmem:$0x1FF70] =	vst v1;
	v1 =	vld [tilespmem:$0x1FFB0];
	_ =	sdelay $0x1  }
0x268: {  	s10 =	sshll.u32 s14, $0x7  }
0x269: {  	s4 =	sand.u32 $0x70, s4;
	s10 =	sand.u32 $0xFFFFFC00, s10  }
0x26a: {  	s4 =	sor.u32 s4, s10  }
0x26b: {  	v35 =	vor.u32 s4, v1  }
0x26c: {  	v36 =	vor.u32 v4, v0;
	_ =	sdelay $0x3  }
0x26d: {  	[tilespmem:v35+s23+$0x0] =	vst.idx.msk $0xffff, v33  }
0x26e: {  	v37 =	vor.u32 s4, v5;
	v33 =	vld.idx.msk [tilespmem:v36+s17+$0x0], $0xffff  }
0x26f: {  	v38 =	vor.u32 v6, v0;
	_ =	sdelay $0x3  }
0x270: {  	[tilespmem:v37+s23+$0x0] =	vst.idx.msk $0xffff, v33  }
0x271: {  	v39 =	vor.u32 s4, v3;
	v33 =	vld.idx.msk [tilespmem:v38+s17+$0x0], $0xffff  }
0x272: {  	v40 =	vor.u32 v7, v0;
	_ =	sdelay $0x3  }
0x273: {  	[tilespmem:v39+s23+$0x0] =	vst.idx.msk $0xffff, v33  }
0x274: {  	v41 =	vor.u32 s4, v8;
	v33 =	vld.idx.msk [tilespmem:v40+s17+$0x0], $0xffff  }
0x275: {  	v42 =	vor.u32 v9, v0;
	_ =	sdelay $0x3  }
0x276: {  	[tilespmem:v41+s23+$0x0] =	vst.idx.msk $0xffff, v33  }
0x277: {  	v43 =	vor.u32 s4, v10;
	v33 =	vld.idx.msk [tilespmem:v42+s17+$0x0], $0xffff  }
0x278: {  	v44 =	vor.u32 v11, v0;
	_ =	sdelay $0x3  }
0x279: {  	[tilespmem:v43+s23+$0x0] =	vst.idx.msk $0xffff, v33  }
0x27a: {  	v45 =	vor.u32 s4, v12;
	v33 =	vld.idx.msk [tilespmem:v44+s17+$0x0], $0xffff  }
0x27b: {  	v46 =	vor.u32 v13, v0;
	_ =	sdelay $0x3  }
0x27c: {  	[tilespmem:v45+s23+$0x0] =	vst.idx.msk $0xffff, v33  }
0x27d: {  	v47 =	vor.u32 s4, v14;
	v33 =	vld.idx.msk [tilespmem:v46+s17+$0x0], $0xffff  }
0x27e: {  	v48 =	vor.u32 v16, v0;
	_ =	sdelay $0x3  }
0x27f: {  	[tilespmem:v47+s23+$0x0] =	vst.idx.msk $0xffff, v33  }
0x280: {  	v49 =	vor.u32 s4, v17;
	v33 =	vld.idx.msk [tilespmem:v48+s17+$0x0], $0xffff  }
0x281: {  	v50 =	vor.u32 v15, v0;
	_ =	sdelay $0x3  }
0x282: {  	[tilespmem:v49+s23+$0x0] =	vst.idx.msk $0xffff, v33  }
0x283: {  	v51 =	vor.u32 s4, v18;
	v33 =	vld.idx.msk [tilespmem:v50+s17+$0x0], $0xffff  }
0x284: {  	v52 =	vor.u32 v19, v0;
	_ =	sdelay $0x3  }
0x285: {  	[tilespmem:v51+s23+$0x0] =	vst.idx.msk $0xffff, v33  }
0x286: {  	v53 =	vor.u32 s4, v20;
	v33 =	vld.idx.msk [tilespmem:v52+s17+$0x0], $0xffff  }
0x287: {  	v54 =	vor.u32 v21, v0;
	_ =	sdelay $0x3  }
0x288: {  	[tilespmem:v53+s23+$0x0] =	vst.idx.msk $0xffff, v33  }
0x289: {  	v55 =	vor.u32 s4, v22;
	v33 =	vld.idx.msk [tilespmem:v54+s17+$0x0], $0xffff  }
0x28a: {  	v56 =	vor.u32 v23, v0;
	_ =	sdelay $0x3  }
0x28b: {  	[tilespmem:v55+s23+$0x0] =	vst.idx.msk $0xffff, v33  }
0x28c: {  	v57 =	vor.u32 s4, v24;
	v33 =	vld.idx.msk [tilespmem:v56+s17+$0x0], $0xffff  }
0x28d: {  	v58 =	vor.u32 v25, v0;
	_ =	sdelay $0x3  }
0x28e: {  	[tilespmem:v57+s23+$0x0] =	vst.idx.msk $0xffff, v33  }
0x28f: {  	v59 =	vor.u32 s4, v26;
	v33 =	vld.idx.msk [tilespmem:v58+s17+$0x0], $0xffff  }
0x290: {  	v60 =	vor.u32 v27, v0;
	_ =	sdelay $0x3  }
0x291: {  	[tilespmem:v59+s23+$0x0] =	vst.idx.msk $0xffff, v33  }
0x292: {  	v61 =	vor.u32 s4, v28;
	v33 =	vld.idx.msk [tilespmem:v60+s17+$0x0], $0xffff  }
0x293: {  	v62 =	vor.u32 v29, v0;
	_ =	sdelay $0x3  }
0x294: {  	[tilespmem:v61+s23+$0x0] =	vst.idx.msk $0xffff, v33  }
0x295: {  	v63 =	vor.u32 s4, v30;
	v33 =	vld.idx.msk [tilespmem:v62+s17+$0x0], $0xffff  }
0x296: {  	v34 =	vor.u32 v31, v0;
	_ =	sdelay $0x2  }
0x297: {  	v1 =	vld [tilespmem:$0x1FF70]  }
0x298: {  	[tilespmem:v63+s23+$0x0] =	vst.idx.msk $0xffff, v33  }
0x299: {  	v0 =	vor.u32 s4, v32;
	v33 =	vld.idx.msk [tilespmem:v34+s17+$0x0], $0xffff;
	_ =	sdelay $0x4  }
0x29a: {  	[tilespmem:v0+s23+$0x0] =	vst.idx.msk $0xffff, v33  }
0x29b: {  	v33 =	vld.idx.msk [tilespmem:v1+s18+$0x0], $0xffff;
	_ =	sdelay $0x4  }
0x29c: {  	[tilespmem:v35+s24+$0x0] =	vst.idx.msk $0xffff, v33  }
0x29d: {  	v33 =	vld.idx.msk [tilespmem:v36+s18+$0x0], $0xffff;
	_ =	sdelay $0x4  }
0x29e: {  	[tilespmem:v37+s24+$0x0] =	vst.idx.msk $0xffff, v33  }
0x29f: {  	v33 =	vld.idx.msk [tilespmem:v38+s18+$0x0], $0xffff;
	_ =	sdelay $0x4  }
0x2a0: {  	[tilespmem:v39+s24+$0x0] =	vst.idx.msk $0xffff, v33  }
0x2a1: {  	v33 =	vld.idx.msk [tilespmem:v40+s18+$0x0], $0xffff;
	_ =	sdelay $0x4  }
0x2a2: {  	[tilespmem:v41+s24+$0x0] =	vst.idx.msk $0xffff, v33  }
0x2a3: {  	v33 =	vld.idx.msk [tilespmem:v42+s18+$0x0], $0xffff;
	_ =	sdelay $0x4  }
0x2a4: {  	[tilespmem:v43+s24+$0x0] =	vst.idx.msk $0xffff, v33  }
0x2a5: {  	v33 =	vld.idx.msk [tilespmem:v44+s18+$0x0], $0xffff;
	_ =	sdelay $0x4  }
0x2a6: {  	[tilespmem:v45+s24+$0x0] =	vst.idx.msk $0xffff, v33  }
0x2a7: {  	v33 =	vld.idx.msk [tilespmem:v46+s18+$0x0], $0xffff;
	_ =	sdelay $0x4  }
0x2a8: {  	[tilespmem:v47+s24+$0x0] =	vst.idx.msk $0xffff, v33  }
0x2a9: {  	v33 =	vld.idx.msk [tilespmem:v48+s18+$0x0], $0xffff;
	_ =	sdelay $0x4  }
0x2aa: {  	[tilespmem:v49+s24+$0x0] =	vst.idx.msk $0xffff, v33  }
0x2ab: {  	v33 =	vld.idx.msk [tilespmem:v50+s18+$0x0], $0xffff;
	_ =	sdelay $0x4  }
0x2ac: {  	[tilespmem:v51+s24+$0x0] =	vst.idx.msk $0xffff, v33  }
0x2ad: {  	v33 =	vld.idx.msk [tilespmem:v52+s18+$0x0], $0xffff;
	_ =	sdelay $0x4  }
0x2ae: {  	[tilespmem:v53+s24+$0x0] =	vst.idx.msk $0xffff, v33  }
0x2af: {  	v33 =	vld.idx.msk [tilespmem:v54+s18+$0x0], $0xffff;
	_ =	sdelay $0x4  }
0x2b0: {  	[tilespmem:v55+s24+$0x0] =	vst.idx.msk $0xffff, v33  }
0x2b1: {  	v33 =	vld.idx.msk [tilespmem:v56+s18+$0x0], $0xffff;
	_ =	sdelay $0x4  }
0x2b2: {  	[tilespmem:v57+s24+$0x0] =	vst.idx.msk $0xffff, v33  }
0x2b3: {  	v33 =	vld.idx.msk [tilespmem:v58+s18+$0x0], $0xffff;
	_ =	sdelay $0x4  }
0x2b4: {  	[tilespmem:v59+s24+$0x0] =	vst.idx.msk $0xffff, v33  }
0x2b5: {  	v33 =	vld.idx.msk [tilespmem:v60+s18+$0x0], $0xffff;
	_ =	sdelay $0x4  }
0x2b6: {  	[tilespmem:v61+s24+$0x0] =	vst.idx.msk $0xffff, v33  }
0x2b7: {  	v33 =	vld.idx.msk [tilespmem:v62+s18+$0x0], $0xffff;
	_ =	sdelay $0x4  }
0x2b8: {  	[tilespmem:v63+s24+$0x0] =	vst.idx.msk $0xffff, v33  }
0x2b9: {  	v33 =	vld.idx.msk [tilespmem:v34+s18+$0x0], $0xffff;
	_ =	sdelay $0x4  }
0x2ba: {  	s15 =	rddreg [dreg:$0xd];
	[tilespmem:v0+s24+$0x0] =	vst.idx.msk $0xffff, v33  }
0x2bb: {  	[hbm4b:s15+s21] =	stream.strided.scatter [tilespmem:s23], [sflag:$0x8], $0x2000, s22, s21, $0x38;
	[tilespmem:$0x10400] =	vst v63  }
0x2bc: {  	s16 =	rddreg [dreg:$0xe]  }
0x2bd: {  	[hbm4b:s16+s21] =	stream.strided.scatter [tilespmem:s23], [sflag:$0xA], $0x2000, s22, s21, $0x38;
	[tilespmem:$0x10400] =	vst v63  }
0x2be: {  	s31 =	rddreg [dreg:$0xf];
	s4 =	simm.s32 $0x1  }
0x2bf: {  	[hbm4b:s31+s21] =	stream.strided.scatter [tilespmem:s24], [sflag:$0xC], $0x2000, s22, s21, $0x38;
	[tilespmem:$0x10400] =	vst v63  }
.LBB2_6:
0x2c0: {  	s5 =	simm.s32 $0x3  }
0x2c1: {  	_ =	swait.ge [sflag:s5], $0x2000  }
0x2c2: {  	[sflag:s5] =	ssyncset.done $0x0  }
0x2c3: {  	s15 =	simm.s32 $0x5;
	[sflag:s5] =	ssyncadd.s32 $0xFFFFE000  }
0x2c4: {  	_ =	swait.ge [sflag:s15], $0x2000  }
0x2c5: {  	[sflag:s15] =	ssyncset.done $0x0  }
0x2c6: {  	s16 =	simm.s32 $0x2;
	[sflag:s15] =	ssyncadd.s32 $0xFFFFE000  }
0x2c7: {  	_ =	swait.ge [sflag:s16], $0x200  }
0x2c8: {  	[sflag:s16] =	ssyncset.done $0x0  }
0x2c9: {  	[sflag:s16] =	ssyncadd.s32 $0xFFFFFE00  }
0x2ca: {  	[tilespmem:s17], [sflag:$0x4] =	stream.indirect.gather [hbm4b:s7+s26], $0x10, s26, s26, $0xb8;
	[tilespmem:$0x10400] =	vst v63  }
0x2cb: {  	_ = 	snop  }
0x2cc: {  	[tilespmem:s18], [sflag:$0x6] =	stream.indirect.gather [hbm4b:s8+s26], $0x10, s26, s26, $0xb8;
	[tilespmem:$0x10400] =	vst v63  }
0x2cd: {  	_ =	swait.ge [sflag:s25], $0x2000  }
0x2ce: {  	s31 =	sshll.u32 s4, $0x1;
	[sflag:s25] =	ssyncset.done $0x0  }
0x2cf: {  	s10 =	sadd.s32 $0x2, s31;
	[sflag:s25] =	ssyncadd.s32 $0xFFFFE000  }
0x2d0: {  	s14 =	sshll.u32 s10, $0xE;
	s10 =	sshll.u32 s10, $0x7;
	_ =	swait.ge [sflag:s28], $0x2000  }
0x2d1: {  	s14 =	sand.u32 $0x7E0000, s14;
	s10 =	sand.u32 $0x300, s10;
	[sflag:s28] =	ssyncset.done $0x0  }
0x2d2: {  	s10 =	sor.u32 s14, s10;
	[sflag:s28] =	ssyncadd.s32 $0xFFFFE000  }
0x2d3: {  	s14 =	sor.u32 s9, s10;
	_ =	swait.ge [sflag:s29], $0x2000  }
0x2d4: {  	s5 =	sor.u32 s11, s10;
	s14 =	sshrl.u32 s14, $0x3;
	[sflag:s29] =	ssyncset.done $0x0;
	v1 =	vld [tilespmem:$0x1FFA0]  }
0x2d5: {  	s15 =	simm.s32 $0x0;
	s14 =	sadd.s32 s0, s14;
	[sflag:s29] =	ssyncadd.s32 $0xFFFFE000  }
0x2d6: {  	[tilespmem:s15], [sflag:$0x1] =	stream.linear.gather [hbm4b:s14+s15], $0x80, $0x38;
	[tilespmem:$0x10400] =	vst v63  }
0x2d7: {  	v0 =	vmov s15;
	s14 =	sshrl.u32 s5, $0x3  }
0x2d8: {  	v0 =	vshll.u32 v0, $0x4;
	s16 =	simm.s32 $0x80;
	s5 =	sor.u32 s12, s10;
	s14 =	sadd.s32 s0, s14  }
0x2d9: {  	[tilespmem:s16], [sflag:$0x1] =	stream.linear.gather [hbm4b:s14+s15], $0x80, $0x38;
	v0 =	vor.u32 v1, v0;
	[tilespmem:$0x10400] =	vst v63  }
0x2da: {  	s10 =	sor.u32 s13, s10;
	s14 =	sshrl.u32 s5, $0x3;
	v1 =	vor.u32 v2, v0  }
0x2db: {  	s10 =	sshrl.u32 s10, $0x3;
	s16 =	simm.s32 $0x100;
	s14 =	sadd.s32 s0, s14  }
0x2dc: {  	[tilespmem:s16], [sflag:$0x1] =	stream.linear.gather [hbm4b:s14+s15], $0x80, $0x38;
	[tilespmem:$0x10400] =	vst v63  }
0x2dd: {  	s10 =	sadd.s32 s0, s10;
	s16 =	simm.s32 $0x180  }
0x2de: {  	[tilespmem:s16], [sflag:$0x1] =	stream.linear.gather [hbm4b:s10+s15], $0x80, $0x38;
	[tilespmem:$0x10400] =	vst v63  }
0x2df: {  	v33 =	vld.idx.msk [tilespmem:v1+s3+$0x0], $0xffff  }
0x2e0: {  	[tilespmem:$0x1FF60] =	vst v1;
	v1 =	vld [tilespmem:$0x1FFB0];
	_ =	sdelay $0x1  }
0x2e1: {  	s14 =	simm.s32 $0x0  }
0x2e2: {  	s16 =	sand.u32 $0x70, s15;
	s10 =	sand.u32 $0xFFFFFC00, s14  }
0x2e3: {  	s10 =	sor.u32 s16, s10  }
0x2e4: {  	v36 =	vor.u32 s10, v1  }
0x2e5: {  	v37 =	vor.u32 v4, v0;
	_ =	sdelay $0x3  }
0x2e6: {  	[tilespmem:v36+s19+$0x0] =	vst.idx.msk $0xffff, v33  }
0x2e7: {  	v38 =	vor.u32 s10, v5;
	v33 =	vld.idx.msk [tilespmem:v37+s3+$0x0], $0xffff  }
0x2e8: {  	v39 =	vor.u32 v6, v0;
	_ =	sdelay $0x3  }
0x2e9: {  	[tilespmem:v38+s19+$0x0] =	vst.idx.msk $0xffff, v33  }
0x2ea: {  	v40 =	vor.u32 s10, v3;
	v33 =	vld.idx.msk [tilespmem:v39+s3+$0x0], $0xffff  }
0x2eb: {  	v41 =	vor.u32 v7, v0;
	_ =	sdelay $0x3  }
0x2ec: {  	[tilespmem:v40+s19+$0x0] =	vst.idx.msk $0xffff, v33  }
0x2ed: {  	v42 =	vor.u32 s10, v8;
	v33 =	vld.idx.msk [tilespmem:v41+s3+$0x0], $0xffff  }
0x2ee: {  	v43 =	vor.u32 v9, v0;
	_ =	sdelay $0x3  }
0x2ef: {  	[tilespmem:v42+s19+$0x0] =	vst.idx.msk $0xffff, v33  }
0x2f0: {  	v44 =	vor.u32 s10, v10;
	v33 =	vld.idx.msk [tilespmem:v43+s3+$0x0], $0xffff  }
0x2f1: {  	v45 =	vor.u32 v11, v0;
	_ =	sdelay $0x3  }
0x2f2: {  	[tilespmem:v44+s19+$0x0] =	vst.idx.msk $0xffff, v33  }
0x2f3: {  	v46 =	vor.u32 s10, v12;
	v33 =	vld.idx.msk [tilespmem:v45+s3+$0x0], $0xffff  }
0x2f4: {  	v47 =	vor.u32 v13, v0;
	_ =	sdelay $0x3  }
0x2f5: {  	[tilespmem:v46+s19+$0x0] =	vst.idx.msk $0xffff, v33  }
0x2f6: {  	v48 =	vor.u32 s10, v14;
	v33 =	vld.idx.msk [tilespmem:v47+s3+$0x0], $0xffff  }
0x2f7: {  	v49 =	vor.u32 v16, v0;
	_ =	sdelay $0x3  }
0x2f8: {  	[tilespmem:v48+s19+$0x0] =	vst.idx.msk $0xffff, v33  }
0x2f9: {  	v50 =	vor.u32 s10, v17;
	v33 =	vld.idx.msk [tilespmem:v49+s3+$0x0], $0xffff  }
0x2fa: {  	v51 =	vor.u32 v15, v0;
	_ =	sdelay $0x3  }
0x2fb: {  	[tilespmem:v50+s19+$0x0] =	vst.idx.msk $0xffff, v33  }
0x2fc: {  	v52 =	vor.u32 s10, v18;
	v33 =	vld.idx.msk [tilespmem:v51+s3+$0x0], $0xffff  }
0x2fd: {  	v53 =	vor.u32 v19, v0;
	_ =	sdelay $0x3  }
0x2fe: {  	[tilespmem:v52+s19+$0x0] =	vst.idx.msk $0xffff, v33  }
0x2ff: {  	v54 =	vor.u32 s10, v20;
	v33 =	vld.idx.msk [tilespmem:v53+s3+$0x0], $0xffff  }
0x300: {  	v55 =	vor.u32 v21, v0;
	_ =	sdelay $0x3  }
0x301: {  	[tilespmem:v54+s19+$0x0] =	vst.idx.msk $0xffff, v33  }
0x302: {  	v56 =	vor.u32 s10, v22;
	v33 =	vld.idx.msk [tilespmem:v55+s3+$0x0], $0xffff  }
0x303: {  	v57 =	vor.u32 v23, v0;
	_ =	sdelay $0x3  }
0x304: {  	[tilespmem:v56+s19+$0x0] =	vst.idx.msk $0xffff, v33  }
0x305: {  	v58 =	vor.u32 s10, v24;
	v33 =	vld.idx.msk [tilespmem:v57+s3+$0x0], $0xffff  }
0x306: {  	v59 =	vor.u32 v25, v0;
	_ =	sdelay $0x3  }
0x307: {  	[tilespmem:v58+s19+$0x0] =	vst.idx.msk $0xffff, v33  }
0x308: {  	v60 =	vor.u32 s10, v26;
	v33 =	vld.idx.msk [tilespmem:v59+s3+$0x0], $0xffff  }
0x309: {  	v61 =	vor.u32 v27, v0;
	_ =	sdelay $0x3  }
0x30a: {  	[tilespmem:v60+s19+$0x0] =	vst.idx.msk $0xffff, v33  }
0x30b: {  	v62 =	vor.u32 s10, v28;
	v33 =	vld.idx.msk [tilespmem:v61+s3+$0x0], $0xffff  }
0x30c: {  	v63 =	vor.u32 v29, v0;
	_ =	sdelay $0x3  }
0x30d: {  	[tilespmem:v62+s19+$0x0] =	vst.idx.msk $0xffff, v33  }
0x30e: {  	v35 =	vor.u32 s10, v30;
	v33 =	vld.idx.msk [tilespmem:v63+s3+$0x0], $0xffff  }
0x30f: {  	v34 =	vor.u32 v31, v0;
	_ =	sdelay $0x3  }
0x310: {  	[tilespmem:v35+s19+$0x0] =	vst.idx.msk $0xffff, v33  }
0x311: {  	v33 =	vor.u32 s10, v32;
	v0 =	vld.idx.msk [tilespmem:v34+s3+$0x0], $0xffff;
	_ =	sdelay $0x4  }
0x312: {  	[tilespmem:v33+s19+$0x0] =	vst.idx.msk $0xffff, v0;
	v0 =	vld [tilespmem:$0x1FF60];
	_ =	sdelay $0x7  }
0x313: {  	v0 =	vld.idx.msk [tilespmem:v0+s6+$0x0], $0xffff;
	_ =	sdelay $0x4  }
0x314: {  	[tilespmem:v36+s20+$0x0] =	vst.idx.msk $0xffff, v0  }
0x315: {  	v0 =	vld.idx.msk [tilespmem:v37+s6+$0x0], $0xffff;
	_ =	sdelay $0x4  }
0x316: {  	[tilespmem:v38+s20+$0x0] =	vst.idx.msk $0xffff, v0  }
0x317: {  	v0 =	vld.idx.msk [tilespmem:v39+s6+$0x0], $0xffff;
	_ =	sdelay $0x4  }
0x318: {  	[tilespmem:v40+s20+$0x0] =	vst.idx.msk $0xffff, v0  }
0x319: {  	v0 =	vld.idx.msk [tilespmem:v41+s6+$0x0], $0xffff;
	_ =	sdelay $0x4  }
0x31a: {  	[tilespmem:v42+s20+$0x0] =	vst.idx.msk $0xffff, v0  }
0x31b: {  	v0 =	vld.idx.msk [tilespmem:v43+s6+$0x0], $0xffff;
	_ =	sdelay $0x4  }
0x31c: {  	[tilespmem:v44+s20+$0x0] =	vst.idx.msk $0xffff, v0  }
0x31d: {  	v0 =	vld.idx.msk [tilespmem:v45+s6+$0x0], $0xffff;
	_ =	sdelay $0x4  }
0x31e: {  	[tilespmem:v46+s20+$0x0] =	vst.idx.msk $0xffff, v0  }
0x31f: {  	v0 =	vld.idx.msk [tilespmem:v47+s6+$0x0], $0xffff;
	_ =	sdelay $0x4  }
0x320: {  	[tilespmem:v48+s20+$0x0] =	vst.idx.msk $0xffff, v0  }
0x321: {  	v0 =	vld.idx.msk [tilespmem:v49+s6+$0x0], $0xffff;
	_ =	sdelay $0x4  }
0x322: {  	[tilespmem:v50+s20+$0x0] =	vst.idx.msk $0xffff, v0  }
0x323: {  	v0 =	vld.idx.msk [tilespmem:v51+s6+$0x0], $0xffff;
	_ =	sdelay $0x4  }
0x324: {  	[tilespmem:v52+s20+$0x0] =	vst.idx.msk $0xffff, v0  }
0x325: {  	v0 =	vld.idx.msk [tilespmem:v53+s6+$0x0], $0xffff;
	_ =	sdelay $0x4  }
0x326: {  	[tilespmem:v54+s20+$0x0] =	vst.idx.msk $0xffff, v0  }
0x327: {  	v0 =	vld.idx.msk [tilespmem:v55+s6+$0x0], $0xffff;
	_ =	sdelay $0x4  }
0x328: {  	[tilespmem:v56+s20+$0x0] =	vst.idx.msk $0xffff, v0  }
0x329: {  	v0 =	vld.idx.msk [tilespmem:v57+s6+$0x0], $0xffff;
	_ =	sdelay $0x4  }
0x32a: {  	[tilespmem:v58+s20+$0x0] =	vst.idx.msk $0xffff, v0  }
0x32b: {  	v0 =	vld.idx.msk [tilespmem:v59+s6+$0x0], $0xffff;
	_ =	sdelay $0x4  }
0x32c: {  	[tilespmem:v60+s20+$0x0] =	vst.idx.msk $0xffff, v0  }
0x32d: {  	v0 =	vld.idx.msk [tilespmem:v61+s6+$0x0], $0xffff;
	_ =	sdelay $0x4  }
0x32e: {  	[tilespmem:v62+s20+$0x0] =	vst.idx.msk $0xffff, v0  }
0x32f: {  	v0 =	vld.idx.msk [tilespmem:v63+s6+$0x0], $0xffff;
	_ =	sdelay $0x3  }
0x330: {  	s14 =	simm.s32 $0x10  }
0x331: {  	s15 =	simm.s32 $0x1;
	s16 =	simm.s32 $0x2;
	[tilespmem:v35+s20+$0x0] =	vst.idx.msk $0xffff, v0;
	v0 =	vmov s14  }
.LBB2_7:
0x332: {  	v1 =	vld [tilespmem:$0x1FFA0];
	_ =	sdelay $0x3  }
0x333: {  	v0 =	vshll.u32 v0, $0x4  }
0x334: {  	v36 =	vld.idx.msk [tilespmem:v34+s6+$0x0], $0xffff;
	v34 =	vor.u32 v1, v0  }
0x335: {  	v1 =	vld [tilespmem:$0x1FFB0];
	v35 =	vor.u32 v2, v34;
	_ =	sdelay $0x1  }
0x336: {  	s10 =	sshll.u32 s15, $0x7  }
0x337: {  	s5 =	sand.u32 $0x70, s14;
	s10 =	sand.u32 $0xFFFFFC00, s10  }
0x338: {  	s10 =	sor.u32 s5, s10;
	[tilespmem:v33+s20+$0x0] =	vst.idx.msk $0xffff, v36  }
0x339: {  	v36 =	vor.u32 s10, v1;
	v0 =	vld.idx.msk [tilespmem:v35+s3+$0x0], $0xffff  }
0x33a: {  	v37 =	vor.u32 v4, v34;
	_ =	sdelay $0x3  }
0x33b: {  	[tilespmem:v36+s19+$0x0] =	vst.idx.msk $0xffff, v0  }
0x33c: {  	v38 =	vor.u32 s10, v5;
	v0 =	vld.idx.msk [tilespmem:v37+s3+$0x0], $0xffff  }
0x33d: {  	v39 =	vor.u32 v6, v34;
	_ =	sdelay $0x3  }
0x33e: {  	[tilespmem:v38+s19+$0x0] =	vst.idx.msk $0xffff, v0  }
0x33f: {  	v40 =	vor.u32 s10, v3;
	v0 =	vld.idx.msk [tilespmem:v39+s3+$0x0], $0xffff  }
0x340: {  	v41 =	vor.u32 v7, v34;
	_ =	sdelay $0x3  }
0x341: {  	[tilespmem:v40+s19+$0x0] =	vst.idx.msk $0xffff, v0  }
0x342: {  	v42 =	vor.u32 s10, v8;
	v0 =	vld.idx.msk [tilespmem:v41+s3+$0x0], $0xffff  }
0x343: {  	v43 =	vor.u32 v9, v34;
	_ =	sdelay $0x3  }
0x344: {  	[tilespmem:v42+s19+$0x0] =	vst.idx.msk $0xffff, v0  }
0x345: {  	v44 =	vor.u32 s10, v10;
	v0 =	vld.idx.msk [tilespmem:v43+s3+$0x0], $0xffff  }
0x346: {  	v45 =	vor.u32 v11, v34;
	_ =	sdelay $0x3  }
0x347: {  	[tilespmem:v44+s19+$0x0] =	vst.idx.msk $0xffff, v0  }
0x348: {  	v46 =	vor.u32 s10, v12;
	v0 =	vld.idx.msk [tilespmem:v45+s3+$0x0], $0xffff  }
0x349: {  	v47 =	vor.u32 v13, v34;
	_ =	sdelay $0x3  }
0x34a: {  	[tilespmem:v46+s19+$0x0] =	vst.idx.msk $0xffff, v0  }
0x34b: {  	v48 =	vor.u32 s10, v14;
	v0 =	vld.idx.msk [tilespmem:v47+s3+$0x0], $0xffff  }
0x34c: {  	v49 =	vor.u32 v16, v34;
	_ =	sdelay $0x3  }
0x34d: {  	[tilespmem:v48+s19+$0x0] =	vst.idx.msk $0xffff, v0  }
0x34e: {  	v50 =	vor.u32 s10, v17;
	v0 =	vld.idx.msk [tilespmem:v49+s3+$0x0], $0xffff  }
0x34f: {  	v51 =	vor.u32 v15, v34;
	_ =	sdelay $0x3  }
0x350: {  	[tilespmem:v50+s19+$0x0] =	vst.idx.msk $0xffff, v0  }
0x351: {  	v52 =	vor.u32 s10, v18;
	v0 =	vld.idx.msk [tilespmem:v51+s3+$0x0], $0xffff  }
0x352: {  	v53 =	vor.u32 v19, v34;
	_ =	sdelay $0x3  }
0x353: {  	[tilespmem:v52+s19+$0x0] =	vst.idx.msk $0xffff, v0  }
0x354: {  	v54 =	vor.u32 s10, v20;
	v0 =	vld.idx.msk [tilespmem:v53+s3+$0x0], $0xffff  }
0x355: {  	v55 =	vor.u32 v21, v34;
	_ =	sdelay $0x3  }
0x356: {  	[tilespmem:v54+s19+$0x0] =	vst.idx.msk $0xffff, v0  }
0x357: {  	v56 =	vor.u32 s10, v22;
	v0 =	vld.idx.msk [tilespmem:v55+s3+$0x0], $0xffff  }
0x358: {  	v57 =	vor.u32 v23, v34;
	_ =	sdelay $0x3  }
0x359: {  	[tilespmem:v56+s19+$0x0] =	vst.idx.msk $0xffff, v0  }
0x35a: {  	v58 =	vor.u32 s10, v24;
	v0 =	vld.idx.msk [tilespmem:v57+s3+$0x0], $0xffff  }
0x35b: {  	v59 =	vor.u32 v25, v34;
	_ =	sdelay $0x3  }
0x35c: {  	[tilespmem:v58+s19+$0x0] =	vst.idx.msk $0xffff, v0  }
0x35d: {  	v60 =	vor.u32 s10, v26;
	v0 =	vld.idx.msk [tilespmem:v59+s3+$0x0], $0xffff  }
0x35e: {  	v61 =	vor.u32 v27, v34;
	_ =	sdelay $0x3  }
0x35f: {  	[tilespmem:v60+s19+$0x0] =	vst.idx.msk $0xffff, v0  }
0x360: {  	v0 =	vor.u32 s10, v28;
	v33 =	vld.idx.msk [tilespmem:v61+s3+$0x0], $0xffff  }
0x361: {  	v63 =	vor.u32 v29, v34;
	_ =	sdelay $0x3  }
0x362: {  	[tilespmem:v0+s19+$0x0] =	vst.idx.msk $0xffff, v33  }
0x363: {  	v62 =	vor.u32 s10, v30;
	v33 =	vld.idx.msk [tilespmem:v63+s3+$0x0], $0xffff  }
0x364: {  	v34 =	vor.u32 v31, v34;
	_ =	sdelay $0x3  }
0x365: {  	[tilespmem:v62+s19+$0x0] =	vst.idx.msk $0xffff, v33  }
0x366: {  	v33 =	vor.u32 s10, v32;
	v1 =	vld.idx.msk [tilespmem:v34+s3+$0x0], $0xffff;
	_ =	sdelay $0x4  }
0x367: {  	[tilespmem:v33+s19+$0x0] =	vst.idx.msk $0xffff, v1  }
0x368: {  	v1 =	vld.idx.msk [tilespmem:v35+s6+$0x0], $0xffff;
	_ =	sdelay $0x4  }
0x369: {  	[tilespmem:v36+s20+$0x0] =	vst.idx.msk $0xffff, v1  }
0x36a: {  	v1 =	vld.idx.msk [tilespmem:v37+s6+$0x0], $0xffff;
	_ =	sdelay $0x4  }
0x36b: {  	[tilespmem:v38+s20+$0x0] =	vst.idx.msk $0xffff, v1  }
0x36c: {  	v1 =	vld.idx.msk [tilespmem:v39+s6+$0x0], $0xffff;
	_ =	sdelay $0x4  }
0x36d: {  	[tilespmem:v40+s20+$0x0] =	vst.idx.msk $0xffff, v1  }
0x36e: {  	v1 =	vld.idx.msk [tilespmem:v41+s6+$0x0], $0xffff;
	_ =	sdelay $0x4  }
0x36f: {  	[tilespmem:v42+s20+$0x0] =	vst.idx.msk $0xffff, v1  }
0x370: {  	v1 =	vld.idx.msk [tilespmem:v43+s6+$0x0], $0xffff;
	_ =	sdelay $0x4  }
0x371: {  	[tilespmem:v44+s20+$0x0] =	vst.idx.msk $0xffff, v1  }
0x372: {  	v1 =	vld.idx.msk [tilespmem:v45+s6+$0x0], $0xffff;
	_ =	sdelay $0x4  }
0x373: {  	[tilespmem:v46+s20+$0x0] =	vst.idx.msk $0xffff, v1  }
0x374: {  	v1 =	vld.idx.msk [tilespmem:v47+s6+$0x0], $0xffff;
	_ =	sdelay $0x4  }
0x375: {  	[tilespmem:v48+s20+$0x0] =	vst.idx.msk $0xffff, v1  }
0x376: {  	v1 =	vld.idx.msk [tilespmem:v49+s6+$0x0], $0xffff;
	_ =	sdelay $0x4  }
0x377: {  	[tilespmem:v50+s20+$0x0] =	vst.idx.msk $0xffff, v1  }
0x378: {  	v1 =	vld.idx.msk [tilespmem:v51+s6+$0x0], $0xffff;
	_ =	sdelay $0x4  }
0x379: {  	[tilespmem:v52+s20+$0x0] =	vst.idx.msk $0xffff, v1  }
0x37a: {  	v1 =	vld.idx.msk [tilespmem:v53+s6+$0x0], $0xffff;
	_ =	sdelay $0x4  }
0x37b: {  	[tilespmem:v54+s20+$0x0] =	vst.idx.msk $0xffff, v1  }
0x37c: {  	v1 =	vld.idx.msk [tilespmem:v55+s6+$0x0], $0xffff;
	_ =	sdelay $0x4  }
0x37d: {  	[tilespmem:v56+s20+$0x0] =	vst.idx.msk $0xffff, v1  }
0x37e: {  	v1 =	vld.idx.msk [tilespmem:v57+s6+$0x0], $0xffff;
	_ =	sdelay $0x4  }
0x37f: {  	[tilespmem:v58+s20+$0x0] =	vst.idx.msk $0xffff, v1  }
0x380: {  	v1 =	vld.idx.msk [tilespmem:v59+s6+$0x0], $0xffff;
	_ =	sdelay $0x4  }
0x381: {  	[tilespmem:v60+s20+$0x0] =	vst.idx.msk $0xffff, v1  }
0x382: {  	v1 =	vld.idx.msk [tilespmem:v61+s6+$0x0], $0xffff;
	_ =	sdelay $0x4  }
0x383: {  	[tilespmem:v0+s20+$0x0] =	vst.idx.msk $0xffff, v1  }
0x384: {  	p0 =	sne.s32 s16, $0x1F;
	v1 =	vld.idx.msk [tilespmem:v63+s6+$0x0], $0xffff  }
.Ltmp2:
0x385: {  	_ = 	snop;
	(pc) =	sbr.rel @p0 .LBB2_7-.Ltmp2, $3  }
0x386: {  	_ =	sdelay $0x1  }
0x387: {  	s14 =	sadd.s32 $0x10, s14  }
0x388: {  	s15 =	smov.u32 s16;
	s16 =	sadd.s32 $0x1, s16;
	v0 =	vmov s14;
	[tilespmem:v62+s20+$0x0] =	vst.idx.msk $0xffff, v1  }
0x389: {  	v2 =	vld [tilespmem:$0x1FFA0];
	_ =	sdelay $0x3  }
0x38a: {  	v0 =	vshll.u32 v0, $0x4  }
0x38b: {  	v1 =	vld.idx.msk [tilespmem:v34+s6+$0x0], $0xffff;
	v56 =	vlaneseq.u32;
	v0 =	vor.u32 v2, v0  }
0x38c: {  	v57 =	vld [tilespmem:$0x1FFB0];
	v34 =	vor.u32 v56, v0;
	_ =	sdelay $0x1  }
0x38d: {  	s5 =	sshll.u32 s15, $0x7  }
0x38e: {  	s10 =	sand.u32 $0x70, s14;
	s5 =	sand.u32 $0xFFFFFC00, s5  }
0x38f: {  	s5 =	sor.u32 s10, s5;
	[tilespmem:v33+s20+$0x0] =	vst.idx.msk $0xffff, v1  }
0x390: {  	v33 =	vor.u32 s5, v57;
	v1 =	vld.idx.msk [tilespmem:v34+s3+$0x0], $0xffff  }
0x391: {  	v35 =	vor.u32 v4, v0;
	_ =	sdelay $0x3  }
0x392: {  	[tilespmem:v33+s19+$0x0] =	vst.idx.msk $0xffff, v1  }
0x393: {  	v36 =	vor.u32 s5, v5;
	v1 =	vld.idx.msk [tilespmem:v35+s3+$0x0], $0xffff  }
0x394: {  	v37 =	vor.u32 v6, v0;
	_ =	sdelay $0x3  }
0x395: {  	[tilespmem:v36+s19+$0x0] =	vst.idx.msk $0xffff, v1  }
0x396: {  	v38 =	vor.u32 s5, v3;
	v1 =	vld.idx.msk [tilespmem:v37+s3+$0x0], $0xffff  }
0x397: {  	v39 =	vor.u32 v7, v0;
	_ =	sdelay $0x3  }
0x398: {  	[tilespmem:v38+s19+$0x0] =	vst.idx.msk $0xffff, v1  }
0x399: {  	v40 =	vor.u32 s5, v8;
	v1 =	vld.idx.msk [tilespmem:v39+s3+$0x0], $0xffff  }
0x39a: {  	v41 =	vor.u32 v9, v0;
	_ =	sdelay $0x3  }
0x39b: {  	[tilespmem:v40+s19+$0x0] =	vst.idx.msk $0xffff, v1  }
0x39c: {  	v42 =	vor.u32 s5, v10;
	v1 =	vld.idx.msk [tilespmem:v41+s3+$0x0], $0xffff  }
0x39d: {  	v43 =	vor.u32 v11, v0;
	_ =	sdelay $0x3  }
0x39e: {  	[tilespmem:v42+s19+$0x0] =	vst.idx.msk $0xffff, v1  }
0x39f: {  	v44 =	vor.u32 s5, v12;
	v1 =	vld.idx.msk [tilespmem:v43+s3+$0x0], $0xffff  }
0x3a0: {  	v45 =	vor.u32 v13, v0;
	_ =	sdelay $0x3  }
0x3a1: {  	[tilespmem:v44+s19+$0x0] =	vst.idx.msk $0xffff, v1  }
0x3a2: {  	v46 =	vor.u32 s5, v14;
	v1 =	vld.idx.msk [tilespmem:v45+s3+$0x0], $0xffff  }
0x3a3: {  	v47 =	vor.u32 v16, v0;
	_ =	sdelay $0x3  }
0x3a4: {  	[tilespmem:v46+s19+$0x0] =	vst.idx.msk $0xffff, v1  }
0x3a5: {  	v48 =	vor.u32 s5, v17;
	v1 =	vld.idx.msk [tilespmem:v47+s3+$0x0], $0xffff  }
0x3a6: {  	v49 =	vor.u32 v15, v0;
	_ =	sdelay $0x3  }
0x3a7: {  	[tilespmem:v48+s19+$0x0] =	vst.idx.msk $0xffff, v1  }
0x3a8: {  	v50 =	vor.u32 s5, v18;
	v1 =	vld.idx.msk [tilespmem:v49+s3+$0x0], $0xffff  }
0x3a9: {  	v51 =	vor.u32 v19, v0;
	_ =	sdelay $0x3  }
0x3aa: {  	[tilespmem:v50+s19+$0x0] =	vst.idx.msk $0xffff, v1  }
0x3ab: {  	v52 =	vor.u32 s5, v20;
	v1 =	vld.idx.msk [tilespmem:v51+s3+$0x0], $0xffff  }
0x3ac: {  	v53 =	vor.u32 v21, v0;
	_ =	sdelay $0x3  }
0x3ad: {  	[tilespmem:v52+s19+$0x0] =	vst.idx.msk $0xffff, v1  }
0x3ae: {  	v54 =	vor.u32 s5, v22;
	v1 =	vld.idx.msk [tilespmem:v53+s3+$0x0], $0xffff  }
0x3af: {  	v55 =	vor.u32 v23, v0;
	_ =	sdelay $0x3  }
0x3b0: {  	[tilespmem:v54+s19+$0x0] =	vst.idx.msk $0xffff, v1  }
0x3b1: {  	v56 =	vor.u32 s5, v24;
	v1 =	vld.idx.msk [tilespmem:v55+s3+$0x0], $0xffff  }
0x3b2: {  	v57 =	vor.u32 v25, v0;
	_ =	sdelay $0x3  }
0x3b3: {  	[tilespmem:v56+s19+$0x0] =	vst.idx.msk $0xffff, v1  }
0x3b4: {  	v58 =	vor.u32 s5, v26;
	v1 =	vld.idx.msk [tilespmem:v57+s3+$0x0], $0xffff  }
0x3b5: {  	v59 =	vor.u32 v27, v0;
	_ =	sdelay $0x3  }
0x3b6: {  	[tilespmem:v58+s19+$0x0] =	vst.idx.msk $0xffff, v1  }
0x3b7: {  	v60 =	vor.u32 s5, v28;
	v1 =	vld.idx.msk [tilespmem:v59+s3+$0x0], $0xffff  }
0x3b8: {  	v61 =	vor.u32 v29, v0;
	_ =	sdelay $0x3  }
0x3b9: {  	[tilespmem:v60+s19+$0x0] =	vst.idx.msk $0xffff, v1  }
0x3ba: {  	v62 =	vor.u32 s5, v30;
	v1 =	vld.idx.msk [tilespmem:v61+s3+$0x0], $0xffff  }
0x3bb: {  	v0 =	vor.u32 v31, v0;
	_ =	sdelay $0x3  }
0x3bc: {  	[tilespmem:v62+s19+$0x0] =	vst.idx.msk $0xffff, v1  }
0x3bd: {  	v63 =	vor.u32 s5, v32;
	v1 =	vld.idx.msk [tilespmem:v0+s3+$0x0], $0xffff;
	_ =	sdelay $0x4  }
0x3be: {  	[tilespmem:v63+s19+$0x0] =	vst.idx.msk $0xffff, v1  }
0x3bf: {  	v1 =	vld.idx.msk [tilespmem:v34+s6+$0x0], $0xffff;
	_ =	sdelay $0x4  }
0x3c0: {  	[tilespmem:v33+s20+$0x0] =	vst.idx.msk $0xffff, v1  }
0x3c1: {  	v1 =	vld.idx.msk [tilespmem:v35+s6+$0x0], $0xffff;
	_ =	sdelay $0x4  }
0x3c2: {  	[tilespmem:v36+s20+$0x0] =	vst.idx.msk $0xffff, v1  }
0x3c3: {  	v1 =	vld.idx.msk [tilespmem:v37+s6+$0x0], $0xffff;
	_ =	sdelay $0x4  }
0x3c4: {  	[tilespmem:v38+s20+$0x0] =	vst.idx.msk $0xffff, v1  }
0x3c5: {  	v1 =	vld.idx.msk [tilespmem:v39+s6+$0x0], $0xffff;
	_ =	sdelay $0x4  }
0x3c6: {  	[tilespmem:v40+s20+$0x0] =	vst.idx.msk $0xffff, v1  }
0x3c7: {  	v1 =	vld.idx.msk [tilespmem:v41+s6+$0x0], $0xffff;
	_ =	sdelay $0x4  }
0x3c8: {  	[tilespmem:v42+s20+$0x0] =	vst.idx.msk $0xffff, v1  }
0x3c9: {  	v1 =	vld.idx.msk [tilespmem:v43+s6+$0x0], $0xffff;
	_ =	sdelay $0x4  }
0x3ca: {  	[tilespmem:v44+s20+$0x0] =	vst.idx.msk $0xffff, v1  }
0x3cb: {  	v1 =	vld.idx.msk [tilespmem:v45+s6+$0x0], $0xffff;
	_ =	sdelay $0x4  }
0x3cc: {  	[tilespmem:v46+s20+$0x0] =	vst.idx.msk $0xffff, v1  }
0x3cd: {  	v1 =	vld.idx.msk [tilespmem:v47+s6+$0x0], $0xffff;
	_ =	sdelay $0x4  }
0x3ce: {  	[tilespmem:v48+s20+$0x0] =	vst.idx.msk $0xffff, v1  }
0x3cf: {  	v1 =	vld.idx.msk [tilespmem:v49+s6+$0x0], $0xffff;
	_ =	sdelay $0x4  }
0x3d0: {  	[tilespmem:v50+s20+$0x0] =	vst.idx.msk $0xffff, v1  }
0x3d1: {  	v1 =	vld.idx.msk [tilespmem:v51+s6+$0x0], $0xffff;
	_ =	sdelay $0x4  }
0x3d2: {  	[tilespmem:v52+s20+$0x0] =	vst.idx.msk $0xffff, v1  }
0x3d3: {  	v1 =	vld.idx.msk [tilespmem:v53+s6+$0x0], $0xffff;
	_ =	sdelay $0x4  }
0x3d4: {  	[tilespmem:v54+s20+$0x0] =	vst.idx.msk $0xffff, v1  }
0x3d5: {  	v1 =	vld.idx.msk [tilespmem:v55+s6+$0x0], $0xffff;
	_ =	sdelay $0x4  }
0x3d6: {  	[tilespmem:v56+s20+$0x0] =	vst.idx.msk $0xffff, v1  }
0x3d7: {  	v1 =	vld.idx.msk [tilespmem:v57+s6+$0x0], $0xffff;
	_ =	sdelay $0x4  }
0x3d8: {  	[tilespmem:v58+s20+$0x0] =	vst.idx.msk $0xffff, v1  }
0x3d9: {  	v1 =	vld.idx.msk [tilespmem:v59+s6+$0x0], $0xffff;
	_ =	sdelay $0x4  }
0x3da: {  	[tilespmem:v60+s20+$0x0] =	vst.idx.msk $0xffff, v1  }
0x3db: {  	v1 =	vld.idx.msk [tilespmem:v61+s6+$0x0], $0xffff;
	_ =	sdelay $0x4  }
0x3dc: {  	[tilespmem:v62+s20+$0x0] =	vst.idx.msk $0xffff, v1  }
0x3dd: {  	v0 =	vld.idx.msk [tilespmem:v0+s6+$0x0], $0xffff;
	_ =	sdelay $0x1  }
0x3de: {  	s14 =	sshll.u32 s4, $0x13  }
0x3df: {  	s5 =	sor.u32 s9, s14  }
0x3e0: {  	s15 =	rddreg [dreg:$0x2];
	s14 =	sshrl.u32 s5, $0x3  }
0x3e1: {  	s16 =	rddreg [dreg:$0x3];
	s5 =	sadd.s32 s15, s14;
	[tilespmem:v63+s20+$0x0] =	vst.idx.msk $0xffff, v0  }
0x3e2: {  	[hbm4b:s5+s21] =	stream.strided.scatter [tilespmem:s19], [sflag:$0x7], $0x2000, s22, s21, $0x38;
	[tilespmem:$0x10400] =	vst v63  }
0x3e3: {  	s10 =	rddreg [dreg:$0x4];
	s5 =	sadd.s32 s16, s14  }
0x3e4: {  	[hbm4b:s5+s21] =	stream.strided.scatter [tilespmem:s19], [sflag:$0x9], $0x2000, s22, s21, $0x38;
	[tilespmem:$0x10400] =	vst v63  }
0x3e5: {  	s15 =	simm.s32 $0x4;
	s5 =	sadd.s32 s10, s14  }
0x3e6: {  	[hbm4b:s5+s21] =	stream.strided.scatter [tilespmem:s20], [sflag:$0xB], $0x2000, s22, s21, $0x38;
	[tilespmem:$0x10400] =	vst v63  }
0x3e7: {  	_ =	swait.ge [sflag:s15], $0x2000  }
0x3e8: {  	[sflag:s15] =	ssyncset.done $0x0  }
0x3e9: {  	s16 =	simm.s32 $0x6;
	[sflag:s15] =	ssyncadd.s32 $0xFFFFE000  }
0x3ea: {  	_ =	swait.ge [sflag:s16], $0x2000  }
0x3eb: {  	[sflag:s16] =	ssyncset.done $0x0  }
0x3ec: {  	s10 =	simm.s32 $0x1;
	[sflag:s16] =	ssyncadd.s32 $0xFFFFE000  }
0x3ed: {  	_ =	swait.ge [sflag:s10], $0x200  }
0x3ee: {  	[sflag:s10] =	ssyncset.done $0x0  }
0x3ef: {  	s5 =	simm.s32 $0x0;
	[sflag:s10] =	ssyncadd.s32 $0xFFFFFE00  }
0x3f0: {  	[tilespmem:s3], [sflag:$0x3] =	stream.indirect.gather [hbm4b:s7+s26], $0x10, s5, s26, $0xb8;
	[tilespmem:$0x10400] =	vst v63  }
0x3f1: {  	_ = 	snop  }
0x3f2: {  	[tilespmem:s6], [sflag:$0x5] =	stream.indirect.gather [hbm4b:s8+s26], $0x10, s5, s26, $0xb8;
	[tilespmem:$0x10400] =	vst v63  }
0x3f3: {  	_ =	swait.ge [sflag:s30], $0x2000  }
0x3f4: {  	[sflag:s30] =	ssyncset.done $0x0  }
0x3f5: {  	s15 =	sadd.s32 $0x3, s31;
	[sflag:s30] =	ssyncadd.s32 $0xFFFFE000  }
0x3f6: {  	s16 =	sshll.u32 s15, $0xE;
	s10 =	sshll.u32 s15, $0x7;
	_ =	swait.ge [sflag:s1], $0x2000  }
0x3f7: {  	s15 =	sand.u32 $0x7E0000, s16;
	s10 =	sand.u32 $0x380, s10;
	[sflag:s1] =	ssyncset.done $0x0  }
0x3f8: {  	s10 =	sor.u32 s15, s10;
	[sflag:s1] =	ssyncadd.s32 $0xFFFFE000  }
0x3f9: {  	s15 =	sor.u32 s9, s10;
	_ =	swait.ge [sflag:s2], $0x2000  }
0x3fa: {  	s15 =	sshrl.u32 s15, $0x3;
	[sflag:s2] =	ssyncset.done $0x0  }
0x3fb: {  	s16 =	sor.u32 s11, s10;
	s15 =	sadd.s32 s0, s15;
	[sflag:s2] =	ssyncadd.s32 $0xFFFFE000  }
0x3fc: {  	[tilespmem:s26], [sflag:$0x2] =	stream.linear.gather [hbm4b:s15+s5], $0x80, $0x38;
	[tilespmem:$0x10400] =	vst v63  }
0x3fd: {  	s15 =	sshrl.u32 s16, $0x3  }
0x3fe: {  	s16 =	simm.s32 $0x280;
	s15 =	sadd.s32 s0, s15  }
0x3ff: {  	[tilespmem:s16], [sflag:$0x2] =	stream.linear.gather [hbm4b:s15+s5], $0x80, $0x38;
	[tilespmem:$0x10400] =	vst v63  }
0x400: {  	s16 =	sor.u32 s12, s10  }
0x401: {  	v0 =	vmov s5;
	s10 =	sor.u32 s13, s10;
	s15 =	sshrl.u32 s16, $0x3  }
0x402: {  	v0 =	vshll.u32 v0, $0x4;
	s16 =	simm.s32 $0x300;
	s10 =	sshrl.u32 s10, $0x3;
	s15 =	sadd.s32 s0, s15  }
0x403: {  	v1 =	vlaneseq.u32;
	v0 =	vor.u32 v2, v0;
	[tilespmem:s16], [sflag:$0x2] =	stream.linear.gather [hbm4b:s15+s5], $0x80, $0x38;
	[tilespmem:$0x10400] =	vst v63  }
0x404: {  	v1 =	vor.u32 v1, v0;
	v59 =	vld [tilespmem:$0x1FFB0];
	s10 =	sadd.s32 s0, s10;
	s16 =	simm.s32 $0x380  }
0x405: {  	v60 =	vld [tilespmem:$0x1FFD0];
	[tilespmem:s16], [sflag:$0x2] =	stream.linear.gather [hbm4b:s10+s5], $0x80, $0x38  }
0x406: {  	s16 =	simm.s32 $0x0  }
0x407: {  	s5 =	sand.u32 $0x70, s5;
	s10 =	sand.u32 $0xFFFFFC00, s16  }
0x408: {  	s5 =	sor.u32 s5, s10  }
0x409: {  	v58 =	vld.idx.msk [tilespmem:v1+s17+$0x0], $0xffff;
	v35 =	vor.u32 s5, v59  }
0x40a: {  	v61 =	vld [tilespmem:$0x1FFC0];
	v36 =	vor.u32 v60, v0  }
0x40b: {  	v62 =	vld [tilespmem:$0x1FFE0];
	_ =	sdelay $0x2  }
0x40c: {  	[tilespmem:v35+s23+$0x0] =	vst.idx.msk $0xffff, v58  }
0x40d: {  	v37 =	vor.u32 s5, v61;
	v33 =	vld.idx.msk [tilespmem:v36+s17+$0x0], $0xffff  }
0x40e: {  	v63 =	vld [tilespmem:$0x1FFF0];
	v38 =	vor.u32 v62, v0;
	_ =	sdelay $0x3  }
0x40f: {  	[tilespmem:v37+s23+$0x0] =	vst.idx.msk $0xffff, v33  }
0x410: {  	v39 =	vor.u32 s5, v63;
	v33 =	vld.idx.msk [tilespmem:v38+s17+$0x0], $0xffff  }
0x411: {  	v40 =	vor.u32 v7, v0;
	_ =	sdelay $0x3  }
0x412: {  	[tilespmem:v39+s23+$0x0] =	vst.idx.msk $0xffff, v33  }
0x413: {  	v41 =	vor.u32 s5, v8;
	v33 =	vld.idx.msk [tilespmem:v40+s17+$0x0], $0xffff  }
0x414: {  	v42 =	vor.u32 v9, v0;
	_ =	sdelay $0x3  }
0x415: {  	[tilespmem:v41+s23+$0x0] =	vst.idx.msk $0xffff, v33  }
0x416: {  	v43 =	vor.u32 s5, v10;
	v33 =	vld.idx.msk [tilespmem:v42+s17+$0x0], $0xffff  }
0x417: {  	v44 =	vor.u32 v11, v0;
	_ =	sdelay $0x3  }
0x418: {  	[tilespmem:v43+s23+$0x0] =	vst.idx.msk $0xffff, v33  }
0x419: {  	v45 =	vor.u32 s5, v12;
	v33 =	vld.idx.msk [tilespmem:v44+s17+$0x0], $0xffff  }
0x41a: {  	v46 =	vor.u32 v13, v0;
	_ =	sdelay $0x3  }
0x41b: {  	[tilespmem:v45+s23+$0x0] =	vst.idx.msk $0xffff, v33  }
0x41c: {  	v47 =	vor.u32 s5, v14;
	v33 =	vld.idx.msk [tilespmem:v46+s17+$0x0], $0xffff  }
0x41d: {  	v48 =	vor.u32 v16, v0;
	_ =	sdelay $0x3  }
0x41e: {  	[tilespmem:v47+s23+$0x0] =	vst.idx.msk $0xffff, v33  }
0x41f: {  	v49 =	vor.u32 s5, v17;
	v33 =	vld.idx.msk [tilespmem:v48+s17+$0x0], $0xffff  }
0x420: {  	v50 =	vor.u32 v15, v0;
	_ =	sdelay $0x3  }
0x421: {  	[tilespmem:v49+s23+$0x0] =	vst.idx.msk $0xffff, v33  }
0x422: {  	v51 =	vor.u32 s5, v18;
	v33 =	vld.idx.msk [tilespmem:v50+s17+$0x0], $0xffff  }
0x423: {  	v52 =	vor.u32 v19, v0;
	_ =	sdelay $0x3  }
0x424: {  	[tilespmem:v51+s23+$0x0] =	vst.idx.msk $0xffff, v33  }
0x425: {  	v53 =	vor.u32 s5, v20;
	v33 =	vld.idx.msk [tilespmem:v52+s17+$0x0], $0xffff  }
0x426: {  	v54 =	vor.u32 v21, v0;
	_ =	sdelay $0x3  }
0x427: {  	[tilespmem:v53+s23+$0x0] =	vst.idx.msk $0xffff, v33  }
0x428: {  	v55 =	vor.u32 s5, v22;
	v33 =	vld.idx.msk [tilespmem:v54+s17+$0x0], $0xffff  }
0x429: {  	v56 =	vor.u32 v23, v0;
	_ =	sdelay $0x3  }
0x42a: {  	[tilespmem:v55+s23+$0x0] =	vst.idx.msk $0xffff, v33  }
0x42b: {  	v57 =	vor.u32 s5, v24;
	v33 =	vld.idx.msk [tilespmem:v56+s17+$0x0], $0xffff  }
0x42c: {  	v58 =	vor.u32 v25, v0;
	_ =	sdelay $0x3  }
0x42d: {  	[tilespmem:v57+s23+$0x0] =	vst.idx.msk $0xffff, v33  }
0x42e: {  	v59 =	vor.u32 s5, v26;
	v33 =	vld.idx.msk [tilespmem:v58+s17+$0x0], $0xffff  }
0x42f: {  	v60 =	vor.u32 v27, v0;
	_ =	sdelay $0x3  }
0x430: {  	[tilespmem:v59+s23+$0x0] =	vst.idx.msk $0xffff, v33  }
0x431: {  	v61 =	vor.u32 s5, v28;
	v33 =	vld.idx.msk [tilespmem:v60+s17+$0x0], $0xffff  }
0x432: {  	v62 =	vor.u32 v29, v0;
	_ =	sdelay $0x3  }
0x433: {  	[tilespmem:v61+s23+$0x0] =	vst.idx.msk $0xffff, v33  }
0x434: {  	v63 =	vor.u32 s5, v30;
	v33 =	vld.idx.msk [tilespmem:v62+s17+$0x0], $0xffff  }
0x435: {  	v34 =	vor.u32 v31, v0;
	_ =	sdelay $0x3  }
0x436: {  	[tilespmem:v63+s23+$0x0] =	vst.idx.msk $0xffff, v33  }
0x437: {  	v33 =	vor.u32 s5, v32;
	v0 =	vld.idx.msk [tilespmem:v34+s17+$0x0], $0xffff;
	_ =	sdelay $0x4  }
0x438: {  	[tilespmem:v33+s23+$0x0] =	vst.idx.msk $0xffff, v0  }
0x439: {  	v0 =	vld.idx.msk [tilespmem:v1+s18+$0x0], $0xffff;
	_ =	sdelay $0x4  }
0x43a: {  	[tilespmem:v35+s24+$0x0] =	vst.idx.msk $0xffff, v0  }
0x43b: {  	v0 =	vld.idx.msk [tilespmem:v36+s18+$0x0], $0xffff;
	_ =	sdelay $0x4  }
0x43c: {  	[tilespmem:v37+s24+$0x0] =	vst.idx.msk $0xffff, v0  }
0x43d: {  	v0 =	vld.idx.msk [tilespmem:v38+s18+$0x0], $0xffff;
	_ =	sdelay $0x4  }
0x43e: {  	[tilespmem:v39+s24+$0x0] =	vst.idx.msk $0xffff, v0  }
0x43f: {  	v0 =	vld.idx.msk [tilespmem:v40+s18+$0x0], $0xffff;
	_ =	sdelay $0x4  }
0x440: {  	[tilespmem:v41+s24+$0x0] =	vst.idx.msk $0xffff, v0  }
0x441: {  	v0 =	vld.idx.msk [tilespmem:v42+s18+$0x0], $0xffff;
	_ =	sdelay $0x4  }
0x442: {  	[tilespmem:v43+s24+$0x0] =	vst.idx.msk $0xffff, v0  }
0x443: {  	v0 =	vld.idx.msk [tilespmem:v44+s18+$0x0], $0xffff;
	_ =	sdelay $0x4  }
0x444: {  	[tilespmem:v45+s24+$0x0] =	vst.idx.msk $0xffff, v0  }
0x445: {  	v0 =	vld.idx.msk [tilespmem:v46+s18+$0x0], $0xffff;
	_ =	sdelay $0x4  }
0x446: {  	[tilespmem:v47+s24+$0x0] =	vst.idx.msk $0xffff, v0  }
0x447: {  	v0 =	vld.idx.msk [tilespmem:v48+s18+$0x0], $0xffff;
	_ =	sdelay $0x4  }
0x448: {  	[tilespmem:v49+s24+$0x0] =	vst.idx.msk $0xffff, v0  }
0x449: {  	v0 =	vld.idx.msk [tilespmem:v50+s18+$0x0], $0xffff;
	_ =	sdelay $0x4  }
0x44a: {  	[tilespmem:v51+s24+$0x0] =	vst.idx.msk $0xffff, v0  }
0x44b: {  	v0 =	vld.idx.msk [tilespmem:v52+s18+$0x0], $0xffff;
	_ =	sdelay $0x4  }
0x44c: {  	[tilespmem:v53+s24+$0x0] =	vst.idx.msk $0xffff, v0  }
0x44d: {  	v0 =	vld.idx.msk [tilespmem:v54+s18+$0x0], $0xffff;
	_ =	sdelay $0x4  }
0x44e: {  	[tilespmem:v55+s24+$0x0] =	vst.idx.msk $0xffff, v0  }
0x44f: {  	v0 =	vld.idx.msk [tilespmem:v56+s18+$0x0], $0xffff;
	_ =	sdelay $0x4  }
0x450: {  	[tilespmem:v57+s24+$0x0] =	vst.idx.msk $0xffff, v0  }
0x451: {  	v0 =	vld.idx.msk [tilespmem:v58+s18+$0x0], $0xffff;
	_ =	sdelay $0x4  }
0x452: {  	[tilespmem:v59+s24+$0x0] =	vst.idx.msk $0xffff, v0  }
0x453: {  	v0 =	vld.idx.msk [tilespmem:v60+s18+$0x0], $0xffff;
	_ =	sdelay $0x4  }
0x454: {  	[tilespmem:v61+s24+$0x0] =	vst.idx.msk $0xffff, v0  }
0x455: {  	v0 =	vld.idx.msk [tilespmem:v62+s18+$0x0], $0xffff;
	_ =	sdelay $0x3  }
0x456: {  	s31 =	simm.s32 $0x10  }
0x457: {  	v2 =	vlaneseq.u32;
	s15 =	simm.s32 $0x1;
	s16 =	simm.s32 $0x2;
	[tilespmem:v63+s24+$0x0] =	vst.idx.msk $0xffff, v0;
	v0 =	vmov s31  }
.LBB2_9:
0x458: {  	v63 =	vld [tilespmem:$0x1FFA0]  }
0x459: {  	v1 =	vld.idx.msk [tilespmem:v34+s18+$0x0], $0xffff;
	_ =	sdelay $0x2  }
0x45a: {  	v0 =	vshll.u32 v0, $0x4  }
0x45b: {  	v34 =	vor.u32 v63, v0  }
0x45c: {  	[tilespmem:v33+s24+$0x0] =	vst.idx.msk $0xffff, v1;
	v1 =	vld [tilespmem:$0x1FFB0];
	v35 =	vor.u32 v2, v34;
	_ =	sdelay $0x1  }
0x45d: {  	s5 =	sshll.u32 s15, $0x7  }
0x45e: {  	s10 =	sand.u32 $0x70, s31;
	s5 =	sand.u32 $0xFFFFFC00, s5  }
0x45f: {  	s10 =	sor.u32 s10, s5  }
0x460: {  	v36 =	vor.u32 s10, v1;
	v0 =	vld.idx.msk [tilespmem:v35+s17+$0x0], $0xffff  }
0x461: {  	v37 =	vor.u32 v4, v34;
	_ =	sdelay $0x3  }
0x462: {  	[tilespmem:v36+s23+$0x0] =	vst.idx.msk $0xffff, v0  }
0x463: {  	v38 =	vor.u32 s10, v5;
	v0 =	vld.idx.msk [tilespmem:v37+s17+$0x0], $0xffff  }
0x464: {  	v39 =	vor.u32 v6, v34;
	_ =	sdelay $0x3  }
0x465: {  	[tilespmem:v38+s23+$0x0] =	vst.idx.msk $0xffff, v0  }
0x466: {  	v40 =	vor.u32 s10, v3;
	v0 =	vld.idx.msk [tilespmem:v39+s17+$0x0], $0xffff  }
0x467: {  	v41 =	vor.u32 v7, v34;
	_ =	sdelay $0x3  }
0x468: {  	[tilespmem:v40+s23+$0x0] =	vst.idx.msk $0xffff, v0  }
0x469: {  	v42 =	vor.u32 s10, v8;
	v0 =	vld.idx.msk [tilespmem:v41+s17+$0x0], $0xffff  }
0x46a: {  	v43 =	vor.u32 v9, v34;
	_ =	sdelay $0x3  }
0x46b: {  	[tilespmem:v42+s23+$0x0] =	vst.idx.msk $0xffff, v0  }
0x46c: {  	v44 =	vor.u32 s10, v10;
	v0 =	vld.idx.msk [tilespmem:v43+s17+$0x0], $0xffff  }
0x46d: {  	v45 =	vor.u32 v11, v34;
	_ =	sdelay $0x3  }
0x46e: {  	[tilespmem:v44+s23+$0x0] =	vst.idx.msk $0xffff, v0  }
0x46f: {  	v46 =	vor.u32 s10, v12;
	v0 =	vld.idx.msk [tilespmem:v45+s17+$0x0], $0xffff  }
0x470: {  	v47 =	vor.u32 v13, v34;
	_ =	sdelay $0x3  }
0x471: {  	[tilespmem:v46+s23+$0x0] =	vst.idx.msk $0xffff, v0  }
0x472: {  	v48 =	vor.u32 s10, v14;
	v0 =	vld.idx.msk [tilespmem:v47+s17+$0x0], $0xffff  }
0x473: {  	v49 =	vor.u32 v16, v34;
	_ =	sdelay $0x3  }
0x474: {  	[tilespmem:v48+s23+$0x0] =	vst.idx.msk $0xffff, v0  }
0x475: {  	v50 =	vor.u32 s10, v17;
	v0 =	vld.idx.msk [tilespmem:v49+s17+$0x0], $0xffff  }
0x476: {  	v51 =	vor.u32 v15, v34;
	_ =	sdelay $0x3  }
0x477: {  	[tilespmem:v50+s23+$0x0] =	vst.idx.msk $0xffff, v0  }
0x478: {  	v52 =	vor.u32 s10, v18;
	v0 =	vld.idx.msk [tilespmem:v51+s17+$0x0], $0xffff  }
0x479: {  	v53 =	vor.u32 v19, v34;
	_ =	sdelay $0x3  }
0x47a: {  	[tilespmem:v52+s23+$0x0] =	vst.idx.msk $0xffff, v0  }
0x47b: {  	v54 =	vor.u32 s10, v20;
	v0 =	vld.idx.msk [tilespmem:v53+s17+$0x0], $0xffff  }
0x47c: {  	v55 =	vor.u32 v21, v34;
	_ =	sdelay $0x3  }
0x47d: {  	[tilespmem:v54+s23+$0x0] =	vst.idx.msk $0xffff, v0  }
0x47e: {  	v56 =	vor.u32 s10, v22;
	v0 =	vld.idx.msk [tilespmem:v55+s17+$0x0], $0xffff  }
0x47f: {  	v57 =	vor.u32 v23, v34;
	_ =	sdelay $0x3  }
0x480: {  	[tilespmem:v56+s23+$0x0] =	vst.idx.msk $0xffff, v0  }
0x481: {  	v58 =	vor.u32 s10, v24;
	v0 =	vld.idx.msk [tilespmem:v57+s17+$0x0], $0xffff  }
0x482: {  	v59 =	vor.u32 v25, v34;
	_ =	sdelay $0x3  }
0x483: {  	[tilespmem:v58+s23+$0x0] =	vst.idx.msk $0xffff, v0  }
0x484: {  	v60 =	vor.u32 s10, v26;
	v0 =	vld.idx.msk [tilespmem:v59+s17+$0x0], $0xffff  }
0x485: {  	v61 =	vor.u32 v27, v34;
	_ =	sdelay $0x3  }
0x486: {  	[tilespmem:v60+s23+$0x0] =	vst.idx.msk $0xffff, v0  }
0x487: {  	v0 =	vor.u32 s10, v28;
	v1 =	vld.idx.msk [tilespmem:v61+s17+$0x0], $0xffff  }
0x488: {  	v63 =	vor.u32 v29, v34;
	_ =	sdelay $0x3  }
0x489: {  	[tilespmem:v0+s23+$0x0] =	vst.idx.msk $0xffff, v1  }
0x48a: {  	v62 =	vor.u32 s10, v30;
	v1 =	vld.idx.msk [tilespmem:v63+s17+$0x0], $0xffff  }
0x48b: {  	v34 =	vor.u32 v31, v34;
	_ =	sdelay $0x3  }
0x48c: {  	[tilespmem:v62+s23+$0x0] =	vst.idx.msk $0xffff, v1  }
0x48d: {  	v33 =	vor.u32 s10, v32;
	v1 =	vld.idx.msk [tilespmem:v34+s17+$0x0], $0xffff;
	_ =	sdelay $0x4  }
0x48e: {  	[tilespmem:v33+s23+$0x0] =	vst.idx.msk $0xffff, v1  }
0x48f: {  	v1 =	vld.idx.msk [tilespmem:v35+s18+$0x0], $0xffff;
	_ =	sdelay $0x4  }
0x490: {  	[tilespmem:v36+s24+$0x0] =	vst.idx.msk $0xffff, v1  }
0x491: {  	v1 =	vld.idx.msk [tilespmem:v37+s18+$0x0], $0xffff;
	_ =	sdelay $0x4  }
0x492: {  	[tilespmem:v38+s24+$0x0] =	vst.idx.msk $0xffff, v1  }
0x493: {  	v1 =	vld.idx.msk [tilespmem:v39+s18+$0x0], $0xffff;
	_ =	sdelay $0x4  }
0x494: {  	[tilespmem:v40+s24+$0x0] =	vst.idx.msk $0xffff, v1  }
0x495: {  	v1 =	vld.idx.msk [tilespmem:v41+s18+$0x0], $0xffff;
	_ =	sdelay $0x4  }
0x496: {  	[tilespmem:v42+s24+$0x0] =	vst.idx.msk $0xffff, v1  }
0x497: {  	v1 =	vld.idx.msk [tilespmem:v43+s18+$0x0], $0xffff;
	_ =	sdelay $0x4  }
0x498: {  	[tilespmem:v44+s24+$0x0] =	vst.idx.msk $0xffff, v1  }
0x499: {  	v1 =	vld.idx.msk [tilespmem:v45+s18+$0x0], $0xffff;
	_ =	sdelay $0x4  }
0x49a: {  	[tilespmem:v46+s24+$0x0] =	vst.idx.msk $0xffff, v1  }
0x49b: {  	v1 =	vld.idx.msk [tilespmem:v47+s18+$0x0], $0xffff;
	_ =	sdelay $0x4  }
0x49c: {  	[tilespmem:v48+s24+$0x0] =	vst.idx.msk $0xffff, v1  }
0x49d: {  	v1 =	vld.idx.msk [tilespmem:v49+s18+$0x0], $0xffff;
	_ =	sdelay $0x4  }
0x49e: {  	[tilespmem:v50+s24+$0x0] =	vst.idx.msk $0xffff, v1  }
0x49f: {  	v1 =	vld.idx.msk [tilespmem:v51+s18+$0x0], $0xffff;
	_ =	sdelay $0x4  }
0x4a0: {  	[tilespmem:v52+s24+$0x0] =	vst.idx.msk $0xffff, v1  }
0x4a1: {  	v1 =	vld.idx.msk [tilespmem:v53+s18+$0x0], $0xffff;
	_ =	sdelay $0x4  }
0x4a2: {  	[tilespmem:v54+s24+$0x0] =	vst.idx.msk $0xffff, v1  }
0x4a3: {  	v1 =	vld.idx.msk [tilespmem:v55+s18+$0x0], $0xffff;
	_ =	sdelay $0x4  }
0x4a4: {  	[tilespmem:v56+s24+$0x0] =	vst.idx.msk $0xffff, v1  }
0x4a5: {  	v1 =	vld.idx.msk [tilespmem:v57+s18+$0x0], $0xffff;
	_ =	sdelay $0x4  }
0x4a6: {  	[tilespmem:v58+s24+$0x0] =	vst.idx.msk $0xffff, v1  }
0x4a7: {  	v1 =	vld.idx.msk [tilespmem:v59+s18+$0x0], $0xffff;
	_ =	sdelay $0x4  }
0x4a8: {  	[tilespmem:v60+s24+$0x0] =	vst.idx.msk $0xffff, v1  }
0x4a9: {  	v1 =	vld.idx.msk [tilespmem:v61+s18+$0x0], $0xffff;
	_ =	sdelay $0x4  }
0x4aa: {  	[tilespmem:v0+s24+$0x0] =	vst.idx.msk $0xffff, v1  }
0x4ab: {  	p0 =	sne.s32 s16, $0x1F;
	v1 =	vld.idx.msk [tilespmem:v63+s18+$0x0], $0xffff  }
.Ltmp3:
0x4ac: {  	_ = 	snop;
	(pc) =	sbr.rel @p0 .LBB2_9-.Ltmp3, $3  }
0x4ad: {  	_ =	sdelay $0x1  }
0x4ae: {  	s31 =	sadd.s32 $0x10, s31  }
0x4af: {  	s15 =	smov.u32 s16;
	s16 =	sadd.s32 $0x1, s16;
	v0 =	vmov s31;
	[tilespmem:v62+s24+$0x0] =	vst.idx.msk $0xffff, v1  }
0x4b0: {  	v62 =	vld [tilespmem:$0x1FFA0];
	_ =	sdelay $0x3  }
0x4b1: {  	v0 =	vshll.u32 v0, $0x4  }
0x4b2: {  	v1 =	vld.idx.msk [tilespmem:v34+s18+$0x0], $0xffff;
	v0 =	vor.u32 v62, v0  }
0x4b3: {  	v63 =	vld [tilespmem:$0x1FFB0];
	v34 =	vor.u32 v2, v0;
	_ =	sdelay $0x1  }
0x4b4: {  	s5 =	sshll.u32 s15, $0x7  }
0x4b5: {  	s10 =	sand.u32 $0x70, s31;
	s5 =	sand.u32 $0xFFFFFC00, s5  }
0x4b6: {  	s5 =	sor.u32 s10, s5;
	[tilespmem:v33+s24+$0x0] =	vst.idx.msk $0xffff, v1  }
0x4b7: {  	v33 =	vor.u32 s5, v63;
	v1 =	vld.idx.msk [tilespmem:v34+s17+$0x0], $0xffff  }
0x4b8: {  	v35 =	vor.u32 v4, v0;
	_ =	sdelay $0x3  }
0x4b9: {  	[tilespmem:v33+s23+$0x0] =	vst.idx.msk $0xffff, v1  }
0x4ba: {  	v36 =	vor.u32 s5, v5;
	v1 =	vld.idx.msk [tilespmem:v35+s17+$0x0], $0xffff  }
0x4bb: {  	v37 =	vor.u32 v6, v0;
	_ =	sdelay $0x3  }
0x4bc: {  	[tilespmem:v36+s23+$0x0] =	vst.idx.msk $0xffff, v1  }
0x4bd: {  	v38 =	vor.u32 s5, v3;
	v1 =	vld.idx.msk [tilespmem:v37+s17+$0x0], $0xffff  }
0x4be: {  	v39 =	vor.u32 v7, v0;
	_ =	sdelay $0x3  }
0x4bf: {  	[tilespmem:v38+s23+$0x0] =	vst.idx.msk $0xffff, v1  }
0x4c0: {  	v40 =	vor.u32 s5, v8;
	v1 =	vld.idx.msk [tilespmem:v39+s17+$0x0], $0xffff  }
0x4c1: {  	v41 =	vor.u32 v9, v0;
	_ =	sdelay $0x3  }
0x4c2: {  	[tilespmem:v40+s23+$0x0] =	vst.idx.msk $0xffff, v1  }
0x4c3: {  	v42 =	vor.u32 s5, v10;
	v1 =	vld.idx.msk [tilespmem:v41+s17+$0x0], $0xffff  }
0x4c4: {  	v43 =	vor.u32 v11, v0;
	_ =	sdelay $0x3  }
0x4c5: {  	[tilespmem:v42+s23+$0x0] =	vst.idx.msk $0xffff, v1  }
0x4c6: {  	v44 =	vor.u32 s5, v12;
	v1 =	vld.idx.msk [tilespmem:v43+s17+$0x0], $0xffff  }
0x4c7: {  	v45 =	vor.u32 v13, v0;
	_ =	sdelay $0x3  }
0x4c8: {  	[tilespmem:v44+s23+$0x0] =	vst.idx.msk $0xffff, v1  }
0x4c9: {  	v46 =	vor.u32 s5, v14;
	v1 =	vld.idx.msk [tilespmem:v45+s17+$0x0], $0xffff  }
0x4ca: {  	v47 =	vor.u32 v16, v0;
	_ =	sdelay $0x3  }
0x4cb: {  	[tilespmem:v46+s23+$0x0] =	vst.idx.msk $0xffff, v1  }
0x4cc: {  	v48 =	vor.u32 s5, v17;
	v1 =	vld.idx.msk [tilespmem:v47+s17+$0x0], $0xffff  }
0x4cd: {  	v49 =	vor.u32 v15, v0;
	_ =	sdelay $0x3  }
0x4ce: {  	[tilespmem:v48+s23+$0x0] =	vst.idx.msk $0xffff, v1  }
0x4cf: {  	v50 =	vor.u32 s5, v18;
	v1 =	vld.idx.msk [tilespmem:v49+s17+$0x0], $0xffff  }
0x4d0: {  	v51 =	vor.u32 v19, v0;
	_ =	sdelay $0x3  }
0x4d1: {  	[tilespmem:v50+s23+$0x0] =	vst.idx.msk $0xffff, v1  }
0x4d2: {  	v52 =	vor.u32 s5, v20;
	v1 =	vld.idx.msk [tilespmem:v51+s17+$0x0], $0xffff  }
0x4d3: {  	v53 =	vor.u32 v21, v0;
	_ =	sdelay $0x3  }
0x4d4: {  	[tilespmem:v52+s23+$0x0] =	vst.idx.msk $0xffff, v1  }
0x4d5: {  	v54 =	vor.u32 s5, v22;
	v1 =	vld.idx.msk [tilespmem:v53+s17+$0x0], $0xffff  }
0x4d6: {  	v55 =	vor.u32 v23, v0;
	_ =	sdelay $0x3  }
0x4d7: {  	[tilespmem:v54+s23+$0x0] =	vst.idx.msk $0xffff, v1  }
0x4d8: {  	v56 =	vor.u32 s5, v24;
	v1 =	vld.idx.msk [tilespmem:v55+s17+$0x0], $0xffff  }
0x4d9: {  	v57 =	vor.u32 v25, v0;
	_ =	sdelay $0x3  }
0x4da: {  	[tilespmem:v56+s23+$0x0] =	vst.idx.msk $0xffff, v1  }
0x4db: {  	v58 =	vor.u32 s5, v26;
	v1 =	vld.idx.msk [tilespmem:v57+s17+$0x0], $0xffff  }
0x4dc: {  	v59 =	vor.u32 v27, v0;
	_ =	sdelay $0x3  }
0x4dd: {  	[tilespmem:v58+s23+$0x0] =	vst.idx.msk $0xffff, v1  }
0x4de: {  	v60 =	vor.u32 s5, v28;
	v1 =	vld.idx.msk [tilespmem:v59+s17+$0x0], $0xffff  }
0x4df: {  	v61 =	vor.u32 v29, v0;
	_ =	sdelay $0x3  }
0x4e0: {  	[tilespmem:v60+s23+$0x0] =	vst.idx.msk $0xffff, v1  }
0x4e1: {  	v62 =	vor.u32 s5, v30;
	v1 =	vld.idx.msk [tilespmem:v61+s17+$0x0], $0xffff  }
0x4e2: {  	v0 =	vor.u32 v31, v0;
	_ =	sdelay $0x3  }
0x4e3: {  	[tilespmem:v62+s23+$0x0] =	vst.idx.msk $0xffff, v1  }
0x4e4: {  	v63 =	vor.u32 s5, v32;
	v1 =	vld.idx.msk [tilespmem:v0+s17+$0x0], $0xffff;
	_ =	sdelay $0x4  }
0x4e5: {  	[tilespmem:v63+s23+$0x0] =	vst.idx.msk $0xffff, v1  }
0x4e6: {  	v1 =	vld.idx.msk [tilespmem:v34+s18+$0x0], $0xffff;
	_ =	sdelay $0x4  }
0x4e7: {  	[tilespmem:v33+s24+$0x0] =	vst.idx.msk $0xffff, v1  }
0x4e8: {  	v1 =	vld.idx.msk [tilespmem:v35+s18+$0x0], $0xffff;
	_ =	sdelay $0x4  }
0x4e9: {  	[tilespmem:v36+s24+$0x0] =	vst.idx.msk $0xffff, v1  }
0x4ea: {  	v1 =	vld.idx.msk [tilespmem:v37+s18+$0x0], $0xffff;
	_ =	sdelay $0x4  }
0x4eb: {  	[tilespmem:v38+s24+$0x0] =	vst.idx.msk $0xffff, v1  }
0x4ec: {  	v1 =	vld.idx.msk [tilespmem:v39+s18+$0x0], $0xffff;
	_ =	sdelay $0x4  }
0x4ed: {  	[tilespmem:v40+s24+$0x0] =	vst.idx.msk $0xffff, v1  }
0x4ee: {  	v1 =	vld.idx.msk [tilespmem:v41+s18+$0x0], $0xffff;
	_ =	sdelay $0x4  }
0x4ef: {  	[tilespmem:v42+s24+$0x0] =	vst.idx.msk $0xffff, v1  }
0x4f0: {  	v1 =	vld.idx.msk [tilespmem:v43+s18+$0x0], $0xffff;
	_ =	sdelay $0x4  }
0x4f1: {  	[tilespmem:v44+s24+$0x0] =	vst.idx.msk $0xffff, v1  }
0x4f2: {  	v1 =	vld.idx.msk [tilespmem:v45+s18+$0x0], $0xffff;
	_ =	sdelay $0x4  }
0x4f3: {  	[tilespmem:v46+s24+$0x0] =	vst.idx.msk $0xffff, v1  }
0x4f4: {  	v1 =	vld.idx.msk [tilespmem:v47+s18+$0x0], $0xffff;
	_ =	sdelay $0x4  }
0x4f5: {  	[tilespmem:v48+s24+$0x0] =	vst.idx.msk $0xffff, v1  }
0x4f6: {  	v1 =	vld.idx.msk [tilespmem:v49+s18+$0x0], $0xffff;
	_ =	sdelay $0x4  }
0x4f7: {  	[tilespmem:v50+s24+$0x0] =	vst.idx.msk $0xffff, v1  }
0x4f8: {  	v1 =	vld.idx.msk [tilespmem:v51+s18+$0x0], $0xffff;
	_ =	sdelay $0x4  }
0x4f9: {  	[tilespmem:v52+s24+$0x0] =	vst.idx.msk $0xffff, v1  }
0x4fa: {  	v1 =	vld.idx.msk [tilespmem:v53+s18+$0x0], $0xffff;
	_ =	sdelay $0x4  }
0x4fb: {  	[tilespmem:v54+s24+$0x0] =	vst.idx.msk $0xffff, v1  }
0x4fc: {  	v1 =	vld.idx.msk [tilespmem:v55+s18+$0x0], $0xffff;
	_ =	sdelay $0x4  }
0x4fd: {  	[tilespmem:v56+s24+$0x0] =	vst.idx.msk $0xffff, v1  }
0x4fe: {  	v1 =	vld.idx.msk [tilespmem:v57+s18+$0x0], $0xffff;
	_ =	sdelay $0x4  }
0x4ff: {  	[tilespmem:v58+s24+$0x0] =	vst.idx.msk $0xffff, v1  }
0x500: {  	v1 =	vld.idx.msk [tilespmem:v59+s18+$0x0], $0xffff;
	_ =	sdelay $0x4  }
0x501: {  	[tilespmem:v60+s24+$0x0] =	vst.idx.msk $0xffff, v1  }
0x502: {  	v1 =	vld.idx.msk [tilespmem:v61+s18+$0x0], $0xffff;
	_ =	sdelay $0x4  }
0x503: {  	[tilespmem:v62+s24+$0x0] =	vst.idx.msk $0xffff, v1  }
0x504: {  	v0 =	vld.idx.msk [tilespmem:v0+s18+$0x0], $0xffff;
	_ =	sdelay $0x3  }
0x505: {  	s14 =	sor.u32 $0x8000, s14;
	s15 =	rddreg [dreg:$0x2];
	s4 =	sadd.s32 $0x1, s4  }
0x506: {  	p0 =	sne.s32 s4, $0x63;
	s10 =	sadd.s32 s15, s14;
	[tilespmem:v63+s24+$0x0] =	vst.idx.msk $0xffff, v0  }
0x507: {  	[hbm4b:s10+s21] =	stream.strided.scatter [tilespmem:s23], [sflag:$0x8], $0x2000, s22, s21, $0x38;
	[tilespmem:$0x10400] =	vst v63  }
.Ltmp4:
0x508: {  	s16 =	rddreg [dreg:$0x3];
	(pc) =	sbr.rel @p0 .LBB2_6-.Ltmp4, $4  }
0x509: {  	s31 =	rddreg [dreg:$0x4];
	s10 =	sadd.s32 s16, s14  }
0x50a: {  	[hbm4b:s10+s21] =	stream.strided.scatter [tilespmem:s23], [sflag:$0xA], $0x2000, s22, s21, $0x38;
	[tilespmem:$0x10400] =	vst v63  }
0x50b: {  	s5 =	sadd.s32 s31, s14  }
0x50c: {  	[hbm4b:s5+s21] =	stream.strided.scatter [tilespmem:s24], [sflag:$0xC], $0x2000, s22, s21, $0x38;
	[tilespmem:$0x10400] =	vst v63  }
0x50d: {  	s4 =	simm.s32 $0x3  }
0x50e: {  	_ =	swait.ge [sflag:s4], $0x2000  }
0x50f: {  	[sflag:s4] =	ssyncset.done $0x0  }
0x510: {  	s15 =	simm.s32 $0x5;
	[sflag:s4] =	ssyncadd.s32 $0xFFFFE000  }
0x511: {  	_ =	swait.ge [sflag:s15], $0x2000  }
0x512: {  	[sflag:s15] =	ssyncset.done $0x0  }
0x513: {  	s16 =	simm.s32 $0x2;
	[sflag:s15] =	ssyncadd.s32 $0xFFFFE000  }
0x514: {  	_ =	swait.ge [sflag:s16], $0x200  }
0x515: {  	[sflag:s16] =	ssyncset.done $0x0  }
0x516: {  	[sflag:s16] =	ssyncadd.s32 $0xFFFFFE00  }
0x517: {  	[tilespmem:s17], [sflag:$0x4] =	stream.indirect.gather [hbm4b:s7+s26], $0x10, s26, s26, $0xb8;
	[tilespmem:$0x10400] =	vst v63  }
0x518: {  	_ = 	snop  }
0x519: {  	[tilespmem:s18], [sflag:$0x6] =	stream.indirect.gather [hbm4b:s8+s26], $0x10, s26, s26, $0xb8;
	[tilespmem:$0x10400] =	vst v63  }
0x51a: {  	_ =	swait.ge [sflag:s25], $0x2000  }
0x51b: {  	[sflag:s25] =	ssyncset.done $0x0  }
0x51c: {  	[sflag:s25] =	ssyncadd.s32 $0xFFFFE000  }
0x51d: {  	_ =	swait.ge [sflag:s28], $0x2000  }
0x51e: {  	v1 =	vld [tilespmem:$0x1FFA0];
	_ =	sdelay $0x1  }
0x51f: {  	s31 =	simm.s32 $0x0  }
0x520: {  	v0 =	vmov s31;
	[sflag:s28] =	ssyncset.done $0x0  }
0x521: {  	v0 =	vshll.u32 v0, $0x4;
	[sflag:s28] =	ssyncadd.s32 $0xFFFFE000  }
0x522: {  	_ =	swait.ge [sflag:s29], $0x2000;
	v0 =	vor.u32 v1, v0  }
0x523: {  	v34 =	vld [tilespmem:$0x1FFB0];
	v1 =	vor.u32 v2, v0;
	_ =	sdelay $0x1  }
0x524: {  	s5 =	simm.s32 $0x0  }
0x525: {  	s5 =	sand.u32 $0xFFFFFC00, s5;
	s4 =	sand.u32 $0x70, s31;
	[sflag:s29] =	ssyncset.done $0x0  }
0x526: {  	s4 =	sor.u32 s4, s5;
	[sflag:s29] =	ssyncadd.s32 $0xFFFFE000  }
0x527: {  	v35 =	vor.u32 s4, v34;
	v33 =	vld.idx.msk [tilespmem:v1+s3+$0x0], $0xffff  }
0x528: {  	v36 =	vor.u32 v4, v0;
	_ =	sdelay $0x3  }
0x529: {  	[tilespmem:v35+s19+$0x0] =	vst.idx.msk $0xffff, v33  }
0x52a: {  	v37 =	vor.u32 s4, v5;
	v33 =	vld.idx.msk [tilespmem:v36+s3+$0x0], $0xffff  }
0x52b: {  	v38 =	vor.u32 v6, v0;
	_ =	sdelay $0x3  }
0x52c: {  	[tilespmem:v37+s19+$0x0] =	vst.idx.msk $0xffff, v33  }
0x52d: {  	v39 =	vor.u32 s4, v3;
	v33 =	vld.idx.msk [tilespmem:v38+s3+$0x0], $0xffff  }
0x52e: {  	v40 =	vor.u32 v7, v0;
	_ =	sdelay $0x3  }
0x52f: {  	[tilespmem:v39+s19+$0x0] =	vst.idx.msk $0xffff, v33  }
0x530: {  	v41 =	vor.u32 s4, v8;
	v33 =	vld.idx.msk [tilespmem:v40+s3+$0x0], $0xffff  }
0x531: {  	v42 =	vor.u32 v9, v0;
	_ =	sdelay $0x3  }
0x532: {  	[tilespmem:v41+s19+$0x0] =	vst.idx.msk $0xffff, v33  }
0x533: {  	v43 =	vor.u32 s4, v10;
	v33 =	vld.idx.msk [tilespmem:v42+s3+$0x0], $0xffff  }
0x534: {  	v44 =	vor.u32 v11, v0;
	_ =	sdelay $0x3  }
0x535: {  	[tilespmem:v43+s19+$0x0] =	vst.idx.msk $0xffff, v33  }
0x536: {  	v45 =	vor.u32 s4, v12;
	v33 =	vld.idx.msk [tilespmem:v44+s3+$0x0], $0xffff  }
0x537: {  	v46 =	vor.u32 v13, v0;
	_ =	sdelay $0x3  }
0x538: {  	[tilespmem:v45+s19+$0x0] =	vst.idx.msk $0xffff, v33  }
0x539: {  	v47 =	vor.u32 s4, v14;
	v33 =	vld.idx.msk [tilespmem:v46+s3+$0x0], $0xffff  }
0x53a: {  	v48 =	vor.u32 v16, v0;
	_ =	sdelay $0x3  }
0x53b: {  	[tilespmem:v47+s19+$0x0] =	vst.idx.msk $0xffff, v33  }
0x53c: {  	v49 =	vor.u32 s4, v17;
	v33 =	vld.idx.msk [tilespmem:v48+s3+$0x0], $0xffff  }
0x53d: {  	v50 =	vor.u32 v15, v0;
	_ =	sdelay $0x3  }
0x53e: {  	[tilespmem:v49+s19+$0x0] =	vst.idx.msk $0xffff, v33  }
0x53f: {  	v51 =	vor.u32 s4, v18;
	v33 =	vld.idx.msk [tilespmem:v50+s3+$0x0], $0xffff  }
0x540: {  	v52 =	vor.u32 v19, v0;
	_ =	sdelay $0x3  }
0x541: {  	[tilespmem:v51+s19+$0x0] =	vst.idx.msk $0xffff, v33  }
0x542: {  	v53 =	vor.u32 s4, v20;
	v33 =	vld.idx.msk [tilespmem:v52+s3+$0x0], $0xffff  }
0x543: {  	v54 =	vor.u32 v21, v0;
	_ =	sdelay $0x3  }
0x544: {  	[tilespmem:v53+s19+$0x0] =	vst.idx.msk $0xffff, v33  }
0x545: {  	v55 =	vor.u32 s4, v22;
	v33 =	vld.idx.msk [tilespmem:v54+s3+$0x0], $0xffff  }
0x546: {  	v56 =	vor.u32 v23, v0;
	_ =	sdelay $0x3  }
0x547: {  	[tilespmem:v55+s19+$0x0] =	vst.idx.msk $0xffff, v33  }
0x548: {  	v57 =	vor.u32 s4, v24;
	v33 =	vld.idx.msk [tilespmem:v56+s3+$0x0], $0xffff  }
0x549: {  	v58 =	vor.u32 v25, v0;
	_ =	sdelay $0x3  }
0x54a: {  	[tilespmem:v57+s19+$0x0] =	vst.idx.msk $0xffff, v33  }
0x54b: {  	v59 =	vor.u32 s4, v26;
	v33 =	vld.idx.msk [tilespmem:v58+s3+$0x0], $0xffff  }
0x54c: {  	v60 =	vor.u32 v27, v0;
	_ =	sdelay $0x3  }
0x54d: {  	[tilespmem:v59+s19+$0x0] =	vst.idx.msk $0xffff, v33  }
0x54e: {  	v61 =	vor.u32 s4, v28;
	v33 =	vld.idx.msk [tilespmem:v60+s3+$0x0], $0xffff  }
0x54f: {  	v62 =	vor.u32 v29, v0;
	_ =	sdelay $0x3  }
0x550: {  	[tilespmem:v61+s19+$0x0] =	vst.idx.msk $0xffff, v33  }
0x551: {  	v63 =	vor.u32 s4, v30;
	v33 =	vld.idx.msk [tilespmem:v62+s3+$0x0], $0xffff  }
0x552: {  	v34 =	vor.u32 v31, v0;
	_ =	sdelay $0x3  }
0x553: {  	[tilespmem:v63+s19+$0x0] =	vst.idx.msk $0xffff, v33  }
0x554: {  	v33 =	vor.u32 s4, v32;
	v0 =	vld.idx.msk [tilespmem:v34+s3+$0x0], $0xffff;
	_ =	sdelay $0x4  }
0x555: {  	[tilespmem:v33+s19+$0x0] =	vst.idx.msk $0xffff, v0  }
0x556: {  	v0 =	vld.idx.msk [tilespmem:v1+s6+$0x0], $0xffff;
	_ =	sdelay $0x4  }
0x557: {  	[tilespmem:v35+s20+$0x0] =	vst.idx.msk $0xffff, v0  }
0x558: {  	v0 =	vld.idx.msk [tilespmem:v36+s6+$0x0], $0xffff;
	_ =	sdelay $0x4  }
0x559: {  	[tilespmem:v37+s20+$0x0] =	vst.idx.msk $0xffff, v0  }
0x55a: {  	v0 =	vld.idx.msk [tilespmem:v38+s6+$0x0], $0xffff;
	_ =	sdelay $0x4  }
0x55b: {  	[tilespmem:v39+s20+$0x0] =	vst.idx.msk $0xffff, v0  }
0x55c: {  	v0 =	vld.idx.msk [tilespmem:v40+s6+$0x0], $0xffff;
	_ =	sdelay $0x4  }
0x55d: {  	[tilespmem:v41+s20+$0x0] =	vst.idx.msk $0xffff, v0  }
0x55e: {  	v0 =	vld.idx.msk [tilespmem:v42+s6+$0x0], $0xffff;
	_ =	sdelay $0x4  }
0x55f: {  	[tilespmem:v43+s20+$0x0] =	vst.idx.msk $0xffff, v0  }
0x560: {  	v0 =	vld.idx.msk [tilespmem:v44+s6+$0x0], $0xffff;
	_ =	sdelay $0x4  }
0x561: {  	[tilespmem:v45+s20+$0x0] =	vst.idx.msk $0xffff, v0  }
0x562: {  	v0 =	vld.idx.msk [tilespmem:v46+s6+$0x0], $0xffff;
	_ =	sdelay $0x4  }
0x563: {  	[tilespmem:v47+s20+$0x0] =	vst.idx.msk $0xffff, v0  }
0x564: {  	v0 =	vld.idx.msk [tilespmem:v48+s6+$0x0], $0xffff;
	_ =	sdelay $0x4  }
0x565: {  	[tilespmem:v49+s20+$0x0] =	vst.idx.msk $0xffff, v0  }
0x566: {  	v0 =	vld.idx.msk [tilespmem:v50+s6+$0x0], $0xffff;
	_ =	sdelay $0x4  }
0x567: {  	[tilespmem:v51+s20+$0x0] =	vst.idx.msk $0xffff, v0  }
0x568: {  	v0 =	vld.idx.msk [tilespmem:v52+s6+$0x0], $0xffff;
	_ =	sdelay $0x4  }
0x569: {  	[tilespmem:v53+s20+$0x0] =	vst.idx.msk $0xffff, v0  }
0x56a: {  	v0 =	vld.idx.msk [tilespmem:v54+s6+$0x0], $0xffff;
	_ =	sdelay $0x4  }
0x56b: {  	[tilespmem:v55+s20+$0x0] =	vst.idx.msk $0xffff, v0  }
0x56c: {  	v0 =	vld.idx.msk [tilespmem:v56+s6+$0x0], $0xffff;
	_ =	sdelay $0x4  }
0x56d: {  	[tilespmem:v57+s20+$0x0] =	vst.idx.msk $0xffff, v0  }
0x56e: {  	v0 =	vld.idx.msk [tilespmem:v58+s6+$0x0], $0xffff;
	_ =	sdelay $0x4  }
0x56f: {  	[tilespmem:v59+s20+$0x0] =	vst.idx.msk $0xffff, v0  }
0x570: {  	v0 =	vld.idx.msk [tilespmem:v60+s6+$0x0], $0xffff;
	_ =	sdelay $0x4  }
0x571: {  	[tilespmem:v61+s20+$0x0] =	vst.idx.msk $0xffff, v0  }
0x572: {  	v0 =	vld.idx.msk [tilespmem:v62+s6+$0x0], $0xffff;
	_ =	sdelay $0x3  }
0x573: {  	s4 =	simm.s32 $0x10  }
0x574: {  	s14 =	simm.s32 $0x1;
	s15 =	simm.s32 $0x2;
	[tilespmem:v63+s20+$0x0] =	vst.idx.msk $0xffff, v0;
	v0 =	vmov s4  }
.LBB2_12:
0x575: {  	v63 =	vld [tilespmem:$0x1FFA0]  }
0x576: {  	v1 =	vld.idx.msk [tilespmem:v34+s6+$0x0], $0xffff;
	_ =	sdelay $0x2  }
0x577: {  	v0 =	vshll.u32 v0, $0x4  }
0x578: {  	v34 =	vor.u32 v63, v0  }
0x579: {  	[tilespmem:v33+s20+$0x0] =	vst.idx.msk $0xffff, v1;
	v1 =	vld [tilespmem:$0x1FFB0];
	v35 =	vor.u32 v2, v34;
	_ =	sdelay $0x1  }
0x57a: {  	s5 =	sshll.u32 s14, $0x7  }
0x57b: {  	s10 =	sand.u32 $0x70, s4;
	s5 =	sand.u32 $0xFFFFFC00, s5  }
0x57c: {  	s10 =	sor.u32 s10, s5  }
0x57d: {  	v36 =	vor.u32 s10, v1;
	v0 =	vld.idx.msk [tilespmem:v35+s3+$0x0], $0xffff  }
0x57e: {  	v37 =	vor.u32 v4, v34;
	_ =	sdelay $0x3  }
0x57f: {  	[tilespmem:v36+s19+$0x0] =	vst.idx.msk $0xffff, v0  }
0x580: {  	v38 =	vor.u32 s10, v5;
	v0 =	vld.idx.msk [tilespmem:v37+s3+$0x0], $0xffff  }
0x581: {  	v39 =	vor.u32 v6, v34;
	_ =	sdelay $0x3  }
0x582: {  	[tilespmem:v38+s19+$0x0] =	vst.idx.msk $0xffff, v0  }
0x583: {  	v40 =	vor.u32 s10, v3;
	v0 =	vld.idx.msk [tilespmem:v39+s3+$0x0], $0xffff  }
0x584: {  	v41 =	vor.u32 v7, v34;
	_ =	sdelay $0x3  }
0x585: {  	[tilespmem:v40+s19+$0x0] =	vst.idx.msk $0xffff, v0  }
0x586: {  	v42 =	vor.u32 s10, v8;
	v0 =	vld.idx.msk [tilespmem:v41+s3+$0x0], $0xffff  }
0x587: {  	v43 =	vor.u32 v9, v34;
	_ =	sdelay $0x3  }
0x588: {  	[tilespmem:v42+s19+$0x0] =	vst.idx.msk $0xffff, v0  }
0x589: {  	v44 =	vor.u32 s10, v10;
	v0 =	vld.idx.msk [tilespmem:v43+s3+$0x0], $0xffff  }
0x58a: {  	v45 =	vor.u32 v11, v34;
	_ =	sdelay $0x3  }
0x58b: {  	[tilespmem:v44+s19+$0x0] =	vst.idx.msk $0xffff, v0  }
0x58c: {  	v46 =	vor.u32 s10, v12;
	v0 =	vld.idx.msk [tilespmem:v45+s3+$0x0], $0xffff  }
0x58d: {  	v47 =	vor.u32 v13, v34;
	_ =	sdelay $0x3  }
0x58e: {  	[tilespmem:v46+s19+$0x0] =	vst.idx.msk $0xffff, v0  }
0x58f: {  	v48 =	vor.u32 s10, v14;
	v0 =	vld.idx.msk [tilespmem:v47+s3+$0x0], $0xffff  }
0x590: {  	v49 =	vor.u32 v16, v34;
	_ =	sdelay $0x3  }
0x591: {  	[tilespmem:v48+s19+$0x0] =	vst.idx.msk $0xffff, v0  }
0x592: {  	v50 =	vor.u32 s10, v17;
	v0 =	vld.idx.msk [tilespmem:v49+s3+$0x0], $0xffff  }
0x593: {  	v51 =	vor.u32 v15, v34;
	_ =	sdelay $0x3  }
0x594: {  	[tilespmem:v50+s19+$0x0] =	vst.idx.msk $0xffff, v0  }
0x595: {  	v52 =	vor.u32 s10, v18;
	v0 =	vld.idx.msk [tilespmem:v51+s3+$0x0], $0xffff  }
0x596: {  	v53 =	vor.u32 v19, v34;
	_ =	sdelay $0x3  }
0x597: {  	[tilespmem:v52+s19+$0x0] =	vst.idx.msk $0xffff, v0  }
0x598: {  	v54 =	vor.u32 s10, v20;
	v0 =	vld.idx.msk [tilespmem:v53+s3+$0x0], $0xffff  }
0x599: {  	v55 =	vor.u32 v21, v34;
	_ =	sdelay $0x3  }
0x59a: {  	[tilespmem:v54+s19+$0x0] =	vst.idx.msk $0xffff, v0  }
0x59b: {  	v56 =	vor.u32 s10, v22;
	v0 =	vld.idx.msk [tilespmem:v55+s3+$0x0], $0xffff  }
0x59c: {  	v57 =	vor.u32 v23, v34;
	_ =	sdelay $0x3  }
0x59d: {  	[tilespmem:v56+s19+$0x0] =	vst.idx.msk $0xffff, v0  }
0x59e: {  	v58 =	vor.u32 s10, v24;
	v0 =	vld.idx.msk [tilespmem:v57+s3+$0x0], $0xffff  }
0x59f: {  	v59 =	vor.u32 v25, v34;
	_ =	sdelay $0x3  }
0x5a0: {  	[tilespmem:v58+s19+$0x0] =	vst.idx.msk $0xffff, v0  }
0x5a1: {  	v60 =	vor.u32 s10, v26;
	v0 =	vld.idx.msk [tilespmem:v59+s3+$0x0], $0xffff  }
0x5a2: {  	v61 =	vor.u32 v27, v34;
	_ =	sdelay $0x3  }
0x5a3: {  	[tilespmem:v60+s19+$0x0] =	vst.idx.msk $0xffff, v0  }
0x5a4: {  	v0 =	vor.u32 s10, v28;
	v1 =	vld.idx.msk [tilespmem:v61+s3+$0x0], $0xffff  }
0x5a5: {  	v63 =	vor.u32 v29, v34;
	_ =	sdelay $0x3  }
0x5a6: {  	[tilespmem:v0+s19+$0x0] =	vst.idx.msk $0xffff, v1  }
0x5a7: {  	v62 =	vor.u32 s10, v30;
	v1 =	vld.idx.msk [tilespmem:v63+s3+$0x0], $0xffff  }
0x5a8: {  	v34 =	vor.u32 v31, v34;
	_ =	sdelay $0x3  }
0x5a9: {  	[tilespmem:v62+s19+$0x0] =	vst.idx.msk $0xffff, v1  }
0x5aa: {  	v33 =	vor.u32 s10, v32;
	v1 =	vld.idx.msk [tilespmem:v34+s3+$0x0], $0xffff;
	_ =	sdelay $0x4  }
0x5ab: {  	[tilespmem:v33+s19+$0x0] =	vst.idx.msk $0xffff, v1  }
0x5ac: {  	v1 =	vld.idx.msk [tilespmem:v35+s6+$0x0], $0xffff;
	_ =	sdelay $0x4  }
0x5ad: {  	[tilespmem:v36+s20+$0x0] =	vst.idx.msk $0xffff, v1  }
0x5ae: {  	v1 =	vld.idx.msk [tilespmem:v37+s6+$0x0], $0xffff;
	_ =	sdelay $0x4  }
0x5af: {  	[tilespmem:v38+s20+$0x0] =	vst.idx.msk $0xffff, v1  }
0x5b0: {  	v1 =	vld.idx.msk [tilespmem:v39+s6+$0x0], $0xffff;
	_ =	sdelay $0x4  }
0x5b1: {  	[tilespmem:v40+s20+$0x0] =	vst.idx.msk $0xffff, v1  }
0x5b2: {  	v1 =	vld.idx.msk [tilespmem:v41+s6+$0x0], $0xffff;
	_ =	sdelay $0x4  }
0x5b3: {  	[tilespmem:v42+s20+$0x0] =	vst.idx.msk $0xffff, v1  }
0x5b4: {  	v1 =	vld.idx.msk [tilespmem:v43+s6+$0x0], $0xffff;
	_ =	sdelay $0x4  }
0x5b5: {  	[tilespmem:v44+s20+$0x0] =	vst.idx.msk $0xffff, v1  }
0x5b6: {  	v1 =	vld.idx.msk [tilespmem:v45+s6+$0x0], $0xffff;
	_ =	sdelay $0x4  }
0x5b7: {  	[tilespmem:v46+s20+$0x0] =	vst.idx.msk $0xffff, v1  }
0x5b8: {  	v1 =	vld.idx.msk [tilespmem:v47+s6+$0x0], $0xffff;
	_ =	sdelay $0x4  }
0x5b9: {  	[tilespmem:v48+s20+$0x0] =	vst.idx.msk $0xffff, v1  }
0x5ba: {  	v1 =	vld.idx.msk [tilespmem:v49+s6+$0x0], $0xffff;
	_ =	sdelay $0x4  }
0x5bb: {  	[tilespmem:v50+s20+$0x0] =	vst.idx.msk $0xffff, v1  }
0x5bc: {  	v1 =	vld.idx.msk [tilespmem:v51+s6+$0x0], $0xffff;
	_ =	sdelay $0x4  }
0x5bd: {  	[tilespmem:v52+s20+$0x0] =	vst.idx.msk $0xffff, v1  }
0x5be: {  	v1 =	vld.idx.msk [tilespmem:v53+s6+$0x0], $0xffff;
	_ =	sdelay $0x4  }
0x5bf: {  	[tilespmem:v54+s20+$0x0] =	vst.idx.msk $0xffff, v1  }
0x5c0: {  	v1 =	vld.idx.msk [tilespmem:v55+s6+$0x0], $0xffff;
	_ =	sdelay $0x4  }
0x5c1: {  	[tilespmem:v56+s20+$0x0] =	vst.idx.msk $0xffff, v1  }
0x5c2: {  	v1 =	vld.idx.msk [tilespmem:v57+s6+$0x0], $0xffff;
	_ =	sdelay $0x4  }
0x5c3: {  	[tilespmem:v58+s20+$0x0] =	vst.idx.msk $0xffff, v1  }
0x5c4: {  	v1 =	vld.idx.msk [tilespmem:v59+s6+$0x0], $0xffff;
	_ =	sdelay $0x4  }
0x5c5: {  	[tilespmem:v60+s20+$0x0] =	vst.idx.msk $0xffff, v1  }
0x5c6: {  	v1 =	vld.idx.msk [tilespmem:v61+s6+$0x0], $0xffff;
	_ =	sdelay $0x4  }
0x5c7: {  	[tilespmem:v0+s20+$0x0] =	vst.idx.msk $0xffff, v1  }
0x5c8: {  	p0 =	sne.s32 s15, $0x1F;
	v1 =	vld.idx.msk [tilespmem:v63+s6+$0x0], $0xffff  }
.Ltmp5:
0x5c9: {  	_ = 	snop;
	(pc) =	sbr.rel @p0 .LBB2_12-.Ltmp5, $3  }
0x5ca: {  	_ =	sdelay $0x1  }
0x5cb: {  	s4 =	sadd.s32 $0x10, s4  }
0x5cc: {  	s14 =	smov.u32 s15;
	s15 =	sadd.s32 $0x1, s15;
	v0 =	vmov s4;
	[tilespmem:v62+s20+$0x0] =	vst.idx.msk $0xffff, v1  }
0x5cd: {  	v2 =	vld [tilespmem:$0x1FFA0];
	_ =	sdelay $0x3  }
0x5ce: {  	v0 =	vshll.u32 v0, $0x4  }
0x5cf: {  	v1 =	vld.idx.msk [tilespmem:v34+s6+$0x0], $0xffff;
	v61 =	vlaneseq.u32;
	v0 =	vor.u32 v2, v0  }
0x5d0: {  	v62 =	vld [tilespmem:$0x1FFB0];
	v34 =	vor.u32 v61, v0;
	_ =	sdelay $0x1  }
0x5d1: {  	s5 =	sshll.u32 s14, $0x7  }
0x5d2: {  	s4 =	sand.u32 $0x70, s4;
	s5 =	sand.u32 $0xFFFFFC00, s5  }
0x5d3: {  	s4 =	sor.u32 s4, s5;
	[tilespmem:v33+s20+$0x0] =	vst.idx.msk $0xffff, v1  }
0x5d4: {  	v33 =	vor.u32 s4, v62;
	v1 =	vld.idx.msk [tilespmem:v34+s3+$0x0], $0xffff  }
0x5d5: {  	v35 =	vor.u32 v4, v0;
	_ =	sdelay $0x3  }
0x5d6: {  	[tilespmem:v33+s19+$0x0] =	vst.idx.msk $0xffff, v1  }
0x5d7: {  	v36 =	vor.u32 s4, v5;
	v1 =	vld.idx.msk [tilespmem:v35+s3+$0x0], $0xffff  }
0x5d8: {  	v37 =	vor.u32 v6, v0;
	_ =	sdelay $0x3  }
0x5d9: {  	[tilespmem:v36+s19+$0x0] =	vst.idx.msk $0xffff, v1  }
0x5da: {  	v38 =	vor.u32 s4, v3;
	v1 =	vld.idx.msk [tilespmem:v37+s3+$0x0], $0xffff  }
0x5db: {  	v39 =	vor.u32 v7, v0;
	_ =	sdelay $0x3  }
0x5dc: {  	[tilespmem:v38+s19+$0x0] =	vst.idx.msk $0xffff, v1  }
0x5dd: {  	v40 =	vor.u32 s4, v8;
	v1 =	vld.idx.msk [tilespmem:v39+s3+$0x0], $0xffff  }
0x5de: {  	v41 =	vor.u32 v9, v0;
	_ =	sdelay $0x3  }
0x5df: {  	[tilespmem:v40+s19+$0x0] =	vst.idx.msk $0xffff, v1  }
0x5e0: {  	v42 =	vor.u32 s4, v10;
	v1 =	vld.idx.msk [tilespmem:v41+s3+$0x0], $0xffff  }
0x5e1: {  	v43 =	vor.u32 v11, v0;
	_ =	sdelay $0x3  }
0x5e2: {  	[tilespmem:v42+s19+$0x0] =	vst.idx.msk $0xffff, v1  }
0x5e3: {  	v44 =	vor.u32 s4, v12;
	v1 =	vld.idx.msk [tilespmem:v43+s3+$0x0], $0xffff  }
0x5e4: {  	v45 =	vor.u32 v13, v0;
	_ =	sdelay $0x3  }
0x5e5: {  	[tilespmem:v44+s19+$0x0] =	vst.idx.msk $0xffff, v1  }
0x5e6: {  	v46 =	vor.u32 s4, v14;
	v1 =	vld.idx.msk [tilespmem:v45+s3+$0x0], $0xffff  }
0x5e7: {  	v47 =	vor.u32 v16, v0;
	_ =	sdelay $0x3  }
0x5e8: {  	[tilespmem:v46+s19+$0x0] =	vst.idx.msk $0xffff, v1  }
0x5e9: {  	v48 =	vor.u32 s4, v17;
	v1 =	vld.idx.msk [tilespmem:v47+s3+$0x0], $0xffff  }
0x5ea: {  	v49 =	vor.u32 v15, v0;
	_ =	sdelay $0x3  }
0x5eb: {  	[tilespmem:v48+s19+$0x0] =	vst.idx.msk $0xffff, v1  }
0x5ec: {  	v50 =	vor.u32 s4, v18;
	v1 =	vld.idx.msk [tilespmem:v49+s3+$0x0], $0xffff  }
0x5ed: {  	v51 =	vor.u32 v19, v0;
	_ =	sdelay $0x3  }
0x5ee: {  	[tilespmem:v50+s19+$0x0] =	vst.idx.msk $0xffff, v1  }
0x5ef: {  	v52 =	vor.u32 s4, v20;
	v1 =	vld.idx.msk [tilespmem:v51+s3+$0x0], $0xffff  }
0x5f0: {  	v53 =	vor.u32 v21, v0;
	_ =	sdelay $0x3  }
0x5f1: {  	[tilespmem:v52+s19+$0x0] =	vst.idx.msk $0xffff, v1  }
0x5f2: {  	v54 =	vor.u32 s4, v22;
	v1 =	vld.idx.msk [tilespmem:v53+s3+$0x0], $0xffff  }
0x5f3: {  	v55 =	vor.u32 v23, v0;
	_ =	sdelay $0x3  }
0x5f4: {  	[tilespmem:v54+s19+$0x0] =	vst.idx.msk $0xffff, v1  }
0x5f5: {  	v56 =	vor.u32 s4, v24;
	v1 =	vld.idx.msk [tilespmem:v55+s3+$0x0], $0xffff  }
0x5f6: {  	v57 =	vor.u32 v25, v0;
	_ =	sdelay $0x3  }
0x5f7: {  	[tilespmem:v56+s19+$0x0] =	vst.idx.msk $0xffff, v1  }
0x5f8: {  	v58 =	vor.u32 s4, v26;
	v1 =	vld.idx.msk [tilespmem:v57+s3+$0x0], $0xffff  }
0x5f9: {  	v59 =	vor.u32 v27, v0;
	_ =	sdelay $0x3  }
0x5fa: {  	[tilespmem:v58+s19+$0x0] =	vst.idx.msk $0xffff, v1  }
0x5fb: {  	v60 =	vor.u32 s4, v28;
	v1 =	vld.idx.msk [tilespmem:v59+s3+$0x0], $0xffff  }
0x5fc: {  	v61 =	vor.u32 v29, v0;
	_ =	sdelay $0x3  }
0x5fd: {  	[tilespmem:v60+s19+$0x0] =	vst.idx.msk $0xffff, v1  }
0x5fe: {  	v62 =	vor.u32 s4, v30;
	v1 =	vld.idx.msk [tilespmem:v61+s3+$0x0], $0xffff  }
0x5ff: {  	v0 =	vor.u32 v31, v0;
	_ =	sdelay $0x3  }
0x600: {  	[tilespmem:v62+s19+$0x0] =	vst.idx.msk $0xffff, v1  }
0x601: {  	v63 =	vor.u32 s4, v32;
	v1 =	vld.idx.msk [tilespmem:v0+s3+$0x0], $0xffff;
	_ =	sdelay $0x4  }
0x602: {  	[tilespmem:v63+s19+$0x0] =	vst.idx.msk $0xffff, v1  }
0x603: {  	v1 =	vld.idx.msk [tilespmem:v34+s6+$0x0], $0xffff;
	_ =	sdelay $0x4  }
0x604: {  	[tilespmem:v33+s20+$0x0] =	vst.idx.msk $0xffff, v1  }
0x605: {  	v1 =	vld.idx.msk [tilespmem:v35+s6+$0x0], $0xffff;
	_ =	sdelay $0x4  }
0x606: {  	[tilespmem:v36+s20+$0x0] =	vst.idx.msk $0xffff, v1  }
0x607: {  	v1 =	vld.idx.msk [tilespmem:v37+s6+$0x0], $0xffff;
	_ =	sdelay $0x4  }
0x608: {  	[tilespmem:v38+s20+$0x0] =	vst.idx.msk $0xffff, v1  }
0x609: {  	v1 =	vld.idx.msk [tilespmem:v39+s6+$0x0], $0xffff;
	_ =	sdelay $0x4  }
0x60a: {  	[tilespmem:v40+s20+$0x0] =	vst.idx.msk $0xffff, v1  }
0x60b: {  	v1 =	vld.idx.msk [tilespmem:v41+s6+$0x0], $0xffff;
	_ =	sdelay $0x4  }
0x60c: {  	[tilespmem:v42+s20+$0x0] =	vst.idx.msk $0xffff, v1  }
0x60d: {  	v1 =	vld.idx.msk [tilespmem:v43+s6+$0x0], $0xffff;
	_ =	sdelay $0x4  }
0x60e: {  	[tilespmem:v44+s20+$0x0] =	vst.idx.msk $0xffff, v1  }
0x60f: {  	v1 =	vld.idx.msk [tilespmem:v45+s6+$0x0], $0xffff;
	_ =	sdelay $0x4  }
0x610: {  	[tilespmem:v46+s20+$0x0] =	vst.idx.msk $0xffff, v1  }
0x611: {  	v1 =	vld.idx.msk [tilespmem:v47+s6+$0x0], $0xffff;
	_ =	sdelay $0x4  }
0x612: {  	[tilespmem:v48+s20+$0x0] =	vst.idx.msk $0xffff, v1  }
0x613: {  	v1 =	vld.idx.msk [tilespmem:v49+s6+$0x0], $0xffff;
	_ =	sdelay $0x4  }
0x614: {  	[tilespmem:v50+s20+$0x0] =	vst.idx.msk $0xffff, v1  }
0x615: {  	v1 =	vld.idx.msk [tilespmem:v51+s6+$0x0], $0xffff;
	_ =	sdelay $0x4  }
0x616: {  	[tilespmem:v52+s20+$0x0] =	vst.idx.msk $0xffff, v1  }
0x617: {  	v1 =	vld.idx.msk [tilespmem:v53+s6+$0x0], $0xffff;
	_ =	sdelay $0x4  }
0x618: {  	[tilespmem:v54+s20+$0x0] =	vst.idx.msk $0xffff, v1  }
0x619: {  	v1 =	vld.idx.msk [tilespmem:v55+s6+$0x0], $0xffff;
	_ =	sdelay $0x4  }
0x61a: {  	[tilespmem:v56+s20+$0x0] =	vst.idx.msk $0xffff, v1  }
0x61b: {  	v1 =	vld.idx.msk [tilespmem:v57+s6+$0x0], $0xffff;
	_ =	sdelay $0x4  }
0x61c: {  	[tilespmem:v58+s20+$0x0] =	vst.idx.msk $0xffff, v1  }
0x61d: {  	v1 =	vld.idx.msk [tilespmem:v59+s6+$0x0], $0xffff;
	_ =	sdelay $0x4  }
0x61e: {  	[tilespmem:v60+s20+$0x0] =	vst.idx.msk $0xffff, v1  }
0x61f: {  	v1 =	vld.idx.msk [tilespmem:v61+s6+$0x0], $0xffff;
	_ =	sdelay $0x4  }
0x620: {  	[tilespmem:v62+s20+$0x0] =	vst.idx.msk $0xffff, v1  }
0x621: {  	v0 =	vld.idx.msk [tilespmem:v0+s6+$0x0], $0xffff;
	_ =	sdelay $0x4  }
0x622: {  	s31 =	rddreg [dreg:$0x10];
	[tilespmem:v63+s20+$0x0] =	vst.idx.msk $0xffff, v0  }
0x623: {  	[hbm4b:s31+s21] =	stream.strided.scatter [tilespmem:s19], [sflag:$0x7], $0x2000, s22, s21, $0x38;
	[tilespmem:$0x10400] =	vst v63  }
0x624: {  	s5 =	rddreg [dreg:$0x11]  }
0x625: {  	[hbm4b:s5+s21] =	stream.strided.scatter [tilespmem:s19], [sflag:$0x9], $0x2000, s22, s21, $0x38;
	[tilespmem:$0x10400] =	vst v63  }
0x626: {  	s10 =	rddreg [dreg:$0x12];
	s14 =	simm.s32 $0x4  }
0x627: {  	[hbm4b:s10+s21] =	stream.strided.scatter [tilespmem:s20], [sflag:$0xB], $0x2000, s22, s21, $0x38;
	[tilespmem:$0x10400] =	vst v63  }
0x628: {  	_ =	swait.ge [sflag:s14], $0x2000  }
0x629: {  	[sflag:s14] =	ssyncset.done $0x0  }
0x62a: {  	s15 =	simm.s32 $0x6;
	[sflag:s14] =	ssyncadd.s32 $0xFFFFE000  }
0x62b: {  	_ =	swait.ge [sflag:s15], $0x2000  }
0x62c: {  	[sflag:s15] =	ssyncset.done $0x0  }
0x62d: {  	[sflag:s15] =	ssyncadd.s32 $0xFFFFE000  }
0x62e: {  	_ =	swait.ge [sflag:s30], $0x2000  }
0x62f: {  	[sflag:s30] =	ssyncset.done $0x0  }
0x630: {  	[sflag:s30] =	ssyncadd.s32 $0xFFFFE000  }
0x631: {  	_ =	swait.ge [sflag:s1], $0x2000  }
0x632: {  	s16 =	simm.s32 $0x0;
	[sflag:s1] =	ssyncset.done $0x0  }
0x633: {  	v0 =	vmov s16;
	[sflag:s1] =	ssyncadd.s32 $0xFFFFE000  }
0x634: {  	v0 =	vshll.u32 v0, $0x4;
	_ =	swait.ge [sflag:s2], $0x2000  }
0x635: {  	v0 =	vor.u32 v2, v0;
	v2 =	vld [tilespmem:$0x1FFB0];
	_ =	sdelay $0x1  }
0x636: {  	s31 =	simm.s32 $0x0  }
0x637: {  	s4 =	sand.u32 $0x70, s16;
	s5 =	sand.u32 $0xFFFFFC00, s31  }
0x638: {  	s4 =	sor.u32 s4, s5  }
0x639: {  	v35 =	vor.u32 s4, v2;
	v2 =	vld [tilespmem:$0x1FFD0];
	_ =	sdelay $0x1  }
0x63a: {  	v1 =	vlaneseq.u32  }
0x63b: {  	v1 =	vor.u32 v1, v0;
	_ =	sdelay $0x1  }
0x63c: {  	v36 =	vor.u32 v2, v0;
	v2 =	vld [tilespmem:$0x1FFC0]  }
0x63d: {  	[sflag:s2] =	ssyncset.done $0x0  }
0x63e: {  	[sflag:s2] =	ssyncadd.s32 $0xFFFFE000  }
0x63f: {  	v63 =	vld.idx.msk [tilespmem:v1+s17+$0x0], $0xffff;
	_ =	sdelay $0x1  }
0x640: {  	v37 =	vor.u32 s4, v2;
	v2 =	vld [tilespmem:$0x1FFE0];
	_ =	sdelay $0x2  }
0x641: {  	[tilespmem:v35+s23+$0x0] =	vst.idx.msk $0xffff, v63  }
0x642: {  	v33 =	vld.idx.msk [tilespmem:v36+s17+$0x0], $0xffff  }
0x643: {  	v38 =	vor.u32 v2, v0;
	v2 =	vld [tilespmem:$0x1FFF0];
	_ =	sdelay $0x3  }
0x644: {  	[tilespmem:v37+s23+$0x0] =	vst.idx.msk $0xffff, v33  }
0x645: {  	v33 =	vld.idx.msk [tilespmem:v38+s17+$0x0], $0xffff;
	v39 =	vor.u32 s4, v2  }
0x646: {  	v40 =	vor.u32 v7, v0;
	_ =	sdelay $0x3  }
0x647: {  	[tilespmem:v39+s23+$0x0] =	vst.idx.msk $0xffff, v33  }
0x648: {  	v41 =	vor.u32 s4, v8;
	v33 =	vld.idx.msk [tilespmem:v40+s17+$0x0], $0xffff  }
0x649: {  	v42 =	vor.u32 v9, v0;
	_ =	sdelay $0x3  }
0x64a: {  	[tilespmem:v41+s23+$0x0] =	vst.idx.msk $0xffff, v33  }
0x64b: {  	v43 =	vor.u32 s4, v10;
	v33 =	vld.idx.msk [tilespmem:v42+s17+$0x0], $0xffff  }
0x64c: {  	v44 =	vor.u32 v11, v0;
	_ =	sdelay $0x3  }
0x64d: {  	[tilespmem:v43+s23+$0x0] =	vst.idx.msk $0xffff, v33  }
0x64e: {  	v45 =	vor.u32 s4, v12;
	v33 =	vld.idx.msk [tilespmem:v44+s17+$0x0], $0xffff  }
0x64f: {  	v46 =	vor.u32 v13, v0;
	_ =	sdelay $0x3  }
0x650: {  	[tilespmem:v45+s23+$0x0] =	vst.idx.msk $0xffff, v33  }
0x651: {  	v47 =	vor.u32 s4, v14;
	v33 =	vld.idx.msk [tilespmem:v46+s17+$0x0], $0xffff  }
0x652: {  	v48 =	vor.u32 v16, v0;
	_ =	sdelay $0x3  }
0x653: {  	[tilespmem:v47+s23+$0x0] =	vst.idx.msk $0xffff, v33  }
0x654: {  	v49 =	vor.u32 s4, v17;
	v33 =	vld.idx.msk [tilespmem:v48+s17+$0x0], $0xffff  }
0x655: {  	v50 =	vor.u32 v15, v0;
	_ =	sdelay $0x3  }
0x656: {  	[tilespmem:v49+s23+$0x0] =	vst.idx.msk $0xffff, v33  }
0x657: {  	v51 =	vor.u32 s4, v18;
	v33 =	vld.idx.msk [tilespmem:v50+s17+$0x0], $0xffff  }
0x658: {  	v52 =	vor.u32 v19, v0;
	_ =	sdelay $0x3  }
0x659: {  	[tilespmem:v51+s23+$0x0] =	vst.idx.msk $0xffff, v33  }
0x65a: {  	v53 =	vor.u32 s4, v20;
	v33 =	vld.idx.msk [tilespmem:v52+s17+$0x0], $0xffff  }
0x65b: {  	v54 =	vor.u32 v21, v0;
	_ =	sdelay $0x3  }
0x65c: {  	[tilespmem:v53+s23+$0x0] =	vst.idx.msk $0xffff, v33  }
0x65d: {  	v55 =	vor.u32 s4, v22;
	v33 =	vld.idx.msk [tilespmem:v54+s17+$0x0], $0xffff  }
0x65e: {  	v56 =	vor.u32 v23, v0;
	_ =	sdelay $0x3  }
0x65f: {  	[tilespmem:v55+s23+$0x0] =	vst.idx.msk $0xffff, v33  }
0x660: {  	v57 =	vor.u32 s4, v24;
	v33 =	vld.idx.msk [tilespmem:v56+s17+$0x0], $0xffff  }
0x661: {  	v58 =	vor.u32 v25, v0;
	_ =	sdelay $0x3  }
0x662: {  	[tilespmem:v57+s23+$0x0] =	vst.idx.msk $0xffff, v33  }
0x663: {  	v59 =	vor.u32 s4, v26;
	v33 =	vld.idx.msk [tilespmem:v58+s17+$0x0], $0xffff  }
0x664: {  	v60 =	vor.u32 v27, v0;
	_ =	sdelay $0x3  }
0x665: {  	[tilespmem:v59+s23+$0x0] =	vst.idx.msk $0xffff, v33  }
0x666: {  	v61 =	vor.u32 s4, v28;
	v33 =	vld.idx.msk [tilespmem:v60+s17+$0x0], $0xffff  }
0x667: {  	v62 =	vor.u32 v29, v0;
	_ =	sdelay $0x3  }
0x668: {  	[tilespmem:v61+s23+$0x0] =	vst.idx.msk $0xffff, v33  }
0x669: {  	v63 =	vor.u32 s4, v30;
	v33 =	vld.idx.msk [tilespmem:v62+s17+$0x0], $0xffff  }
0x66a: {  	v34 =	vor.u32 v31, v0;
	_ =	sdelay $0x3  }
0x66b: {  	[tilespmem:v63+s23+$0x0] =	vst.idx.msk $0xffff, v33  }
0x66c: {  	v33 =	vor.u32 s4, v32;
	v0 =	vld.idx.msk [tilespmem:v34+s17+$0x0], $0xffff;
	_ =	sdelay $0x4  }
0x66d: {  	[tilespmem:v33+s23+$0x0] =	vst.idx.msk $0xffff, v0  }
0x66e: {  	v0 =	vld.idx.msk [tilespmem:v1+s18+$0x0], $0xffff;
	_ =	sdelay $0x4  }
0x66f: {  	[tilespmem:v35+s24+$0x0] =	vst.idx.msk $0xffff, v0  }
0x670: {  	v0 =	vld.idx.msk [tilespmem:v36+s18+$0x0], $0xffff;
	_ =	sdelay $0x4  }
0x671: {  	[tilespmem:v37+s24+$0x0] =	vst.idx.msk $0xffff, v0  }
0x672: {  	v0 =	vld.idx.msk [tilespmem:v38+s18+$0x0], $0xffff;
	_ =	sdelay $0x4  }
0x673: {  	[tilespmem:v39+s24+$0x0] =	vst.idx.msk $0xffff, v0  }
0x674: {  	v0 =	vld.idx.msk [tilespmem:v40+s18+$0x0], $0xffff;
	_ =	sdelay $0x4  }
0x675: {  	[tilespmem:v41+s24+$0x0] =	vst.idx.msk $0xffff, v0  }
0x676: {  	v0 =	vld.idx.msk [tilespmem:v42+s18+$0x0], $0xffff;
	_ =	sdelay $0x4  }
0x677: {  	[tilespmem:v43+s24+$0x0] =	vst.idx.msk $0xffff, v0  }
0x678: {  	v0 =	vld.idx.msk [tilespmem:v44+s18+$0x0], $0xffff;
	_ =	sdelay $0x4  }
0x679: {  	[tilespmem:v45+s24+$0x0] =	vst.idx.msk $0xffff, v0  }
0x67a: {  	v0 =	vld.idx.msk [tilespmem:v46+s18+$0x0], $0xffff;
	_ =	sdelay $0x4  }
0x67b: {  	[tilespmem:v47+s24+$0x0] =	vst.idx.msk $0xffff, v0  }
0x67c: {  	v0 =	vld.idx.msk [tilespmem:v48+s18+$0x0], $0xffff;
	_ =	sdelay $0x4  }
0x67d: {  	[tilespmem:v49+s24+$0x0] =	vst.idx.msk $0xffff, v0  }
0x67e: {  	v0 =	vld.idx.msk [tilespmem:v50+s18+$0x0], $0xffff;
	_ =	sdelay $0x4  }
0x67f: {  	[tilespmem:v51+s24+$0x0] =	vst.idx.msk $0xffff, v0  }
0x680: {  	v0 =	vld.idx.msk [tilespmem:v52+s18+$0x0], $0xffff;
	_ =	sdelay $0x4  }
0x681: {  	[tilespmem:v53+s24+$0x0] =	vst.idx.msk $0xffff, v0  }
0x682: {  	v0 =	vld.idx.msk [tilespmem:v54+s18+$0x0], $0xffff;
	_ =	sdelay $0x4  }
0x683: {  	[tilespmem:v55+s24+$0x0] =	vst.idx.msk $0xffff, v0  }
0x684: {  	v0 =	vld.idx.msk [tilespmem:v56+s18+$0x0], $0xffff;
	_ =	sdelay $0x4  }
0x685: {  	[tilespmem:v57+s24+$0x0] =	vst.idx.msk $0xffff, v0  }
0x686: {  	v0 =	vld.idx.msk [tilespmem:v58+s18+$0x0], $0xffff;
	_ =	sdelay $0x4  }
0x687: {  	[tilespmem:v59+s24+$0x0] =	vst.idx.msk $0xffff, v0  }
0x688: {  	v0 =	vld.idx.msk [tilespmem:v60+s18+$0x0], $0xffff;
	_ =	sdelay $0x4  }
0x689: {  	[tilespmem:v61+s24+$0x0] =	vst.idx.msk $0xffff, v0  }
0x68a: {  	v0 =	vld.idx.msk [tilespmem:v62+s18+$0x0], $0xffff;
	_ =	sdelay $0x3  }
0x68b: {  	s4 =	simm.s32 $0x10  }
0x68c: {  	s14 =	simm.s32 $0x1;
	s15 =	simm.s32 $0x2;
	[tilespmem:v63+s24+$0x0] =	vst.idx.msk $0xffff, v0;
	v0 =	vmov s4  }
.LBB2_14:
0x68d: {  	v63 =	vld [tilespmem:$0x1FFA0]  }
0x68e: {  	v1 =	vld.idx.msk [tilespmem:v34+s18+$0x0], $0xffff;
	_ =	sdelay $0x2  }
0x68f: {  	v0 =	vshll.u32 v0, $0x4  }
0x690: {  	v34 =	vor.u32 v63, v0;
	v0 =	vlaneseq.u32  }
0x691: {  	[tilespmem:v33+s24+$0x0] =	vst.idx.msk $0xffff, v1;
	v1 =	vld [tilespmem:$0x1FFB0];
	v35 =	vor.u32 v0, v34;
	_ =	sdelay $0x1  }
0x692: {  	s5 =	sshll.u32 s14, $0x7  }
0x693: {  	s10 =	sand.u32 $0x70, s4;
	s5 =	sand.u32 $0xFFFFFC00, s5  }
0x694: {  	s10 =	sor.u32 s10, s5  }
0x695: {  	v36 =	vor.u32 s10, v1;
	v0 =	vld.idx.msk [tilespmem:v35+s17+$0x0], $0xffff  }
0x696: {  	v37 =	vor.u32 v4, v34;
	_ =	sdelay $0x3  }
0x697: {  	[tilespmem:v36+s23+$0x0] =	vst.idx.msk $0xffff, v0  }
0x698: {  	v38 =	vor.u32 s10, v5;
	v0 =	vld.idx.msk [tilespmem:v37+s17+$0x0], $0xffff  }
0x699: {  	v39 =	vor.u32 v6, v34;
	_ =	sdelay $0x3  }
0x69a: {  	[tilespmem:v38+s23+$0x0] =	vst.idx.msk $0xffff, v0  }
0x69b: {  	v40 =	vor.u32 s10, v3;
	v0 =	vld.idx.msk [tilespmem:v39+s17+$0x0], $0xffff  }
0x69c: {  	v41 =	vor.u32 v7, v34;
	_ =	sdelay $0x3  }
0x69d: {  	[tilespmem:v40+s23+$0x0] =	vst.idx.msk $0xffff, v0  }
0x69e: {  	v42 =	vor.u32 s10, v8;
	v0 =	vld.idx.msk [tilespmem:v41+s17+$0x0], $0xffff  }
0x69f: {  	v43 =	vor.u32 v9, v34;
	_ =	sdelay $0x3  }
0x6a0: {  	[tilespmem:v42+s23+$0x0] =	vst.idx.msk $0xffff, v0  }
0x6a1: {  	v44 =	vor.u32 s10, v10;
	v0 =	vld.idx.msk [tilespmem:v43+s17+$0x0], $0xffff  }
0x6a2: {  	v45 =	vor.u32 v11, v34;
	_ =	sdelay $0x3  }
0x6a3: {  	[tilespmem:v44+s23+$0x0] =	vst.idx.msk $0xffff, v0  }
0x6a4: {  	v46 =	vor.u32 s10, v12;
	v0 =	vld.idx.msk [tilespmem:v45+s17+$0x0], $0xffff  }
0x6a5: {  	v47 =	vor.u32 v13, v34;
	_ =	sdelay $0x3  }
0x6a6: {  	[tilespmem:v46+s23+$0x0] =	vst.idx.msk $0xffff, v0  }
0x6a7: {  	v48 =	vor.u32 s10, v14;
	v0 =	vld.idx.msk [tilespmem:v47+s17+$0x0], $0xffff  }
0x6a8: {  	v49 =	vor.u32 v16, v34;
	_ =	sdelay $0x3  }
0x6a9: {  	[tilespmem:v48+s23+$0x0] =	vst.idx.msk $0xffff, v0  }
0x6aa: {  	v50 =	vor.u32 s10, v17;
	v0 =	vld.idx.msk [tilespmem:v49+s17+$0x0], $0xffff  }
0x6ab: {  	v51 =	vor.u32 v15, v34;
	_ =	sdelay $0x3  }
0x6ac: {  	[tilespmem:v50+s23+$0x0] =	vst.idx.msk $0xffff, v0  }
0x6ad: {  	v52 =	vor.u32 s10, v18;
	v0 =	vld.idx.msk [tilespmem:v51+s17+$0x0], $0xffff  }
0x6ae: {  	v53 =	vor.u32 v19, v34;
	_ =	sdelay $0x3  }
0x6af: {  	[tilespmem:v52+s23+$0x0] =	vst.idx.msk $0xffff, v0  }
0x6b0: {  	v54 =	vor.u32 s10, v20;
	v0 =	vld.idx.msk [tilespmem:v53+s17+$0x0], $0xffff  }
0x6b1: {  	v55 =	vor.u32 v21, v34;
	_ =	sdelay $0x3  }
0x6b2: {  	[tilespmem:v54+s23+$0x0] =	vst.idx.msk $0xffff, v0  }
0x6b3: {  	v56 =	vor.u32 s10, v22;
	v0 =	vld.idx.msk [tilespmem:v55+s17+$0x0], $0xffff  }
0x6b4: {  	v57 =	vor.u32 v23, v34;
	_ =	sdelay $0x3  }
0x6b5: {  	[tilespmem:v56+s23+$0x0] =	vst.idx.msk $0xffff, v0  }
0x6b6: {  	v58 =	vor.u32 s10, v24;
	v0 =	vld.idx.msk [tilespmem:v57+s17+$0x0], $0xffff  }
0x6b7: {  	v59 =	vor.u32 v25, v34;
	_ =	sdelay $0x3  }
0x6b8: {  	[tilespmem:v58+s23+$0x0] =	vst.idx.msk $0xffff, v0  }
0x6b9: {  	v60 =	vor.u32 s10, v26;
	v0 =	vld.idx.msk [tilespmem:v59+s17+$0x0], $0xffff  }
0x6ba: {  	v61 =	vor.u32 v27, v34;
	_ =	sdelay $0x3  }
0x6bb: {  	[tilespmem:v60+s23+$0x0] =	vst.idx.msk $0xffff, v0  }
0x6bc: {  	v0 =	vor.u32 s10, v28;
	v1 =	vld.idx.msk [tilespmem:v61+s17+$0x0], $0xffff  }
0x6bd: {  	v63 =	vor.u32 v29, v34;
	_ =	sdelay $0x3  }
0x6be: {  	[tilespmem:v0+s23+$0x0] =	vst.idx.msk $0xffff, v1  }
0x6bf: {  	v62 =	vor.u32 s10, v30;
	v1 =	vld.idx.msk [tilespmem:v63+s17+$0x0], $0xffff  }
0x6c0: {  	v34 =	vor.u32 v31, v34;
	_ =	sdelay $0x3  }
0x6c1: {  	[tilespmem:v62+s23+$0x0] =	vst.idx.msk $0xffff, v1  }
0x6c2: {  	v33 =	vor.u32 s10, v32;
	v1 =	vld.idx.msk [tilespmem:v34+s17+$0x0], $0xffff;
	_ =	sdelay $0x4  }
0x6c3: {  	[tilespmem:v33+s23+$0x0] =	vst.idx.msk $0xffff, v1  }
0x6c4: {  	v1 =	vld.idx.msk [tilespmem:v35+s18+$0x0], $0xffff;
	_ =	sdelay $0x4  }
0x6c5: {  	[tilespmem:v36+s24+$0x0] =	vst.idx.msk $0xffff, v1  }
0x6c6: {  	v1 =	vld.idx.msk [tilespmem:v37+s18+$0x0], $0xffff;
	_ =	sdelay $0x4  }
0x6c7: {  	[tilespmem:v38+s24+$0x0] =	vst.idx.msk $0xffff, v1  }
0x6c8: {  	v1 =	vld.idx.msk [tilespmem:v39+s18+$0x0], $0xffff;
	_ =	sdelay $0x4  }
0x6c9: {  	[tilespmem:v40+s24+$0x0] =	vst.idx.msk $0xffff, v1  }
0x6ca: {  	v1 =	vld.idx.msk [tilespmem:v41+s18+$0x0], $0xffff;
	_ =	sdelay $0x4  }
0x6cb: {  	[tilespmem:v42+s24+$0x0] =	vst.idx.msk $0xffff, v1  }
0x6cc: {  	v1 =	vld.idx.msk [tilespmem:v43+s18+$0x0], $0xffff;
	_ =	sdelay $0x4  }
0x6cd: {  	[tilespmem:v44+s24+$0x0] =	vst.idx.msk $0xffff, v1  }
0x6ce: {  	v1 =	vld.idx.msk [tilespmem:v45+s18+$0x0], $0xffff;
	_ =	sdelay $0x4  }
0x6cf: {  	[tilespmem:v46+s24+$0x0] =	vst.idx.msk $0xffff, v1  }
0x6d0: {  	v1 =	vld.idx.msk [tilespmem:v47+s18+$0x0], $0xffff;
	_ =	sdelay $0x4  }
0x6d1: {  	[tilespmem:v48+s24+$0x0] =	vst.idx.msk $0xffff, v1  }
0x6d2: {  	v1 =	vld.idx.msk [tilespmem:v49+s18+$0x0], $0xffff;
	_ =	sdelay $0x4  }
0x6d3: {  	[tilespmem:v50+s24+$0x0] =	vst.idx.msk $0xffff, v1  }
0x6d4: {  	v1 =	vld.idx.msk [tilespmem:v51+s18+$0x0], $0xffff;
	_ =	sdelay $0x4  }
0x6d5: {  	[tilespmem:v52+s24+$0x0] =	vst.idx.msk $0xffff, v1  }
0x6d6: {  	v1 =	vld.idx.msk [tilespmem:v53+s18+$0x0], $0xffff;
	_ =	sdelay $0x4  }
0x6d7: {  	[tilespmem:v54+s24+$0x0] =	vst.idx.msk $0xffff, v1  }
0x6d8: {  	v1 =	vld.idx.msk [tilespmem:v55+s18+$0x0], $0xffff;
	_ =	sdelay $0x4  }
0x6d9: {  	[tilespmem:v56+s24+$0x0] =	vst.idx.msk $0xffff, v1  }
0x6da: {  	v1 =	vld.idx.msk [tilespmem:v57+s18+$0x0], $0xffff;
	_ =	sdelay $0x4  }
0x6db: {  	[tilespmem:v58+s24+$0x0] =	vst.idx.msk $0xffff, v1  }
0x6dc: {  	v1 =	vld.idx.msk [tilespmem:v59+s18+$0x0], $0xffff;
	_ =	sdelay $0x4  }
0x6dd: {  	[tilespmem:v60+s24+$0x0] =	vst.idx.msk $0xffff, v1  }
0x6de: {  	v1 =	vld.idx.msk [tilespmem:v61+s18+$0x0], $0xffff;
	_ =	sdelay $0x4  }
0x6df: {  	[tilespmem:v0+s24+$0x0] =	vst.idx.msk $0xffff, v1  }
0x6e0: {  	p0 =	sne.s32 s15, $0x1F;
	v1 =	vld.idx.msk [tilespmem:v63+s18+$0x0], $0xffff  }
.Ltmp6:
0x6e1: {  	_ = 	snop;
	(pc) =	sbr.rel @p0 .LBB2_14-.Ltmp6, $3  }
0x6e2: {  	_ =	sdelay $0x1  }
0x6e3: {  	s4 =	sadd.s32 $0x10, s4  }
0x6e4: {  	s14 =	smov.u32 s15;
	s15 =	sadd.s32 $0x1, s15;
	v0 =	vmov s4;
	[tilespmem:v62+s24+$0x0] =	vst.idx.msk $0xffff, v1  }
0x6e5: {  	v62 =	vld [tilespmem:$0x1FFA0];
	_ =	sdelay $0x3  }
0x6e6: {  	v0 =	vshll.u32 v0, $0x4  }
0x6e7: {  	v1 =	vld.idx.msk [tilespmem:v34+s18+$0x0], $0xffff;
	v2 =	vlaneseq.u32;
	v0 =	vor.u32 v62, v0  }
0x6e8: {  	v63 =	vld [tilespmem:$0x1FFB0];
	v34 =	vor.u32 v2, v0;
	_ =	sdelay $0x1  }
0x6e9: {  	s5 =	sshll.u32 s14, $0x7  }
0x6ea: {  	s4 =	sand.u32 $0x70, s4;
	s5 =	sand.u32 $0xFFFFFC00, s5  }
0x6eb: {  	s4 =	sor.u32 s4, s5;
	[tilespmem:v33+s24+$0x0] =	vst.idx.msk $0xffff, v1  }
0x6ec: {  	v33 =	vor.u32 s4, v63;
	v1 =	vld.idx.msk [tilespmem:v34+s17+$0x0], $0xffff  }
0x6ed: {  	v35 =	vor.u32 v4, v0;
	_ =	sdelay $0x3  }
0x6ee: {  	[tilespmem:v33+s23+$0x0] =	vst.idx.msk $0xffff, v1  }
0x6ef: {  	v36 =	vor.u32 s4, v5;
	v1 =	vld.idx.msk [tilespmem:v35+s17+$0x0], $0xffff  }
0x6f0: {  	v37 =	vor.u32 v6, v0;
	_ =	sdelay $0x3  }
0x6f1: {  	[tilespmem:v36+s23+$0x0] =	vst.idx.msk $0xffff, v1  }
0x6f2: {  	v38 =	vor.u32 s4, v3;
	v1 =	vld.idx.msk [tilespmem:v37+s17+$0x0], $0xffff  }
0x6f3: {  	v39 =	vor.u32 v7, v0;
	_ =	sdelay $0x3  }
0x6f4: {  	[tilespmem:v38+s23+$0x0] =	vst.idx.msk $0xffff, v1  }
0x6f5: {  	v40 =	vor.u32 s4, v8;
	v1 =	vld.idx.msk [tilespmem:v39+s17+$0x0], $0xffff  }
0x6f6: {  	v41 =	vor.u32 v9, v0;
	_ =	sdelay $0x3  }
0x6f7: {  	[tilespmem:v40+s23+$0x0] =	vst.idx.msk $0xffff, v1  }
0x6f8: {  	v42 =	vor.u32 s4, v10;
	v1 =	vld.idx.msk [tilespmem:v41+s17+$0x0], $0xffff  }
0x6f9: {  	v43 =	vor.u32 v11, v0;
	_ =	sdelay $0x3  }
0x6fa: {  	[tilespmem:v42+s23+$0x0] =	vst.idx.msk $0xffff, v1  }
0x6fb: {  	v44 =	vor.u32 s4, v12;
	v1 =	vld.idx.msk [tilespmem:v43+s17+$0x0], $0xffff  }
0x6fc: {  	v45 =	vor.u32 v13, v0;
	_ =	sdelay $0x3  }
0x6fd: {  	[tilespmem:v44+s23+$0x0] =	vst.idx.msk $0xffff, v1  }
0x6fe: {  	v46 =	vor.u32 s4, v14;
	v1 =	vld.idx.msk [tilespmem:v45+s17+$0x0], $0xffff  }
0x6ff: {  	v47 =	vor.u32 v16, v0;
	_ =	sdelay $0x3  }
0x700: {  	[tilespmem:v46+s23+$0x0] =	vst.idx.msk $0xffff, v1  }
0x701: {  	v48 =	vor.u32 s4, v17;
	v1 =	vld.idx.msk [tilespmem:v47+s17+$0x0], $0xffff  }
0x702: {  	v49 =	vor.u32 v15, v0;
	_ =	sdelay $0x3  }
0x703: {  	[tilespmem:v48+s23+$0x0] =	vst.idx.msk $0xffff, v1  }
0x704: {  	v50 =	vor.u32 s4, v18;
	v1 =	vld.idx.msk [tilespmem:v49+s17+$0x0], $0xffff  }
0x705: {  	v51 =	vor.u32 v19, v0;
	_ =	sdelay $0x3  }
0x706: {  	[tilespmem:v50+s23+$0x0] =	vst.idx.msk $0xffff, v1  }
0x707: {  	v52 =	vor.u32 s4, v20;
	v1 =	vld.idx.msk [tilespmem:v51+s17+$0x0], $0xffff  }
0x708: {  	v53 =	vor.u32 v21, v0;
	_ =	sdelay $0x3  }
0x709: {  	[tilespmem:v52+s23+$0x0] =	vst.idx.msk $0xffff, v1  }
0x70a: {  	v54 =	vor.u32 s4, v22;
	v1 =	vld.idx.msk [tilespmem:v53+s17+$0x0], $0xffff  }
0x70b: {  	v55 =	vor.u32 v23, v0;
	_ =	sdelay $0x3  }
0x70c: {  	[tilespmem:v54+s23+$0x0] =	vst.idx.msk $0xffff, v1  }
0x70d: {  	v56 =	vor.u32 s4, v24;
	v1 =	vld.idx.msk [tilespmem:v55+s17+$0x0], $0xffff  }
0x70e: {  	v57 =	vor.u32 v25, v0;
	_ =	sdelay $0x3  }
0x70f: {  	[tilespmem:v56+s23+$0x0] =	vst.idx.msk $0xffff, v1  }
0x710: {  	v58 =	vor.u32 s4, v26;
	v1 =	vld.idx.msk [tilespmem:v57+s17+$0x0], $0xffff  }
0x711: {  	v59 =	vor.u32 v27, v0;
	_ =	sdelay $0x3  }
0x712: {  	[tilespmem:v58+s23+$0x0] =	vst.idx.msk $0xffff, v1  }
0x713: {  	v60 =	vor.u32 s4, v28;
	v1 =	vld.idx.msk [tilespmem:v59+s17+$0x0], $0xffff  }
0x714: {  	v61 =	vor.u32 v29, v0;
	_ =	sdelay $0x3  }
0x715: {  	[tilespmem:v60+s23+$0x0] =	vst.idx.msk $0xffff, v1  }
0x716: {  	v62 =	vor.u32 s4, v30;
	v1 =	vld.idx.msk [tilespmem:v61+s17+$0x0], $0xffff  }
0x717: {  	v0 =	vor.u32 v31, v0;
	_ =	sdelay $0x3  }
0x718: {  	[tilespmem:v62+s23+$0x0] =	vst.idx.msk $0xffff, v1  }
0x719: {  	v63 =	vor.u32 s4, v32;
	v1 =	vld.idx.msk [tilespmem:v0+s17+$0x0], $0xffff;
	_ =	sdelay $0x4  }
0x71a: {  	[tilespmem:v63+s23+$0x0] =	vst.idx.msk $0xffff, v1  }
0x71b: {  	v1 =	vld.idx.msk [tilespmem:v34+s18+$0x0], $0xffff;
	_ =	sdelay $0x4  }
0x71c: {  	[tilespmem:v33+s24+$0x0] =	vst.idx.msk $0xffff, v1  }
0x71d: {  	v1 =	vld.idx.msk [tilespmem:v35+s18+$0x0], $0xffff;
	_ =	sdelay $0x4  }
0x71e: {  	[tilespmem:v36+s24+$0x0] =	vst.idx.msk $0xffff, v1  }
0x71f: {  	v1 =	vld.idx.msk [tilespmem:v37+s18+$0x0], $0xffff;
	_ =	sdelay $0x4  }
0x720: {  	[tilespmem:v38+s24+$0x0] =	vst.idx.msk $0xffff, v1  }
0x721: {  	v1 =	vld.idx.msk [tilespmem:v39+s18+$0x0], $0xffff;
	_ =	sdelay $0x4  }
0x722: {  	[tilespmem:v40+s24+$0x0] =	vst.idx.msk $0xffff, v1  }
0x723: {  	v1 =	vld.idx.msk [tilespmem:v41+s18+$0x0], $0xffff;
	_ =	sdelay $0x4  }
0x724: {  	[tilespmem:v42+s24+$0x0] =	vst.idx.msk $0xffff, v1  }
0x725: {  	v1 =	vld.idx.msk [tilespmem:v43+s18+$0x0], $0xffff;
	_ =	sdelay $0x4  }
0x726: {  	[tilespmem:v44+s24+$0x0] =	vst.idx.msk $0xffff, v1  }
0x727: {  	v1 =	vld.idx.msk [tilespmem:v45+s18+$0x0], $0xffff;
	_ =	sdelay $0x4  }
0x728: {  	[tilespmem:v46+s24+$0x0] =	vst.idx.msk $0xffff, v1  }
0x729: {  	v1 =	vld.idx.msk [tilespmem:v47+s18+$0x0], $0xffff;
	_ =	sdelay $0x4  }
0x72a: {  	[tilespmem:v48+s24+$0x0] =	vst.idx.msk $0xffff, v1  }
0x72b: {  	v1 =	vld.idx.msk [tilespmem:v49+s18+$0x0], $0xffff;
	_ =	sdelay $0x4  }
0x72c: {  	[tilespmem:v50+s24+$0x0] =	vst.idx.msk $0xffff, v1  }
0x72d: {  	v1 =	vld.idx.msk [tilespmem:v51+s18+$0x0], $0xffff;
	_ =	sdelay $0x4  }
0x72e: {  	[tilespmem:v52+s24+$0x0] =	vst.idx.msk $0xffff, v1  }
0x72f: {  	v1 =	vld.idx.msk [tilespmem:v53+s18+$0x0], $0xffff;
	_ =	sdelay $0x4  }
0x730: {  	[tilespmem:v54+s24+$0x0] =	vst.idx.msk $0xffff, v1  }
0x731: {  	v1 =	vld.idx.msk [tilespmem:v55+s18+$0x0], $0xffff;
	_ =	sdelay $0x4  }
0x732: {  	[tilespmem:v56+s24+$0x0] =	vst.idx.msk $0xffff, v1  }
0x733: {  	v1 =	vld.idx.msk [tilespmem:v57+s18+$0x0], $0xffff;
	_ =	sdelay $0x4  }
0x734: {  	[tilespmem:v58+s24+$0x0] =	vst.idx.msk $0xffff, v1  }
0x735: {  	v1 =	vld.idx.msk [tilespmem:v59+s18+$0x0], $0xffff;
	_ =	sdelay $0x4  }
0x736: {  	[tilespmem:v60+s24+$0x0] =	vst.idx.msk $0xffff, v1  }
0x737: {  	v1 =	vld.idx.msk [tilespmem:v61+s18+$0x0], $0xffff;
	_ =	sdelay $0x4  }
0x738: {  	[tilespmem:v62+s24+$0x0] =	vst.idx.msk $0xffff, v1  }
0x739: {  	v0 =	vld.idx.msk [tilespmem:v0+s18+$0x0], $0xffff;
	_ =	sdelay $0x4  }
0x73a: {  	s10 =	rddreg [dreg:$0x13];
	[tilespmem:v63+s24+$0x0] =	vst.idx.msk $0xffff, v0  }
0x73b: {  	[hbm4b:s10+s21] =	stream.strided.scatter [tilespmem:s23], [sflag:$0x8], $0x2000, s22, s21, $0x38;
	[tilespmem:$0x10400] =	vst v63  }
0x73c: {  	s14 =	rddreg [dreg:$0x14]  }
0x73d: {  	[hbm4b:s14+s21] =	stream.strided.scatter [tilespmem:s23], [sflag:$0xA], $0x2000, s22, s21, $0x38;
	[tilespmem:$0x10400] =	vst v63  }
0x73e: {  	s15 =	rddreg [dreg:$0x15]  }
0x73f: {  	[hbm4b:s15+s21] =	stream.strided.scatter [tilespmem:s24], [sflag:$0xC], $0x2000, s22, s21, $0x38;
	[tilespmem:$0x10400] =	vst v63  }
0x740: {  	_ =	swait.ge [sflag:s25], $0x2000  }
0x741: {  	[sflag:s25] =	ssyncset.done $0x0  }
0x742: {  	[sflag:s25] =	ssyncadd.s32 $0xFFFFE000  }
0x743: {  	_ =	swait.ge [sflag:s28], $0x2000  }
0x744: {  	[sflag:s28] =	ssyncset.done $0x0  }
0x745: {  	[sflag:s28] =	ssyncadd.s32 $0xFFFFE000  }
0x746: {  	_ =	swait.ge [sflag:s29], $0x2000  }
0x747: {  	[sflag:s29] =	ssyncset.done $0x0  }
0x748: {  	[sflag:s29] =	ssyncadd.s32 $0xFFFFE000  }
0x749: {  	_ =	swait.ge [sflag:s30], $0x2000  }
0x74a: {  	[sflag:s30] =	ssyncset.done $0x0  }
0x74b: {  	[sflag:s30] =	ssyncadd.s32 $0xFFFFE000  }
0x74c: {  	_ =	swait.ge [sflag:s1], $0x2000  }
0x74d: {  	[sflag:s1] =	ssyncset.done $0x0  }
0x74e: {  	[sflag:s1] =	ssyncadd.s32 $0xFFFFE000  }
0x74f: {  	_ =	swait.ge [sflag:s2], $0x2000  }
0x750: {  	s16 =	sld [smem:$0x7FA];
	_ =	sdelay $0x2  }
0x751: {  	s31 =	rddreg [dreg:$0x16];
	s5 =	sadd.s32 $0x1, s16  }
0x752: {  	p0 =	sne.s32 s5, s31  }
.Ltmp7:
0x753: {  	_ = 	snop;
	(pc) =	sbr.rel @p0 .LBB2_1-.Ltmp7, $3  }
0x754: {  	_ =	sdelay $0x1  }
0x755: {  	[sflag:s2] =	ssyncset.done $0x0  }
0x756: {  	[sflag:s2] =	ssyncadd.s32 $0xFFFFE000  }
0x757: {  	_ =	sfence.sel $0x180000  }
0x758: {  	[bflag:$0x0] =	sbarrier.arrive $0xFFFF  }
0x759: {  	_ =	strace $0x90000047  }
0x75a: {  	s0 =	stileid.u32;
	[bflag:$0x2] =	sbarrier.arrive $0xFFFF  }
0x75b: {  	p0 =	sne.s32 s0, $0x0;
	s0 =	rddreg [dreg:$0x5]  }
0x75c: {  	s0 =	sadd.s32 @!p0 $0x100000, s0  }
0x75d: {  	[sflag:s0] =	ssyncadd.tile.s32 @!p0 $0x1;
	_ =	shalt  }
.Lfunc_end2:
_tile_overlayer_lowered:
.L_overlay_start_2:
0x75e: {  	(tag) =	ssettag $0x2  }
0x75f: {  	s0 =	rddreg [dreg:$0x0];
	s2 =	stileid.u32  }
0x760: {  	s1 =	rddreg [dreg:$0x1];
	p0 =	sne.s32 s2, $0x0  }
0x761: {  	s3 =	rddreg [dreg:$0x2];
	[bflag:$0x3] =	sbarrier.arrive $0xFFFF;
	s2 =	simm.s32 @!p0 $0x1C0D  }
0x762: {  	[timem:s3], [sflag:s2] =	dma.local @!p0 [hbm:s0], s1  }
0x763: {  	s0 =	simm.s32 @!p0 $0xD  }
0x764: {  	_ =	swait.ge @!p0 [sflag:s0], s1  }
0x765: {  	s1 =	ssub.s32 @!p0 $0x0, s1;
	[sflag:s0] =	ssyncset.done @!p0 $0x0  }
0x766: {  	[sflag:s0] =	ssyncadd.s32 @!p0 s1  }
0x767: {  	[bflag:$0x3] =	sbarrier.arrive $0xFFFF  }
0x768: {  	_ =	shalt  }

</sc_bundles>
